<compile_context>
chip_gen: v7x
topology: tpu7x:2x2x1
jax: 0.10.2.dev20260603
libtpu: 0.0.44.dev20260713+nightly
codegen_flags: <defaults>
</compile_context>

<pallas_src>
import jax
import jax.numpy as jnp
import numpy as np
from jax import lax
from jax.experimental import pallas as pl
from jax.experimental.pallas import tpu as pltpu
from jax.experimental.pallas import tpu_sc as plsc

B = 16384
NF = 26
DN = 13
NUMT = DN + 1
NTOK = NUMT + NF
DT = 32
NW = 32
PERW = B // NW
C = 32
NCH = PERW // C
NCAT = C * NF
NNUM = C * NUMT
GB = 64
NGC = NCAT // GB
SCB = 104
NSC = NCAT // SCB
SNB = 112
NSN = NNUM // SNB
L = 16
UNR = 8


_NVT = 7813
_VPAD = _NVT * 128
_NPAIR = 3907
_PPW = -(-_NPAIR // NW)
_CVI = -(-_PPW // 2)


def _cv_body(
    embt_hbm, out_hbm, vb0, vb1, ob0, ob1, si0, si1, so0, so1,
):
    cid = lax.axis_index("c")
    sid = lax.axis_index("s")
    wid = sid * 2 + cid
    sis = [si0, si1]
    sos = [so0, so1]
    vbs = [vb0, vb1]
    obs = [ob0, ob1]

    def it(q, carry):
        js = [wid + (2 * q + s) * NW for s in range(2)]
        cols = [lax.min(2 * j, 7811) for j in js]
        for s in range(2):
            @pl.when(js[s] < _NPAIR)
            def _(s=s):
                pltpu.async_copy(
                    embt_hbm.at[:, pl.ds(cols[s] * 128, 256)],
                    vbs[s],
                    sis[s],
                )

        for s in range(2):
            @pl.when(js[s] - 2 * NW >= 0)
            def _(s=s):
                pltpu.make_async_copy(
                    obs[s], out_hbm.at[pl.ds(0, 8192)], sos[s]
                ).wait()

            @pl.when(js[s] < _NPAIR)
            def _(s=s):
                pltpu.make_async_copy(
                    embt_hbm.at[:, pl.ds(0, 256)], vbs[s], sis[s]
                ).wait()
                dlo = lax.iota(jnp.int32, L)
                dhi = dlo + L

                @plsc.parallel_loop(0, 256, unroll=16)
                def _tr(r, s=s):
                    col = jnp.full((L,), 0, jnp.int32) + r
                    obs[s][pl.ds(r * DT, L)] = plsc.load_gather(
                        vbs[s], [dlo, col]
                    )
                    obs[s][pl.ds(r * DT + L, L)] = plsc.load_gather(
                        vbs[s], [dhi, col]
                    )
                pltpu.async_copy(
                    obs[s],
                    out_hbm.at[pl.ds(cols[s] * 4096, 8192)],
                    sos[s],
                )

        return carry

    lax.fori_loop(0, _CVI, it, 0)
    for s in range(2):
        jlast = wid + (2 * (_CVI - 1) + s) * NW

        @pl.when(jlast < _NPAIR)
        def _(s=s):
            pltpu.make_async_copy(
                obs[s], out_hbm.at[pl.ds(0, 8192)], sos[s]
            ).wait()


def _emb_rows(emb_table):
    cv = pl.kernel(
        _cv_body,
        out_type=jax.ShapeDtypeStruct((_VPAD * DT,), jnp.float32),
        mesh=plsc.VectorSubcoreMesh(core_axis_name="c", subcore_axis_name="s"),
        compiler_params=pltpu.CompilerParams(
            use_tc_tiling_on_sc=True, needs_layout_passes=False
        ),
        scratch_types=[pltpu.VMEM((DT, 256), jnp.float32)] * 2
        + [pltpu.VMEM((8192,), jnp.float32)] * 2
        + [pltpu.SemaphoreType.DMA] * 4,
    )
    return cv(emb_table.T).reshape(_VPAD, DT)


def _splat(vec, lane):
    idx = jnp.full((L, 1), lane, dtype=jnp.int32)
    dn = lax.GatherDimensionNumbers(
        offset_dims=(), collapsed_slice_dims=(0,), start_index_map=(0,)
    )
    return lax.gather(
        vec, idx, dn, (1,), mode=lax.GatherScatterMode.PROMISE_IN_BOUNDS
    )


def _sc_body(
    xnum_hbm, xcat_hbm, emb_hbm, wnum_hbm, bnum_hbm, brep_hbm,
    offsp_hbm, catp_hbm, nump_hbm, out_hbm,
    xc_v, xn_v, idx_v, gbuf, nbuf,
    wnum_v, bnum_v, brep_v, offs_v, catp_v, nump_v,
    sem_in, sem_g, sem_s,
):
    cid = lax.axis_index("c")
    sid = lax.axis_index("s")
    wid = sid * 2 + cid
    wbase = wid * PERW

    pltpu.sync_copy(wnum_hbm, wnum_v)
    pltpu.sync_copy(bnum_hbm, bnum_v)
    pltpu.sync_copy(brep_hbm, brep_v)
    pltpu.sync_copy(offsp_hbm, offs_v)
    pltpu.sync_copy(catp_hbm, catp_v)
    pltpu.sync_copy(nump_hbm, nump_v)

    def _wait_scatters():
        pltpu.make_async_copy(gbuf, out_hbm.at[pl.ds(0, NCAT)], sem_s).wait()
        pltpu.make_async_copy(nbuf, out_hbm.at[pl.ds(0, NNUM)], sem_s).wait()

    def chunk(g, carry):
        base = wbase + g * C
        rowbase = base * NTOK

        pltpu.async_copy(
            xcat_hbm.at[pl.ds(base * NF, NCAT)], xc_v, sem_in
        )
        pltpu.async_copy(
            xnum_hbm.at[pl.ds(base * DN, C * DN)],
            xn_v.at[pl.ds(0, C * DN)],
            sem_in,
        )

        @pl.when(g > 0)
        def _():
            _wait_scatters()

        pltpu.make_async_copy(
            xcat_hbm.at[pl.ds(0, NCAT)], xc_v, sem_in
        ).wait()
        pltpu.make_async_copy(
            xnum_hbm.at[pl.ds(0, C * DN)], xn_v.at[pl.ds(0, C * DN)], sem_in
        ).wait()

        for i in range(NGC):
            for k in range(GB // L):
                sl = pl.ds(k * L, L)
                idx_v[i, sl] = xc_v[pl.ds(i * GB + k * L, L)] + offs_v[i, sl]

        for i in range(NGC):
            pltpu.async_copy(
                emb_hbm.at[idx_v.at[i]], gbuf.at[pl.ds(i * GB, GB)], sem_g
            )

        dst = out_hbm.at[pl.ds(rowbase, C * NTOK)]

        @plsc.parallel_loop(0, C, unroll=2)
        def _nrow(c):
            xv = xn_v[pl.ds(c * DN, L)]
            r0 = c * NUMT
            nbuf[r0, pl.ds(0, L)] = wnum_v[0, pl.ds(0, L)]
            nbuf[r0, pl.ds(L, L)] = wnum_v[0, pl.ds(L, L)]
            for t in range(1, NUMT):
                s = _splat(xv, t - 1)
                nbuf[r0 + t, pl.ds(0, L)] = (
                    wnum_v[t, pl.ds(0, L)] * s + bnum_v[t, pl.ds(0, L)]
                )
                nbuf[r0 + t, pl.ds(L, L)] = (
                    wnum_v[t, pl.ds(L, L)] * s + bnum_v[t, pl.ds(L, L)]
                )

        for i in range(NSN):
            pltpu.async_copy(
                nbuf.at[pl.ds(i * SNB, SNB)], dst.at[nump_v.at[i]], sem_s
            )

        pltpu.make_async_copy(
            emb_hbm.at[pl.ds(0, NCAT)], gbuf, sem_g
        ).wait()

        @plsc.parallel_loop(0, NCAT, unroll=UNR)
        def _badd(r):
            gbuf[r, pl.ds(0, L)] = gbuf[r, pl.ds(0, L)] + brep_v[
                r, pl.ds(0, L)
            ]
            gbuf[r, pl.ds(L, L)] = gbuf[r, pl.ds(L, L)] + brep_v[
                r, pl.ds(L, L)
            ]

        for i in range(NSC):
            pltpu.async_copy(
                gbuf.at[pl.ds(i * SCB, SCB)], dst.at[catp_v.at[i]], sem_s
            )
        return carry

    lax.fori_loop(0, NCH, chunk, 0)
    _wait_scatters()


_CATP = np.array(
    [c * NTOK + NUMT + f for c in range(C) for f in range(NF)], dtype=np.int32
).reshape(NSC, SCB)
_NUMP = np.array(
    [c * NTOK + t for c in range(C) for t in range(NUMT)], dtype=np.int32
).reshape(NSN, SNB)


@jax.jit
def kernel(x_num, x_cat, weight, emb_table, bias_p, category_offsets):
    bias_num = jnp.concatenate(
        [jnp.zeros((1, DT), jnp.float32), bias_p[:DN]], axis=0
    )
    bias_rep = jnp.tile(bias_p[DN:], (C, 1))
    offs_pat = jnp.tile(category_offsets, C).reshape(NGC, GB)

    sc = pl.kernel(
        _sc_body,
        out_type=jax.ShapeDtypeStruct((B * NTOK, DT), jnp.float32),
        mesh=plsc.VectorSubcoreMesh(core_axis_name="c", subcore_axis_name="s"),
        compiler_params=pltpu.CompilerParams(use_tc_tiling_on_sc=False),
        scratch_types=[
            pltpu.VMEM((NCAT,), jnp.int32),
            pltpu.VMEM((C * DN + L * 2,), jnp.float32),
            pltpu.VMEM((NGC, GB), jnp.int32),
            pltpu.VMEM((NCAT, DT), jnp.float32),
            pltpu.VMEM((NNUM, DT), jnp.float32),
            pltpu.VMEM((NUMT, DT), jnp.float32),
            pltpu.VMEM((NUMT, DT), jnp.float32),
            pltpu.VMEM((NCAT, DT), jnp.float32),
            pltpu.VMEM((NGC, GB), jnp.int32),
            pltpu.VMEM((NSC, SCB), jnp.int32),
            pltpu.VMEM((NSN, SNB), jnp.int32),
            pltpu.SemaphoreType.DMA,
            pltpu.SemaphoreType.DMA,
            pltpu.SemaphoreType.DMA,
        ],
    )
    out = sc(
        x_num.reshape(-1),
        x_cat.reshape(-1),
        _emb_rows(emb_table),
        weight,
        bias_num,
        bias_rep,
        offs_pat,
        jnp.asarray(_CATP),
        jnp.asarray(_NUMP),
    )
    return out.reshape(B, NTOK, DT)

# --- scband reference (transcript-rebuilt; emitter-appended) ---
"""Pipeline reference for scband-tokenizer-14310831030329 (READ-ONLY COPY).

The authoritative reference and input builder live on the scoring server;
editing this copy changes nothing except your own understanding.
"""

import jax, jax.numpy as jnp
import numpy as np
import math

D_NUM = 13
N_FIELDS = 26
CARD = 38461
D_TOKEN = 32
BATCH = 16384


def _kaiming_uniform(key, shape, fan_in):
    # matches torch kaiming_uniform_ with a=sqrt(5): bound = sqrt(6/((1+5)*fan_in)) = 1/sqrt(fan_in)
    bound = 1.0 / math.sqrt(fan_in)
    return jax.random.uniform(key, shape, jnp.float32, -bound, bound)


def setup_inputs(seed: int = 0) -> dict:
    key = jax.random.key(seed)
    k1, k2, k3, k4, k5 = jax.random.split(key, 5)
    x_num = jax.random.normal(k1, (BATCH, D_NUM), jnp.float32)
    x_cat = jax.random.randint(k2, (BATCH, N_FIELDS), 0, CARD, jnp.int32)
    categories = [CARD] * N_FIELDS
    total_vocab = sum(categories)
    category_offsets = jnp.asarray(
        np.concatenate([[0], np.cumsum(np.asarray(categories[:-1], dtype=np.int64))]).astype(np.int32)
    )
    weight = _kaiming_uniform(k3, (D_NUM + 1, D_TOKEN), D_TOKEN)
    emb_table = _kaiming_uniform(k4, (total_vocab, D_TOKEN), D_TOKEN)
    bias_p = _kaiming_uniform(k5, (D_NUM + N_FIELDS, D_TOKEN), D_TOKEN)
    return {
        "x_num": x_num,
        "x_cat": x_cat,
        "weight": weight,
        "emb_table": emb_table,
        "bias_p": bias_p,
        "category_offsets": category_offsets,
    }


def reference(x_num, x_cat, weight, emb_table, bias_p, category_offsets):
    B = x_num.shape[0]
    # prepend constant-1 numeric feature (CLS-like token)
    xn = jnp.concatenate([jnp.ones((B, 1), dtype=x_num.dtype), x_num], axis=1)
    # numeric tokens: weight[None] * x_num[:, :, None]
    x = weight[None] * xn[:, :, None]
    # categorical tokens: embedding lookup with per-field offsets
    flat_idx = x_cat + category_offsets[None]
    cat_tok = jnp.take(emb_table, flat_idx, axis=0)
    x = jnp.concatenate([x, cat_tok], axis=1)
    # bias with zero row for the CLS token
    bias_full = jnp.concatenate(
        [jnp.zeros((1, bias_p.shape[1]), dtype=bias_p.dtype), bias_p], axis=0
    )
    x = x + bias_full[None]
    return x

if __name__ == "__main__":
    import jax
    _d = setup_inputs()
    print(jax.jit(kernel)(*tuple(_d.values())))

</pallas_src>

<mosaic_0001>
#map = affine_map<(d0, d1) -> (0, 0)>
#map1 = affine_map<(d0, d1) -> (0)>
module attributes {stable_mosaic.version = 14 : i64} {
  func.func @_cv_body(%arg0: i32, %arg1: i32, %arg2: memref<32x999986xf32, #tpu.memory_space<hbm>>, %arg3: memref<32002048xf32, #tpu.memory_space<hbm>>, %arg4: memref<32x256xf32, #tpu.memory_space<vmem>>, %arg5: memref<32x256xf32, #tpu.memory_space<vmem>>, %arg6: memref<8192xf32, #tpu.memory_space<vmem>>, %arg7: memref<8192xf32, #tpu.memory_space<vmem>>, %arg8: memref<!tpu.dma_semaphore, #tpu.memory_space<semaphore_mem>>, %arg9: memref<!tpu.dma_semaphore, #tpu.memory_space<semaphore_mem>>, %arg10: memref<!tpu.dma_semaphore, #tpu.memory_space<semaphore_mem>>, %arg11: memref<!tpu.dma_semaphore, #tpu.memory_space<semaphore_mem>>) attributes {dimension_semantics = [#tpu.dimension_semantics<core_parallel>, #tpu.dimension_semantics<subcore_parallel>], iteration_bounds = array<i64: 2, 16>, scalar_prefetch = 0 : i64, scratch_operands = 8 : i64, tpu.core_type = #tpu.core_type<sc_vector_subcore>, window_params = [{transform_indices = #map}, {transform_indices = #map1}]} {
    %mul3A = arith.constant 2 : i32
    %mul3A_0 = arith.muli %arg1, %mul3A : i32
    %add3A = arith.addi %mul3A_0, %arg0 : i32
    %scan3A = arith.constant 0 : i32
    %scan3A_1 = arith.constant 0 : i32
    %scan3A_2 = arith.constant 62 : i32
    %scan3A_3 = arith.addi %scan3A_1, %scan3A_2 : i32
    %scan3A_4 = arith.constant 1 : i32
    scf.for %scan3A_17 = %scan3A_1 to %scan3A_3 step %scan3A_4  : i32 {
      %mul3A_18 = arith.constant 2 : i32
      %mul3A_19 = arith.muli %mul3A_18, %scan3A_17 : i32
      %add3A_20 = arith.constant 0 : i32
      %add3A_21 = arith.addi %mul3A_19, %add3A_20 : i32
      %mul3A_22 = arith.constant 32 : i32
      %mul3A_23 = arith.muli %add3A_21, %mul3A_22 : i32
      %add3A_24 = arith.addi %add3A, %mul3A_23 : i32
      %mul3A_25 = arith.constant 2 : i32
      %mul3A_26 = arith.muli %mul3A_25, %scan3A_17 : i32
      %add3A_27 = arith.constant 1 : i32
      %add3A_28 = arith.addi %mul3A_26, %add3A_27 : i32
      %mul3A_29 = arith.constant 32 : i32
      %mul3A_30 = arith.muli %add3A_28, %mul3A_29 : i32
      %add3A_31 = arith.addi %add3A, %mul3A_30 : i32
      %mul3A_32 = arith.constant 2 : i32
      %mul3A_33 = arith.muli %mul3A_32, %add3A_24 : i32
      %min3A = arith.constant 7811 : i32
      %min3A_34 = arith.minsi %mul3A_33, %min3A : i32
      %mul3A_35 = arith.constant 2 : i32
      %mul3A_36 = arith.muli %mul3A_35, %add3A_31 : i32
      %min3A_37 = arith.constant 7811 : i32
      %min3A_38 = arith.minsi %mul3A_36, %min3A_37 : i32
      %lt3A_39 = arith.constant 3907 : i32
      %lt3A_40 = arith.cmpi slt, %add3A_24, %lt3A_39 : i32
      %convert_element_type3A_41 = arith.extui %lt3A_40 : i1 to i32
      %cond3A_42 = arith.constant 0 : i32
      %cond3A_43 = arith.cmpi ne, %convert_element_type3A_41, %cond3A_42 : i32
      scf.if %cond3A_43 {
        %mul3A_71 = arith.constant 128 : i32
        %mul3A_72 = arith.muli %min3A_34, %mul3A_71 : i32
        %dma_start3A = arith.constant 0 : i32
        %dma_start3A_73 = tpu.memref_slice %arg2[%dma_start3A, %mul3A_72] : memref<32x999986xf32, #tpu.memory_space<hbm>> -> memref<32x256xf32, #tpu.memory_space<hbm>>
        %dma_start3A_74 = arith.constant 0 : i32
        %dma_start3A_75 = tpu.memref_slice %arg2[%dma_start3A_74, %mul3A_72] : memref<32x999986xf32, #tpu.memory_space<hbm>> -> memref<32x256xf32, #tpu.memory_space<hbm>>
        tpu.enqueue_dma source(%dma_start3A_75 : memref<32x256xf32, #tpu.memory_space<hbm>>) target(%arg4 : memref<32x256xf32, #tpu.memory_space<vmem>>) target_semaphore(%arg8 : memref<!tpu.dma_semaphore, #tpu.memory_space<semaphore_mem>>)
      } else {
      }
      %lt3A_44 = arith.constant 3907 : i32
      %lt3A_45 = arith.cmpi slt, %add3A_31, %lt3A_44 : i32
      %convert_element_type3A_46 = arith.extui %lt3A_45 : i1 to i32
      %cond3A_47 = arith.constant 0 : i32
      %cond3A_48 = arith.cmpi ne, %convert_element_type3A_46, %cond3A_47 : i32
      scf.if %cond3A_48 {
        %mul3A_71 = arith.constant 128 : i32
        %mul3A_72 = arith.muli %min3A_38, %mul3A_71 : i32
        %dma_start3A = arith.constant 0 : i32
        %dma_start3A_73 = tpu.memref_slice %arg2[%dma_start3A, %mul3A_72] : memref<32x999986xf32, #tpu.memory_space<hbm>> -> memref<32x256xf32, #tpu.memory_space<hbm>>
        %dma_start3A_74 = arith.constant 0 : i32
        %dma_start3A_75 = tpu.memref_slice %arg2[%dma_start3A_74, %mul3A_72] : memref<32x999986xf32, #tpu.memory_space<hbm>> -> memref<32x256xf32, #tpu.memory_space<hbm>>
        tpu.enqueue_dma source(%dma_start3A_75 : memref<32x256xf32, #tpu.memory_space<hbm>>) target(%arg5 : memref<32x256xf32, #tpu.memory_space<vmem>>) target_semaphore(%arg9 : memref<!tpu.dma_semaphore, #tpu.memory_space<semaphore_mem>>)
      } else {
      }
      %sub3A = arith.constant 64 : i32
      %sub3A_49 = arith.subi %add3A_24, %sub3A : i32
      %ge3A = arith.constant 0 : i32
      %ge3A_50 = arith.cmpi sge, %sub3A_49, %ge3A : i32
      %convert_element_type3A_51 = arith.extui %ge3A_50 : i1 to i32
      %cond3A_52 = arith.constant 0 : i32
      %cond3A_53 = arith.cmpi ne, %convert_element_type3A_51, %cond3A_52 : i32
      scf.if %cond3A_53 {
        %dma_wait3A = arith.constant 0 : i32
        %dma_wait3A_71 = tpu.memref_slice %arg3[%dma_wait3A] : memref<32002048xf32, #tpu.memory_space<hbm>> -> memref<8192xf32, #tpu.memory_space<hbm>>
        %dma_wait3A_72 = arith.constant 0 : i32
        %dma_wait3A_73 = tpu.memref_slice %arg3[%dma_wait3A_72] : memref<32002048xf32, #tpu.memory_space<hbm>> -> memref<8192xf32, #tpu.memory_space<hbm>>
        tpu.wait_dma2 semaphore(%arg10 : memref<!tpu.dma_semaphore, #tpu.memory_space<semaphore_mem>>) src(%arg6 : memref<8192xf32, #tpu.memory_space<vmem>>) dst(%dma_wait3A_73 : memref<8192xf32, #tpu.memory_space<hbm>>)
      } else {
      }
      %lt3A_54 = arith.constant 3907 : i32
      %lt3A_55 = arith.cmpi slt, %add3A_24, %lt3A_54 : i32
      %convert_element_type3A_56 = arith.extui %lt3A_55 : i1 to i32
      %cond3A_57 = arith.constant 0 : i32
      %cond3A_58 = arith.cmpi ne, %convert_element_type3A_56, %cond3A_57 : i32
      scf.if %cond3A_58 {
        %dma_wait3A = arith.constant 0 : i32
        %dma_wait3A_71 = arith.constant 0 : i32
        %dma_wait3A_72 = tpu.memref_slice %arg2[%dma_wait3A, %dma_wait3A_71] : memref<32x999986xf32, #tpu.memory_space<hbm>> -> memref<32x256xf32, #tpu.memory_space<hbm>>
        %dma_wait3A_73 = arith.constant 0 : i32
        %dma_wait3A_74 = arith.constant 0 : i32
        %dma_wait3A_75 = tpu.memref_slice %arg2[%dma_wait3A_73, %dma_wait3A_74] : memref<32x999986xf32, #tpu.memory_space<hbm>> -> memref<32x256xf32, #tpu.memory_space<hbm>>
        tpu.wait_dma2 semaphore(%arg8 : memref<!tpu.dma_semaphore, #tpu.memory_space<semaphore_mem>>) src(%dma_wait3A_75 : memref<32x256xf32, #tpu.memory_space<hbm>>) dst(%arg4 : memref<32x256xf32, #tpu.memory_space<vmem>>)
        %iota3A = tpu.iota {dimensions = array<i32: 0>} : vector<16xi32>
        %add3A_76 = arith.constant 16 : i32
        %add3A_77 = vector.broadcast %add3A_76 : i32 to vector<16xi32>
        %add3A_78 = arith.addi %iota3A, %add3A_77 : vector<16xi32>
        %parallel_loop3A = arith.constant 0 : i32
        %parallel_loop3A_79 = arith.constant 256 : i32
        %parallel_loop3A_80 = arith.constant 1 : i32
        scf.for %parallel_loop3A_84 = %parallel_loop3A to %parallel_loop3A_79 step %parallel_loop3A_80  : i32 {
          %parallel_loop3A_85 = arith.constant 0 : i32
          %parallel_loop3A_86 = vector.broadcast %parallel_loop3A_85 : i32 to vector<16xi32>
          %parallel_loop3A_87 = vector.broadcast %parallel_loop3A_84 : i32 to vector<16xi32>
          %parallel_loop3A_88 = arith.addi %parallel_loop3A_86, %parallel_loop3A_87 : vector<16xi32>
          %parallel_loop3A_89 = tpu.vector_load_idx %arg4[%iota3A, %parallel_loop3A_88] : memref<32x256xf32, #tpu.memory_space<vmem>>[vector<16xi32>, vector<16xi32>], vector<16xf32>,
          %parallel_loop3A_90 = arith.constant 32 : i32
          %parallel_loop3A_91 = arith.muli %parallel_loop3A_84, %parallel_loop3A_90 : i32
          %parallel_loop3A_92 = arith.index_cast %parallel_loop3A_91 : i32 to index
          %parallel_loop3A_93 = tpu.vector_load %arg6[%parallel_loop3A_92] {strides = array<i32>} : memref<8192xf32, #tpu.memory_space<vmem>>, vector<16xf32>,
          tpu.vector_store %arg6[%parallel_loop3A_92], %parallel_loop3A_89 {strides = array<i32>} : memref<8192xf32, #tpu.memory_space<vmem>>, vector<16xf32>,
          %parallel_loop3A_94 = tpu.vector_load_idx %arg4[%add3A_78, %parallel_loop3A_88] : memref<32x256xf32, #tpu.memory_space<vmem>>[vector<16xi32>, vector<16xi32>], vector<16xf32>,
          %parallel_loop3A_95 = arith.constant 32 : i32
          %parallel_loop3A_96 = arith.muli %parallel_loop3A_84, %parallel_loop3A_95 : i32
          %parallel_loop3A_97 = arith.constant 16 : i32
          %parallel_loop3A_98 = arith.addi %parallel_loop3A_96, %parallel_loop3A_97 : i32
          %parallel_loop3A_99 = arith.index_cast %parallel_loop3A_98 : i32 to index
          %parallel_loop3A_100 = tpu.vector_load %arg6[%parallel_loop3A_99] {strides = array<i32>} : memref<8192xf32, #tpu.memory_space<vmem>>, vector<16xf32>,
          tpu.vector_store %arg6[%parallel_loop3A_99], %parallel_loop3A_94 {strides = array<i32>} : memref<8192xf32, #tpu.memory_space<vmem>>, vector<16xf32>,
        } {sc.loop_unroll_factor = 16 : i64, sc.parallel_access}
        %mul3A_81 = arith.constant 4096 : i32
        %mul3A_82 = arith.muli %min3A_34, %mul3A_81 : i32
        %dma_start3A = tpu.memref_slice %arg3[%mul3A_82] : memref<32002048xf32, #tpu.memory_space<hbm>> -> memref<8192xf32, #tpu.memory_space<hbm>>
        %dma_start3A_83 = tpu.memref_slice %arg3[%mul3A_82] : memref<32002048xf32, #tpu.memory_space<hbm>> -> memref<8192xf32, #tpu.memory_space<hbm>>
        tpu.enqueue_dma source(%arg6 : memref<8192xf32, #tpu.memory_space<vmem>>) target(%dma_start3A_83 : memref<8192xf32, #tpu.memory_space<hbm>>) target_semaphore(%arg10 : memref<!tpu.dma_semaphore, #tpu.memory_space<semaphore_mem>>)
      } else {
      }
      %sub3A_59 = arith.constant 64 : i32
      %sub3A_60 = arith.subi %add3A_31, %sub3A_59 : i32
      %ge3A_61 = arith.constant 0 : i32
      %ge3A_62 = arith.cmpi sge, %sub3A_60, %ge3A_61 : i32
      %convert_element_type3A_63 = arith.extui %ge3A_62 : i1 to i32
      %cond3A_64 = arith.constant 0 : i32
      %cond3A_65 = arith.cmpi ne, %convert_element_type3A_63, %cond3A_64 : i32
      scf.if %cond3A_65 {
        %dma_wait3A = arith.constant 0 : i32
        %dma_wait3A_71 = tpu.memref_slice %arg3[%dma_wait3A] : memref<32002048xf32, #tpu.memory_space<hbm>> -> memref<8192xf32, #tpu.memory_space<hbm>>
        %dma_wait3A_72 = arith.constant 0 : i32
        %dma_wait3A_73 = tpu.memref_slice %arg3[%dma_wait3A_72] : memref<32002048xf32, #tpu.memory_space<hbm>> -> memref<8192xf32, #tpu.memory_space<hbm>>
        tpu.wait_dma2 semaphore(%arg11 : memref<!tpu.dma_semaphore, #tpu.memory_space<semaphore_mem>>) src(%arg7 : memref<8192xf32, #tpu.memory_space<vmem>>) dst(%dma_wait3A_73 : memref<8192xf32, #tpu.memory_space<hbm>>)
      } else {
      }
      %lt3A_66 = arith.constant 3907 : i32
      %lt3A_67 = arith.cmpi slt, %add3A_31, %lt3A_66 : i32
      %convert_element_type3A_68 = arith.extui %lt3A_67 : i1 to i32
      %cond3A_69 = arith.constant 0 : i32
      %cond3A_70 = arith.cmpi ne, %convert_element_type3A_68, %cond3A_69 : i32
      scf.if %cond3A_70 {
        %dma_wait3A = arith.constant 0 : i32
        %dma_wait3A_71 = arith.constant 0 : i32
        %dma_wait3A_72 = tpu.memref_slice %arg2[%dma_wait3A, %dma_wait3A_71] : memref<32x999986xf32, #tpu.memory_space<hbm>> -> memref<32x256xf32, #tpu.memory_space<hbm>>
        %dma_wait3A_73 = arith.constant 0 : i32
        %dma_wait3A_74 = arith.constant 0 : i32
        %dma_wait3A_75 = tpu.memref_slice %arg2[%dma_wait3A_73, %dma_wait3A_74] : memref<32x999986xf32, #tpu.memory_space<hbm>> -> memref<32x256xf32, #tpu.memory_space<hbm>>
        tpu.wait_dma2 semaphore(%arg9 : memref<!tpu.dma_semaphore, #tpu.memory_space<semaphore_mem>>) src(%dma_wait3A_75 : memref<32x256xf32, #tpu.memory_space<hbm>>) dst(%arg5 : memref<32x256xf32, #tpu.memory_space<vmem>>)
        %iota3A = tpu.iota {dimensions = array<i32: 0>} : vector<16xi32>
        %add3A_76 = arith.constant 16 : i32
        %add3A_77 = vector.broadcast %add3A_76 : i32 to vector<16xi32>
        %add3A_78 = arith.addi %iota3A, %add3A_77 : vector<16xi32>
        %parallel_loop3A = arith.constant 0 : i32
        %parallel_loop3A_79 = arith.constant 256 : i32
        %parallel_loop3A_80 = arith.constant 1 : i32
        scf.for %parallel_loop3A_84 = %parallel_loop3A to %parallel_loop3A_79 step %parallel_loop3A_80  : i32 {
          %parallel_loop3A_85 = arith.constant 0 : i32
          %parallel_loop3A_86 = vector.broadcast %parallel_loop3A_85 : i32 to vector<16xi32>
          %parallel_loop3A_87 = vector.broadcast %parallel_loop3A_84 : i32 to vector<16xi32>
          %parallel_loop3A_88 = arith.addi %parallel_loop3A_86, %parallel_loop3A_87 : vector<16xi32>
          %parallel_loop3A_89 = tpu.vector_load_idx %arg5[%iota3A, %parallel_loop3A_88] : memref<32x256xf32, #tpu.memory_space<vmem>>[vector<16xi32>, vector<16xi32>], vector<16xf32>,
          %parallel_loop3A_90 = arith.constant 32 : i32
          %parallel_loop3A_91 = arith.muli %parallel_loop3A_84, %parallel_loop3A_90 : i32
          %parallel_loop3A_92 = arith.index_cast %parallel_loop3A_91 : i32 to index
          %parallel_loop3A_93 = tpu.vector_load %arg7[%parallel_loop3A_92] {strides = array<i32>} : memref<8192xf32, #tpu.memory_space<vmem>>, vector<16xf32>,
          tpu.vector_store %arg7[%parallel_loop3A_92], %parallel_loop3A_89 {strides = array<i32>} : memref<8192xf32, #tpu.memory_space<vmem>>, vector<16xf32>,
          %parallel_loop3A_94 = tpu.vector_load_idx %arg5[%add3A_78, %parallel_loop3A_88] : memref<32x256xf32, #tpu.memory_space<vmem>>[vector<16xi32>, vector<16xi32>], vector<16xf32>,
          %parallel_loop3A_95 = arith.constant 32 : i32
          %parallel_loop3A_96 = arith.muli %parallel_loop3A_84, %parallel_loop3A_95 : i32
          %parallel_loop3A_97 = arith.constant 16 : i32
          %parallel_loop3A_98 = arith.addi %parallel_loop3A_96, %parallel_loop3A_97 : i32
          %parallel_loop3A_99 = arith.index_cast %parallel_loop3A_98 : i32 to index
          %parallel_loop3A_100 = tpu.vector_load %arg7[%parallel_loop3A_99] {strides = array<i32>} : memref<8192xf32, #tpu.memory_space<vmem>>, vector<16xf32>,
          tpu.vector_store %arg7[%parallel_loop3A_99], %parallel_loop3A_94 {strides = array<i32>} : memref<8192xf32, #tpu.memory_space<vmem>>, vector<16xf32>,
        } {sc.loop_unroll_factor = 16 : i64, sc.parallel_access}
        %mul3A_81 = arith.constant 4096 : i32
        %mul3A_82 = arith.muli %min3A_38, %mul3A_81 : i32
        %dma_start3A = tpu.memref_slice %arg3[%mul3A_82] : memref<32002048xf32, #tpu.memory_space<hbm>> -> memref<8192xf32, #tpu.memory_space<hbm>>
        %dma_start3A_83 = tpu.memref_slice %arg3[%mul3A_82] : memref<32002048xf32, #tpu.memory_space<hbm>> -> memref<8192xf32, #tpu.memory_space<hbm>>
        tpu.enqueue_dma source(%arg7 : memref<8192xf32, #tpu.memory_space<vmem>>) target(%dma_start3A_83 : memref<8192xf32, #tpu.memory_space<hbm>>) target_semaphore(%arg11 : memref<!tpu.dma_semaphore, #tpu.memory_space<semaphore_mem>>)
      } else {
      }
    }
    %scan3A_5 = arith.constant 62 : i32
    %add3A_6 = arith.constant 3904 : i32
    %add3A_7 = arith.addi %add3A, %add3A_6 : i32
    %lt3A = arith.constant 3907 : i32
    %lt3A_8 = arith.cmpi slt, %add3A_7, %lt3A : i32
    %convert_element_type3A = arith.extui %lt3A_8 : i1 to i32
    %cond3A = arith.constant 0 : i32
    %cond3A_9 = arith.cmpi ne, %convert_element_type3A, %cond3A : i32
    scf.if %cond3A_9 {
      %dma_wait3A = arith.constant 0 : i32
      %dma_wait3A_17 = tpu.memref_slice %arg3[%dma_wait3A] : memref<32002048xf32, #tpu.memory_space<hbm>> -> memref<8192xf32, #tpu.memory_space<hbm>>
      %dma_wait3A_18 = arith.constant 0 : i32
      %dma_wait3A_19 = tpu.memref_slice %arg3[%dma_wait3A_18] : memref<32002048xf32, #tpu.memory_space<hbm>> -> memref<8192xf32, #tpu.memory_space<hbm>>
      tpu.wait_dma2 semaphore(%arg10 : memref<!tpu.dma_semaphore, #tpu.memory_space<semaphore_mem>>) src(%arg6 : memref<8192xf32, #tpu.memory_space<vmem>>) dst(%dma_wait3A_19 : memref<8192xf32, #tpu.memory_space<hbm>>)
    } else {
    }
    %add3A_10 = arith.constant 3936 : i32
    %add3A_11 = arith.addi %add3A, %add3A_10 : i32
    %lt3A_12 = arith.constant 3907 : i32
    %lt3A_13 = arith.cmpi slt, %add3A_11, %lt3A_12 : i32
    %convert_element_type3A_14 = arith.extui %lt3A_13 : i1 to i32
    %cond3A_15 = arith.constant 0 : i32
    %cond3A_16 = arith.cmpi ne, %convert_element_type3A_14, %cond3A_15 : i32
    scf.if %cond3A_16 {
      %dma_wait3A = arith.constant 0 : i32
      %dma_wait3A_17 = tpu.memref_slice %arg3[%dma_wait3A] : memref<32002048xf32, #tpu.memory_space<hbm>> -> memref<8192xf32, #tpu.memory_space<hbm>>
      %dma_wait3A_18 = arith.constant 0 : i32
      %dma_wait3A_19 = tpu.memref_slice %arg3[%dma_wait3A_18] : memref<32002048xf32, #tpu.memory_space<hbm>> -> memref<8192xf32, #tpu.memory_space<hbm>>
      tpu.wait_dma2 semaphore(%arg11 : memref<!tpu.dma_semaphore, #tpu.memory_space<semaphore_mem>>) src(%arg7 : memref<8192xf32, #tpu.memory_space<vmem>>) dst(%dma_wait3A_19 : memref<8192xf32, #tpu.memory_space<hbm>>)
    } else {
    }
    return
  }
}

#map = affine_map<(d0, d1) -> (0)>
#map1 = affine_map<(d0, d1) -> (0, 0)>
module attributes {stable_mosaic.version = 14 : i64} {
  func.func @_sc_body(%arg0: i32, %arg1: i32, %arg2: memref<212992xf32, #tpu.memory_space<hbm>>, %arg3: memref<425984xi32, #tpu.memory_space<hbm>>, %arg4: memref<1000064x32xf32, #tpu.memory_space<hbm>>, %arg5: memref<14x32xf32, #tpu.memory_space<hbm>>, %arg6: memref<14x32xf32, #tpu.memory_space<hbm>>, %arg7: memref<832x32xf32, #tpu.memory_space<hbm>>, %arg8: memref<13x64xi32, #tpu.memory_space<hbm>>, %arg9: memref<8x104xi32, #tpu.memory_space<hbm>>, %arg10: memref<4x112xi32, #tpu.memory_space<hbm>>, %arg11: memref<655360x32xf32, #tpu.memory_space<hbm>>, %arg12: memref<832xi32, #tpu.memory_space<vmem>>, %arg13: memref<448xf32, #tpu.memory_space<vmem>>, %arg14: memref<13x64xi32, #tpu.memory_space<vmem>>, %arg15: memref<832x32xf32, #tpu.memory_space<vmem>>, %arg16: memref<448x32xf32, #tpu.memory_space<vmem>>, %arg17: memref<14x32xf32, #tpu.memory_space<vmem>>, %arg18: memref<14x32xf32, #tpu.memory_space<vmem>>, %arg19: memref<832x32xf32, #tpu.memory_space<vmem>>, %arg20: memref<13x64xi32, #tpu.memory_space<vmem>>, %arg21: memref<8x104xi32, #tpu.memory_space<vmem>>, %arg22: memref<4x112xi32, #tpu.memory_space<vmem>>, %arg23: memref<!tpu.dma_semaphore, #tpu.memory_space<semaphore_mem>>, %arg24: memref<!tpu.dma_semaphore, #tpu.memory_space<semaphore_mem>>, %arg25: memref<!tpu.dma_semaphore, #tpu.memory_space<semaphore_mem>>) attributes {dimension_semantics = [#tpu.dimension_semantics<core_parallel>, #tpu.dimension_semantics<subcore_parallel>], iteration_bounds = array<i64: 2, 16>, scalar_prefetch = 0 : i64, scratch_operands = 14 : i64, tpu.core_type = #tpu.core_type<sc_vector_subcore>, window_params = [{transform_indices = #map}, {transform_indices = #map}, {transform_indices = #map1}, {transform_indices = #map1}, {transform_indices = #map1}, {transform_indices = #map1}, {transform_indices = #map1}, {transform_indices = #map1}, {transform_indices = #map1}, {transform_indices = #map1}]} {
    %mul3A = arith.constant 2 : i32
    %mul3A_0 = arith.muli %arg1, %mul3A : i32
    %add3A = arith.addi %mul3A_0, %arg0 : i32
    %mul3A_1 = arith.constant 512 : i32
    %mul3A_2 = arith.muli %add3A, %mul3A_1 : i32
    "tpu.region"() ({
      %run_scoped3A = tpu.sem_alloc : memref<!tpu.dma_semaphore, #tpu.memory_space<semaphore_mem>>
      tpu.enqueue_dma source(%arg5 : memref<14x32xf32, #tpu.memory_space<hbm>>) target(%arg17 : memref<14x32xf32, #tpu.memory_space<vmem>>) target_semaphore(%run_scoped3A : memref<!tpu.dma_semaphore, #tpu.memory_space<semaphore_mem>>)
      tpu.wait_dma2 semaphore(%run_scoped3A : memref<!tpu.dma_semaphore, #tpu.memory_space<semaphore_mem>>) src(%arg5 : memref<14x32xf32, #tpu.memory_space<hbm>>) dst(%arg17 : memref<14x32xf32, #tpu.memory_space<vmem>>)
      tpu.yield
    }) : () -> ()
    "tpu.region"() ({
      %run_scoped3A = tpu.sem_alloc : memref<!tpu.dma_semaphore, #tpu.memory_space<semaphore_mem>>
      tpu.enqueue_dma source(%arg6 : memref<14x32xf32, #tpu.memory_space<hbm>>) target(%arg18 : memref<14x32xf32, #tpu.memory_space<vmem>>) target_semaphore(%run_scoped3A : memref<!tpu.dma_semaphore, #tpu.memory_space<semaphore_mem>>)
      tpu.wait_dma2 semaphore(%run_scoped3A : memref<!tpu.dma_semaphore, #tpu.memory_space<semaphore_mem>>) src(%arg6 : memref<14x32xf32, #tpu.memory_space<hbm>>) dst(%arg18 : memref<14x32xf32, #tpu.memory_space<vmem>>)
      tpu.yield
    }) : () -> ()
    "tpu.region"() ({
      %run_scoped3A = tpu.sem_alloc : memref<!tpu.dma_semaphore, #tpu.memory_space<semaphore_mem>>
      tpu.enqueue_dma source(%arg7 : memref<832x32xf32, #tpu.memory_space<hbm>>) target(%arg19 : memref<832x32xf32, #tpu.memory_space<vmem>>) target_semaphore(%run_scoped3A : memref<!tpu.dma_semaphore, #tpu.memory_space<semaphore_mem>>)
      tpu.wait_dma2 semaphore(%run_scoped3A : memref<!tpu.dma_semaphore, #tpu.memory_space<semaphore_mem>>) src(%arg7 : memref<832x32xf32, #tpu.memory_space<hbm>>) dst(%arg19 : memref<832x32xf32, #tpu.memory_space<vmem>>)
      tpu.yield
    }) : () -> ()
    "tpu.region"() ({
      %run_scoped3A = tpu.sem_alloc : memref<!tpu.dma_semaphore, #tpu.memory_space<semaphore_mem>>
      tpu.enqueue_dma source(%arg8 : memref<13x64xi32, #tpu.memory_space<hbm>>) target(%arg20 : memref<13x64xi32, #tpu.memory_space<vmem>>) target_semaphore(%run_scoped3A : memref<!tpu.dma_semaphore, #tpu.memory_space<semaphore_mem>>)
      tpu.wait_dma2 semaphore(%run_scoped3A : memref<!tpu.dma_semaphore, #tpu.memory_space<semaphore_mem>>) src(%arg8 : memref<13x64xi32, #tpu.memory_space<hbm>>) dst(%arg20 : memref<13x64xi32, #tpu.memory_space<vmem>>)
      tpu.yield
    }) : () -> ()
    "tpu.region"() ({
      %run_scoped3A = tpu.sem_alloc : memref<!tpu.dma_semaphore, #tpu.memory_space<semaphore_mem>>
      tpu.enqueue_dma source(%arg9 : memref<8x104xi32, #tpu.memory_space<hbm>>) target(%arg21 : memref<8x104xi32, #tpu.memory_space<vmem>>) target_semaphore(%run_scoped3A : memref<!tpu.dma_semaphore, #tpu.memory_space<semaphore_mem>>)
      tpu.wait_dma2 semaphore(%run_scoped3A : memref<!tpu.dma_semaphore, #tpu.memory_space<semaphore_mem>>) src(%arg9 : memref<8x104xi32, #tpu.memory_space<hbm>>) dst(%arg21 : memref<8x104xi32, #tpu.memory_space<vmem>>)
      tpu.yield
    }) : () -> ()
    "tpu.region"() ({
      %run_scoped3A = tpu.sem_alloc : memref<!tpu.dma_semaphore, #tpu.memory_space<semaphore_mem>>
      tpu.enqueue_dma source(%arg10 : memref<4x112xi32, #tpu.memory_space<hbm>>) target(%arg22 : memref<4x112xi32, #tpu.memory_space<vmem>>) target_semaphore(%run_scoped3A : memref<!tpu.dma_semaphore, #tpu.memory_space<semaphore_mem>>)
      tpu.wait_dma2 semaphore(%run_scoped3A : memref<!tpu.dma_semaphore, #tpu.memory_space<semaphore_mem>>) src(%arg10 : memref<4x112xi32, #tpu.memory_space<hbm>>) dst(%arg22 : memref<4x112xi32, #tpu.memory_space<vmem>>)
      tpu.yield
    }) : () -> ()
    %scan3A = arith.constant 0 : i32
    %scan3A_3 = arith.constant 0 : i32
    %scan3A_4 = arith.constant 16 : i32
    %scan3A_5 = arith.addi %scan3A_3, %scan3A_4 : i32
    %scan3A_6 = arith.constant 1 : i32
    scf.for %scan3A_19 = %scan3A_3 to %scan3A_5 step %scan3A_6  : i32 {
      %mul3A_20 = arith.constant 32 : i32
      %mul3A_21 = arith.muli %scan3A_19, %mul3A_20 : i32
      %add3A_22 = arith.addi %mul3A_2, %mul3A_21 : i32
      %mul3A_23 = arith.constant 40 : i32
      %mul3A_24 = arith.muli %add3A_22, %mul3A_23 : i32
      %mul3A_25 = arith.constant 26 : i32
      %mul3A_26 = arith.muli %add3A_22, %mul3A_25 : i32
      %dma_start3A = tpu.memref_slice %arg3[%mul3A_26] : memref<425984xi32, #tpu.memory_space<hbm>> -> memref<832xi32, #tpu.memory_space<hbm>>
      %dma_start3A_27 = tpu.memref_slice %arg3[%mul3A_26] : memref<425984xi32, #tpu.memory_space<hbm>> -> memref<832xi32, #tpu.memory_space<hbm>>
      tpu.enqueue_dma source(%dma_start3A_27 : memref<832xi32, #tpu.memory_space<hbm>>) target(%arg12 : memref<832xi32, #tpu.memory_space<vmem>>) target_semaphore(%arg23 : memref<!tpu.dma_semaphore, #tpu.memory_space<semaphore_mem>>)
      %mul3A_28 = arith.constant 13 : i32
      %mul3A_29 = arith.muli %add3A_22, %mul3A_28 : i32
      %dma_start3A_30 = arith.constant 0 : i32
      %dma_start3A_31 = tpu.memref_slice %arg13[%dma_start3A_30] : memref<448xf32, #tpu.memory_space<vmem>> -> memref<416xf32, #tpu.memory_space<vmem>>
      %dma_start3A_32 = tpu.memref_slice %arg2[%mul3A_29] : memref<212992xf32, #tpu.memory_space<hbm>> -> memref<416xf32, #tpu.memory_space<hbm>>
      %dma_start3A_33 = arith.constant 0 : i32
      %dma_start3A_34 = tpu.memref_slice %arg13[%dma_start3A_33] : memref<448xf32, #tpu.memory_space<vmem>> -> memref<416xf32, #tpu.memory_space<vmem>>
      %dma_start3A_35 = tpu.memref_slice %arg2[%mul3A_29] : memref<212992xf32, #tpu.memory_space<hbm>> -> memref<416xf32, #tpu.memory_space<hbm>>
      tpu.enqueue_dma source(%dma_start3A_35 : memref<416xf32, #tpu.memory_space<hbm>>) target(%dma_start3A_34 : memref<416xf32, #tpu.memory_space<vmem>>) target_semaphore(%arg23 : memref<!tpu.dma_semaphore, #tpu.memory_space<semaphore_mem>>)
      %gt3A = arith.constant 0 : i32
      %gt3A_36 = arith.cmpi sgt, %scan3A_19, %gt3A : i32
      %convert_element_type3A = arith.extui %gt3A_36 : i1 to i32
      %cond3A = arith.constant 0 : i32
      %cond3A_37 = arith.cmpi ne, %convert_element_type3A, %cond3A : i32
      scf.if %cond3A_37 {
        %dma_wait3A_1113 = arith.constant 0 : i32
        %dma_wait3A_1114 = arith.constant 0 : i32
        %dma_wait3A_1115 = tpu.memref_slice %arg11[%dma_wait3A_1113, %dma_wait3A_1114] : memref<655360x32xf32, #tpu.memory_space<hbm>> -> memref<832x32xf32, #tpu.memory_space<hbm>>
        %dma_wait3A_1116 = arith.constant 0 : i32
        %dma_wait3A_1117 = arith.constant 0 : i32
        %dma_wait3A_1118 = tpu.memref_slice %arg11[%dma_wait3A_1116, %dma_wait3A_1117] : memref<655360x32xf32, #tpu.memory_space<hbm>> -> memref<832x32xf32, #tpu.memory_space<hbm>>
        tpu.wait_dma2 semaphore(%arg25 : memref<!tpu.dma_semaphore, #tpu.memory_space<semaphore_mem>>) src(%arg15 : memref<832x32xf32, #tpu.memory_space<vmem>>) dst(%dma_wait3A_1118 : memref<832x32xf32, #tpu.memory_space<hbm>>)
        %dma_wait3A_1119 = arith.constant 0 : i32
        %dma_wait3A_1120 = arith.constant 0 : i32
        %dma_wait3A_1121 = tpu.memref_slice %arg11[%dma_wait3A_1119, %dma_wait3A_1120] : memref<655360x32xf32, #tpu.memory_space<hbm>> -> memref<448x32xf32, #tpu.memory_space<hbm>>
        %dma_wait3A_1122 = arith.constant 0 : i32
        %dma_wait3A_1123 = arith.constant 0 : i32
        %dma_wait3A_1124 = tpu.memref_slice %arg11[%dma_wait3A_1122, %dma_wait3A_1123] : memref<655360x32xf32, #tpu.memory_space<hbm>> -> memref<448x32xf32, #tpu.memory_space<hbm>>
        tpu.wait_dma2 semaphore(%arg25 : memref<!tpu.dma_semaphore, #tpu.memory_space<semaphore_mem>>) src(%arg16 : memref<448x32xf32, #tpu.memory_space<vmem>>) dst(%dma_wait3A_1124 : memref<448x32xf32, #tpu.memory_space<hbm>>)
      } else {
      }
      %dma_wait3A_38 = arith.constant 0 : i32
      %dma_wait3A_39 = tpu.memref_slice %arg3[%dma_wait3A_38] : memref<425984xi32, #tpu.memory_space<hbm>> -> memref<832xi32, #tpu.memory_space<hbm>>
      %dma_wait3A_40 = arith.constant 0 : i32
      %dma_wait3A_41 = tpu.memref_slice %arg3[%dma_wait3A_40] : memref<425984xi32, #tpu.memory_space<hbm>> -> memref<832xi32, #tpu.memory_space<hbm>>
      tpu.wait_dma2 semaphore(%arg23 : memref<!tpu.dma_semaphore, #tpu.memory_space<semaphore_mem>>) src(%dma_wait3A_41 : memref<832xi32, #tpu.memory_space<hbm>>) dst(%arg12 : memref<832xi32, #tpu.memory_space<vmem>>)
      %dma_wait3A_42 = arith.constant 0 : i32
      %dma_wait3A_43 = tpu.memref_slice %arg13[%dma_wait3A_42] : memref<448xf32, #tpu.memory_space<vmem>> -> memref<416xf32, #tpu.memory_space<vmem>>
      %dma_wait3A_44 = arith.constant 0 : i32
      %dma_wait3A_45 = tpu.memref_slice %arg2[%dma_wait3A_44] : memref<212992xf32, #tpu.memory_space<hbm>> -> memref<416xf32, #tpu.memory_space<hbm>>
      %dma_wait3A_46 = arith.constant 0 : i32
      %dma_wait3A_47 = tpu.memref_slice %arg13[%dma_wait3A_46] : memref<448xf32, #tpu.memory_space<vmem>> -> memref<416xf32, #tpu.memory_space<vmem>>
      %dma_wait3A_48 = arith.constant 0 : i32
      %dma_wait3A_49 = tpu.memref_slice %arg2[%dma_wait3A_48] : memref<212992xf32, #tpu.memory_space<hbm>> -> memref<416xf32, #tpu.memory_space<hbm>>
      tpu.wait_dma2 semaphore(%arg23 : memref<!tpu.dma_semaphore, #tpu.memory_space<semaphore_mem>>) src(%dma_wait3A_49 : memref<416xf32, #tpu.memory_space<hbm>>) dst(%dma_wait3A_47 : memref<416xf32, #tpu.memory_space<vmem>>)
      %get3A = arith.constant 0 : index
      %get3A_50 = tpu.vector_load %arg12[%get3A] {strides = array<i32>} : memref<832xi32, #tpu.memory_space<vmem>>, vector<16xi32>,
      %get3A_51 = vector.shape_cast %get3A_50 : vector<16xi32> to vector<16xi32>
      %get3A_52 = arith.constant 0 : i32
      %get3A_53 = arith.index_cast %get3A_52 : i32 to index
      %get3A_54 = arith.constant 0 : index
      %get3A_55 = tpu.vector_load %arg20[%get3A_53, %get3A_54] {strides = array<i32>} : memref<13x64xi32, #tpu.memory_space<vmem>>, vector<1x16xi32>,
      %get3A_56 = vector.shape_cast %get3A_55 : vector<1x16xi32> to vector<16xi32>
      %add3A_57 = arith.addi %get3A_51, %get3A_56 : vector<16xi32>
      %swap3A = arith.constant 0 : i32
      %swap3A_58 = arith.index_cast %swap3A : i32 to index
      %swap3A_59 = arith.constant 0 : index
      %swap3A_60 = tpu.vector_load %arg14[%swap3A_58, %swap3A_59] {strides = array<i32>} : memref<13x64xi32, #tpu.memory_space<vmem>>, vector<1x16xi32>,
      %swap3A_61 = vector.shape_cast %swap3A_60 : vector<1x16xi32> to vector<16xi32>
      %swap3A_62 = vector.shape_cast %add3A_57 : vector<16xi32> to vector<1x16xi32>
      tpu.vector_store %arg14[%swap3A_58, %swap3A_59], %swap3A_62 {strides = array<i32>} : memref<13x64xi32, #tpu.memory_space<vmem>>, vector<1x16xi32>,
      %get3A_63 = arith.constant 16 : index
      %get3A_64 = tpu.vector_load %arg12[%get3A_63] {strides = array<i32>} : memref<832xi32, #tpu.memory_space<vmem>>, vector<16xi32>,
      %get3A_65 = vector.shape_cast %get3A_64 : vector<16xi32> to vector<16xi32>
      %get3A_66 = arith.constant 0 : i32
      %get3A_67 = arith.index_cast %get3A_66 : i32 to index
      %get3A_68 = arith.constant 16 : index
      %get3A_69 = tpu.vector_load %arg20[%get3A_67, %get3A_68] {strides = array<i32>} : memref<13x64xi32, #tpu.memory_space<vmem>>, vector<1x16xi32>,
      %get3A_70 = vector.shape_cast %get3A_69 : vector<1x16xi32> to vector<16xi32>
      %add3A_71 = arith.addi %get3A_65, %get3A_70 : vector<16xi32>
      %swap3A_72 = arith.constant 0 : i32
      %swap3A_73 = arith.index_cast %swap3A_72 : i32 to index
      %swap3A_74 = arith.constant 16 : index
      %swap3A_75 = tpu.vector_load %arg14[%swap3A_73, %swap3A_74] {strides = array<i32>} : memref<13x64xi32, #tpu.memory_space<vmem>>, vector<1x16xi32>,
      %swap3A_76 = vector.shape_cast %swap3A_75 : vector<1x16xi32> to vector<16xi32>
      %swap3A_77 = vector.shape_cast %add3A_71 : vector<16xi32> to vector<1x16xi32>
      tpu.vector_store %arg14[%swap3A_73, %swap3A_74], %swap3A_77 {strides = array<i32>} : memref<13x64xi32, #tpu.memory_space<vmem>>, vector<1x16xi32>,
      %get3A_78 = arith.constant 32 : index
      %get3A_79 = tpu.vector_load %arg12[%get3A_78] {strides = array<i32>} : memref<832xi32, #tpu.memory_space<vmem>>, vector<16xi32>,
      %get3A_80 = vector.shape_cast %get3A_79 : vector<16xi32> to vector<16xi32>
      %get3A_81 = arith.constant 0 : i32
      %get3A_82 = arith.index_cast %get3A_81 : i32 to index
      %get3A_83 = arith.constant 32 : index
      %get3A_84 = tpu.vector_load %arg20[%get3A_82, %get3A_83] {strides = array<i32>} : memref<13x64xi32, #tpu.memory_space<vmem>>, vector<1x16xi32>,
      %get3A_85 = vector.shape_cast %get3A_84 : vector<1x16xi32> to vector<16xi32>
      %add3A_86 = arith.addi %get3A_80, %get3A_85 : vector<16xi32>
      %swap3A_87 = arith.constant 0 : i32
      %swap3A_88 = arith.index_cast %swap3A_87 : i32 to index
      %swap3A_89 = arith.constant 32 : index
      %swap3A_90 = tpu.vector_load %arg14[%swap3A_88, %swap3A_89] {strides = array<i32>} : memref<13x64xi32, #tpu.memory_space<vmem>>, vector<1x16xi32>,
      %swap3A_91 = vector.shape_cast %swap3A_90 : vector<1x16xi32> to vector<16xi32>
      %swap3A_92 = vector.shape_cast %add3A_86 : vector<16xi32> to vector<1x16xi32>
      tpu.vector_store %arg14[%swap3A_88, %swap3A_89], %swap3A_92 {strides = array<i32>} : memref<13x64xi32, #tpu.memory_space<vmem>>, vector<1x16xi32>,
      %get3A_93 = arith.constant 48 : index
      %get3A_94 = tpu.vector_load %arg12[%get3A_93] {strides = array<i32>} : memref<832xi32, #tpu.memory_space<vmem>>, vector<16xi32>,
      %get3A_95 = vector.shape_cast %get3A_94 : vector<16xi32> to vector<16xi32>
      %get3A_96 = arith.constant 0 : i32
      %get3A_97 = arith.index_cast %get3A_96 : i32 to index
      %get3A_98 = arith.constant 48 : index
      %get3A_99 = tpu.vector_load %arg20[%get3A_97, %get3A_98] {strides = array<i32>} : memref<13x64xi32, #tpu.memory_space<vmem>>, vector<1x16xi32>,
      %get3A_100 = vector.shape_cast %get3A_99 : vector<1x16xi32> to vector<16xi32>
      %add3A_101 = arith.addi %get3A_95, %get3A_100 : vector<16xi32>
      %swap3A_102 = arith.constant 0 : i32
      %swap3A_103 = arith.index_cast %swap3A_102 : i32 to index
      %swap3A_104 = arith.constant 48 : index
      %swap3A_105 = tpu.vector_load %arg14[%swap3A_103, %swap3A_104] {strides = array<i32>} : memref<13x64xi32, #tpu.memory_space<vmem>>, vector<1x16xi32>,
      %swap3A_106 = vector.shape_cast %swap3A_105 : vector<1x16xi32> to vector<16xi32>
      %swap3A_107 = vector.shape_cast %add3A_101 : vector<16xi32> to vector<1x16xi32>
      tpu.vector_store %arg14[%swap3A_103, %swap3A_104], %swap3A_107 {strides = array<i32>} : memref<13x64xi32, #tpu.memory_space<vmem>>, vector<1x16xi32>,
      %get3A_108 = arith.constant 64 : index
      %get3A_109 = tpu.vector_load %arg12[%get3A_108] {strides = array<i32>} : memref<832xi32, #tpu.memory_space<vmem>>, vector<16xi32>,
      %get3A_110 = vector.shape_cast %get3A_109 : vector<16xi32> to vector<16xi32>
      %get3A_111 = arith.constant 1 : i32
      %get3A_112 = arith.index_cast %get3A_111 : i32 to index
      %get3A_113 = arith.constant 0 : index
      %get3A_114 = tpu.vector_load %arg20[%get3A_112, %get3A_113] {strides = array<i32>} : memref<13x64xi32, #tpu.memory_space<vmem>>, vector<1x16xi32>,
      %get3A_115 = vector.shape_cast %get3A_114 : vector<1x16xi32> to vector<16xi32>
      %add3A_116 = arith.addi %get3A_110, %get3A_115 : vector<16xi32>
      %swap3A_117 = arith.constant 1 : i32
      %swap3A_118 = arith.index_cast %swap3A_117 : i32 to index
      %swap3A_119 = arith.constant 0 : index
      %swap3A_120 = tpu.vector_load %arg14[%swap3A_118, %swap3A_119] {strides = array<i32>} : memref<13x64xi32, #tpu.memory_space<vmem>>, vector<1x16xi32>,
      %swap3A_121 = vector.shape_cast %swap3A_120 : vector<1x16xi32> to vector<16xi32>
      %swap3A_122 = vector.shape_cast %add3A_116 : vector<16xi32> to vector<1x16xi32>
      tpu.vector_store %arg14[%swap3A_118, %swap3A_119], %swap3A_122 {strides = array<i32>} : memref<13x64xi32, #tpu.memory_space<vmem>>, vector<1x16xi32>,
      %get3A_123 = arith.constant 80 : index
      %get3A_124 = tpu.vector_load %arg12[%get3A_123] {strides = array<i32>} : memref<832xi32, #tpu.memory_space<vmem>>, vector<16xi32>,
      %get3A_125 = vector.shape_cast %get3A_124 : vector<16xi32> to vector<16xi32>
      %get3A_126 = arith.constant 1 : i32
      %get3A_127 = arith.index_cast %get3A_126 : i32 to index
      %get3A_128 = arith.constant 16 : index
      %get3A_129 = tpu.vector_load %arg20[%get3A_127, %get3A_128] {strides = array<i32>} : memref<13x64xi32, #tpu.memory_space<vmem>>, vector<1x16xi32>,
      %get3A_130 = vector.shape_cast %get3A_129 : vector<1x16xi32> to vector<16xi32>
      %add3A_131 = arith.addi %get3A_125, %get3A_130 : vector<16xi32>
      %swap3A_132 = arith.constant 1 : i32
      %swap3A_133 = arith.index_cast %swap3A_132 : i32 to index
      %swap3A_134 = arith.constant 16 : index
      %swap3A_135 = tpu.vector_load %arg14[%swap3A_133, %swap3A_134] {strides = array<i32>} : memref<13x64xi32, #tpu.memory_space<vmem>>, vector<1x16xi32>,
      %swap3A_136 = vector.shape_cast %swap3A_135 : vector<1x16xi32> to vector<16xi32>
      %swap3A_137 = vector.shape_cast %add3A_131 : vector<16xi32> to vector<1x16xi32>
      tpu.vector_store %arg14[%swap3A_133, %swap3A_134], %swap3A_137 {strides = array<i32>} : memref<13x64xi32, #tpu.memory_space<vmem>>, vector<1x16xi32>,
      %get3A_138 = arith.constant 96 : index
      %get3A_139 = tpu.vector_load %arg12[%get3A_138] {strides = array<i32>} : memref<832xi32, #tpu.memory_space<vmem>>, vector<16xi32>,
      %get3A_140 = vector.shape_cast %get3A_139 : vector<16xi32> to vector<16xi32>
      %get3A_141 = arith.constant 1 : i32
      %get3A_142 = arith.index_cast %get3A_141 : i32 to index
      %get3A_143 = arith.constant 32 : index
      %get3A_144 = tpu.vector_load %arg20[%get3A_142, %get3A_143] {strides = array<i32>} : memref<13x64xi32, #tpu.memory_space<vmem>>, vector<1x16xi32>,
      %get3A_145 = vector.shape_cast %get3A_144 : vector<1x16xi32> to vector<16xi32>
      %add3A_146 = arith.addi %get3A_140, %get3A_145 : vector<16xi32>
      %swap3A_147 = arith.constant 1 : i32
      %swap3A_148 = arith.index_cast %swap3A_147 : i32 to index
      %swap3A_149 = arith.constant 32 : index
      %swap3A_150 = tpu.vector_load %arg14[%swap3A_148, %swap3A_149] {strides = array<i32>} : memref<13x64xi32, #tpu.memory_space<vmem>>, vector<1x16xi32>,
      %swap3A_151 = vector.shape_cast %swap3A_150 : vector<1x16xi32> to vector<16xi32>
      %swap3A_152 = vector.shape_cast %add3A_146 : vector<16xi32> to vector<1x16xi32>
      tpu.vector_store %arg14[%swap3A_148, %swap3A_149], %swap3A_152 {strides = array<i32>} : memref<13x64xi32, #tpu.memory_space<vmem>>, vector<1x16xi32>,
      %get3A_153 = arith.constant 112 : index
      %get3A_154 = tpu.vector_load %arg12[%get3A_153] {strides = array<i32>} : memref<832xi32, #tpu.memory_space<vmem>>, vector<16xi32>,
      %get3A_155 = vector.shape_cast %get3A_154 : vector<16xi32> to vector<16xi32>
      %get3A_156 = arith.constant 1 : i32
      %get3A_157 = arith.index_cast %get3A_156 : i32 to index
      %get3A_158 = arith.constant 48 : index
      %get3A_159 = tpu.vector_load %arg20[%get3A_157, %get3A_158] {strides = array<i32>} : memref<13x64xi32, #tpu.memory_space<vmem>>, vector<1x16xi32>,
      %get3A_160 = vector.shape_cast %get3A_159 : vector<1x16xi32> to vector<16xi32>
      %add3A_161 = arith.addi %get3A_155, %get3A_160 : vector<16xi32>
      %swap3A_162 = arith.constant 1 : i32
      %swap3A_163 = arith.index_cast %swap3A_162 : i32 to index
      %swap3A_164 = arith.constant 48 : index
      %swap3A_165 = tpu.vector_load %arg14[%swap3A_163, %swap3A_164] {strides = array<i32>} : memref<13x64xi32, #tpu.memory_space<vmem>>, vector<1x16xi32>,
      %swap3A_166 = vector.shape_cast %swap3A_165 : vector<1x16xi32> to vector<16xi32>
      %swap3A_167 = vector.shape_cast %add3A_161 : vector<16xi32> to vector<1x16xi32>
      tpu.vector_store %arg14[%swap3A_163, %swap3A_164], %swap3A_167 {strides = array<i32>} : memref<13x64xi32, #tpu.memory_space<vmem>>, vector<1x16xi32>,
      %get3A_168 = arith.constant 128 : index
      %get3A_169 = tpu.vector_load %arg12[%get3A_168] {strides = array<i32>} : memref<832xi32, #tpu.memory_space<vmem>>, vector<16xi32>,
      %get3A_170 = vector.shape_cast %get3A_169 : vector<16xi32> to vector<16xi32>
      %get3A_171 = arith.constant 2 : i32
      %get3A_172 = arith.index_cast %get3A_171 : i32 to index
      %get3A_173 = arith.constant 0 : index
      %get3A_174 = tpu.vector_load %arg20[%get3A_172, %get3A_173] {strides = array<i32>} : memref<13x64xi32, #tpu.memory_space<vmem>>, vector<1x16xi32>,
      %get3A_175 = vector.shape_cast %get3A_174 : vector<1x16xi32> to vector<16xi32>
      %add3A_176 = arith.addi %get3A_170, %get3A_175 : vector<16xi32>
      %swap3A_177 = arith.constant 2 : i32
      %swap3A_178 = arith.index_cast %swap3A_177 : i32 to index
      %swap3A_179 = arith.constant 0 : index
      %swap3A_180 = tpu.vector_load %arg14[%swap3A_178, %swap3A_179] {strides = array<i32>} : memref<13x64xi32, #tpu.memory_space<vmem>>, vector<1x16xi32>,
      %swap3A_181 = vector.shape_cast %swap3A_180 : vector<1x16xi32> to vector<16xi32>
      %swap3A_182 = vector.shape_cast %add3A_176 : vector<16xi32> to vector<1x16xi32>
      tpu.vector_store %arg14[%swap3A_178, %swap3A_179], %swap3A_182 {strides = array<i32>} : memref<13x64xi32, #tpu.memory_space<vmem>>, vector<1x16xi32>,
      %get3A_183 = arith.constant 144 : index
      %get3A_184 = tpu.vector_load %arg12[%get3A_183] {strides = array<i32>} : memref<832xi32, #tpu.memory_space<vmem>>, vector<16xi32>,
      %get3A_185 = vector.shape_cast %get3A_184 : vector<16xi32> to vector<16xi32>
      %get3A_186 = arith.constant 2 : i32
      %get3A_187 = arith.index_cast %get3A_186 : i32 to index
      %get3A_188 = arith.constant 16 : index
      %get3A_189 = tpu.vector_load %arg20[%get3A_187, %get3A_188] {strides = array<i32>} : memref<13x64xi32, #tpu.memory_space<vmem>>, vector<1x16xi32>,
      %get3A_190 = vector.shape_cast %get3A_189 : vector<1x16xi32> to vector<16xi32>
      %add3A_191 = arith.addi %get3A_185, %get3A_190 : vector<16xi32>
      %swap3A_192 = arith.constant 2 : i32
      %swap3A_193 = arith.index_cast %swap3A_192 : i32 to index
      %swap3A_194 = arith.constant 16 : index
      %swap3A_195 = tpu.vector_load %arg14[%swap3A_193, %swap3A_194] {strides = array<i32>} : memref<13x64xi32, #tpu.memory_space<vmem>>, vector<1x16xi32>,
      %swap3A_196 = vector.shape_cast %swap3A_195 : vector<1x16xi32> to vector<16xi32>
      %swap3A_197 = vector.shape_cast %add3A_191 : vector<16xi32> to vector<1x16xi32>
      tpu.vector_store %arg14[%swap3A_193, %swap3A_194], %swap3A_197 {strides = array<i32>} : memref<13x64xi32, #tpu.memory_space<vmem>>, vector<1x16xi32>,
      %get3A_198 = arith.constant 160 : index
      %get3A_199 = tpu.vector_load %arg12[%get3A_198] {strides = array<i32>} : memref<832xi32, #tpu.memory_space<vmem>>, vector<16xi32>,
      %get3A_200 = vector.shape_cast %get3A_199 : vector<16xi32> to vector<16xi32>
      %get3A_201 = arith.constant 2 : i32
      %get3A_202 = arith.index_cast %get3A_201 : i32 to index
      %get3A_203 = arith.constant 32 : index
      %get3A_204 = tpu.vector_load %arg20[%get3A_202, %get3A_203] {strides = array<i32>} : memref<13x64xi32, #tpu.memory_space<vmem>>, vector<1x16xi32>,
      %get3A_205 = vector.shape_cast %get3A_204 : vector<1x16xi32> to vector<16xi32>
      %add3A_206 = arith.addi %get3A_200, %get3A_205 : vector<16xi32>
      %swap3A_207 = arith.constant 2 : i32
      %swap3A_208 = arith.index_cast %swap3A_207 : i32 to index
      %swap3A_209 = arith.constant 32 : index
      %swap3A_210 = tpu.vector_load %arg14[%swap3A_208, %swap3A_209] {strides = array<i32>} : memref<13x64xi32, #tpu.memory_space<vmem>>, vector<1x16xi32>,
      %swap3A_211 = vector.shape_cast %swap3A_210 : vector<1x16xi32> to vector<16xi32>
      %swap3A_212 = vector.shape_cast %add3A_206 : vector<16xi32> to vector<1x16xi32>
      tpu.vector_store %arg14[%swap3A_208, %swap3A_209], %swap3A_212 {strides = array<i32>} : memref<13x64xi32, #tpu.memory_space<vmem>>, vector<1x16xi32>,
      %get3A_213 = arith.constant 176 : index
      %get3A_214 = tpu.vector_load %arg12[%get3A_213] {strides = array<i32>} : memref<832xi32, #tpu.memory_space<vmem>>, vector<16xi32>,
      %get3A_215 = vector.shape_cast %get3A_214 : vector<16xi32> to vector<16xi32>
      %get3A_216 = arith.constant 2 : i32
      %get3A_217 = arith.index_cast %get3A_216 : i32 to index
      %get3A_218 = arith.constant 48 : index
      %get3A_219 = tpu.vector_load %arg20[%get3A_217, %get3A_218] {strides = array<i32>} : memref<13x64xi32, #tpu.memory_space<vmem>>, vector<1x16xi32>,
      %get3A_220 = vector.shape_cast %get3A_219 : vector<1x16xi32> to vector<16xi32>
      %add3A_221 = arith.addi %get3A_215, %get3A_220 : vector<16xi32>
      %swap3A_222 = arith.constant 2 : i32
      %swap3A_223 = arith.index_cast %swap3A_222 : i32 to index
      %swap3A_224 = arith.constant 48 : index
      %swap3A_225 = tpu.vector_load %arg14[%swap3A_223, %swap3A_224] {strides = array<i32>} : memref<13x64xi32, #tpu.memory_space<vmem>>, vector<1x16xi32>,
      %swap3A_226 = vector.shape_cast %swap3A_225 : vector<1x16xi32> to vector<16xi32>
      %swap3A_227 = vector.shape_cast %add3A_221 : vector<16xi32> to vector<1x16xi32>
      tpu.vector_store %arg14[%swap3A_223, %swap3A_224], %swap3A_227 {strides = array<i32>} : memref<13x64xi32, #tpu.memory_space<vmem>>, vector<1x16xi32>,
      %get3A_228 = arith.constant 192 : index
      %get3A_229 = tpu.vector_load %arg12[%get3A_228] {strides = array<i32>} : memref<832xi32, #tpu.memory_space<vmem>>, vector<16xi32>,
      %get3A_230 = vector.shape_cast %get3A_229 : vector<16xi32> to vector<16xi32>
      %get3A_231 = arith.constant 3 : i32
      %get3A_232 = arith.index_cast %get3A_231 : i32 to index
      %get3A_233 = arith.constant 0 : index
      %get3A_234 = tpu.vector_load %arg20[%get3A_232, %get3A_233] {strides = array<i32>} : memref<13x64xi32, #tpu.memory_space<vmem>>, vector<1x16xi32>,
      %get3A_235 = vector.shape_cast %get3A_234 : vector<1x16xi32> to vector<16xi32>
      %add3A_236 = arith.addi %get3A_230, %get3A_235 : vector<16xi32>
      %swap3A_237 = arith.constant 3 : i32
      %swap3A_238 = arith.index_cast %swap3A_237 : i32 to index
      %swap3A_239 = arith.constant 0 : index
      %swap3A_240 = tpu.vector_load %arg14[%swap3A_238, %swap3A_239] {strides = array<i32>} : memref<13x64xi32, #tpu.memory_space<vmem>>, vector<1x16xi32>,
      %swap3A_241 = vector.shape_cast %swap3A_240 : vector<1x16xi32> to vector<16xi32>
      %swap3A_242 = vector.shape_cast %add3A_236 : vector<16xi32> to vector<1x16xi32>
      tpu.vector_store %arg14[%swap3A_238, %swap3A_239], %swap3A_242 {strides = array<i32>} : memref<13x64xi32, #tpu.memory_space<vmem>>, vector<1x16xi32>,
      %get3A_243 = arith.constant 208 : index
      %get3A_244 = tpu.vector_load %arg12[%get3A_243] {strides = array<i32>} : memref<832xi32, #tpu.memory_space<vmem>>, vector<16xi32>,
      %get3A_245 = vector.shape_cast %get3A_244 : vector<16xi32> to vector<16xi32>
      %get3A_246 = arith.constant 3 : i32
      %get3A_247 = arith.index_cast %get3A_246 : i32 to index
      %get3A_248 = arith.constant 16 : index
      %get3A_249 = tpu.vector_load %arg20[%get3A_247, %get3A_248] {strides = array<i32>} : memref<13x64xi32, #tpu.memory_space<vmem>>, vector<1x16xi32>,
      %get3A_250 = vector.shape_cast %get3A_249 : vector<1x16xi32> to vector<16xi32>
      %add3A_251 = arith.addi %get3A_245, %get3A_250 : vector<16xi32>
      %swap3A_252 = arith.constant 3 : i32
      %swap3A_253 = arith.index_cast %swap3A_252 : i32 to index
      %swap3A_254 = arith.constant 16 : index
      %swap3A_255 = tpu.vector_load %arg14[%swap3A_253, %swap3A_254] {strides = array<i32>} : memref<13x64xi32, #tpu.memory_space<vmem>>, vector<1x16xi32>,
      %swap3A_256 = vector.shape_cast %swap3A_255 : vector<1x16xi32> to vector<16xi32>
      %swap3A_257 = vector.shape_cast %add3A_251 : vector<16xi32> to vector<1x16xi32>
      tpu.vector_store %arg14[%swap3A_253, %swap3A_254], %swap3A_257 {strides = array<i32>} : memref<13x64xi32, #tpu.memory_space<vmem>>, vector<1x16xi32>,
      %get3A_258 = arith.constant 224 : index
      %get3A_259 = tpu.vector_load %arg12[%get3A_258] {strides = array<i32>} : memref<832xi32, #tpu.memory_space<vmem>>, vector<16xi32>,
      %get3A_260 = vector.shape_cast %get3A_259 : vector<16xi32> to vector<16xi32>
      %get3A_261 = arith.constant 3 : i32
      %get3A_262 = arith.index_cast %get3A_261 : i32 to index
      %get3A_263 = arith.constant 32 : index
      %get3A_264 = tpu.vector_load %arg20[%get3A_262, %get3A_263] {strides = array<i32>} : memref<13x64xi32, #tpu.memory_space<vmem>>, vector<1x16xi32>,
      %get3A_265 = vector.shape_cast %get3A_264 : vector<1x16xi32> to vector<16xi32>
      %add3A_266 = arith.addi %get3A_260, %get3A_265 : vector<16xi32>
      %swap3A_267 = arith.constant 3 : i32
      %swap3A_268 = arith.index_cast %swap3A_267 : i32 to index
      %swap3A_269 = arith.constant 32 : index
      %swap3A_270 = tpu.vector_load %arg14[%swap3A_268, %swap3A_269] {strides = array<i32>} : memref<13x64xi32, #tpu.memory_space<vmem>>, vector<1x16xi32>,
      %swap3A_271 = vector.shape_cast %swap3A_270 : vector<1x16xi32> to vector<16xi32>
      %swap3A_272 = vector.shape_cast %add3A_266 : vector<16xi32> to vector<1x16xi32>
      tpu.vector_store %arg14[%swap3A_268, %swap3A_269], %swap3A_272 {strides = array<i32>} : memref<13x64xi32, #tpu.memory_space<vmem>>, vector<1x16xi32>,
      %get3A_273 = arith.constant 240 : index
      %get3A_274 = tpu.vector_load %arg12[%get3A_273] {strides = array<i32>} : memref<832xi32, #tpu.memory_space<vmem>>, vector<16xi32>,
      %get3A_275 = vector.shape_cast %get3A_274 : vector<16xi32> to vector<16xi32>
      %get3A_276 = arith.constant 3 : i32
      %get3A_277 = arith.index_cast %get3A_276 : i32 to index
      %get3A_278 = arith.constant 48 : index
      %get3A_279 = tpu.vector_load %arg20[%get3A_277, %get3A_278] {strides = array<i32>} : memref<13x64xi32, #tpu.memory_space<vmem>>, vector<1x16xi32>,
      %get3A_280 = vector.shape_cast %get3A_279 : vector<1x16xi32> to vector<16xi32>
      %add3A_281 = arith.addi %get3A_275, %get3A_280 : vector<16xi32>
      %swap3A_282 = arith.constant 3 : i32
      %swap3A_283 = arith.index_cast %swap3A_282 : i32 to index
      %swap3A_284 = arith.constant 48 : index
      %swap3A_285 = tpu.vector_load %arg14[%swap3A_283, %swap3A_284] {strides = array<i32>} : memref<13x64xi32, #tpu.memory_space<vmem>>, vector<1x16xi32>,
      %swap3A_286 = vector.shape_cast %swap3A_285 : vector<1x16xi32> to vector<16xi32>
      %swap3A_287 = vector.shape_cast %add3A_281 : vector<16xi32> to vector<1x16xi32>
      tpu.vector_store %arg14[%swap3A_283, %swap3A_284], %swap3A_287 {strides = array<i32>} : memref<13x64xi32, #tpu.memory_space<vmem>>, vector<1x16xi32>,
      %get3A_288 = arith.constant 256 : index
      %get3A_289 = tpu.vector_load %arg12[%get3A_288] {strides = array<i32>} : memref<832xi32, #tpu.memory_space<vmem>>, vector<16xi32>,
      %get3A_290 = vector.shape_cast %get3A_289 : vector<16xi32> to vector<16xi32>
      %get3A_291 = arith.constant 4 : i32
      %get3A_292 = arith.index_cast %get3A_291 : i32 to index
      %get3A_293 = arith.constant 0 : index
      %get3A_294 = tpu.vector_load %arg20[%get3A_292, %get3A_293] {strides = array<i32>} : memref<13x64xi32, #tpu.memory_space<vmem>>, vector<1x16xi32>,
      %get3A_295 = vector.shape_cast %get3A_294 : vector<1x16xi32> to vector<16xi32>
      %add3A_296 = arith.addi %get3A_290, %get3A_295 : vector<16xi32>
      %swap3A_297 = arith.constant 4 : i32
      %swap3A_298 = arith.index_cast %swap3A_297 : i32 to index
      %swap3A_299 = arith.constant 0 : index
      %swap3A_300 = tpu.vector_load %arg14[%swap3A_298, %swap3A_299] {strides = array<i32>} : memref<13x64xi32, #tpu.memory_space<vmem>>, vector<1x16xi32>,
      %swap3A_301 = vector.shape_cast %swap3A_300 : vector<1x16xi32> to vector<16xi32>
      %swap3A_302 = vector.shape_cast %add3A_296 : vector<16xi32> to vector<1x16xi32>
      tpu.vector_store %arg14[%swap3A_298, %swap3A_299], %swap3A_302 {strides = array<i32>} : memref<13x64xi32, #tpu.memory_space<vmem>>, vector<1x16xi32>,
      %get3A_303 = arith.constant 272 : index
      %get3A_304 = tpu.vector_load %arg12[%get3A_303] {strides = array<i32>} : memref<832xi32, #tpu.memory_space<vmem>>, vector<16xi32>,
      %get3A_305 = vector.shape_cast %get3A_304 : vector<16xi32> to vector<16xi32>
      %get3A_306 = arith.constant 4 : i32
      %get3A_307 = arith.index_cast %get3A_306 : i32 to index
      %get3A_308 = arith.constant 16 : index
      %get3A_309 = tpu.vector_load %arg20[%get3A_307, %get3A_308] {strides = array<i32>} : memref<13x64xi32, #tpu.memory_space<vmem>>, vector<1x16xi32>,
      %get3A_310 = vector.shape_cast %get3A_309 : vector<1x16xi32> to vector<16xi32>
      %add3A_311 = arith.addi %get3A_305, %get3A_310 : vector<16xi32>
      %swap3A_312 = arith.constant 4 : i32
      %swap3A_313 = arith.index_cast %swap3A_312 : i32 to index
      %swap3A_314 = arith.constant 16 : index
      %swap3A_315 = tpu.vector_load %arg14[%swap3A_313, %swap3A_314] {strides = array<i32>} : memref<13x64xi32, #tpu.memory_space<vmem>>, vector<1x16xi32>,
      %swap3A_316 = vector.shape_cast %swap3A_315 : vector<1x16xi32> to vector<16xi32>
      %swap3A_317 = vector.shape_cast %add3A_311 : vector<16xi32> to vector<1x16xi32>
      tpu.vector_store %arg14[%swap3A_313, %swap3A_314], %swap3A_317 {strides = array<i32>} : memref<13x64xi32, #tpu.memory_space<vmem>>, vector<1x16xi32>,
      %get3A_318 = arith.constant 288 : index
      %get3A_319 = tpu.vector_load %arg12[%get3A_318] {strides = array<i32>} : memref<832xi32, #tpu.memory_space<vmem>>, vector<16xi32>,
      %get3A_320 = vector.shape_cast %get3A_319 : vector<16xi32> to vector<16xi32>
      %get3A_321 = arith.constant 4 : i32
      %get3A_322 = arith.index_cast %get3A_321 : i32 to index
      %get3A_323 = arith.constant 32 : index
      %get3A_324 = tpu.vector_load %arg20[%get3A_322, %get3A_323] {strides = array<i32>} : memref<13x64xi32, #tpu.memory_space<vmem>>, vector<1x16xi32>,
      %get3A_325 = vector.shape_cast %get3A_324 : vector<1x16xi32> to vector<16xi32>
      %add3A_326 = arith.addi %get3A_320, %get3A_325 : vector<16xi32>
      %swap3A_327 = arith.constant 4 : i32
      %swap3A_328 = arith.index_cast %swap3A_327 : i32 to index
      %swap3A_329 = arith.constant 32 : index
      %swap3A_330 = tpu.vector_load %arg14[%swap3A_328, %swap3A_329] {strides = array<i32>} : memref<13x64xi32, #tpu.memory_space<vmem>>, vector<1x16xi32>,
      %swap3A_331 = vector.shape_cast %swap3A_330 : vector<1x16xi32> to vector<16xi32>
      %swap3A_332 = vector.shape_cast %add3A_326 : vector<16xi32> to vector<1x16xi32>
      tpu.vector_store %arg14[%swap3A_328, %swap3A_329], %swap3A_332 {strides = array<i32>} : memref<13x64xi32, #tpu.memory_space<vmem>>, vector<1x16xi32>,
      %get3A_333 = arith.constant 304 : index
      %get3A_334 = tpu.vector_load %arg12[%get3A_333] {strides = array<i32>} : memref<832xi32, #tpu.memory_space<vmem>>, vector<16xi32>,
      %get3A_335 = vector.shape_cast %get3A_334 : vector<16xi32> to vector<16xi32>
      %get3A_336 = arith.constant 4 : i32
      %get3A_337 = arith.index_cast %get3A_336 : i32 to index
      %get3A_338 = arith.constant 48 : index
      %get3A_339 = tpu.vector_load %arg20[%get3A_337, %get3A_338] {strides = array<i32>} : memref<13x64xi32, #tpu.memory_space<vmem>>, vector<1x16xi32>,
      %get3A_340 = vector.shape_cast %get3A_339 : vector<1x16xi32> to vector<16xi32>
      %add3A_341 = arith.addi %get3A_335, %get3A_340 : vector<16xi32>
      %swap3A_342 = arith.constant 4 : i32
      %swap3A_343 = arith.index_cast %swap3A_342 : i32 to index
      %swap3A_344 = arith.constant 48 : index
      %swap3A_345 = tpu.vector_load %arg14[%swap3A_343, %swap3A_344] {strides = array<i32>} : memref<13x64xi32, #tpu.memory_space<vmem>>, vector<1x16xi32>,
      %swap3A_346 = vector.shape_cast %swap3A_345 : vector<1x16xi32> to vector<16xi32>
      %swap3A_347 = vector.shape_cast %add3A_341 : vector<16xi32> to vector<1x16xi32>
      tpu.vector_store %arg14[%swap3A_343, %swap3A_344], %swap3A_347 {strides = array<i32>} : memref<13x64xi32, #tpu.memory_space<vmem>>, vector<1x16xi32>,
      %get3A_348 = arith.constant 320 : index
      %get3A_349 = tpu.vector_load %arg12[%get3A_348] {strides = array<i32>} : memref<832xi32, #tpu.memory_space<vmem>>, vector<16xi32>,
      %get3A_350 = vector.shape_cast %get3A_349 : vector<16xi32> to vector<16xi32>
      %get3A_351 = arith.constant 5 : i32
      %get3A_352 = arith.index_cast %get3A_351 : i32 to index
      %get3A_353 = arith.constant 0 : index
      %get3A_354 = tpu.vector_load %arg20[%get3A_352, %get3A_353] {strides = array<i32>} : memref<13x64xi32, #tpu.memory_space<vmem>>, vector<1x16xi32>,
      %get3A_355 = vector.shape_cast %get3A_354 : vector<1x16xi32> to vector<16xi32>
      %add3A_356 = arith.addi %get3A_350, %get3A_355 : vector<16xi32>
      %swap3A_357 = arith.constant 5 : i32
      %swap3A_358 = arith.index_cast %swap3A_357 : i32 to index
      %swap3A_359 = arith.constant 0 : index
      %swap3A_360 = tpu.vector_load %arg14[%swap3A_358, %swap3A_359] {strides = array<i32>} : memref<13x64xi32, #tpu.memory_space<vmem>>, vector<1x16xi32>,
      %swap3A_361 = vector.shape_cast %swap3A_360 : vector<1x16xi32> to vector<16xi32>
      %swap3A_362 = vector.shape_cast %add3A_356 : vector<16xi32> to vector<1x16xi32>
      tpu.vector_store %arg14[%swap3A_358, %swap3A_359], %swap3A_362 {strides = array<i32>} : memref<13x64xi32, #tpu.memory_space<vmem>>, vector<1x16xi32>,
      %get3A_363 = arith.constant 336 : index
      %get3A_364 = tpu.vector_load %arg12[%get3A_363] {strides = array<i32>} : memref<832xi32, #tpu.memory_space<vmem>>, vector<16xi32>,
      %get3A_365 = vector.shape_cast %get3A_364 : vector<16xi32> to vector<16xi32>
      %get3A_366 = arith.constant 5 : i32
      %get3A_367 = arith.index_cast %get3A_366 : i32 to index
      %get3A_368 = arith.constant 16 : index
      %get3A_369 = tpu.vector_load %arg20[%get3A_367, %get3A_368] {strides = array<i32>} : memref<13x64xi32, #tpu.memory_space<vmem>>, vector<1x16xi32>,
      %get3A_370 = vector.shape_cast %get3A_369 : vector<1x16xi32> to vector<16xi32>
      %add3A_371 = arith.addi %get3A_365, %get3A_370 : vector<16xi32>
      %swap3A_372 = arith.constant 5 : i32
      %swap3A_373 = arith.index_cast %swap3A_372 : i32 to index
      %swap3A_374 = arith.constant 16 : index
      %swap3A_375 = tpu.vector_load %arg14[%swap3A_373, %swap3A_374] {strides = array<i32>} : memref<13x64xi32, #tpu.memory_space<vmem>>, vector<1x16xi32>,
      %swap3A_376 = vector.shape_cast %swap3A_375 : vector<1x16xi32> to vector<16xi32>
      %swap3A_377 = vector.shape_cast %add3A_371 : vector<16xi32> to vector<1x16xi32>
      tpu.vector_store %arg14[%swap3A_373, %swap3A_374], %swap3A_377 {strides = array<i32>} : memref<13x64xi32, #tpu.memory_space<vmem>>, vector<1x16xi32>,
      %get3A_378 = arith.constant 352 : index
      %get3A_379 = tpu.vector_load %arg12[%get3A_378] {strides = array<i32>} : memref<832xi32, #tpu.memory_space<vmem>>, vector<16xi32>,
      %get3A_380 = vector.shape_cast %get3A_379 : vector<16xi32> to vector<16xi32>
      %get3A_381 = arith.constant 5 : i32
      %get3A_382 = arith.index_cast %get3A_381 : i32 to index
      %get3A_383 = arith.constant 32 : index
      %get3A_384 = tpu.vector_load %arg20[%get3A_382, %get3A_383] {strides = array<i32>} : memref<13x64xi32, #tpu.memory_space<vmem>>, vector<1x16xi32>,
      %get3A_385 = vector.shape_cast %get3A_384 : vector<1x16xi32> to vector<16xi32>
      %add3A_386 = arith.addi %get3A_380, %get3A_385 : vector<16xi32>
      %swap3A_387 = arith.constant 5 : i32
      %swap3A_388 = arith.index_cast %swap3A_387 : i32 to index
      %swap3A_389 = arith.constant 32 : index
      %swap3A_390 = tpu.vector_load %arg14[%swap3A_388, %swap3A_389] {strides = array<i32>} : memref<13x64xi32, #tpu.memory_space<vmem>>, vector<1x16xi32>,
      %swap3A_391 = vector.shape_cast %swap3A_390 : vector<1x16xi32> to vector<16xi32>
      %swap3A_392 = vector.shape_cast %add3A_386 : vector<16xi32> to vector<1x16xi32>
      tpu.vector_store %arg14[%swap3A_388, %swap3A_389], %swap3A_392 {strides = array<i32>} : memref<13x64xi32, #tpu.memory_space<vmem>>, vector<1x16xi32>,
      %get3A_393 = arith.constant 368 : index
      %get3A_394 = tpu.vector_load %arg12[%get3A_393] {strides = array<i32>} : memref<832xi32, #tpu.memory_space<vmem>>, vector<16xi32>,
      %get3A_395 = vector.shape_cast %get3A_394 : vector<16xi32> to vector<16xi32>
      %get3A_396 = arith.constant 5 : i32
      %get3A_397 = arith.index_cast %get3A_396 : i32 to index
      %get3A_398 = arith.constant 48 : index
      %get3A_399 = tpu.vector_load %arg20[%get3A_397, %get3A_398] {strides = array<i32>} : memref<13x64xi32, #tpu.memory_space<vmem>>, vector<1x16xi32>,
      %get3A_400 = vector.shape_cast %get3A_399 : vector<1x16xi32> to vector<16xi32>
      %add3A_401 = arith.addi %get3A_395, %get3A_400 : vector<16xi32>
      %swap3A_402 = arith.constant 5 : i32
      %swap3A_403 = arith.index_cast %swap3A_402 : i32 to index
      %swap3A_404 = arith.constant 48 : index
      %swap3A_405 = tpu.vector_load %arg14[%swap3A_403, %swap3A_404] {strides = array<i32>} : memref<13x64xi32, #tpu.memory_space<vmem>>, vector<1x16xi32>,
      %swap3A_406 = vector.shape_cast %swap3A_405 : vector<1x16xi32> to vector<16xi32>
      %swap3A_407 = vector.shape_cast %add3A_401 : vector<16xi32> to vector<1x16xi32>
      tpu.vector_store %arg14[%swap3A_403, %swap3A_404], %swap3A_407 {strides = array<i32>} : memref<13x64xi32, #tpu.memory_space<vmem>>, vector<1x16xi32>,
      %get3A_408 = arith.constant 384 : index
      %get3A_409 = tpu.vector_load %arg12[%get3A_408] {strides = array<i32>} : memref<832xi32, #tpu.memory_space<vmem>>, vector<16xi32>,
      %get3A_410 = vector.shape_cast %get3A_409 : vector<16xi32> to vector<16xi32>
      %get3A_411 = arith.constant 6 : i32
      %get3A_412 = arith.index_cast %get3A_411 : i32 to index
      %get3A_413 = arith.constant 0 : index
      %get3A_414 = tpu.vector_load %arg20[%get3A_412, %get3A_413] {strides = array<i32>} : memref<13x64xi32, #tpu.memory_space<vmem>>, vector<1x16xi32>,
      %get3A_415 = vector.shape_cast %get3A_414 : vector<1x16xi32> to vector<16xi32>
      %add3A_416 = arith.addi %get3A_410, %get3A_415 : vector<16xi32>
      %swap3A_417 = arith.constant 6 : i32
      %swap3A_418 = arith.index_cast %swap3A_417 : i32 to index
      %swap3A_419 = arith.constant 0 : index
      %swap3A_420 = tpu.vector_load %arg14[%swap3A_418, %swap3A_419] {strides = array<i32>} : memref<13x64xi32, #tpu.memory_space<vmem>>, vector<1x16xi32>,
      %swap3A_421 = vector.shape_cast %swap3A_420 : vector<1x16xi32> to vector<16xi32>
      %swap3A_422 = vector.shape_cast %add3A_416 : vector<16xi32> to vector<1x16xi32>
      tpu.vector_store %arg14[%swap3A_418, %swap3A_419], %swap3A_422 {strides = array<i32>} : memref<13x64xi32, #tpu.memory_space<vmem>>, vector<1x16xi32>,
      %get3A_423 = arith.constant 400 : index
      %get3A_424 = tpu.vector_load %arg12[%get3A_423] {strides = array<i32>} : memref<832xi32, #tpu.memory_space<vmem>>, vector<16xi32>,
      %get3A_425 = vector.shape_cast %get3A_424 : vector<16xi32> to vector<16xi32>
      %get3A_426 = arith.constant 6 : i32
      %get3A_427 = arith.index_cast %get3A_426 : i32 to index
      %get3A_428 = arith.constant 16 : index
      %get3A_429 = tpu.vector_load %arg20[%get3A_427, %get3A_428] {strides = array<i32>} : memref<13x64xi32, #tpu.memory_space<vmem>>, vector<1x16xi32>,
      %get3A_430 = vector.shape_cast %get3A_429 : vector<1x16xi32> to vector<16xi32>
      %add3A_431 = arith.addi %get3A_425, %get3A_430 : vector<16xi32>
      %swap3A_432 = arith.constant 6 : i32
      %swap3A_433 = arith.index_cast %swap3A_432 : i32 to index
      %swap3A_434 = arith.constant 16 : index
      %swap3A_435 = tpu.vector_load %arg14[%swap3A_433, %swap3A_434] {strides = array<i32>} : memref<13x64xi32, #tpu.memory_space<vmem>>, vector<1x16xi32>,
      %swap3A_436 = vector.shape_cast %swap3A_435 : vector<1x16xi32> to vector<16xi32>
      %swap3A_437 = vector.shape_cast %add3A_431 : vector<16xi32> to vector<1x16xi32>
      tpu.vector_store %arg14[%swap3A_433, %swap3A_434], %swap3A_437 {strides = array<i32>} : memref<13x64xi32, #tpu.memory_space<vmem>>, vector<1x16xi32>,
      %get3A_438 = arith.constant 416 : index
      %get3A_439 = tpu.vector_load %arg12[%get3A_438] {strides = array<i32>} : memref<832xi32, #tpu.memory_space<vmem>>, vector<16xi32>,
      %get3A_440 = vector.shape_cast %get3A_439 : vector<16xi32> to vector<16xi32>
      %get3A_441 = arith.constant 6 : i32
      %get3A_442 = arith.index_cast %get3A_441 : i32 to index
      %get3A_443 = arith.constant 32 : index
      %get3A_444 = tpu.vector_load %arg20[%get3A_442, %get3A_443] {strides = array<i32>} : memref<13x64xi32, #tpu.memory_space<vmem>>, vector<1x16xi32>,
      %get3A_445 = vector.shape_cast %get3A_444 : vector<1x16xi32> to vector<16xi32>
      %add3A_446 = arith.addi %get3A_440, %get3A_445 : vector<16xi32>
      %swap3A_447 = arith.constant 6 : i32
      %swap3A_448 = arith.index_cast %swap3A_447 : i32 to index
      %swap3A_449 = arith.constant 32 : index
      %swap3A_450 = tpu.vector_load %arg14[%swap3A_448, %swap3A_449] {strides = array<i32>} : memref<13x64xi32, #tpu.memory_space<vmem>>, vector<1x16xi32>,
      %swap3A_451 = vector.shape_cast %swap3A_450 : vector<1x16xi32> to vector<16xi32>
      %swap3A_452 = vector.shape_cast %add3A_446 : vector<16xi32> to vector<1x16xi32>
      tpu.vector_store %arg14[%swap3A_448, %swap3A_449], %swap3A_452 {strides = array<i32>} : memref<13x64xi32, #tpu.memory_space<vmem>>, vector<1x16xi32>,
      %get3A_453 = arith.constant 432 : index
      %get3A_454 = tpu.vector_load %arg12[%get3A_453] {strides = array<i32>} : memref<832xi32, #tpu.memory_space<vmem>>, vector<16xi32>,
      %get3A_455 = vector.shape_cast %get3A_454 : vector<16xi32> to vector<16xi32>
      %get3A_456 = arith.constant 6 : i32
      %get3A_457 = arith.index_cast %get3A_456 : i32 to index
      %get3A_458 = arith.constant 48 : index
      %get3A_459 = tpu.vector_load %arg20[%get3A_457, %get3A_458] {strides = array<i32>} : memref<13x64xi32, #tpu.memory_space<vmem>>, vector<1x16xi32>,
      %get3A_460 = vector.shape_cast %get3A_459 : vector<1x16xi32> to vector<16xi32>
      %add3A_461 = arith.addi %get3A_455, %get3A_460 : vector<16xi32>
      %swap3A_462 = arith.constant 6 : i32
      %swap3A_463 = arith.index_cast %swap3A_462 : i32 to index
      %swap3A_464 = arith.constant 48 : index
      %swap3A_465 = tpu.vector_load %arg14[%swap3A_463, %swap3A_464] {strides = array<i32>} : memref<13x64xi32, #tpu.memory_space<vmem>>, vector<1x16xi32>,
      %swap3A_466 = vector.shape_cast %swap3A_465 : vector<1x16xi32> to vector<16xi32>
      %swap3A_467 = vector.shape_cast %add3A_461 : vector<16xi32> to vector<1x16xi32>
      tpu.vector_store %arg14[%swap3A_463, %swap3A_464], %swap3A_467 {strides = array<i32>} : memref<13x64xi32, #tpu.memory_space<vmem>>, vector<1x16xi32>,
      %get3A_468 = arith.constant 448 : index
      %get3A_469 = tpu.vector_load %arg12[%get3A_468] {strides = array<i32>} : memref<832xi32, #tpu.memory_space<vmem>>, vector<16xi32>,
      %get3A_470 = vector.shape_cast %get3A_469 : vector<16xi32> to vector<16xi32>
      %get3A_471 = arith.constant 7 : i32
      %get3A_472 = arith.index_cast %get3A_471 : i32 to index
      %get3A_473 = arith.constant 0 : index
      %get3A_474 = tpu.vector_load %arg20[%get3A_472, %get3A_473] {strides = array<i32>} : memref<13x64xi32, #tpu.memory_space<vmem>>, vector<1x16xi32>,
      %get3A_475 = vector.shape_cast %get3A_474 : vector<1x16xi32> to vector<16xi32>
      %add3A_476 = arith.addi %get3A_470, %get3A_475 : vector<16xi32>
      %swap3A_477 = arith.constant 7 : i32
      %swap3A_478 = arith.index_cast %swap3A_477 : i32 to index
      %swap3A_479 = arith.constant 0 : index
      %swap3A_480 = tpu.vector_load %arg14[%swap3A_478, %swap3A_479] {strides = array<i32>} : memref<13x64xi32, #tpu.memory_space<vmem>>, vector<1x16xi32>,
      %swap3A_481 = vector.shape_cast %swap3A_480 : vector<1x16xi32> to vector<16xi32>
      %swap3A_482 = vector.shape_cast %add3A_476 : vector<16xi32> to vector<1x16xi32>
      tpu.vector_store %arg14[%swap3A_478, %swap3A_479], %swap3A_482 {strides = array<i32>} : memref<13x64xi32, #tpu.memory_space<vmem>>, vector<1x16xi32>,
      %get3A_483 = arith.constant 464 : index
      %get3A_484 = tpu.vector_load %arg12[%get3A_483] {strides = array<i32>} : memref<832xi32, #tpu.memory_space<vmem>>, vector<16xi32>,
      %get3A_485 = vector.shape_cast %get3A_484 : vector<16xi32> to vector<16xi32>
      %get3A_486 = arith.constant 7 : i32
      %get3A_487 = arith.index_cast %get3A_486 : i32 to index
      %get3A_488 = arith.constant 16 : index
      %get3A_489 = tpu.vector_load %arg20[%get3A_487, %get3A_488] {strides = array<i32>} : memref<13x64xi32, #tpu.memory_space<vmem>>, vector<1x16xi32>,
      %get3A_490 = vector.shape_cast %get3A_489 : vector<1x16xi32> to vector<16xi32>
      %add3A_491 = arith.addi %get3A_485, %get3A_490 : vector<16xi32>
      %swap3A_492 = arith.constant 7 : i32
      %swap3A_493 = arith.index_cast %swap3A_492 : i32 to index
      %swap3A_494 = arith.constant 16 : index
      %swap3A_495 = tpu.vector_load %arg14[%swap3A_493, %swap3A_494] {strides = array<i32>} : memref<13x64xi32, #tpu.memory_space<vmem>>, vector<1x16xi32>,
      %swap3A_496 = vector.shape_cast %swap3A_495 : vector<1x16xi32> to vector<16xi32>
      %swap3A_497 = vector.shape_cast %add3A_491 : vector<16xi32> to vector<1x16xi32>
      tpu.vector_store %arg14[%swap3A_493, %swap3A_494], %swap3A_497 {strides = array<i32>} : memref<13x64xi32, #tpu.memory_space<vmem>>, vector<1x16xi32>,
      %get3A_498 = arith.constant 480 : index
      %get3A_499 = tpu.vector_load %arg12[%get3A_498] {strides = array<i32>} : memref<832xi32, #tpu.memory_space<vmem>>, vector<16xi32>,
      %get3A_500 = vector.shape_cast %get3A_499 : vector<16xi32> to vector<16xi32>
      %get3A_501 = arith.constant 7 : i32
      %get3A_502 = arith.index_cast %get3A_501 : i32 to index
      %get3A_503 = arith.constant 32 : index
      %get3A_504 = tpu.vector_load %arg20[%get3A_502, %get3A_503] {strides = array<i32>} : memref<13x64xi32, #tpu.memory_space<vmem>>, vector<1x16xi32>,
      %get3A_505 = vector.shape_cast %get3A_504 : vector<1x16xi32> to vector<16xi32>
      %add3A_506 = arith.addi %get3A_500, %get3A_505 : vector<16xi32>
      %swap3A_507 = arith.constant 7 : i32
      %swap3A_508 = arith.index_cast %swap3A_507 : i32 to index
      %swap3A_509 = arith.constant 32 : index
      %swap3A_510 = tpu.vector_load %arg14[%swap3A_508, %swap3A_509] {strides = array<i32>} : memref<13x64xi32, #tpu.memory_space<vmem>>, vector<1x16xi32>,
      %swap3A_511 = vector.shape_cast %swap3A_510 : vector<1x16xi32> to vector<16xi32>
      %swap3A_512 = vector.shape_cast %add3A_506 : vector<16xi32> to vector<1x16xi32>
      tpu.vector_store %arg14[%swap3A_508, %swap3A_509], %swap3A_512 {strides = array<i32>} : memref<13x64xi32, #tpu.memory_space<vmem>>, vector<1x16xi32>,
      %get3A_513 = arith.constant 496 : index
      %get3A_514 = tpu.vector_load %arg12[%get3A_513] {strides = array<i32>} : memref<832xi32, #tpu.memory_space<vmem>>, vector<16xi32>,
      %get3A_515 = vector.shape_cast %get3A_514 : vector<16xi32> to vector<16xi32>
      %get3A_516 = arith.constant 7 : i32
      %get3A_517 = arith.index_cast %get3A_516 : i32 to index
      %get3A_518 = arith.constant 48 : index
      %get3A_519 = tpu.vector_load %arg20[%get3A_517, %get3A_518] {strides = array<i32>} : memref<13x64xi32, #tpu.memory_space<vmem>>, vector<1x16xi32>,
      %get3A_520 = vector.shape_cast %get3A_519 : vector<1x16xi32> to vector<16xi32>
      %add3A_521 = arith.addi %get3A_515, %get3A_520 : vector<16xi32>
      %swap3A_522 = arith.constant 7 : i32
      %swap3A_523 = arith.index_cast %swap3A_522 : i32 to index
      %swap3A_524 = arith.constant 48 : index
      %swap3A_525 = tpu.vector_load %arg14[%swap3A_523, %swap3A_524] {strides = array<i32>} : memref<13x64xi32, #tpu.memory_space<vmem>>, vector<1x16xi32>,
      %swap3A_526 = vector.shape_cast %swap3A_525 : vector<1x16xi32> to vector<16xi32>
      %swap3A_527 = vector.shape_cast %add3A_521 : vector<16xi32> to vector<1x16xi32>
      tpu.vector_store %arg14[%swap3A_523, %swap3A_524], %swap3A_527 {strides = array<i32>} : memref<13x64xi32, #tpu.memory_space<vmem>>, vector<1x16xi32>,
      %get3A_528 = arith.constant 512 : index
      %get3A_529 = tpu.vector_load %arg12[%get3A_528] {strides = array<i32>} : memref<832xi32, #tpu.memory_space<vmem>>, vector<16xi32>,
      %get3A_530 = vector.shape_cast %get3A_529 : vector<16xi32> to vector<16xi32>
      %get3A_531 = arith.constant 8 : i32
      %get3A_532 = arith.index_cast %get3A_531 : i32 to index
      %get3A_533 = arith.constant 0 : index
      %get3A_534 = tpu.vector_load %arg20[%get3A_532, %get3A_533] {strides = array<i32>} : memref<13x64xi32, #tpu.memory_space<vmem>>, vector<1x16xi32>,
      %get3A_535 = vector.shape_cast %get3A_534 : vector<1x16xi32> to vector<16xi32>
      %add3A_536 = arith.addi %get3A_530, %get3A_535 : vector<16xi32>
      %swap3A_537 = arith.constant 8 : i32
      %swap3A_538 = arith.index_cast %swap3A_537 : i32 to index
      %swap3A_539 = arith.constant 0 : index
      %swap3A_540 = tpu.vector_load %arg14[%swap3A_538, %swap3A_539] {strides = array<i32>} : memref<13x64xi32, #tpu.memory_space<vmem>>, vector<1x16xi32>,
      %swap3A_541 = vector.shape_cast %swap3A_540 : vector<1x16xi32> to vector<16xi32>
      %swap3A_542 = vector.shape_cast %add3A_536 : vector<16xi32> to vector<1x16xi32>
      tpu.vector_store %arg14[%swap3A_538, %swap3A_539], %swap3A_542 {strides = array<i32>} : memref<13x64xi32, #tpu.memory_space<vmem>>, vector<1x16xi32>,
      %get3A_543 = arith.constant 528 : index
      %get3A_544 = tpu.vector_load %arg12[%get3A_543] {strides = array<i32>} : memref<832xi32, #tpu.memory_space<vmem>>, vector<16xi32>,
      %get3A_545 = vector.shape_cast %get3A_544 : vector<16xi32> to vector<16xi32>
      %get3A_546 = arith.constant 8 : i32
      %get3A_547 = arith.index_cast %get3A_546 : i32 to index
      %get3A_548 = arith.constant 16 : index
      %get3A_549 = tpu.vector_load %arg20[%get3A_547, %get3A_548] {strides = array<i32>} : memref<13x64xi32, #tpu.memory_space<vmem>>, vector<1x16xi32>,
      %get3A_550 = vector.shape_cast %get3A_549 : vector<1x16xi32> to vector<16xi32>
      %add3A_551 = arith.addi %get3A_545, %get3A_550 : vector<16xi32>
      %swap3A_552 = arith.constant 8 : i32
      %swap3A_553 = arith.index_cast %swap3A_552 : i32 to index
      %swap3A_554 = arith.constant 16 : index
      %swap3A_555 = tpu.vector_load %arg14[%swap3A_553, %swap3A_554] {strides = array<i32>} : memref<13x64xi32, #tpu.memory_space<vmem>>, vector<1x16xi32>,
      %swap3A_556 = vector.shape_cast %swap3A_555 : vector<1x16xi32> to vector<16xi32>
      %swap3A_557 = vector.shape_cast %add3A_551 : vector<16xi32> to vector<1x16xi32>
      tpu.vector_store %arg14[%swap3A_553, %swap3A_554], %swap3A_557 {strides = array<i32>} : memref<13x64xi32, #tpu.memory_space<vmem>>, vector<1x16xi32>,
      %get3A_558 = arith.constant 544 : index
      %get3A_559 = tpu.vector_load %arg12[%get3A_558] {strides = array<i32>} : memref<832xi32, #tpu.memory_space<vmem>>, vector<16xi32>,
      %get3A_560 = vector.shape_cast %get3A_559 : vector<16xi32> to vector<16xi32>
      %get3A_561 = arith.constant 8 : i32
      %get3A_562 = arith.index_cast %get3A_561 : i32 to index
      %get3A_563 = arith.constant 32 : index
      %get3A_564 = tpu.vector_load %arg20[%get3A_562, %get3A_563] {strides = array<i32>} : memref<13x64xi32, #tpu.memory_space<vmem>>, vector<1x16xi32>,
      %get3A_565 = vector.shape_cast %get3A_564 : vector<1x16xi32> to vector<16xi32>
      %add3A_566 = arith.addi %get3A_560, %get3A_565 : vector<16xi32>
      %swap3A_567 = arith.constant 8 : i32
      %swap3A_568 = arith.index_cast %swap3A_567 : i32 to index
      %swap3A_569 = arith.constant 32 : index
      %swap3A_570 = tpu.vector_load %arg14[%swap3A_568, %swap3A_569] {strides = array<i32>} : memref<13x64xi32, #tpu.memory_space<vmem>>, vector<1x16xi32>,
      %swap3A_571 = vector.shape_cast %swap3A_570 : vector<1x16xi32> to vector<16xi32>
      %swap3A_572 = vector.shape_cast %add3A_566 : vector<16xi32> to vector<1x16xi32>
      tpu.vector_store %arg14[%swap3A_568, %swap3A_569], %swap3A_572 {strides = array<i32>} : memref<13x64xi32, #tpu.memory_space<vmem>>, vector<1x16xi32>,
      %get3A_573 = arith.constant 560 : index
      %get3A_574 = tpu.vector_load %arg12[%get3A_573] {strides = array<i32>} : memref<832xi32, #tpu.memory_space<vmem>>, vector<16xi32>,
      %get3A_575 = vector.shape_cast %get3A_574 : vector<16xi32> to vector<16xi32>
      %get3A_576 = arith.constant 8 : i32
      %get3A_577 = arith.index_cast %get3A_576 : i32 to index
      %get3A_578 = arith.constant 48 : index
      %get3A_579 = tpu.vector_load %arg20[%get3A_577, %get3A_578] {strides = array<i32>} : memref<13x64xi32, #tpu.memory_space<vmem>>, vector<1x16xi32>,
      %get3A_580 = vector.shape_cast %get3A_579 : vector<1x16xi32> to vector<16xi32>
      %add3A_581 = arith.addi %get3A_575, %get3A_580 : vector<16xi32>
      %swap3A_582 = arith.constant 8 : i32
      %swap3A_583 = arith.index_cast %swap3A_582 : i32 to index
      %swap3A_584 = arith.constant 48 : index
      %swap3A_585 = tpu.vector_load %arg14[%swap3A_583, %swap3A_584] {strides = array<i32>} : memref<13x64xi32, #tpu.memory_space<vmem>>, vector<1x16xi32>,
      %swap3A_586 = vector.shape_cast %swap3A_585 : vector<1x16xi32> to vector<16xi32>
      %swap3A_587 = vector.shape_cast %add3A_581 : vector<16xi32> to vector<1x16xi32>
      tpu.vector_store %arg14[%swap3A_583, %swap3A_584], %swap3A_587 {strides = array<i32>} : memref<13x64xi32, #tpu.memory_space<vmem>>, vector<1x16xi32>,
      %get3A_588 = arith.constant 576 : index
      %get3A_589 = tpu.vector_load %arg12[%get3A_588] {strides = array<i32>} : memref<832xi32, #tpu.memory_space<vmem>>, vector<16xi32>,
      %get3A_590 = vector.shape_cast %get3A_589 : vector<16xi32> to vector<16xi32>
      %get3A_591 = arith.constant 9 : i32
      %get3A_592 = arith.index_cast %get3A_591 : i32 to index
      %get3A_593 = arith.constant 0 : index
      %get3A_594 = tpu.vector_load %arg20[%get3A_592, %get3A_593] {strides = array<i32>} : memref<13x64xi32, #tpu.memory_space<vmem>>, vector<1x16xi32>,
      %get3A_595 = vector.shape_cast %get3A_594 : vector<1x16xi32> to vector<16xi32>
      %add3A_596 = arith.addi %get3A_590, %get3A_595 : vector<16xi32>
      %swap3A_597 = arith.constant 9 : i32
      %swap3A_598 = arith.index_cast %swap3A_597 : i32 to index
      %swap3A_599 = arith.constant 0 : index
      %swap3A_600 = tpu.vector_load %arg14[%swap3A_598, %swap3A_599] {strides = array<i32>} : memref<13x64xi32, #tpu.memory_space<vmem>>, vector<1x16xi32>,
      %swap3A_601 = vector.shape_cast %swap3A_600 : vector<1x16xi32> to vector<16xi32>
      %swap3A_602 = vector.shape_cast %add3A_596 : vector<16xi32> to vector<1x16xi32>
      tpu.vector_store %arg14[%swap3A_598, %swap3A_599], %swap3A_602 {strides = array<i32>} : memref<13x64xi32, #tpu.memory_space<vmem>>, vector<1x16xi32>,
      %get3A_603 = arith.constant 592 : index
      %get3A_604 = tpu.vector_load %arg12[%get3A_603] {strides = array<i32>} : memref<832xi32, #tpu.memory_space<vmem>>, vector<16xi32>,
      %get3A_605 = vector.shape_cast %get3A_604 : vector<16xi32> to vector<16xi32>
      %get3A_606 = arith.constant 9 : i32
      %get3A_607 = arith.index_cast %get3A_606 : i32 to index
      %get3A_608 = arith.constant 16 : index
      %get3A_609 = tpu.vector_load %arg20[%get3A_607, %get3A_608] {strides = array<i32>} : memref<13x64xi32, #tpu.memory_space<vmem>>, vector<1x16xi32>,
      %get3A_610 = vector.shape_cast %get3A_609 : vector<1x16xi32> to vector<16xi32>
      %add3A_611 = arith.addi %get3A_605, %get3A_610 : vector<16xi32>
      %swap3A_612 = arith.constant 9 : i32
      %swap3A_613 = arith.index_cast %swap3A_612 : i32 to index
      %swap3A_614 = arith.constant 16 : index
      %swap3A_615 = tpu.vector_load %arg14[%swap3A_613, %swap3A_614] {strides = array<i32>} : memref<13x64xi32, #tpu.memory_space<vmem>>, vector<1x16xi32>,
      %swap3A_616 = vector.shape_cast %swap3A_615 : vector<1x16xi32> to vector<16xi32>
      %swap3A_617 = vector.shape_cast %add3A_611 : vector<16xi32> to vector<1x16xi32>
      tpu.vector_store %arg14[%swap3A_613, %swap3A_614], %swap3A_617 {strides = array<i32>} : memref<13x64xi32, #tpu.memory_space<vmem>>, vector<1x16xi32>,
      %get3A_618 = arith.constant 608 : index
      %get3A_619 = tpu.vector_load %arg12[%get3A_618] {strides = array<i32>} : memref<832xi32, #tpu.memory_space<vmem>>, vector<16xi32>,
      %get3A_620 = vector.shape_cast %get3A_619 : vector<16xi32> to vector<16xi32>
      %get3A_621 = arith.constant 9 : i32
      %get3A_622 = arith.index_cast %get3A_621 : i32 to index
      %get3A_623 = arith.constant 32 : index
      %get3A_624 = tpu.vector_load %arg20[%get3A_622, %get3A_623] {strides = array<i32>} : memref<13x64xi32, #tpu.memory_space<vmem>>, vector<1x16xi32>,
      %get3A_625 = vector.shape_cast %get3A_624 : vector<1x16xi32> to vector<16xi32>
      %add3A_626 = arith.addi %get3A_620, %get3A_625 : vector<16xi32>
      %swap3A_627 = arith.constant 9 : i32
      %swap3A_628 = arith.index_cast %swap3A_627 : i32 to index
      %swap3A_629 = arith.constant 32 : index
      %swap3A_630 = tpu.vector_load %arg14[%swap3A_628, %swap3A_629] {strides = array<i32>} : memref<13x64xi32, #tpu.memory_space<vmem>>, vector<1x16xi32>,
      %swap3A_631 = vector.shape_cast %swap3A_630 : vector<1x16xi32> to vector<16xi32>
      %swap3A_632 = vector.shape_cast %add3A_626 : vector<16xi32> to vector<1x16xi32>
      tpu.vector_store %arg14[%swap3A_628, %swap3A_629], %swap3A_632 {strides = array<i32>} : memref<13x64xi32, #tpu.memory_space<vmem>>, vector<1x16xi32>,
      %get3A_633 = arith.constant 624 : index
      %get3A_634 = tpu.vector_load %arg12[%get3A_633] {strides = array<i32>} : memref<832xi32, #tpu.memory_space<vmem>>, vector<16xi32>,
      %get3A_635 = vector.shape_cast %get3A_634 : vector<16xi32> to vector<16xi32>
      %get3A_636 = arith.constant 9 : i32
      %get3A_637 = arith.index_cast %get3A_636 : i32 to index
      %get3A_638 = arith.constant 48 : index
      %get3A_639 = tpu.vector_load %arg20[%get3A_637, %get3A_638] {strides = array<i32>} : memref<13x64xi32, #tpu.memory_space<vmem>>, vector<1x16xi32>,
      %get3A_640 = vector.shape_cast %get3A_639 : vector<1x16xi32> to vector<16xi32>
      %add3A_641 = arith.addi %get3A_635, %get3A_640 : vector<16xi32>
      %swap3A_642 = arith.constant 9 : i32
      %swap3A_643 = arith.index_cast %swap3A_642 : i32 to index
      %swap3A_644 = arith.constant 48 : index
      %swap3A_645 = tpu.vector_load %arg14[%swap3A_643, %swap3A_644] {strides = array<i32>} : memref<13x64xi32, #tpu.memory_space<vmem>>, vector<1x16xi32>,
      %swap3A_646 = vector.shape_cast %swap3A_645 : vector<1x16xi32> to vector<16xi32>
      %swap3A_647 = vector.shape_cast %add3A_641 : vector<16xi32> to vector<1x16xi32>
      tpu.vector_store %arg14[%swap3A_643, %swap3A_644], %swap3A_647 {strides = array<i32>} : memref<13x64xi32, #tpu.memory_space<vmem>>, vector<1x16xi32>,
      %get3A_648 = arith.constant 640 : index
      %get3A_649 = tpu.vector_load %arg12[%get3A_648] {strides = array<i32>} : memref<832xi32, #tpu.memory_space<vmem>>, vector<16xi32>,
      %get3A_650 = vector.shape_cast %get3A_649 : vector<16xi32> to vector<16xi32>
      %get3A_651 = arith.constant 10 : i32
      %get3A_652 = arith.index_cast %get3A_651 : i32 to index
      %get3A_653 = arith.constant 0 : index
      %get3A_654 = tpu.vector_load %arg20[%get3A_652, %get3A_653] {strides = array<i32>} : memref<13x64xi32, #tpu.memory_space<vmem>>, vector<1x16xi32>,
      %get3A_655 = vector.shape_cast %get3A_654 : vector<1x16xi32> to vector<16xi32>
      %add3A_656 = arith.addi %get3A_650, %get3A_655 : vector<16xi32>
      %swap3A_657 = arith.constant 10 : i32
      %swap3A_658 = arith.index_cast %swap3A_657 : i32 to index
      %swap3A_659 = arith.constant 0 : index
      %swap3A_660 = tpu.vector_load %arg14[%swap3A_658, %swap3A_659] {strides = array<i32>} : memref<13x64xi32, #tpu.memory_space<vmem>>, vector<1x16xi32>,
      %swap3A_661 = vector.shape_cast %swap3A_660 : vector<1x16xi32> to vector<16xi32>
      %swap3A_662 = vector.shape_cast %add3A_656 : vector<16xi32> to vector<1x16xi32>
      tpu.vector_store %arg14[%swap3A_658, %swap3A_659], %swap3A_662 {strides = array<i32>} : memref<13x64xi32, #tpu.memory_space<vmem>>, vector<1x16xi32>,
      %get3A_663 = arith.constant 656 : index
      %get3A_664 = tpu.vector_load %arg12[%get3A_663] {strides = array<i32>} : memref<832xi32, #tpu.memory_space<vmem>>, vector<16xi32>,
      %get3A_665 = vector.shape_cast %get3A_664 : vector<16xi32> to vector<16xi32>
      %get3A_666 = arith.constant 10 : i32
      %get3A_667 = arith.index_cast %get3A_666 : i32 to index
      %get3A_668 = arith.constant 16 : index
      %get3A_669 = tpu.vector_load %arg20[%get3A_667, %get3A_668] {strides = array<i32>} : memref<13x64xi32, #tpu.memory_space<vmem>>, vector<1x16xi32>,
      %get3A_670 = vector.shape_cast %get3A_669 : vector<1x16xi32> to vector<16xi32>
      %add3A_671 = arith.addi %get3A_665, %get3A_670 : vector<16xi32>
      %swap3A_672 = arith.constant 10 : i32
      %swap3A_673 = arith.index_cast %swap3A_672 : i32 to index
      %swap3A_674 = arith.constant 16 : index
      %swap3A_675 = tpu.vector_load %arg14[%swap3A_673, %swap3A_674] {strides = array<i32>} : memref<13x64xi32, #tpu.memory_space<vmem>>, vector<1x16xi32>,
      %swap3A_676 = vector.shape_cast %swap3A_675 : vector<1x16xi32> to vector<16xi32>
      %swap3A_677 = vector.shape_cast %add3A_671 : vector<16xi32> to vector<1x16xi32>
      tpu.vector_store %arg14[%swap3A_673, %swap3A_674], %swap3A_677 {strides = array<i32>} : memref<13x64xi32, #tpu.memory_space<vmem>>, vector<1x16xi32>,
      %get3A_678 = arith.constant 672 : index
      %get3A_679 = tpu.vector_load %arg12[%get3A_678] {strides = array<i32>} : memref<832xi32, #tpu.memory_space<vmem>>, vector<16xi32>,
      %get3A_680 = vector.shape_cast %get3A_679 : vector<16xi32> to vector<16xi32>
      %get3A_681 = arith.constant 10 : i32
      %get3A_682 = arith.index_cast %get3A_681 : i32 to index
      %get3A_683 = arith.constant 32 : index
      %get3A_684 = tpu.vector_load %arg20[%get3A_682, %get3A_683] {strides = array<i32>} : memref<13x64xi32, #tpu.memory_space<vmem>>, vector<1x16xi32>,
      %get3A_685 = vector.shape_cast %get3A_684 : vector<1x16xi32> to vector<16xi32>
      %add3A_686 = arith.addi %get3A_680, %get3A_685 : vector<16xi32>
      %swap3A_687 = arith.constant 10 : i32
      %swap3A_688 = arith.index_cast %swap3A_687 : i32 to index
      %swap3A_689 = arith.constant 32 : index
      %swap3A_690 = tpu.vector_load %arg14[%swap3A_688, %swap3A_689] {strides = array<i32>} : memref<13x64xi32, #tpu.memory_space<vmem>>, vector<1x16xi32>,
      %swap3A_691 = vector.shape_cast %swap3A_690 : vector<1x16xi32> to vector<16xi32>
      %swap3A_692 = vector.shape_cast %add3A_686 : vector<16xi32> to vector<1x16xi32>
      tpu.vector_store %arg14[%swap3A_688, %swap3A_689], %swap3A_692 {strides = array<i32>} : memref<13x64xi32, #tpu.memory_space<vmem>>, vector<1x16xi32>,
      %get3A_693 = arith.constant 688 : index
      %get3A_694 = tpu.vector_load %arg12[%get3A_693] {strides = array<i32>} : memref<832xi32, #tpu.memory_space<vmem>>, vector<16xi32>,
      %get3A_695 = vector.shape_cast %get3A_694 : vector<16xi32> to vector<16xi32>
      %get3A_696 = arith.constant 10 : i32
      %get3A_697 = arith.index_cast %get3A_696 : i32 to index
      %get3A_698 = arith.constant 48 : index
      %get3A_699 = tpu.vector_load %arg20[%get3A_697, %get3A_698] {strides = array<i32>} : memref<13x64xi32, #tpu.memory_space<vmem>>, vector<1x16xi32>,
      %get3A_700 = vector.shape_cast %get3A_699 : vector<1x16xi32> to vector<16xi32>
      %add3A_701 = arith.addi %get3A_695, %get3A_700 : vector<16xi32>
      %swap3A_702 = arith.constant 10 : i32
      %swap3A_703 = arith.index_cast %swap3A_702 : i32 to index
      %swap3A_704 = arith.constant 48 : index
      %swap3A_705 = tpu.vector_load %arg14[%swap3A_703, %swap3A_704] {strides = array<i32>} : memref<13x64xi32, #tpu.memory_space<vmem>>, vector<1x16xi32>,
      %swap3A_706 = vector.shape_cast %swap3A_705 : vector<1x16xi32> to vector<16xi32>
      %swap3A_707 = vector.shape_cast %add3A_701 : vector<16xi32> to vector<1x16xi32>
      tpu.vector_store %arg14[%swap3A_703, %swap3A_704], %swap3A_707 {strides = array<i32>} : memref<13x64xi32, #tpu.memory_space<vmem>>, vector<1x16xi32>,
      %get3A_708 = arith.constant 704 : index
      %get3A_709 = tpu.vector_load %arg12[%get3A_708] {strides = array<i32>} : memref<832xi32, #tpu.memory_space<vmem>>, vector<16xi32>,
      %get3A_710 = vector.shape_cast %get3A_709 : vector<16xi32> to vector<16xi32>
      %get3A_711 = arith.constant 11 : i32
      %get3A_712 = arith.index_cast %get3A_711 : i32 to index
      %get3A_713 = arith.constant 0 : index
      %get3A_714 = tpu.vector_load %arg20[%get3A_712, %get3A_713] {strides = array<i32>} : memref<13x64xi32, #tpu.memory_space<vmem>>, vector<1x16xi32>,
      %get3A_715 = vector.shape_cast %get3A_714 : vector<1x16xi32> to vector<16xi32>
      %add3A_716 = arith.addi %get3A_710, %get3A_715 : vector<16xi32>
      %swap3A_717 = arith.constant 11 : i32
      %swap3A_718 = arith.index_cast %swap3A_717 : i32 to index
      %swap3A_719 = arith.constant 0 : index
      %swap3A_720 = tpu.vector_load %arg14[%swap3A_718, %swap3A_719] {strides = array<i32>} : memref<13x64xi32, #tpu.memory_space<vmem>>, vector<1x16xi32>,
      %swap3A_721 = vector.shape_cast %swap3A_720 : vector<1x16xi32> to vector<16xi32>
      %swap3A_722 = vector.shape_cast %add3A_716 : vector<16xi32> to vector<1x16xi32>
      tpu.vector_store %arg14[%swap3A_718, %swap3A_719], %swap3A_722 {strides = array<i32>} : memref<13x64xi32, #tpu.memory_space<vmem>>, vector<1x16xi32>,
      %get3A_723 = arith.constant 720 : index
      %get3A_724 = tpu.vector_load %arg12[%get3A_723] {strides = array<i32>} : memref<832xi32, #tpu.memory_space<vmem>>, vector<16xi32>,
      %get3A_725 = vector.shape_cast %get3A_724 : vector<16xi32> to vector<16xi32>
      %get3A_726 = arith.constant 11 : i32
      %get3A_727 = arith.index_cast %get3A_726 : i32 to index
      %get3A_728 = arith.constant 16 : index
      %get3A_729 = tpu.vector_load %arg20[%get3A_727, %get3A_728] {strides = array<i32>} : memref<13x64xi32, #tpu.memory_space<vmem>>, vector<1x16xi32>,
      %get3A_730 = vector.shape_cast %get3A_729 : vector<1x16xi32> to vector<16xi32>
      %add3A_731 = arith.addi %get3A_725, %get3A_730 : vector<16xi32>
      %swap3A_732 = arith.constant 11 : i32
      %swap3A_733 = arith.index_cast %swap3A_732 : i32 to index
      %swap3A_734 = arith.constant 16 : index
      %swap3A_735 = tpu.vector_load %arg14[%swap3A_733, %swap3A_734] {strides = array<i32>} : memref<13x64xi32, #tpu.memory_space<vmem>>, vector<1x16xi32>,
      %swap3A_736 = vector.shape_cast %swap3A_735 : vector<1x16xi32> to vector<16xi32>
      %swap3A_737 = vector.shape_cast %add3A_731 : vector<16xi32> to vector<1x16xi32>
      tpu.vector_store %arg14[%swap3A_733, %swap3A_734], %swap3A_737 {strides = array<i32>} : memref<13x64xi32, #tpu.memory_space<vmem>>, vector<1x16xi32>,
      %get3A_738 = arith.constant 736 : index
      %get3A_739 = tpu.vector_load %arg12[%get3A_738] {strides = array<i32>} : memref<832xi32, #tpu.memory_space<vmem>>, vector<16xi32>,
      %get3A_740 = vector.shape_cast %get3A_739 : vector<16xi32> to vector<16xi32>
      %get3A_741 = arith.constant 11 : i32
      %get3A_742 = arith.index_cast %get3A_741 : i32 to index
      %get3A_743 = arith.constant 32 : index
      %get3A_744 = tpu.vector_load %arg20[%get3A_742, %get3A_743] {strides = array<i32>} : memref<13x64xi32, #tpu.memory_space<vmem>>, vector<1x16xi32>,
      %get3A_745 = vector.shape_cast %get3A_744 : vector<1x16xi32> to vector<16xi32>
      %add3A_746 = arith.addi %get3A_740, %get3A_745 : vector<16xi32>
      %swap3A_747 = arith.constant 11 : i32
      %swap3A_748 = arith.index_cast %swap3A_747 : i32 to index
      %swap3A_749 = arith.constant 32 : index
      %swap3A_750 = tpu.vector_load %arg14[%swap3A_748, %swap3A_749] {strides = array<i32>} : memref<13x64xi32, #tpu.memory_space<vmem>>, vector<1x16xi32>,
      %swap3A_751 = vector.shape_cast %swap3A_750 : vector<1x16xi32> to vector<16xi32>
      %swap3A_752 = vector.shape_cast %add3A_746 : vector<16xi32> to vector<1x16xi32>
      tpu.vector_store %arg14[%swap3A_748, %swap3A_749], %swap3A_752 {strides = array<i32>} : memref<13x64xi32, #tpu.memory_space<vmem>>, vector<1x16xi32>,
      %get3A_753 = arith.constant 752 : index
      %get3A_754 = tpu.vector_load %arg12[%get3A_753] {strides = array<i32>} : memref<832xi32, #tpu.memory_space<vmem>>, vector<16xi32>,
      %get3A_755 = vector.shape_cast %get3A_754 : vector<16xi32> to vector<16xi32>
      %get3A_756 = arith.constant 11 : i32
      %get3A_757 = arith.index_cast %get3A_756 : i32 to index
      %get3A_758 = arith.constant 48 : index
      %get3A_759 = tpu.vector_load %arg20[%get3A_757, %get3A_758] {strides = array<i32>} : memref<13x64xi32, #tpu.memory_space<vmem>>, vector<1x16xi32>,
      %get3A_760 = vector.shape_cast %get3A_759 : vector<1x16xi32> to vector<16xi32>
      %add3A_761 = arith.addi %get3A_755, %get3A_760 : vector<16xi32>
      %swap3A_762 = arith.constant 11 : i32
      %swap3A_763 = arith.index_cast %swap3A_762 : i32 to index
      %swap3A_764 = arith.constant 48 : index
      %swap3A_765 = tpu.vector_load %arg14[%swap3A_763, %swap3A_764] {strides = array<i32>} : memref<13x64xi32, #tpu.memory_space<vmem>>, vector<1x16xi32>,
      %swap3A_766 = vector.shape_cast %swap3A_765 : vector<1x16xi32> to vector<16xi32>
      %swap3A_767 = vector.shape_cast %add3A_761 : vector<16xi32> to vector<1x16xi32>
      tpu.vector_store %arg14[%swap3A_763, %swap3A_764], %swap3A_767 {strides = array<i32>} : memref<13x64xi32, #tpu.memory_space<vmem>>, vector<1x16xi32>,
      %get3A_768 = arith.constant 768 : index
      %get3A_769 = tpu.vector_load %arg12[%get3A_768] {strides = array<i32>} : memref<832xi32, #tpu.memory_space<vmem>>, vector<16xi32>,
      %get3A_770 = vector.shape_cast %get3A_769 : vector<16xi32> to vector<16xi32>
      %get3A_771 = arith.constant 12 : i32
      %get3A_772 = arith.index_cast %get3A_771 : i32 to index
      %get3A_773 = arith.constant 0 : index
      %get3A_774 = tpu.vector_load %arg20[%get3A_772, %get3A_773] {strides = array<i32>} : memref<13x64xi32, #tpu.memory_space<vmem>>, vector<1x16xi32>,
      %get3A_775 = vector.shape_cast %get3A_774 : vector<1x16xi32> to vector<16xi32>
      %add3A_776 = arith.addi %get3A_770, %get3A_775 : vector<16xi32>
      %swap3A_777 = arith.constant 12 : i32
      %swap3A_778 = arith.index_cast %swap3A_777 : i32 to index
      %swap3A_779 = arith.constant 0 : index
      %swap3A_780 = tpu.vector_load %arg14[%swap3A_778, %swap3A_779] {strides = array<i32>} : memref<13x64xi32, #tpu.memory_space<vmem>>, vector<1x16xi32>,
      %swap3A_781 = vector.shape_cast %swap3A_780 : vector<1x16xi32> to vector<16xi32>
      %swap3A_782 = vector.shape_cast %add3A_776 : vector<16xi32> to vector<1x16xi32>
      tpu.vector_store %arg14[%swap3A_778, %swap3A_779], %swap3A_782 {strides = array<i32>} : memref<13x64xi32, #tpu.memory_space<vmem>>, vector<1x16xi32>,
      %get3A_783 = arith.constant 784 : index
      %get3A_784 = tpu.vector_load %arg12[%get3A_783] {strides = array<i32>} : memref<832xi32, #tpu.memory_space<vmem>>, vector<16xi32>,
      %get3A_785 = vector.shape_cast %get3A_784 : vector<16xi32> to vector<16xi32>
      %get3A_786 = arith.constant 12 : i32
      %get3A_787 = arith.index_cast %get3A_786 : i32 to index
      %get3A_788 = arith.constant 16 : index
      %get3A_789 = tpu.vector_load %arg20[%get3A_787, %get3A_788] {strides = array<i32>} : memref<13x64xi32, #tpu.memory_space<vmem>>, vector<1x16xi32>,
      %get3A_790 = vector.shape_cast %get3A_789 : vector<1x16xi32> to vector<16xi32>
      %add3A_791 = arith.addi %get3A_785, %get3A_790 : vector<16xi32>
      %swap3A_792 = arith.constant 12 : i32
      %swap3A_793 = arith.index_cast %swap3A_792 : i32 to index
      %swap3A_794 = arith.constant 16 : index
      %swap3A_795 = tpu.vector_load %arg14[%swap3A_793, %swap3A_794] {strides = array<i32>} : memref<13x64xi32, #tpu.memory_space<vmem>>, vector<1x16xi32>,
      %swap3A_796 = vector.shape_cast %swap3A_795 : vector<1x16xi32> to vector<16xi32>
      %swap3A_797 = vector.shape_cast %add3A_791 : vector<16xi32> to vector<1x16xi32>
      tpu.vector_store %arg14[%swap3A_793, %swap3A_794], %swap3A_797 {strides = array<i32>} : memref<13x64xi32, #tpu.memory_space<vmem>>, vector<1x16xi32>,
      %get3A_798 = arith.constant 800 : index
      %get3A_799 = tpu.vector_load %arg12[%get3A_798] {strides = array<i32>} : memref<832xi32, #tpu.memory_space<vmem>>, vector<16xi32>,
      %get3A_800 = vector.shape_cast %get3A_799 : vector<16xi32> to vector<16xi32>
      %get3A_801 = arith.constant 12 : i32
      %get3A_802 = arith.index_cast %get3A_801 : i32 to index
      %get3A_803 = arith.constant 32 : index
      %get3A_804 = tpu.vector_load %arg20[%get3A_802, %get3A_803] {strides = array<i32>} : memref<13x64xi32, #tpu.memory_space<vmem>>, vector<1x16xi32>,
      %get3A_805 = vector.shape_cast %get3A_804 : vector<1x16xi32> to vector<16xi32>
      %add3A_806 = arith.addi %get3A_800, %get3A_805 : vector<16xi32>
      %swap3A_807 = arith.constant 12 : i32
      %swap3A_808 = arith.index_cast %swap3A_807 : i32 to index
      %swap3A_809 = arith.constant 32 : index
      %swap3A_810 = tpu.vector_load %arg14[%swap3A_808, %swap3A_809] {strides = array<i32>} : memref<13x64xi32, #tpu.memory_space<vmem>>, vector<1x16xi32>,
      %swap3A_811 = vector.shape_cast %swap3A_810 : vector<1x16xi32> to vector<16xi32>
      %swap3A_812 = vector.shape_cast %add3A_806 : vector<16xi32> to vector<1x16xi32>
      tpu.vector_store %arg14[%swap3A_808, %swap3A_809], %swap3A_812 {strides = array<i32>} : memref<13x64xi32, #tpu.memory_space<vmem>>, vector<1x16xi32>,
      %get3A_813 = arith.constant 816 : index
      %get3A_814 = tpu.vector_load %arg12[%get3A_813] {strides = array<i32>} : memref<832xi32, #tpu.memory_space<vmem>>, vector<16xi32>,
      %get3A_815 = vector.shape_cast %get3A_814 : vector<16xi32> to vector<16xi32>
      %get3A_816 = arith.constant 12 : i32
      %get3A_817 = arith.index_cast %get3A_816 : i32 to index
      %get3A_818 = arith.constant 48 : index
      %get3A_819 = tpu.vector_load %arg20[%get3A_817, %get3A_818] {strides = array<i32>} : memref<13x64xi32, #tpu.memory_space<vmem>>, vector<1x16xi32>,
      %get3A_820 = vector.shape_cast %get3A_819 : vector<1x16xi32> to vector<16xi32>
      %add3A_821 = arith.addi %get3A_815, %get3A_820 : vector<16xi32>
      %swap3A_822 = arith.constant 12 : i32
      %swap3A_823 = arith.index_cast %swap3A_822 : i32 to index
      %swap3A_824 = arith.constant 48 : index
      %swap3A_825 = tpu.vector_load %arg14[%swap3A_823, %swap3A_824] {strides = array<i32>} : memref<13x64xi32, #tpu.memory_space<vmem>>, vector<1x16xi32>,
      %swap3A_826 = vector.shape_cast %swap3A_825 : vector<1x16xi32> to vector<16xi32>
      %swap3A_827 = vector.shape_cast %add3A_821 : vector<16xi32> to vector<1x16xi32>
      tpu.vector_store %arg14[%swap3A_823, %swap3A_824], %swap3A_827 {strides = array<i32>} : memref<13x64xi32, #tpu.memory_space<vmem>>, vector<1x16xi32>,
      %dma_start3A_828 = arith.constant 0 : i32
      %dma_start3A_829 = arith.constant 0 : i32
      %dma_start3A_830 = arith.constant 0 : i32
      %dma_start3A_831 = tpu.memref_slice %arg15[%dma_start3A_829, %dma_start3A_830] : memref<832x32xf32, #tpu.memory_space<vmem>> -> memref<64x32xf32, #tpu.memory_space<vmem>>
      %dma_start3A_832 = arith.constant 0 : i32
      %dma_start3A_833 = tpu.memref_slice %arg14[%dma_start3A_828, %dma_start3A_832] : memref<13x64xi32, #tpu.memory_space<vmem>> -> memref<1x64xi32, #tpu.memory_space<vmem>>
      %dma_start3A_834 = tpu.memref_squeeze %dma_start3A_833 : memref<1x64xi32, #tpu.memory_space<vmem>> -> memref<64xi32, #tpu.memory_space<vmem>>
      %dma_start3A_835 = arith.constant 0 : i32
      %dma_start3A_836 = arith.constant 0 : i32
      %dma_start3A_837 = tpu.memref_slice %arg4[%dma_start3A_835, %dma_start3A_836] : memref<1000064x32xf32, #tpu.memory_space<hbm>> -> memref<1000064x32xf32, #tpu.memory_space<hbm>>
      tpu.enqueue_indirect_dma source(%dma_start3A_837 : memref<1000064x32xf32, #tpu.memory_space<hbm>>) target(%dma_start3A_831 : memref<64x32xf32, #tpu.memory_space<vmem>>) offsets(%dma_start3A_834 : memref<64xi32, #tpu.memory_space<vmem>>) semaphore(%arg24 : memref<!tpu.dma_semaphore, #tpu.memory_space<semaphore_mem>>)
      %dma_start3A_838 = arith.constant 1 : i32
      %dma_start3A_839 = arith.constant 64 : i32
      %dma_start3A_840 = arith.constant 0 : i32
      %dma_start3A_841 = tpu.memref_slice %arg15[%dma_start3A_839, %dma_start3A_840] : memref<832x32xf32, #tpu.memory_space<vmem>> -> memref<64x32xf32, #tpu.memory_space<vmem>>
      %dma_start3A_842 = arith.constant 0 : i32
      %dma_start3A_843 = tpu.memref_slice %arg14[%dma_start3A_838, %dma_start3A_842] : memref<13x64xi32, #tpu.memory_space<vmem>> -> memref<1x64xi32, #tpu.memory_space<vmem>>
      %dma_start3A_844 = tpu.memref_squeeze %dma_start3A_843 : memref<1x64xi32, #tpu.memory_space<vmem>> -> memref<64xi32, #tpu.memory_space<vmem>>
      %dma_start3A_845 = arith.constant 0 : i32
      %dma_start3A_846 = arith.constant 0 : i32
      %dma_start3A_847 = tpu.memref_slice %arg4[%dma_start3A_845, %dma_start3A_846] : memref<1000064x32xf32, #tpu.memory_space<hbm>> -> memref<1000064x32xf32, #tpu.memory_space<hbm>>
      tpu.enqueue_indirect_dma source(%dma_start3A_847 : memref<1000064x32xf32, #tpu.memory_space<hbm>>) target(%dma_start3A_841 : memref<64x32xf32, #tpu.memory_space<vmem>>) offsets(%dma_start3A_844 : memref<64xi32, #tpu.memory_space<vmem>>) semaphore(%arg24 : memref<!tpu.dma_semaphore, #tpu.memory_space<semaphore_mem>>)
      %dma_start3A_848 = arith.constant 2 : i32
      %dma_start3A_849 = arith.constant 128 : i32
      %dma_start3A_850 = arith.constant 0 : i32
      %dma_start3A_851 = tpu.memref_slice %arg15[%dma_start3A_849, %dma_start3A_850] : memref<832x32xf32, #tpu.memory_space<vmem>> -> memref<64x32xf32, #tpu.memory_space<vmem>>
      %dma_start3A_852 = arith.constant 0 : i32
      %dma_start3A_853 = tpu.memref_slice %arg14[%dma_start3A_848, %dma_start3A_852] : memref<13x64xi32, #tpu.memory_space<vmem>> -> memref<1x64xi32, #tpu.memory_space<vmem>>
      %dma_start3A_854 = tpu.memref_squeeze %dma_start3A_853 : memref<1x64xi32, #tpu.memory_space<vmem>> -> memref<64xi32, #tpu.memory_space<vmem>>
      %dma_start3A_855 = arith.constant 0 : i32
      %dma_start3A_856 = arith.constant 0 : i32
      %dma_start3A_857 = tpu.memref_slice %arg4[%dma_start3A_855, %dma_start3A_856] : memref<1000064x32xf32, #tpu.memory_space<hbm>> -> memref<1000064x32xf32, #tpu.memory_space<hbm>>
      tpu.enqueue_indirect_dma source(%dma_start3A_857 : memref<1000064x32xf32, #tpu.memory_space<hbm>>) target(%dma_start3A_851 : memref<64x32xf32, #tpu.memory_space<vmem>>) offsets(%dma_start3A_854 : memref<64xi32, #tpu.memory_space<vmem>>) semaphore(%arg24 : memref<!tpu.dma_semaphore, #tpu.memory_space<semaphore_mem>>)
      %dma_start3A_858 = arith.constant 3 : i32
      %dma_start3A_859 = arith.constant 192 : i32
      %dma_start3A_860 = arith.constant 0 : i32
      %dma_start3A_861 = tpu.memref_slice %arg15[%dma_start3A_859, %dma_start3A_860] : memref<832x32xf32, #tpu.memory_space<vmem>> -> memref<64x32xf32, #tpu.memory_space<vmem>>
      %dma_start3A_862 = arith.constant 0 : i32
      %dma_start3A_863 = tpu.memref_slice %arg14[%dma_start3A_858, %dma_start3A_862] : memref<13x64xi32, #tpu.memory_space<vmem>> -> memref<1x64xi32, #tpu.memory_space<vmem>>
      %dma_start3A_864 = tpu.memref_squeeze %dma_start3A_863 : memref<1x64xi32, #tpu.memory_space<vmem>> -> memref<64xi32, #tpu.memory_space<vmem>>
      %dma_start3A_865 = arith.constant 0 : i32
      %dma_start3A_866 = arith.constant 0 : i32
      %dma_start3A_867 = tpu.memref_slice %arg4[%dma_start3A_865, %dma_start3A_866] : memref<1000064x32xf32, #tpu.memory_space<hbm>> -> memref<1000064x32xf32, #tpu.memory_space<hbm>>
      tpu.enqueue_indirect_dma source(%dma_start3A_867 : memref<1000064x32xf32, #tpu.memory_space<hbm>>) target(%dma_start3A_861 : memref<64x32xf32, #tpu.memory_space<vmem>>) offsets(%dma_start3A_864 : memref<64xi32, #tpu.memory_space<vmem>>) semaphore(%arg24 : memref<!tpu.dma_semaphore, #tpu.memory_space<semaphore_mem>>)
      %dma_start3A_868 = arith.constant 4 : i32
      %dma_start3A_869 = arith.constant 256 : i32
      %dma_start3A_870 = arith.constant 0 : i32
      %dma_start3A_871 = tpu.memref_slice %arg15[%dma_start3A_869, %dma_start3A_870] : memref<832x32xf32, #tpu.memory_space<vmem>> -> memref<64x32xf32, #tpu.memory_space<vmem>>
      %dma_start3A_872 = arith.constant 0 : i32
      %dma_start3A_873 = tpu.memref_slice %arg14[%dma_start3A_868, %dma_start3A_872] : memref<13x64xi32, #tpu.memory_space<vmem>> -> memref<1x64xi32, #tpu.memory_space<vmem>>
      %dma_start3A_874 = tpu.memref_squeeze %dma_start3A_873 : memref<1x64xi32, #tpu.memory_space<vmem>> -> memref<64xi32, #tpu.memory_space<vmem>>
      %dma_start3A_875 = arith.constant 0 : i32
      %dma_start3A_876 = arith.constant 0 : i32
      %dma_start3A_877 = tpu.memref_slice %arg4[%dma_start3A_875, %dma_start3A_876] : memref<1000064x32xf32, #tpu.memory_space<hbm>> -> memref<1000064x32xf32, #tpu.memory_space<hbm>>
      tpu.enqueue_indirect_dma source(%dma_start3A_877 : memref<1000064x32xf32, #tpu.memory_space<hbm>>) target(%dma_start3A_871 : memref<64x32xf32, #tpu.memory_space<vmem>>) offsets(%dma_start3A_874 : memref<64xi32, #tpu.memory_space<vmem>>) semaphore(%arg24 : memref<!tpu.dma_semaphore, #tpu.memory_space<semaphore_mem>>)
      %dma_start3A_878 = arith.constant 5 : i32
      %dma_start3A_879 = arith.constant 320 : i32
      %dma_start3A_880 = arith.constant 0 : i32
      %dma_start3A_881 = tpu.memref_slice %arg15[%dma_start3A_879, %dma_start3A_880] : memref<832x32xf32, #tpu.memory_space<vmem>> -> memref<64x32xf32, #tpu.memory_space<vmem>>
      %dma_start3A_882 = arith.constant 0 : i32
      %dma_start3A_883 = tpu.memref_slice %arg14[%dma_start3A_878, %dma_start3A_882] : memref<13x64xi32, #tpu.memory_space<vmem>> -> memref<1x64xi32, #tpu.memory_space<vmem>>
      %dma_start3A_884 = tpu.memref_squeeze %dma_start3A_883 : memref<1x64xi32, #tpu.memory_space<vmem>> -> memref<64xi32, #tpu.memory_space<vmem>>
      %dma_start3A_885 = arith.constant 0 : i32
      %dma_start3A_886 = arith.constant 0 : i32
      %dma_start3A_887 = tpu.memref_slice %arg4[%dma_start3A_885, %dma_start3A_886] : memref<1000064x32xf32, #tpu.memory_space<hbm>> -> memref<1000064x32xf32, #tpu.memory_space<hbm>>
      tpu.enqueue_indirect_dma source(%dma_start3A_887 : memref<1000064x32xf32, #tpu.memory_space<hbm>>) target(%dma_start3A_881 : memref<64x32xf32, #tpu.memory_space<vmem>>) offsets(%dma_start3A_884 : memref<64xi32, #tpu.memory_space<vmem>>) semaphore(%arg24 : memref<!tpu.dma_semaphore, #tpu.memory_space<semaphore_mem>>)
      %dma_start3A_888 = arith.constant 6 : i32
      %dma_start3A_889 = arith.constant 384 : i32
      %dma_start3A_890 = arith.constant 0 : i32
      %dma_start3A_891 = tpu.memref_slice %arg15[%dma_start3A_889, %dma_start3A_890] : memref<832x32xf32, #tpu.memory_space<vmem>> -> memref<64x32xf32, #tpu.memory_space<vmem>>
      %dma_start3A_892 = arith.constant 0 : i32
      %dma_start3A_893 = tpu.memref_slice %arg14[%dma_start3A_888, %dma_start3A_892] : memref<13x64xi32, #tpu.memory_space<vmem>> -> memref<1x64xi32, #tpu.memory_space<vmem>>
      %dma_start3A_894 = tpu.memref_squeeze %dma_start3A_893 : memref<1x64xi32, #tpu.memory_space<vmem>> -> memref<64xi32, #tpu.memory_space<vmem>>
      %dma_start3A_895 = arith.constant 0 : i32
      %dma_start3A_896 = arith.constant 0 : i32
      %dma_start3A_897 = tpu.memref_slice %arg4[%dma_start3A_895, %dma_start3A_896] : memref<1000064x32xf32, #tpu.memory_space<hbm>> -> memref<1000064x32xf32, #tpu.memory_space<hbm>>
      tpu.enqueue_indirect_dma source(%dma_start3A_897 : memref<1000064x32xf32, #tpu.memory_space<hbm>>) target(%dma_start3A_891 : memref<64x32xf32, #tpu.memory_space<vmem>>) offsets(%dma_start3A_894 : memref<64xi32, #tpu.memory_space<vmem>>) semaphore(%arg24 : memref<!tpu.dma_semaphore, #tpu.memory_space<semaphore_mem>>)
      %dma_start3A_898 = arith.constant 7 : i32
      %dma_start3A_899 = arith.constant 448 : i32
      %dma_start3A_900 = arith.constant 0 : i32
      %dma_start3A_901 = tpu.memref_slice %arg15[%dma_start3A_899, %dma_start3A_900] : memref<832x32xf32, #tpu.memory_space<vmem>> -> memref<64x32xf32, #tpu.memory_space<vmem>>
      %dma_start3A_902 = arith.constant 0 : i32
      %dma_start3A_903 = tpu.memref_slice %arg14[%dma_start3A_898, %dma_start3A_902] : memref<13x64xi32, #tpu.memory_space<vmem>> -> memref<1x64xi32, #tpu.memory_space<vmem>>
      %dma_start3A_904 = tpu.memref_squeeze %dma_start3A_903 : memref<1x64xi32, #tpu.memory_space<vmem>> -> memref<64xi32, #tpu.memory_space<vmem>>
      %dma_start3A_905 = arith.constant 0 : i32
      %dma_start3A_906 = arith.constant 0 : i32
      %dma_start3A_907 = tpu.memref_slice %arg4[%dma_start3A_905, %dma_start3A_906] : memref<1000064x32xf32, #tpu.memory_space<hbm>> -> memref<1000064x32xf32, #tpu.memory_space<hbm>>
      tpu.enqueue_indirect_dma source(%dma_start3A_907 : memref<1000064x32xf32, #tpu.memory_space<hbm>>) target(%dma_start3A_901 : memref<64x32xf32, #tpu.memory_space<vmem>>) offsets(%dma_start3A_904 : memref<64xi32, #tpu.memory_space<vmem>>) semaphore(%arg24 : memref<!tpu.dma_semaphore, #tpu.memory_space<semaphore_mem>>)
      %dma_start3A_908 = arith.constant 8 : i32
      %dma_start3A_909 = arith.constant 512 : i32
      %dma_start3A_910 = arith.constant 0 : i32
      %dma_start3A_911 = tpu.memref_slice %arg15[%dma_start3A_909, %dma_start3A_910] : memref<832x32xf32, #tpu.memory_space<vmem>> -> memref<64x32xf32, #tpu.memory_space<vmem>>
      %dma_start3A_912 = arith.constant 0 : i32
      %dma_start3A_913 = tpu.memref_slice %arg14[%dma_start3A_908, %dma_start3A_912] : memref<13x64xi32, #tpu.memory_space<vmem>> -> memref<1x64xi32, #tpu.memory_space<vmem>>
      %dma_start3A_914 = tpu.memref_squeeze %dma_start3A_913 : memref<1x64xi32, #tpu.memory_space<vmem>> -> memref<64xi32, #tpu.memory_space<vmem>>
      %dma_start3A_915 = arith.constant 0 : i32
      %dma_start3A_916 = arith.constant 0 : i32
      %dma_start3A_917 = tpu.memref_slice %arg4[%dma_start3A_915, %dma_start3A_916] : memref<1000064x32xf32, #tpu.memory_space<hbm>> -> memref<1000064x32xf32, #tpu.memory_space<hbm>>
      tpu.enqueue_indirect_dma source(%dma_start3A_917 : memref<1000064x32xf32, #tpu.memory_space<hbm>>) target(%dma_start3A_911 : memref<64x32xf32, #tpu.memory_space<vmem>>) offsets(%dma_start3A_914 : memref<64xi32, #tpu.memory_space<vmem>>) semaphore(%arg24 : memref<!tpu.dma_semaphore, #tpu.memory_space<semaphore_mem>>)
      %dma_start3A_918 = arith.constant 9 : i32
      %dma_start3A_919 = arith.constant 576 : i32
      %dma_start3A_920 = arith.constant 0 : i32
      %dma_start3A_921 = tpu.memref_slice %arg15[%dma_start3A_919, %dma_start3A_920] : memref<832x32xf32, #tpu.memory_space<vmem>> -> memref<64x32xf32, #tpu.memory_space<vmem>>
      %dma_start3A_922 = arith.constant 0 : i32
      %dma_start3A_923 = tpu.memref_slice %arg14[%dma_start3A_918, %dma_start3A_922] : memref<13x64xi32, #tpu.memory_space<vmem>> -> memref<1x64xi32, #tpu.memory_space<vmem>>
      %dma_start3A_924 = tpu.memref_squeeze %dma_start3A_923 : memref<1x64xi32, #tpu.memory_space<vmem>> -> memref<64xi32, #tpu.memory_space<vmem>>
      %dma_start3A_925 = arith.constant 0 : i32
      %dma_start3A_926 = arith.constant 0 : i32
      %dma_start3A_927 = tpu.memref_slice %arg4[%dma_start3A_925, %dma_start3A_926] : memref<1000064x32xf32, #tpu.memory_space<hbm>> -> memref<1000064x32xf32, #tpu.memory_space<hbm>>
      tpu.enqueue_indirect_dma source(%dma_start3A_927 : memref<1000064x32xf32, #tpu.memory_space<hbm>>) target(%dma_start3A_921 : memref<64x32xf32, #tpu.memory_space<vmem>>) offsets(%dma_start3A_924 : memref<64xi32, #tpu.memory_space<vmem>>) semaphore(%arg24 : memref<!tpu.dma_semaphore, #tpu.memory_space<semaphore_mem>>)
      %dma_start3A_928 = arith.constant 10 : i32
      %dma_start3A_929 = arith.constant 640 : i32
      %dma_start3A_930 = arith.constant 0 : i32
      %dma_start3A_931 = tpu.memref_slice %arg15[%dma_start3A_929, %dma_start3A_930] : memref<832x32xf32, #tpu.memory_space<vmem>> -> memref<64x32xf32, #tpu.memory_space<vmem>>
      %dma_start3A_932 = arith.constant 0 : i32
      %dma_start3A_933 = tpu.memref_slice %arg14[%dma_start3A_928, %dma_start3A_932] : memref<13x64xi32, #tpu.memory_space<vmem>> -> memref<1x64xi32, #tpu.memory_space<vmem>>
      %dma_start3A_934 = tpu.memref_squeeze %dma_start3A_933 : memref<1x64xi32, #tpu.memory_space<vmem>> -> memref<64xi32, #tpu.memory_space<vmem>>
      %dma_start3A_935 = arith.constant 0 : i32
      %dma_start3A_936 = arith.constant 0 : i32
      %dma_start3A_937 = tpu.memref_slice %arg4[%dma_start3A_935, %dma_start3A_936] : memref<1000064x32xf32, #tpu.memory_space<hbm>> -> memref<1000064x32xf32, #tpu.memory_space<hbm>>
      tpu.enqueue_indirect_dma source(%dma_start3A_937 : memref<1000064x32xf32, #tpu.memory_space<hbm>>) target(%dma_start3A_931 : memref<64x32xf32, #tpu.memory_space<vmem>>) offsets(%dma_start3A_934 : memref<64xi32, #tpu.memory_space<vmem>>) semaphore(%arg24 : memref<!tpu.dma_semaphore, #tpu.memory_space<semaphore_mem>>)
      %dma_start3A_938 = arith.constant 11 : i32
      %dma_start3A_939 = arith.constant 704 : i32
      %dma_start3A_940 = arith.constant 0 : i32
      %dma_start3A_941 = tpu.memref_slice %arg15[%dma_start3A_939, %dma_start3A_940] : memref<832x32xf32, #tpu.memory_space<vmem>> -> memref<64x32xf32, #tpu.memory_space<vmem>>
      %dma_start3A_942 = arith.constant 0 : i32
      %dma_start3A_943 = tpu.memref_slice %arg14[%dma_start3A_938, %dma_start3A_942] : memref<13x64xi32, #tpu.memory_space<vmem>> -> memref<1x64xi32, #tpu.memory_space<vmem>>
      %dma_start3A_944 = tpu.memref_squeeze %dma_start3A_943 : memref<1x64xi32, #tpu.memory_space<vmem>> -> memref<64xi32, #tpu.memory_space<vmem>>
      %dma_start3A_945 = arith.constant 0 : i32
      %dma_start3A_946 = arith.constant 0 : i32
      %dma_start3A_947 = tpu.memref_slice %arg4[%dma_start3A_945, %dma_start3A_946] : memref<1000064x32xf32, #tpu.memory_space<hbm>> -> memref<1000064x32xf32, #tpu.memory_space<hbm>>
      tpu.enqueue_indirect_dma source(%dma_start3A_947 : memref<1000064x32xf32, #tpu.memory_space<hbm>>) target(%dma_start3A_941 : memref<64x32xf32, #tpu.memory_space<vmem>>) offsets(%dma_start3A_944 : memref<64xi32, #tpu.memory_space<vmem>>) semaphore(%arg24 : memref<!tpu.dma_semaphore, #tpu.memory_space<semaphore_mem>>)
      %dma_start3A_948 = arith.constant 12 : i32
      %dma_start3A_949 = arith.constant 768 : i32
      %dma_start3A_950 = arith.constant 0 : i32
      %dma_start3A_951 = tpu.memref_slice %arg15[%dma_start3A_949, %dma_start3A_950] : memref<832x32xf32, #tpu.memory_space<vmem>> -> memref<64x32xf32, #tpu.memory_space<vmem>>
      %dma_start3A_952 = arith.constant 0 : i32
      %dma_start3A_953 = tpu.memref_slice %arg14[%dma_start3A_948, %dma_start3A_952] : memref<13x64xi32, #tpu.memory_space<vmem>> -> memref<1x64xi32, #tpu.memory_space<vmem>>
      %dma_start3A_954 = tpu.memref_squeeze %dma_start3A_953 : memref<1x64xi32, #tpu.memory_space<vmem>> -> memref<64xi32, #tpu.memory_space<vmem>>
      %dma_start3A_955 = arith.constant 0 : i32
      %dma_start3A_956 = arith.constant 0 : i32
      %dma_start3A_957 = tpu.memref_slice %arg4[%dma_start3A_955, %dma_start3A_956] : memref<1000064x32xf32, #tpu.memory_space<hbm>> -> memref<1000064x32xf32, #tpu.memory_space<hbm>>
      tpu.enqueue_indirect_dma source(%dma_start3A_957 : memref<1000064x32xf32, #tpu.memory_space<hbm>>) target(%dma_start3A_951 : memref<64x32xf32, #tpu.memory_space<vmem>>) offsets(%dma_start3A_954 : memref<64xi32, #tpu.memory_space<vmem>>) semaphore(%arg24 : memref<!tpu.dma_semaphore, #tpu.memory_space<semaphore_mem>>)
      %parallel_loop3A = arith.constant 0 : i32
      %parallel_loop3A_958 = arith.constant 32 : i32
      %parallel_loop3A_959 = arith.constant 1 : i32
      scf.for %parallel_loop3A_1113 = %parallel_loop3A to %parallel_loop3A_958 step %parallel_loop3A_959  : i32 {
        %parallel_loop3A_1114 = arith.constant 13 : i32
        %parallel_loop3A_1115 = arith.muli %parallel_loop3A_1113, %parallel_loop3A_1114 : i32
        %parallel_loop3A_1116 = arith.index_cast %parallel_loop3A_1115 : i32 to index
        %parallel_loop3A_1117 = tpu.vector_load %arg13[%parallel_loop3A_1116] {strides = array<i32>} : memref<448xf32, #tpu.memory_space<vmem>>, vector<16xf32>,
        %parallel_loop3A_1118 = vector.shape_cast %parallel_loop3A_1117 : vector<16xf32> to vector<16xf32>
        %parallel_loop3A_1119 = arith.constant 14 : i32
        %parallel_loop3A_1120 = arith.muli %parallel_loop3A_1113, %parallel_loop3A_1119 : i32
        %parallel_loop3A_1121 = arith.constant 0 : i32
        %parallel_loop3A_1122 = arith.index_cast %parallel_loop3A_1121 : i32 to index
        %parallel_loop3A_1123 = arith.constant 0 : index
        %parallel_loop3A_1124 = tpu.vector_load %arg17[%parallel_loop3A_1122, %parallel_loop3A_1123] {strides = array<i32>} : memref<14x32xf32, #tpu.memory_space<vmem>>, vector<1x16xf32>,
        %parallel_loop3A_1125 = vector.shape_cast %parallel_loop3A_1124 : vector<1x16xf32> to vector<16xf32>
        %parallel_loop3A_1126 = arith.index_cast %parallel_loop3A_1120 : i32 to index
        %parallel_loop3A_1127 = arith.constant 0 : index
        %parallel_loop3A_1128 = tpu.vector_load %arg16[%parallel_loop3A_1126, %parallel_loop3A_1127] {strides = array<i32>} : memref<448x32xf32, #tpu.memory_space<vmem>>, vector<1x16xf32>,
        %parallel_loop3A_1129 = vector.shape_cast %parallel_loop3A_1128 : vector<1x16xf32> to vector<16xf32>
        %parallel_loop3A_1130 = vector.shape_cast %parallel_loop3A_1125 : vector<16xf32> to vector<1x16xf32>
        tpu.vector_store %arg16[%parallel_loop3A_1126, %parallel_loop3A_1127], %parallel_loop3A_1130 {strides = array<i32>} : memref<448x32xf32, #tpu.memory_space<vmem>>, vector<1x16xf32>,
        %parallel_loop3A_1131 = arith.constant 0 : i32
        %parallel_loop3A_1132 = arith.index_cast %parallel_loop3A_1131 : i32 to index
        %parallel_loop3A_1133 = arith.constant 16 : index
        %parallel_loop3A_1134 = tpu.vector_load %arg17[%parallel_loop3A_1132, %parallel_loop3A_1133] {strides = array<i32>} : memref<14x32xf32, #tpu.memory_space<vmem>>, vector<1x16xf32>,
        %parallel_loop3A_1135 = vector.shape_cast %parallel_loop3A_1134 : vector<1x16xf32> to vector<16xf32>
        %parallel_loop3A_1136 = arith.index_cast %parallel_loop3A_1120 : i32 to index
        %parallel_loop3A_1137 = arith.constant 16 : index
        %parallel_loop3A_1138 = tpu.vector_load %arg16[%parallel_loop3A_1136, %parallel_loop3A_1137] {strides = array<i32>} : memref<448x32xf32, #tpu.memory_space<vmem>>, vector<1x16xf32>,
        %parallel_loop3A_1139 = vector.shape_cast %parallel_loop3A_1138 : vector<1x16xf32> to vector<16xf32>
        %parallel_loop3A_1140 = vector.shape_cast %parallel_loop3A_1135 : vector<16xf32> to vector<1x16xf32>
        tpu.vector_store %arg16[%parallel_loop3A_1136, %parallel_loop3A_1137], %parallel_loop3A_1140 {strides = array<i32>} : memref<448x32xf32, #tpu.memory_space<vmem>>, vector<1x16xf32>,
        %parallel_loop3A_1141 = arith.constant 0 : i32
        %parallel_loop3A_1142 = vector.broadcast %parallel_loop3A_1141 : i32 to vector<16x1xi32>
        %parallel_loop3A_1143 = vector.shape_cast %parallel_loop3A_1142 : vector<16x1xi32> to vector<16xi32>
        %parallel_loop3A_1144 = tpu.dynamic_gather %parallel_loop3A_1118[%parallel_loop3A_1143] in [0] : vector<16xf32>, vector<16xi32> -> vector<16xf32>
        %parallel_loop3A_1145 = arith.constant 1 : i32
        %parallel_loop3A_1146 = arith.index_cast %parallel_loop3A_1145 : i32 to index
        %parallel_loop3A_1147 = arith.constant 0 : index
        %parallel_loop3A_1148 = tpu.vector_load %arg17[%parallel_loop3A_1146, %parallel_loop3A_1147] {strides = array<i32>} : memref<14x32xf32, #tpu.memory_space<vmem>>, vector<1x16xf32>,
        %parallel_loop3A_1149 = vector.shape_cast %parallel_loop3A_1148 : vector<1x16xf32> to vector<16xf32>
        %parallel_loop3A_1150 = arith.mulf %parallel_loop3A_1149, %parallel_loop3A_1144 : vector<16xf32>
        %parallel_loop3A_1151 = arith.constant 1 : i32
        %parallel_loop3A_1152 = arith.index_cast %parallel_loop3A_1151 : i32 to index
        %parallel_loop3A_1153 = arith.constant 0 : index
        %parallel_loop3A_1154 = tpu.vector_load %arg18[%parallel_loop3A_1152, %parallel_loop3A_1153] {strides = array<i32>} : memref<14x32xf32, #tpu.memory_space<vmem>>, vector<1x16xf32>,
        %parallel_loop3A_1155 = vector.shape_cast %parallel_loop3A_1154 : vector<1x16xf32> to vector<16xf32>
        %parallel_loop3A_1156 = arith.addf %parallel_loop3A_1150, %parallel_loop3A_1155 : vector<16xf32>
        %parallel_loop3A_1157 = arith.constant 1 : i32
        %parallel_loop3A_1158 = arith.addi %parallel_loop3A_1120, %parallel_loop3A_1157 : i32
        %parallel_loop3A_1159 = arith.index_cast %parallel_loop3A_1158 : i32 to index
        %parallel_loop3A_1160 = arith.constant 0 : index
        %parallel_loop3A_1161 = tpu.vector_load %arg16[%parallel_loop3A_1159, %parallel_loop3A_1160] {strides = array<i32>} : memref<448x32xf32, #tpu.memory_space<vmem>>, vector<1x16xf32>,
        %parallel_loop3A_1162 = vector.shape_cast %parallel_loop3A_1161 : vector<1x16xf32> to vector<16xf32>
        %parallel_loop3A_1163 = vector.shape_cast %parallel_loop3A_1156 : vector<16xf32> to vector<1x16xf32>
        tpu.vector_store %arg16[%parallel_loop3A_1159, %parallel_loop3A_1160], %parallel_loop3A_1163 {strides = array<i32>} : memref<448x32xf32, #tpu.memory_space<vmem>>, vector<1x16xf32>,
        %parallel_loop3A_1164 = arith.constant 1 : i32
        %parallel_loop3A_1165 = arith.index_cast %parallel_loop3A_1164 : i32 to index
        %parallel_loop3A_1166 = arith.constant 16 : index
        %parallel_loop3A_1167 = tpu.vector_load %arg17[%parallel_loop3A_1165, %parallel_loop3A_1166] {strides = array<i32>} : memref<14x32xf32, #tpu.memory_space<vmem>>, vector<1x16xf32>,
        %parallel_loop3A_1168 = vector.shape_cast %parallel_loop3A_1167 : vector<1x16xf32> to vector<16xf32>
        %parallel_loop3A_1169 = arith.mulf %parallel_loop3A_1168, %parallel_loop3A_1144 : vector<16xf32>
        %parallel_loop3A_1170 = arith.constant 1 : i32
        %parallel_loop3A_1171 = arith.index_cast %parallel_loop3A_1170 : i32 to index
        %parallel_loop3A_1172 = arith.constant 16 : index
        %parallel_loop3A_1173 = tpu.vector_load %arg18[%parallel_loop3A_1171, %parallel_loop3A_1172] {strides = array<i32>} : memref<14x32xf32, #tpu.memory_space<vmem>>, vector<1x16xf32>,
        %parallel_loop3A_1174 = vector.shape_cast %parallel_loop3A_1173 : vector<1x16xf32> to vector<16xf32>
        %parallel_loop3A_1175 = arith.addf %parallel_loop3A_1169, %parallel_loop3A_1174 : vector<16xf32>
        %parallel_loop3A_1176 = arith.constant 1 : i32
        %parallel_loop3A_1177 = arith.addi %parallel_loop3A_1120, %parallel_loop3A_1176 : i32
        %parallel_loop3A_1178 = arith.index_cast %parallel_loop3A_1177 : i32 to index
        %parallel_loop3A_1179 = arith.constant 16 : index
        %parallel_loop3A_1180 = tpu.vector_load %arg16[%parallel_loop3A_1178, %parallel_loop3A_1179] {strides = array<i32>} : memref<448x32xf32, #tpu.memory_space<vmem>>, vector<1x16xf32>,
        %parallel_loop3A_1181 = vector.shape_cast %parallel_loop3A_1180 : vector<1x16xf32> to vector<16xf32>
        %parallel_loop3A_1182 = vector.shape_cast %parallel_loop3A_1175 : vector<16xf32> to vector<1x16xf32>
        tpu.vector_store %arg16[%parallel_loop3A_1178, %parallel_loop3A_1179], %parallel_loop3A_1182 {strides = array<i32>} : memref<448x32xf32, #tpu.memory_space<vmem>>, vector<1x16xf32>,
        %parallel_loop3A_1183 = arith.constant 1 : i32
        %parallel_loop3A_1184 = vector.broadcast %parallel_loop3A_1183 : i32 to vector<16x1xi32>
        %parallel_loop3A_1185 = vector.shape_cast %parallel_loop3A_1184 : vector<16x1xi32> to vector<16xi32>
        %parallel_loop3A_1186 = tpu.dynamic_gather %parallel_loop3A_1118[%parallel_loop3A_1185] in [0] : vector<16xf32>, vector<16xi32> -> vector<16xf32>
        %parallel_loop3A_1187 = arith.constant 2 : i32
        %parallel_loop3A_1188 = arith.index_cast %parallel_loop3A_1187 : i32 to index
        %parallel_loop3A_1189 = arith.constant 0 : index
        %parallel_loop3A_1190 = tpu.vector_load %arg17[%parallel_loop3A_1188, %parallel_loop3A_1189] {strides = array<i32>} : memref<14x32xf32, #tpu.memory_space<vmem>>, vector<1x16xf32>,
        %parallel_loop3A_1191 = vector.shape_cast %parallel_loop3A_1190 : vector<1x16xf32> to vector<16xf32>
        %parallel_loop3A_1192 = arith.mulf %parallel_loop3A_1191, %parallel_loop3A_1186 : vector<16xf32>
        %parallel_loop3A_1193 = arith.constant 2 : i32
        %parallel_loop3A_1194 = arith.index_cast %parallel_loop3A_1193 : i32 to index
        %parallel_loop3A_1195 = arith.constant 0 : index
        %parallel_loop3A_1196 = tpu.vector_load %arg18[%parallel_loop3A_1194, %parallel_loop3A_1195] {strides = array<i32>} : memref<14x32xf32, #tpu.memory_space<vmem>>, vector<1x16xf32>,
        %parallel_loop3A_1197 = vector.shape_cast %parallel_loop3A_1196 : vector<1x16xf32> to vector<16xf32>
        %parallel_loop3A_1198 = arith.addf %parallel_loop3A_1192, %parallel_loop3A_1197 : vector<16xf32>
        %parallel_loop3A_1199 = arith.constant 2 : i32
        %parallel_loop3A_1200 = arith.addi %parallel_loop3A_1120, %parallel_loop3A_1199 : i32
        %parallel_loop3A_1201 = arith.index_cast %parallel_loop3A_1200 : i32 to index
        %parallel_loop3A_1202 = arith.constant 0 : index
        %parallel_loop3A_1203 = tpu.vector_load %arg16[%parallel_loop3A_1201, %parallel_loop3A_1202] {strides = array<i32>} : memref<448x32xf32, #tpu.memory_space<vmem>>, vector<1x16xf32>,
        %parallel_loop3A_1204 = vector.shape_cast %parallel_loop3A_1203 : vector<1x16xf32> to vector<16xf32>
        %parallel_loop3A_1205 = vector.shape_cast %parallel_loop3A_1198 : vector<16xf32> to vector<1x16xf32>
        tpu.vector_store %arg16[%parallel_loop3A_1201, %parallel_loop3A_1202], %parallel_loop3A_1205 {strides = array<i32>} : memref<448x32xf32, #tpu.memory_space<vmem>>, vector<1x16xf32>,
        %parallel_loop3A_1206 = arith.constant 2 : i32
        %parallel_loop3A_1207 = arith.index_cast %parallel_loop3A_1206 : i32 to index
        %parallel_loop3A_1208 = arith.constant 16 : index
        %parallel_loop3A_1209 = tpu.vector_load %arg17[%parallel_loop3A_1207, %parallel_loop3A_1208] {strides = array<i32>} : memref<14x32xf32, #tpu.memory_space<vmem>>, vector<1x16xf32>,
        %parallel_loop3A_1210 = vector.shape_cast %parallel_loop3A_1209 : vector<1x16xf32> to vector<16xf32>
        %parallel_loop3A_1211 = arith.mulf %parallel_loop3A_1210, %parallel_loop3A_1186 : vector<16xf32>
        %parallel_loop3A_1212 = arith.constant 2 : i32
        %parallel_loop3A_1213 = arith.index_cast %parallel_loop3A_1212 : i32 to index
        %parallel_loop3A_1214 = arith.constant 16 : index
        %parallel_loop3A_1215 = tpu.vector_load %arg18[%parallel_loop3A_1213, %parallel_loop3A_1214] {strides = array<i32>} : memref<14x32xf32, #tpu.memory_space<vmem>>, vector<1x16xf32>,
        %parallel_loop3A_1216 = vector.shape_cast %parallel_loop3A_1215 : vector<1x16xf32> to vector<16xf32>
        %parallel_loop3A_1217 = arith.addf %parallel_loop3A_1211, %parallel_loop3A_1216 : vector<16xf32>
        %parallel_loop3A_1218 = arith.constant 2 : i32
        %parallel_loop3A_1219 = arith.addi %parallel_loop3A_1120, %parallel_loop3A_1218 : i32
        %parallel_loop3A_1220 = arith.index_cast %parallel_loop3A_1219 : i32 to index
        %parallel_loop3A_1221 = arith.constant 16 : index
        %parallel_loop3A_1222 = tpu.vector_load %arg16[%parallel_loop3A_1220, %parallel_loop3A_1221] {strides = array<i32>} : memref<448x32xf32, #tpu.memory_space<vmem>>, vector<1x16xf32>,
        %parallel_loop3A_1223 = vector.shape_cast %parallel_loop3A_1222 : vector<1x16xf32> to vector<16xf32>
        %parallel_loop3A_1224 = vector.shape_cast %parallel_loop3A_1217 : vector<16xf32> to vector<1x16xf32>
        tpu.vector_store %arg16[%parallel_loop3A_1220, %parallel_loop3A_1221], %parallel_loop3A_1224 {strides = array<i32>} : memref<448x32xf32, #tpu.memory_space<vmem>>, vector<1x16xf32>,
        %parallel_loop3A_1225 = arith.constant 2 : i32
        %parallel_loop3A_1226 = vector.broadcast %parallel_loop3A_1225 : i32 to vector<16x1xi32>
        %parallel_loop3A_1227 = vector.shape_cast %parallel_loop3A_1226 : vector<16x1xi32> to vector<16xi32>
        %parallel_loop3A_1228 = tpu.dynamic_gather %parallel_loop3A_1118[%parallel_loop3A_1227] in [0] : vector<16xf32>, vector<16xi32> -> vector<16xf32>
        %parallel_loop3A_1229 = arith.constant 3 : i32
        %parallel_loop3A_1230 = arith.index_cast %parallel_loop3A_1229 : i32 to index
        %parallel_loop3A_1231 = arith.constant 0 : index
        %parallel_loop3A_1232 = tpu.vector_load %arg17[%parallel_loop3A_1230, %parallel_loop3A_1231] {strides = array<i32>} : memref<14x32xf32, #tpu.memory_space<vmem>>, vector<1x16xf32>,
        %parallel_loop3A_1233 = vector.shape_cast %parallel_loop3A_1232 : vector<1x16xf32> to vector<16xf32>
        %parallel_loop3A_1234 = arith.mulf %parallel_loop3A_1233, %parallel_loop3A_1228 : vector<16xf32>
        %parallel_loop3A_1235 = arith.constant 3 : i32
        %parallel_loop3A_1236 = arith.index_cast %parallel_loop3A_1235 : i32 to index
        %parallel_loop3A_1237 = arith.constant 0 : index
        %parallel_loop3A_1238 = tpu.vector_load %arg18[%parallel_loop3A_1236, %parallel_loop3A_1237] {strides = array<i32>} : memref<14x32xf32, #tpu.memory_space<vmem>>, vector<1x16xf32>,
        %parallel_loop3A_1239 = vector.shape_cast %parallel_loop3A_1238 : vector<1x16xf32> to vector<16xf32>
        %parallel_loop3A_1240 = arith.addf %parallel_loop3A_1234, %parallel_loop3A_1239 : vector<16xf32>
        %parallel_loop3A_1241 = arith.constant 3 : i32
        %parallel_loop3A_1242 = arith.addi %parallel_loop3A_1120, %parallel_loop3A_1241 : i32
        %parallel_loop3A_1243 = arith.index_cast %parallel_loop3A_1242 : i32 to index
        %parallel_loop3A_1244 = arith.constant 0 : index
        %parallel_loop3A_1245 = tpu.vector_load %arg16[%parallel_loop3A_1243, %parallel_loop3A_1244] {strides = array<i32>} : memref<448x32xf32, #tpu.memory_space<vmem>>, vector<1x16xf32>,
        %parallel_loop3A_1246 = vector.shape_cast %parallel_loop3A_1245 : vector<1x16xf32> to vector<16xf32>
        %parallel_loop3A_1247 = vector.shape_cast %parallel_loop3A_1240 : vector<16xf32> to vector<1x16xf32>
        tpu.vector_store %arg16[%parallel_loop3A_1243, %parallel_loop3A_1244], %parallel_loop3A_1247 {strides = array<i32>} : memref<448x32xf32, #tpu.memory_space<vmem>>, vector<1x16xf32>,
        %parallel_loop3A_1248 = arith.constant 3 : i32
        %parallel_loop3A_1249 = arith.index_cast %parallel_loop3A_1248 : i32 to index
        %parallel_loop3A_1250 = arith.constant 16 : index
        %parallel_loop3A_1251 = tpu.vector_load %arg17[%parallel_loop3A_1249, %parallel_loop3A_1250] {strides = array<i32>} : memref<14x32xf32, #tpu.memory_space<vmem>>, vector<1x16xf32>,
        %parallel_loop3A_1252 = vector.shape_cast %parallel_loop3A_1251 : vector<1x16xf32> to vector<16xf32>
        %parallel_loop3A_1253 = arith.mulf %parallel_loop3A_1252, %parallel_loop3A_1228 : vector<16xf32>
        %parallel_loop3A_1254 = arith.constant 3 : i32
        %parallel_loop3A_1255 = arith.index_cast %parallel_loop3A_1254 : i32 to index
        %parallel_loop3A_1256 = arith.constant 16 : index
        %parallel_loop3A_1257 = tpu.vector_load %arg18[%parallel_loop3A_1255, %parallel_loop3A_1256] {strides = array<i32>} : memref<14x32xf32, #tpu.memory_space<vmem>>, vector<1x16xf32>,
        %parallel_loop3A_1258 = vector.shape_cast %parallel_loop3A_1257 : vector<1x16xf32> to vector<16xf32>
        %parallel_loop3A_1259 = arith.addf %parallel_loop3A_1253, %parallel_loop3A_1258 : vector<16xf32>
        %parallel_loop3A_1260 = arith.constant 3 : i32
        %parallel_loop3A_1261 = arith.addi %parallel_loop3A_1120, %parallel_loop3A_1260 : i32
        %parallel_loop3A_1262 = arith.index_cast %parallel_loop3A_1261 : i32 to index
        %parallel_loop3A_1263 = arith.constant 16 : index
        %parallel_loop3A_1264 = tpu.vector_load %arg16[%parallel_loop3A_1262, %parallel_loop3A_1263] {strides = array<i32>} : memref<448x32xf32, #tpu.memory_space<vmem>>, vector<1x16xf32>,
        %parallel_loop3A_1265 = vector.shape_cast %parallel_loop3A_1264 : vector<1x16xf32> to vector<16xf32>
        %parallel_loop3A_1266 = vector.shape_cast %parallel_loop3A_1259 : vector<16xf32> to vector<1x16xf32>
        tpu.vector_store %arg16[%parallel_loop3A_1262, %parallel_loop3A_1263], %parallel_loop3A_1266 {strides = array<i32>} : memref<448x32xf32, #tpu.memory_space<vmem>>, vector<1x16xf32>,
        %parallel_loop3A_1267 = arith.constant 3 : i32
        %parallel_loop3A_1268 = vector.broadcast %parallel_loop3A_1267 : i32 to vector<16x1xi32>
        %parallel_loop3A_1269 = vector.shape_cast %parallel_loop3A_1268 : vector<16x1xi32> to vector<16xi32>
        %parallel_loop3A_1270 = tpu.dynamic_gather %parallel_loop3A_1118[%parallel_loop3A_1269] in [0] : vector<16xf32>, vector<16xi32> -> vector<16xf32>
        %parallel_loop3A_1271 = arith.constant 4 : i32
        %parallel_loop3A_1272 = arith.index_cast %parallel_loop3A_1271 : i32 to index
        %parallel_loop3A_1273 = arith.constant 0 : index
        %parallel_loop3A_1274 = tpu.vector_load %arg17[%parallel_loop3A_1272, %parallel_loop3A_1273] {strides = array<i32>} : memref<14x32xf32, #tpu.memory_space<vmem>>, vector<1x16xf32>,
        %parallel_loop3A_1275 = vector.shape_cast %parallel_loop3A_1274 : vector<1x16xf32> to vector<16xf32>
        %parallel_loop3A_1276 = arith.mulf %parallel_loop3A_1275, %parallel_loop3A_1270 : vector<16xf32>
        %parallel_loop3A_1277 = arith.constant 4 : i32
        %parallel_loop3A_1278 = arith.index_cast %parallel_loop3A_1277 : i32 to index
        %parallel_loop3A_1279 = arith.constant 0 : index
        %parallel_loop3A_1280 = tpu.vector_load %arg18[%parallel_loop3A_1278, %parallel_loop3A_1279] {strides = array<i32>} : memref<14x32xf32, #tpu.memory_space<vmem>>, vector<1x16xf32>,
        %parallel_loop3A_1281 = vector.shape_cast %parallel_loop3A_1280 : vector<1x16xf32> to vector<16xf32>
        %parallel_loop3A_1282 = arith.addf %parallel_loop3A_1276, %parallel_loop3A_1281 : vector<16xf32>
        %parallel_loop3A_1283 = arith.constant 4 : i32
        %parallel_loop3A_1284 = arith.addi %parallel_loop3A_1120, %parallel_loop3A_1283 : i32
        %parallel_loop3A_1285 = arith.index_cast %parallel_loop3A_1284 : i32 to index
        %parallel_loop3A_1286 = arith.constant 0 : index
        %parallel_loop3A_1287 = tpu.vector_load %arg16[%parallel_loop3A_1285, %parallel_loop3A_1286] {strides = array<i32>} : memref<448x32xf32, #tpu.memory_space<vmem>>, vector<1x16xf32>,
        %parallel_loop3A_1288 = vector.shape_cast %parallel_loop3A_1287 : vector<1x16xf32> to vector<16xf32>
        %parallel_loop3A_1289 = vector.shape_cast %parallel_loop3A_1282 : vector<16xf32> to vector<1x16xf32>
        tpu.vector_store %arg16[%parallel_loop3A_1285, %parallel_loop3A_1286], %parallel_loop3A_1289 {strides = array<i32>} : memref<448x32xf32, #tpu.memory_space<vmem>>, vector<1x16xf32>,
        %parallel_loop3A_1290 = arith.constant 4 : i32
        %parallel_loop3A_1291 = arith.index_cast %parallel_loop3A_1290 : i32 to index
        %parallel_loop3A_1292 = arith.constant 16 : index
        %parallel_loop3A_1293 = tpu.vector_load %arg17[%parallel_loop3A_1291, %parallel_loop3A_1292] {strides = array<i32>} : memref<14x32xf32, #tpu.memory_space<vmem>>, vector<1x16xf32>,
        %parallel_loop3A_1294 = vector.shape_cast %parallel_loop3A_1293 : vector<1x16xf32> to vector<16xf32>
        %parallel_loop3A_1295 = arith.mulf %parallel_loop3A_1294, %parallel_loop3A_1270 : vector<16xf32>
        %parallel_loop3A_1296 = arith.constant 4 : i32
        %parallel_loop3A_1297 = arith.index_cast %parallel_loop3A_1296 : i32 to index
        %parallel_loop3A_1298 = arith.constant 16 : index
        %parallel_loop3A_1299 = tpu.vector_load %arg18[%parallel_loop3A_1297, %parallel_loop3A_1298] {strides = array<i32>} : memref<14x32xf32, #tpu.memory_space<vmem>>, vector<1x16xf32>,
        %parallel_loop3A_1300 = vector.shape_cast %parallel_loop3A_1299 : vector<1x16xf32> to vector<16xf32>
        %parallel_loop3A_1301 = arith.addf %parallel_loop3A_1295, %parallel_loop3A_1300 : vector<16xf32>
        %parallel_loop3A_1302 = arith.constant 4 : i32
        %parallel_loop3A_1303 = arith.addi %parallel_loop3A_1120, %parallel_loop3A_1302 : i32
        %parallel_loop3A_1304 = arith.index_cast %parallel_loop3A_1303 : i32 to index
        %parallel_loop3A_1305 = arith.constant 16 : index
        %parallel_loop3A_1306 = tpu.vector_load %arg16[%parallel_loop3A_1304, %parallel_loop3A_1305] {strides = array<i32>} : memref<448x32xf32, #tpu.memory_space<vmem>>, vector<1x16xf32>,
        %parallel_loop3A_1307 = vector.shape_cast %parallel_loop3A_1306 : vector<1x16xf32> to vector<16xf32>
        %parallel_loop3A_1308 = vector.shape_cast %parallel_loop3A_1301 : vector<16xf32> to vector<1x16xf32>
        tpu.vector_store %arg16[%parallel_loop3A_1304, %parallel_loop3A_1305], %parallel_loop3A_1308 {strides = array<i32>} : memref<448x32xf32, #tpu.memory_space<vmem>>, vector<1x16xf32>,
        %parallel_loop3A_1309 = arith.constant 4 : i32
        %parallel_loop3A_1310 = vector.broadcast %parallel_loop3A_1309 : i32 to vector<16x1xi32>
        %parallel_loop3A_1311 = vector.shape_cast %parallel_loop3A_1310 : vector<16x1xi32> to vector<16xi32>
        %parallel_loop3A_1312 = tpu.dynamic_gather %parallel_loop3A_1118[%parallel_loop3A_1311] in [0] : vector<16xf32>, vector<16xi32> -> vector<16xf32>
        %parallel_loop3A_1313 = arith.constant 5 : i32
        %parallel_loop3A_1314 = arith.index_cast %parallel_loop3A_1313 : i32 to index
        %parallel_loop3A_1315 = arith.constant 0 : index
        %parallel_loop3A_1316 = tpu.vector_load %arg17[%parallel_loop3A_1314, %parallel_loop3A_1315] {strides = array<i32>} : memref<14x32xf32, #tpu.memory_space<vmem>>, vector<1x16xf32>,
        %parallel_loop3A_1317 = vector.shape_cast %parallel_loop3A_1316 : vector<1x16xf32> to vector<16xf32>
        %parallel_loop3A_1318 = arith.mulf %parallel_loop3A_1317, %parallel_loop3A_1312 : vector<16xf32>
        %parallel_loop3A_1319 = arith.constant 5 : i32
        %parallel_loop3A_1320 = arith.index_cast %parallel_loop3A_1319 : i32 to index
        %parallel_loop3A_1321 = arith.constant 0 : index
        %parallel_loop3A_1322 = tpu.vector_load %arg18[%parallel_loop3A_1320, %parallel_loop3A_1321] {strides = array<i32>} : memref<14x32xf32, #tpu.memory_space<vmem>>, vector<1x16xf32>,
        %parallel_loop3A_1323 = vector.shape_cast %parallel_loop3A_1322 : vector<1x16xf32> to vector<16xf32>
        %parallel_loop3A_1324 = arith.addf %parallel_loop3A_1318, %parallel_loop3A_1323 : vector<16xf32>
        %parallel_loop3A_1325 = arith.constant 5 : i32
        %parallel_loop3A_1326 = arith.addi %parallel_loop3A_1120, %parallel_loop3A_1325 : i32
        %parallel_loop3A_1327 = arith.index_cast %parallel_loop3A_1326 : i32 to index
        %parallel_loop3A_1328 = arith.constant 0 : index
        %parallel_loop3A_1329 = tpu.vector_load %arg16[%parallel_loop3A_1327, %parallel_loop3A_1328] {strides = array<i32>} : memref<448x32xf32, #tpu.memory_space<vmem>>, vector<1x16xf32>,
        %parallel_loop3A_1330 = vector.shape_cast %parallel_loop3A_1329 : vector<1x16xf32> to vector<16xf32>
        %parallel_loop3A_1331 = vector.shape_cast %parallel_loop3A_1324 : vector<16xf32> to vector<1x16xf32>
        tpu.vector_store %arg16[%parallel_loop3A_1327, %parallel_loop3A_1328], %parallel_loop3A_1331 {strides = array<i32>} : memref<448x32xf32, #tpu.memory_space<vmem>>, vector<1x16xf32>,
        %parallel_loop3A_1332 = arith.constant 5 : i32
        %parallel_loop3A_1333 = arith.index_cast %parallel_loop3A_1332 : i32 to index
        %parallel_loop3A_1334 = arith.constant 16 : index
        %parallel_loop3A_1335 = tpu.vector_load %arg17[%parallel_loop3A_1333, %parallel_loop3A_1334] {strides = array<i32>} : memref<14x32xf32, #tpu.memory_space<vmem>>, vector<1x16xf32>,
        %parallel_loop3A_1336 = vector.shape_cast %parallel_loop3A_1335 : vector<1x16xf32> to vector<16xf32>
        %parallel_loop3A_1337 = arith.mulf %parallel_loop3A_1336, %parallel_loop3A_1312 : vector<16xf32>
        %parallel_loop3A_1338 = arith.constant 5 : i32
        %parallel_loop3A_1339 = arith.index_cast %parallel_loop3A_1338 : i32 to index
        %parallel_loop3A_1340 = arith.constant 16 : index
        %parallel_loop3A_1341 = tpu.vector_load %arg18[%parallel_loop3A_1339, %parallel_loop3A_1340] {strides = array<i32>} : memref<14x32xf32, #tpu.memory_space<vmem>>, vector<1x16xf32>,
        %parallel_loop3A_1342 = vector.shape_cast %parallel_loop3A_1341 : vector<1x16xf32> to vector<16xf32>
        %parallel_loop3A_1343 = arith.addf %parallel_loop3A_1337, %parallel_loop3A_1342 : vector<16xf32>
        %parallel_loop3A_1344 = arith.constant 5 : i32
        %parallel_loop3A_1345 = arith.addi %parallel_loop3A_1120, %parallel_loop3A_1344 : i32
        %parallel_loop3A_1346 = arith.index_cast %parallel_loop3A_1345 : i32 to index
        %parallel_loop3A_1347 = arith.constant 16 : index
        %parallel_loop3A_1348 = tpu.vector_load %arg16[%parallel_loop3A_1346, %parallel_loop3A_1347] {strides = array<i32>} : memref<448x32xf32, #tpu.memory_space<vmem>>, vector<1x16xf32>,
        %parallel_loop3A_1349 = vector.shape_cast %parallel_loop3A_1348 : vector<1x16xf32> to vector<16xf32>
        %parallel_loop3A_1350 = vector.shape_cast %parallel_loop3A_1343 : vector<16xf32> to vector<1x16xf32>
        tpu.vector_store %arg16[%parallel_loop3A_1346, %parallel_loop3A_1347], %parallel_loop3A_1350 {strides = array<i32>} : memref<448x32xf32, #tpu.memory_space<vmem>>, vector<1x16xf32>,
        %parallel_loop3A_1351 = arith.constant 5 : i32
        %parallel_loop3A_1352 = vector.broadcast %parallel_loop3A_1351 : i32 to vector<16x1xi32>
        %parallel_loop3A_1353 = vector.shape_cast %parallel_loop3A_1352 : vector<16x1xi32> to vector<16xi32>
        %parallel_loop3A_1354 = tpu.dynamic_gather %parallel_loop3A_1118[%parallel_loop3A_1353] in [0] : vector<16xf32>, vector<16xi32> -> vector<16xf32>
        %parallel_loop3A_1355 = arith.constant 6 : i32
        %parallel_loop3A_1356 = arith.index_cast %parallel_loop3A_1355 : i32 to index
        %parallel_loop3A_1357 = arith.constant 0 : index
        %parallel_loop3A_1358 = tpu.vector_load %arg17[%parallel_loop3A_1356, %parallel_loop3A_1357] {strides = array<i32>} : memref<14x32xf32, #tpu.memory_space<vmem>>, vector<1x16xf32>,
        %parallel_loop3A_1359 = vector.shape_cast %parallel_loop3A_1358 : vector<1x16xf32> to vector<16xf32>
        %parallel_loop3A_1360 = arith.mulf %parallel_loop3A_1359, %parallel_loop3A_1354 : vector<16xf32>
        %parallel_loop3A_1361 = arith.constant 6 : i32
        %parallel_loop3A_1362 = arith.index_cast %parallel_loop3A_1361 : i32 to index
        %parallel_loop3A_1363 = arith.constant 0 : index
        %parallel_loop3A_1364 = tpu.vector_load %arg18[%parallel_loop3A_1362, %parallel_loop3A_1363] {strides = array<i32>} : memref<14x32xf32, #tpu.memory_space<vmem>>, vector<1x16xf32>,
        %parallel_loop3A_1365 = vector.shape_cast %parallel_loop3A_1364 : vector<1x16xf32> to vector<16xf32>
        %parallel_loop3A_1366 = arith.addf %parallel_loop3A_1360, %parallel_loop3A_1365 : vector<16xf32>
        %parallel_loop3A_1367 = arith.constant 6 : i32
        %parallel_loop3A_1368 = arith.addi %parallel_loop3A_1120, %parallel_loop3A_1367 : i32
        %parallel_loop3A_1369 = arith.index_cast %parallel_loop3A_1368 : i32 to index
        %parallel_loop3A_1370 = arith.constant 0 : index
        %parallel_loop3A_1371 = tpu.vector_load %arg16[%parallel_loop3A_1369, %parallel_loop3A_1370] {strides = array<i32>} : memref<448x32xf32, #tpu.memory_space<vmem>>, vector<1x16xf32>,
        %parallel_loop3A_1372 = vector.shape_cast %parallel_loop3A_1371 : vector<1x16xf32> to vector<16xf32>
        %parallel_loop3A_1373 = vector.shape_cast %parallel_loop3A_1366 : vector<16xf32> to vector<1x16xf32>
        tpu.vector_store %arg16[%parallel_loop3A_1369, %parallel_loop3A_1370], %parallel_loop3A_1373 {strides = array<i32>} : memref<448x32xf32, #tpu.memory_space<vmem>>, vector<1x16xf32>,
        %parallel_loop3A_1374 = arith.constant 6 : i32
        %parallel_loop3A_1375 = arith.index_cast %parallel_loop3A_1374 : i32 to index
        %parallel_loop3A_1376 = arith.constant 16 : index
        %parallel_loop3A_1377 = tpu.vector_load %arg17[%parallel_loop3A_1375, %parallel_loop3A_1376] {strides = array<i32>} : memref<14x32xf32, #tpu.memory_space<vmem>>, vector<1x16xf32>,
        %parallel_loop3A_1378 = vector.shape_cast %parallel_loop3A_1377 : vector<1x16xf32> to vector<16xf32>
        %parallel_loop3A_1379 = arith.mulf %parallel_loop3A_1378, %parallel_loop3A_1354 : vector<16xf32>
        %parallel_loop3A_1380 = arith.constant 6 : i32
        %parallel_loop3A_1381 = arith.index_cast %parallel_loop3A_1380 : i32 to index
        %parallel_loop3A_1382 = arith.constant 16 : index
        %parallel_loop3A_1383 = tpu.vector_load %arg18[%parallel_loop3A_1381, %parallel_loop3A_1382] {strides = array<i32>} : memref<14x32xf32, #tpu.memory_space<vmem>>, vector<1x16xf32>,
        %parallel_loop3A_1384 = vector.shape_cast %parallel_loop3A_1383 : vector<1x16xf32> to vector<16xf32>
        %parallel_loop3A_1385 = arith.addf %parallel_loop3A_1379, %parallel_loop3A_1384 : vector<16xf32>
        %parallel_loop3A_1386 = arith.constant 6 : i32
        %parallel_loop3A_1387 = arith.addi %parallel_loop3A_1120, %parallel_loop3A_1386 : i32
        %parallel_loop3A_1388 = arith.index_cast %parallel_loop3A_1387 : i32 to index
        %parallel_loop3A_1389 = arith.constant 16 : index
        %parallel_loop3A_1390 = tpu.vector_load %arg16[%parallel_loop3A_1388, %parallel_loop3A_1389] {strides = array<i32>} : memref<448x32xf32, #tpu.memory_space<vmem>>, vector<1x16xf32>,
        %parallel_loop3A_1391 = vector.shape_cast %parallel_loop3A_1390 : vector<1x16xf32> to vector<16xf32>
        %parallel_loop3A_1392 = vector.shape_cast %parallel_loop3A_1385 : vector<16xf32> to vector<1x16xf32>
        tpu.vector_store %arg16[%parallel_loop3A_1388, %parallel_loop3A_1389], %parallel_loop3A_1392 {strides = array<i32>} : memref<448x32xf32, #tpu.memory_space<vmem>>, vector<1x16xf32>,
        %parallel_loop3A_1393 = arith.constant 6 : i32
        %parallel_loop3A_1394 = vector.broadcast %parallel_loop3A_1393 : i32 to vector<16x1xi32>
        %parallel_loop3A_1395 = vector.shape_cast %parallel_loop3A_1394 : vector<16x1xi32> to vector<16xi32>
        %parallel_loop3A_1396 = tpu.dynamic_gather %parallel_loop3A_1118[%parallel_loop3A_1395] in [0] : vector<16xf32>, vector<16xi32> -> vector<16xf32>
        %parallel_loop3A_1397 = arith.constant 7 : i32
        %parallel_loop3A_1398 = arith.index_cast %parallel_loop3A_1397 : i32 to index
        %parallel_loop3A_1399 = arith.constant 0 : index
        %parallel_loop3A_1400 = tpu.vector_load %arg17[%parallel_loop3A_1398, %parallel_loop3A_1399] {strides = array<i32>} : memref<14x32xf32, #tpu.memory_space<vmem>>, vector<1x16xf32>,
        %parallel_loop3A_1401 = vector.shape_cast %parallel_loop3A_1400 : vector<1x16xf32> to vector<16xf32>
        %parallel_loop3A_1402 = arith.mulf %parallel_loop3A_1401, %parallel_loop3A_1396 : vector<16xf32>
        %parallel_loop3A_1403 = arith.constant 7 : i32
        %parallel_loop3A_1404 = arith.index_cast %parallel_loop3A_1403 : i32 to index
        %parallel_loop3A_1405 = arith.constant 0 : index
        %parallel_loop3A_1406 = tpu.vector_load %arg18[%parallel_loop3A_1404, %parallel_loop3A_1405] {strides = array<i32>} : memref<14x32xf32, #tpu.memory_space<vmem>>, vector<1x16xf32>,
        %parallel_loop3A_1407 = vector.shape_cast %parallel_loop3A_1406 : vector<1x16xf32> to vector<16xf32>
        %parallel_loop3A_1408 = arith.addf %parallel_loop3A_1402, %parallel_loop3A_1407 : vector<16xf32>
        %parallel_loop3A_1409 = arith.constant 7 : i32
        %parallel_loop3A_1410 = arith.addi %parallel_loop3A_1120, %parallel_loop3A_1409 : i32
        %parallel_loop3A_1411 = arith.index_cast %parallel_loop3A_1410 : i32 to index
        %parallel_loop3A_1412 = arith.constant 0 : index
        %parallel_loop3A_1413 = tpu.vector_load %arg16[%parallel_loop3A_1411, %parallel_loop3A_1412] {strides = array<i32>} : memref<448x32xf32, #tpu.memory_space<vmem>>, vector<1x16xf32>,
        %parallel_loop3A_1414 = vector.shape_cast %parallel_loop3A_1413 : vector<1x16xf32> to vector<16xf32>
        %parallel_loop3A_1415 = vector.shape_cast %parallel_loop3A_1408 : vector<16xf32> to vector<1x16xf32>
        tpu.vector_store %arg16[%parallel_loop3A_1411, %parallel_loop3A_1412], %parallel_loop3A_1415 {strides = array<i32>} : memref<448x32xf32, #tpu.memory_space<vmem>>, vector<1x16xf32>,
        %parallel_loop3A_1416 = arith.constant 7 : i32
        %parallel_loop3A_1417 = arith.index_cast %parallel_loop3A_1416 : i32 to index
        %parallel_loop3A_1418 = arith.constant 16 : index
        %parallel_loop3A_1419 = tpu.vector_load %arg17[%parallel_loop3A_1417, %parallel_loop3A_1418] {strides = array<i32>} : memref<14x32xf32, #tpu.memory_space<vmem>>, vector<1x16xf32>,
        %parallel_loop3A_1420 = vector.shape_cast %parallel_loop3A_1419 : vector<1x16xf32> to vector<16xf32>
        %parallel_loop3A_1421 = arith.mulf %parallel_loop3A_1420, %parallel_loop3A_1396 : vector<16xf32>
        %parallel_loop3A_1422 = arith.constant 7 : i32
        %parallel_loop3A_1423 = arith.index_cast %parallel_loop3A_1422 : i32 to index
        %parallel_loop3A_1424 = arith.constant 16 : index
        %parallel_loop3A_1425 = tpu.vector_load %arg18[%parallel_loop3A_1423, %parallel_loop3A_1424] {strides = array<i32>} : memref<14x32xf32, #tpu.memory_space<vmem>>, vector<1x16xf32>,
        %parallel_loop3A_1426 = vector.shape_cast %parallel_loop3A_1425 : vector<1x16xf32> to vector<16xf32>
        %parallel_loop3A_1427 = arith.addf %parallel_loop3A_1421, %parallel_loop3A_1426 : vector<16xf32>
        %parallel_loop3A_1428 = arith.constant 7 : i32
        %parallel_loop3A_1429 = arith.addi %parallel_loop3A_1120, %parallel_loop3A_1428 : i32
        %parallel_loop3A_1430 = arith.index_cast %parallel_loop3A_1429 : i32 to index
        %parallel_loop3A_1431 = arith.constant 16 : index
        %parallel_loop3A_1432 = tpu.vector_load %arg16[%parallel_loop3A_1430, %parallel_loop3A_1431] {strides = array<i32>} : memref<448x32xf32, #tpu.memory_space<vmem>>, vector<1x16xf32>,
        %parallel_loop3A_1433 = vector.shape_cast %parallel_loop3A_1432 : vector<1x16xf32> to vector<16xf32>
        %parallel_loop3A_1434 = vector.shape_cast %parallel_loop3A_1427 : vector<16xf32> to vector<1x16xf32>
        tpu.vector_store %arg16[%parallel_loop3A_1430, %parallel_loop3A_1431], %parallel_loop3A_1434 {strides = array<i32>} : memref<448x32xf32, #tpu.memory_space<vmem>>, vector<1x16xf32>,
        %parallel_loop3A_1435 = arith.constant 7 : i32
        %parallel_loop3A_1436 = vector.broadcast %parallel_loop3A_1435 : i32 to vector<16x1xi32>
        %parallel_loop3A_1437 = vector.shape_cast %parallel_loop3A_1436 : vector<16x1xi32> to vector<16xi32>
        %parallel_loop3A_1438 = tpu.dynamic_gather %parallel_loop3A_1118[%parallel_loop3A_1437] in [0] : vector<16xf32>, vector<16xi32> -> vector<16xf32>
        %parallel_loop3A_1439 = arith.constant 8 : i32
        %parallel_loop3A_1440 = arith.index_cast %parallel_loop3A_1439 : i32 to index
        %parallel_loop3A_1441 = arith.constant 0 : index
        %parallel_loop3A_1442 = tpu.vector_load %arg17[%parallel_loop3A_1440, %parallel_loop3A_1441] {strides = array<i32>} : memref<14x32xf32, #tpu.memory_space<vmem>>, vector<1x16xf32>,
        %parallel_loop3A_1443 = vector.shape_cast %parallel_loop3A_1442 : vector<1x16xf32> to vector<16xf32>
        %parallel_loop3A_1444 = arith.mulf %parallel_loop3A_1443, %parallel_loop3A_1438 : vector<16xf32>
        %parallel_loop3A_1445 = arith.constant 8 : i32
        %parallel_loop3A_1446 = arith.index_cast %parallel_loop3A_1445 : i32 to index
        %parallel_loop3A_1447 = arith.constant 0 : index
        %parallel_loop3A_1448 = tpu.vector_load %arg18[%parallel_loop3A_1446, %parallel_loop3A_1447] {strides = array<i32>} : memref<14x32xf32, #tpu.memory_space<vmem>>, vector<1x16xf32>,
        %parallel_loop3A_1449 = vector.shape_cast %parallel_loop3A_1448 : vector<1x16xf32> to vector<16xf32>
        %parallel_loop3A_1450 = arith.addf %parallel_loop3A_1444, %parallel_loop3A_1449 : vector<16xf32>
        %parallel_loop3A_1451 = arith.constant 8 : i32
        %parallel_loop3A_1452 = arith.addi %parallel_loop3A_1120, %parallel_loop3A_1451 : i32
        %parallel_loop3A_1453 = arith.index_cast %parallel_loop3A_1452 : i32 to index
        %parallel_loop3A_1454 = arith.constant 0 : index
        %parallel_loop3A_1455 = tpu.vector_load %arg16[%parallel_loop3A_1453, %parallel_loop3A_1454] {strides = array<i32>} : memref<448x32xf32, #tpu.memory_space<vmem>>, vector<1x16xf32>,
        %parallel_loop3A_1456 = vector.shape_cast %parallel_loop3A_1455 : vector<1x16xf32> to vector<16xf32>
        %parallel_loop3A_1457 = vector.shape_cast %parallel_loop3A_1450 : vector<16xf32> to vector<1x16xf32>
        tpu.vector_store %arg16[%parallel_loop3A_1453, %parallel_loop3A_1454], %parallel_loop3A_1457 {strides = array<i32>} : memref<448x32xf32, #tpu.memory_space<vmem>>, vector<1x16xf32>,
        %parallel_loop3A_1458 = arith.constant 8 : i32
        %parallel_loop3A_1459 = arith.index_cast %parallel_loop3A_1458 : i32 to index
        %parallel_loop3A_1460 = arith.constant 16 : index
        %parallel_loop3A_1461 = tpu.vector_load %arg17[%parallel_loop3A_1459, %parallel_loop3A_1460] {strides = array<i32>} : memref<14x32xf32, #tpu.memory_space<vmem>>, vector<1x16xf32>,
        %parallel_loop3A_1462 = vector.shape_cast %parallel_loop3A_1461 : vector<1x16xf32> to vector<16xf32>
        %parallel_loop3A_1463 = arith.mulf %parallel_loop3A_1462, %parallel_loop3A_1438 : vector<16xf32>
        %parallel_loop3A_1464 = arith.constant 8 : i32
        %parallel_loop3A_1465 = arith.index_cast %parallel_loop3A_1464 : i32 to index
        %parallel_loop3A_1466 = arith.constant 16 : index
        %parallel_loop3A_1467 = tpu.vector_load %arg18[%parallel_loop3A_1465, %parallel_loop3A_1466] {strides = array<i32>} : memref<14x32xf32, #tpu.memory_space<vmem>>, vector<1x16xf32>,
        %parallel_loop3A_1468 = vector.shape_cast %parallel_loop3A_1467 : vector<1x16xf32> to vector<16xf32>
        %parallel_loop3A_1469 = arith.addf %parallel_loop3A_1463, %parallel_loop3A_1468 : vector<16xf32>
        %parallel_loop3A_1470 = arith.constant 8 : i32
        %parallel_loop3A_1471 = arith.addi %parallel_loop3A_1120, %parallel_loop3A_1470 : i32
        %parallel_loop3A_1472 = arith.index_cast %parallel_loop3A_1471 : i32 to index
        %parallel_loop3A_1473 = arith.constant 16 : index
        %parallel_loop3A_1474 = tpu.vector_load %arg16[%parallel_loop3A_1472, %parallel_loop3A_1473] {strides = array<i32>} : memref<448x32xf32, #tpu.memory_space<vmem>>, vector<1x16xf32>,
        %parallel_loop3A_1475 = vector.shape_cast %parallel_loop3A_1474 : vector<1x16xf32> to vector<16xf32>
        %parallel_loop3A_1476 = vector.shape_cast %parallel_loop3A_1469 : vector<16xf32> to vector<1x16xf32>
        tpu.vector_store %arg16[%parallel_loop3A_1472, %parallel_loop3A_1473], %parallel_loop3A_1476 {strides = array<i32>} : memref<448x32xf32, #tpu.memory_space<vmem>>, vector<1x16xf32>,
        %parallel_loop3A_1477 = arith.constant 8 : i32
        %parallel_loop3A_1478 = vector.broadcast %parallel_loop3A_1477 : i32 to vector<16x1xi32>
        %parallel_loop3A_1479 = vector.shape_cast %parallel_loop3A_1478 : vector<16x1xi32> to vector<16xi32>
        %parallel_loop3A_1480 = tpu.dynamic_gather %parallel_loop3A_1118[%parallel_loop3A_1479] in [0] : vector<16xf32>, vector<16xi32> -> vector<16xf32>
        %parallel_loop3A_1481 = arith.constant 9 : i32
        %parallel_loop3A_1482 = arith.index_cast %parallel_loop3A_1481 : i32 to index
        %parallel_loop3A_1483 = arith.constant 0 : index
        %parallel_loop3A_1484 = tpu.vector_load %arg17[%parallel_loop3A_1482, %parallel_loop3A_1483] {strides = array<i32>} : memref<14x32xf32, #tpu.memory_space<vmem>>, vector<1x16xf32>,
        %parallel_loop3A_1485 = vector.shape_cast %parallel_loop3A_1484 : vector<1x16xf32> to vector<16xf32>
        %parallel_loop3A_1486 = arith.mulf %parallel_loop3A_1485, %parallel_loop3A_1480 : vector<16xf32>
        %parallel_loop3A_1487 = arith.constant 9 : i32
        %parallel_loop3A_1488 = arith.index_cast %parallel_loop3A_1487 : i32 to index
        %parallel_loop3A_1489 = arith.constant 0 : index
        %parallel_loop3A_1490 = tpu.vector_load %arg18[%parallel_loop3A_1488, %parallel_loop3A_1489] {strides = array<i32>} : memref<14x32xf32, #tpu.memory_space<vmem>>, vector<1x16xf32>,
        %parallel_loop3A_1491 = vector.shape_cast %parallel_loop3A_1490 : vector<1x16xf32> to vector<16xf32>
        %parallel_loop3A_1492 = arith.addf %parallel_loop3A_1486, %parallel_loop3A_1491 : vector<16xf32>
        %parallel_loop3A_1493 = arith.constant 9 : i32
        %parallel_loop3A_1494 = arith.addi %parallel_loop3A_1120, %parallel_loop3A_1493 : i32
        %parallel_loop3A_1495 = arith.index_cast %parallel_loop3A_1494 : i32 to index
        %parallel_loop3A_1496 = arith.constant 0 : index
        %parallel_loop3A_1497 = tpu.vector_load %arg16[%parallel_loop3A_1495, %parallel_loop3A_1496] {strides = array<i32>} : memref<448x32xf32, #tpu.memory_space<vmem>>, vector<1x16xf32>,
        %parallel_loop3A_1498 = vector.shape_cast %parallel_loop3A_1497 : vector<1x16xf32> to vector<16xf32>
        %parallel_loop3A_1499 = vector.shape_cast %parallel_loop3A_1492 : vector<16xf32> to vector<1x16xf32>
        tpu.vector_store %arg16[%parallel_loop3A_1495, %parallel_loop3A_1496], %parallel_loop3A_1499 {strides = array<i32>} : memref<448x32xf32, #tpu.memory_space<vmem>>, vector<1x16xf32>,
        %parallel_loop3A_1500 = arith.constant 9 : i32
        %parallel_loop3A_1501 = arith.index_cast %parallel_loop3A_1500 : i32 to index
        %parallel_loop3A_1502 = arith.constant 16 : index
        %parallel_loop3A_1503 = tpu.vector_load %arg17[%parallel_loop3A_1501, %parallel_loop3A_1502] {strides = array<i32>} : memref<14x32xf32, #tpu.memory_space<vmem>>, vector<1x16xf32>,
        %parallel_loop3A_1504 = vector.shape_cast %parallel_loop3A_1503 : vector<1x16xf32> to vector<16xf32>
        %parallel_loop3A_1505 = arith.mulf %parallel_loop3A_1504, %parallel_loop3A_1480 : vector<16xf32>
        %parallel_loop3A_1506 = arith.constant 9 : i32
        %parallel_loop3A_1507 = arith.index_cast %parallel_loop3A_1506 : i32 to index
        %parallel_loop3A_1508 = arith.constant 16 : index
        %parallel_loop3A_1509 = tpu.vector_load %arg18[%parallel_loop3A_1507, %parallel_loop3A_1508] {strides = array<i32>} : memref<14x32xf32, #tpu.memory_space<vmem>>, vector<1x16xf32>,
        %parallel_loop3A_1510 = vector.shape_cast %parallel_loop3A_1509 : vector<1x16xf32> to vector<16xf32>
        %parallel_loop3A_1511 = arith.addf %parallel_loop3A_1505, %parallel_loop3A_1510 : vector<16xf32>
        %parallel_loop3A_1512 = arith.constant 9 : i32
        %parallel_loop3A_1513 = arith.addi %parallel_loop3A_1120, %parallel_loop3A_1512 : i32
        %parallel_loop3A_1514 = arith.index_cast %parallel_loop3A_1513 : i32 to index
        %parallel_loop3A_1515 = arith.constant 16 : index
        %parallel_loop3A_1516 = tpu.vector_load %arg16[%parallel_loop3A_1514, %parallel_loop3A_1515] {strides = array<i32>} : memref<448x32xf32, #tpu.memory_space<vmem>>, vector<1x16xf32>,
        %parallel_loop3A_1517 = vector.shape_cast %parallel_loop3A_1516 : vector<1x16xf32> to vector<16xf32>
        %parallel_loop3A_1518 = vector.shape_cast %parallel_loop3A_1511 : vector<16xf32> to vector<1x16xf32>
        tpu.vector_store %arg16[%parallel_loop3A_1514, %parallel_loop3A_1515], %parallel_loop3A_1518 {strides = array<i32>} : memref<448x32xf32, #tpu.memory_space<vmem>>, vector<1x16xf32>,
        %parallel_loop3A_1519 = arith.constant 9 : i32
        %parallel_loop3A_1520 = vector.broadcast %parallel_loop3A_1519 : i32 to vector<16x1xi32>
        %parallel_loop3A_1521 = vector.shape_cast %parallel_loop3A_1520 : vector<16x1xi32> to vector<16xi32>
        %parallel_loop3A_1522 = tpu.dynamic_gather %parallel_loop3A_1118[%parallel_loop3A_1521] in [0] : vector<16xf32>, vector<16xi32> -> vector<16xf32>
        %parallel_loop3A_1523 = arith.constant 10 : i32
        %parallel_loop3A_1524 = arith.index_cast %parallel_loop3A_1523 : i32 to index
        %parallel_loop3A_1525 = arith.constant 0 : index
        %parallel_loop3A_1526 = tpu.vector_load %arg17[%parallel_loop3A_1524, %parallel_loop3A_1525] {strides = array<i32>} : memref<14x32xf32, #tpu.memory_space<vmem>>, vector<1x16xf32>,
        %parallel_loop3A_1527 = vector.shape_cast %parallel_loop3A_1526 : vector<1x16xf32> to vector<16xf32>
        %parallel_loop3A_1528 = arith.mulf %parallel_loop3A_1527, %parallel_loop3A_1522 : vector<16xf32>
        %parallel_loop3A_1529 = arith.constant 10 : i32
        %parallel_loop3A_1530 = arith.index_cast %parallel_loop3A_1529 : i32 to index
        %parallel_loop3A_1531 = arith.constant 0 : index
        %parallel_loop3A_1532 = tpu.vector_load %arg18[%parallel_loop3A_1530, %parallel_loop3A_1531] {strides = array<i32>} : memref<14x32xf32, #tpu.memory_space<vmem>>, vector<1x16xf32>,
        %parallel_loop3A_1533 = vector.shape_cast %parallel_loop3A_1532 : vector<1x16xf32> to vector<16xf32>
        %parallel_loop3A_1534 = arith.addf %parallel_loop3A_1528, %parallel_loop3A_1533 : vector<16xf32>
        %parallel_loop3A_1535 = arith.constant 10 : i32
        %parallel_loop3A_1536 = arith.addi %parallel_loop3A_1120, %parallel_loop3A_1535 : i32
        %parallel_loop3A_1537 = arith.index_cast %parallel_loop3A_1536 : i32 to index
        %parallel_loop3A_1538 = arith.constant 0 : index
        %parallel_loop3A_1539 = tpu.vector_load %arg16[%parallel_loop3A_1537, %parallel_loop3A_1538] {strides = array<i32>} : memref<448x32xf32, #tpu.memory_space<vmem>>, vector<1x16xf32>,
        %parallel_loop3A_1540 = vector.shape_cast %parallel_loop3A_1539 : vector<1x16xf32> to vector<16xf32>
        %parallel_loop3A_1541 = vector.shape_cast %parallel_loop3A_1534 : vector<16xf32> to vector<1x16xf32>
        tpu.vector_store %arg16[%parallel_loop3A_1537, %parallel_loop3A_1538], %parallel_loop3A_1541 {strides = array<i32>} : memref<448x32xf32, #tpu.memory_space<vmem>>, vector<1x16xf32>,
        %parallel_loop3A_1542 = arith.constant 10 : i32
        %parallel_loop3A_1543 = arith.index_cast %parallel_loop3A_1542 : i32 to index
        %parallel_loop3A_1544 = arith.constant 16 : index
        %parallel_loop3A_1545 = tpu.vector_load %arg17[%parallel_loop3A_1543, %parallel_loop3A_1544] {strides = array<i32>} : memref<14x32xf32, #tpu.memory_space<vmem>>, vector<1x16xf32>,
        %parallel_loop3A_1546 = vector.shape_cast %parallel_loop3A_1545 : vector<1x16xf32> to vector<16xf32>
        %parallel_loop3A_1547 = arith.mulf %parallel_loop3A_1546, %parallel_loop3A_1522 : vector<16xf32>
        %parallel_loop3A_1548 = arith.constant 10 : i32
        %parallel_loop3A_1549 = arith.index_cast %parallel_loop3A_1548 : i32 to index
        %parallel_loop3A_1550 = arith.constant 16 : index
        %parallel_loop3A_1551 = tpu.vector_load %arg18[%parallel_loop3A_1549, %parallel_loop3A_1550] {strides = array<i32>} : memref<14x32xf32, #tpu.memory_space<vmem>>, vector<1x16xf32>,
        %parallel_loop3A_1552 = vector.shape_cast %parallel_loop3A_1551 : vector<1x16xf32> to vector<16xf32>
        %parallel_loop3A_1553 = arith.addf %parallel_loop3A_1547, %parallel_loop3A_1552 : vector<16xf32>
        %parallel_loop3A_1554 = arith.constant 10 : i32
        %parallel_loop3A_1555 = arith.addi %parallel_loop3A_1120, %parallel_loop3A_1554 : i32
        %parallel_loop3A_1556 = arith.index_cast %parallel_loop3A_1555 : i32 to index
        %parallel_loop3A_1557 = arith.constant 16 : index
        %parallel_loop3A_1558 = tpu.vector_load %arg16[%parallel_loop3A_1556, %parallel_loop3A_1557] {strides = array<i32>} : memref<448x32xf32, #tpu.memory_space<vmem>>, vector<1x16xf32>,
        %parallel_loop3A_1559 = vector.shape_cast %parallel_loop3A_1558 : vector<1x16xf32> to vector<16xf32>
        %parallel_loop3A_1560 = vector.shape_cast %parallel_loop3A_1553 : vector<16xf32> to vector<1x16xf32>
        tpu.vector_store %arg16[%parallel_loop3A_1556, %parallel_loop3A_1557], %parallel_loop3A_1560 {strides = array<i32>} : memref<448x32xf32, #tpu.memory_space<vmem>>, vector<1x16xf32>,
        %parallel_loop3A_1561 = arith.constant 10 : i32
        %parallel_loop3A_1562 = vector.broadcast %parallel_loop3A_1561 : i32 to vector<16x1xi32>
        %parallel_loop3A_1563 = vector.shape_cast %parallel_loop3A_1562 : vector<16x1xi32> to vector<16xi32>
        %parallel_loop3A_1564 = tpu.dynamic_gather %parallel_loop3A_1118[%parallel_loop3A_1563] in [0] : vector<16xf32>, vector<16xi32> -> vector<16xf32>
        %parallel_loop3A_1565 = arith.constant 11 : i32
        %parallel_loop3A_1566 = arith.index_cast %parallel_loop3A_1565 : i32 to index
        %parallel_loop3A_1567 = arith.constant 0 : index
        %parallel_loop3A_1568 = tpu.vector_load %arg17[%parallel_loop3A_1566, %parallel_loop3A_1567] {strides = array<i32>} : memref<14x32xf32, #tpu.memory_space<vmem>>, vector<1x16xf32>,
        %parallel_loop3A_1569 = vector.shape_cast %parallel_loop3A_1568 : vector<1x16xf32> to vector<16xf32>
        %parallel_loop3A_1570 = arith.mulf %parallel_loop3A_1569, %parallel_loop3A_1564 : vector<16xf32>
        %parallel_loop3A_1571 = arith.constant 11 : i32
        %parallel_loop3A_1572 = arith.index_cast %parallel_loop3A_1571 : i32 to index
        %parallel_loop3A_1573 = arith.constant 0 : index
        %parallel_loop3A_1574 = tpu.vector_load %arg18[%parallel_loop3A_1572, %parallel_loop3A_1573] {strides = array<i32>} : memref<14x32xf32, #tpu.memory_space<vmem>>, vector<1x16xf32>,
        %parallel_loop3A_1575 = vector.shape_cast %parallel_loop3A_1574 : vector<1x16xf32> to vector<16xf32>
        %parallel_loop3A_1576 = arith.addf %parallel_loop3A_1570, %parallel_loop3A_1575 : vector<16xf32>
        %parallel_loop3A_1577 = arith.constant 11 : i32
        %parallel_loop3A_1578 = arith.addi %parallel_loop3A_1120, %parallel_loop3A_1577 : i32
        %parallel_loop3A_1579 = arith.index_cast %parallel_loop3A_1578 : i32 to index
        %parallel_loop3A_1580 = arith.constant 0 : index
        %parallel_loop3A_1581 = tpu.vector_load %arg16[%parallel_loop3A_1579, %parallel_loop3A_1580] {strides = array<i32>} : memref<448x32xf32, #tpu.memory_space<vmem>>, vector<1x16xf32>,
        %parallel_loop3A_1582 = vector.shape_cast %parallel_loop3A_1581 : vector<1x16xf32> to vector<16xf32>
        %parallel_loop3A_1583 = vector.shape_cast %parallel_loop3A_1576 : vector<16xf32> to vector<1x16xf32>
        tpu.vector_store %arg16[%parallel_loop3A_1579, %parallel_loop3A_1580], %parallel_loop3A_1583 {strides = array<i32>} : memref<448x32xf32, #tpu.memory_space<vmem>>, vector<1x16xf32>,
        %parallel_loop3A_1584 = arith.constant 11 : i32
        %parallel_loop3A_1585 = arith.index_cast %parallel_loop3A_1584 : i32 to index
        %parallel_loop3A_1586 = arith.constant 16 : index
        %parallel_loop3A_1587 = tpu.vector_load %arg17[%parallel_loop3A_1585, %parallel_loop3A_1586] {strides = array<i32>} : memref<14x32xf32, #tpu.memory_space<vmem>>, vector<1x16xf32>,
        %parallel_loop3A_1588 = vector.shape_cast %parallel_loop3A_1587 : vector<1x16xf32> to vector<16xf32>
        %parallel_loop3A_1589 = arith.mulf %parallel_loop3A_1588, %parallel_loop3A_1564 : vector<16xf32>
        %parallel_loop3A_1590 = arith.constant 11 : i32
        %parallel_loop3A_1591 = arith.index_cast %parallel_loop3A_1590 : i32 to index
        %parallel_loop3A_1592 = arith.constant 16 : index
        %parallel_loop3A_1593 = tpu.vector_load %arg18[%parallel_loop3A_1591, %parallel_loop3A_1592] {strides = array<i32>} : memref<14x32xf32, #tpu.memory_space<vmem>>, vector<1x16xf32>,
        %parallel_loop3A_1594 = vector.shape_cast %parallel_loop3A_1593 : vector<1x16xf32> to vector<16xf32>
        %parallel_loop3A_1595 = arith.addf %parallel_loop3A_1589, %parallel_loop3A_1594 : vector<16xf32>
        %parallel_loop3A_1596 = arith.constant 11 : i32
        %parallel_loop3A_1597 = arith.addi %parallel_loop3A_1120, %parallel_loop3A_1596 : i32
        %parallel_loop3A_1598 = arith.index_cast %parallel_loop3A_1597 : i32 to index
        %parallel_loop3A_1599 = arith.constant 16 : index
        %parallel_loop3A_1600 = tpu.vector_load %arg16[%parallel_loop3A_1598, %parallel_loop3A_1599] {strides = array<i32>} : memref<448x32xf32, #tpu.memory_space<vmem>>, vector<1x16xf32>,
        %parallel_loop3A_1601 = vector.shape_cast %parallel_loop3A_1600 : vector<1x16xf32> to vector<16xf32>
        %parallel_loop3A_1602 = vector.shape_cast %parallel_loop3A_1595 : vector<16xf32> to vector<1x16xf32>
        tpu.vector_store %arg16[%parallel_loop3A_1598, %parallel_loop3A_1599], %parallel_loop3A_1602 {strides = array<i32>} : memref<448x32xf32, #tpu.memory_space<vmem>>, vector<1x16xf32>,
        %parallel_loop3A_1603 = arith.constant 11 : i32
        %parallel_loop3A_1604 = vector.broadcast %parallel_loop3A_1603 : i32 to vector<16x1xi32>
        %parallel_loop3A_1605 = vector.shape_cast %parallel_loop3A_1604 : vector<16x1xi32> to vector<16xi32>
        %parallel_loop3A_1606 = tpu.dynamic_gather %parallel_loop3A_1118[%parallel_loop3A_1605] in [0] : vector<16xf32>, vector<16xi32> -> vector<16xf32>
        %parallel_loop3A_1607 = arith.constant 12 : i32
        %parallel_loop3A_1608 = arith.index_cast %parallel_loop3A_1607 : i32 to index
        %parallel_loop3A_1609 = arith.constant 0 : index
        %parallel_loop3A_1610 = tpu.vector_load %arg17[%parallel_loop3A_1608, %parallel_loop3A_1609] {strides = array<i32>} : memref<14x32xf32, #tpu.memory_space<vmem>>, vector<1x16xf32>,
        %parallel_loop3A_1611 = vector.shape_cast %parallel_loop3A_1610 : vector<1x16xf32> to vector<16xf32>
        %parallel_loop3A_1612 = arith.mulf %parallel_loop3A_1611, %parallel_loop3A_1606 : vector<16xf32>
        %parallel_loop3A_1613 = arith.constant 12 : i32
        %parallel_loop3A_1614 = arith.index_cast %parallel_loop3A_1613 : i32 to index
        %parallel_loop3A_1615 = arith.constant 0 : index
        %parallel_loop3A_1616 = tpu.vector_load %arg18[%parallel_loop3A_1614, %parallel_loop3A_1615] {strides = array<i32>} : memref<14x32xf32, #tpu.memory_space<vmem>>, vector<1x16xf32>,
        %parallel_loop3A_1617 = vector.shape_cast %parallel_loop3A_1616 : vector<1x16xf32> to vector<16xf32>
        %parallel_loop3A_1618 = arith.addf %parallel_loop3A_1612, %parallel_loop3A_1617 : vector<16xf32>
        %parallel_loop3A_1619 = arith.constant 12 : i32
        %parallel_loop3A_1620 = arith.addi %parallel_loop3A_1120, %parallel_loop3A_1619 : i32
        %parallel_loop3A_1621 = arith.index_cast %parallel_loop3A_1620 : i32 to index
        %parallel_loop3A_1622 = arith.constant 0 : index
        %parallel_loop3A_1623 = tpu.vector_load %arg16[%parallel_loop3A_1621, %parallel_loop3A_1622] {strides = array<i32>} : memref<448x32xf32, #tpu.memory_space<vmem>>, vector<1x16xf32>,
        %parallel_loop3A_1624 = vector.shape_cast %parallel_loop3A_1623 : vector<1x16xf32> to vector<16xf32>
        %parallel_loop3A_1625 = vector.shape_cast %parallel_loop3A_1618 : vector<16xf32> to vector<1x16xf32>
        tpu.vector_store %arg16[%parallel_loop3A_1621, %parallel_loop3A_1622], %parallel_loop3A_1625 {strides = array<i32>} : memref<448x32xf32, #tpu.memory_space<vmem>>, vector<1x16xf32>,
        %parallel_loop3A_1626 = arith.constant 12 : i32
        %parallel_loop3A_1627 = arith.index_cast %parallel_loop3A_1626 : i32 to index
        %parallel_loop3A_1628 = arith.constant 16 : index
        %parallel_loop3A_1629 = tpu.vector_load %arg17[%parallel_loop3A_1627, %parallel_loop3A_1628] {strides = array<i32>} : memref<14x32xf32, #tpu.memory_space<vmem>>, vector<1x16xf32>,
        %parallel_loop3A_1630 = vector.shape_cast %parallel_loop3A_1629 : vector<1x16xf32> to vector<16xf32>
        %parallel_loop3A_1631 = arith.mulf %parallel_loop3A_1630, %parallel_loop3A_1606 : vector<16xf32>
        %parallel_loop3A_1632 = arith.constant 12 : i32
        %parallel_loop3A_1633 = arith.index_cast %parallel_loop3A_1632 : i32 to index
        %parallel_loop3A_1634 = arith.constant 16 : index
        %parallel_loop3A_1635 = tpu.vector_load %arg18[%parallel_loop3A_1633, %parallel_loop3A_1634] {strides = array<i32>} : memref<14x32xf32, #tpu.memory_space<vmem>>, vector<1x16xf32>,
        %parallel_loop3A_1636 = vector.shape_cast %parallel_loop3A_1635 : vector<1x16xf32> to vector<16xf32>
        %parallel_loop3A_1637 = arith.addf %parallel_loop3A_1631, %parallel_loop3A_1636 : vector<16xf32>
        %parallel_loop3A_1638 = arith.constant 12 : i32
        %parallel_loop3A_1639 = arith.addi %parallel_loop3A_1120, %parallel_loop3A_1638 : i32
        %parallel_loop3A_1640 = arith.index_cast %parallel_loop3A_1639 : i32 to index
        %parallel_loop3A_1641 = arith.constant 16 : index
        %parallel_loop3A_1642 = tpu.vector_load %arg16[%parallel_loop3A_1640, %parallel_loop3A_1641] {strides = array<i32>} : memref<448x32xf32, #tpu.memory_space<vmem>>, vector<1x16xf32>,
        %parallel_loop3A_1643 = vector.shape_cast %parallel_loop3A_1642 : vector<1x16xf32> to vector<16xf32>
        %parallel_loop3A_1644 = vector.shape_cast %parallel_loop3A_1637 : vector<16xf32> to vector<1x16xf32>
        tpu.vector_store %arg16[%parallel_loop3A_1640, %parallel_loop3A_1641], %parallel_loop3A_1644 {strides = array<i32>} : memref<448x32xf32, #tpu.memory_space<vmem>>, vector<1x16xf32>,
        %parallel_loop3A_1645 = arith.constant 12 : i32
        %parallel_loop3A_1646 = vector.broadcast %parallel_loop3A_1645 : i32 to vector<16x1xi32>
        %parallel_loop3A_1647 = vector.shape_cast %parallel_loop3A_1646 : vector<16x1xi32> to vector<16xi32>
        %parallel_loop3A_1648 = tpu.dynamic_gather %parallel_loop3A_1118[%parallel_loop3A_1647] in [0] : vector<16xf32>, vector<16xi32> -> vector<16xf32>
        %parallel_loop3A_1649 = arith.constant 13 : i32
        %parallel_loop3A_1650 = arith.index_cast %parallel_loop3A_1649 : i32 to index
        %parallel_loop3A_1651 = arith.constant 0 : index
        %parallel_loop3A_1652 = tpu.vector_load %arg17[%parallel_loop3A_1650, %parallel_loop3A_1651] {strides = array<i32>} : memref<14x32xf32, #tpu.memory_space<vmem>>, vector<1x16xf32>,
        %parallel_loop3A_1653 = vector.shape_cast %parallel_loop3A_1652 : vector<1x16xf32> to vector<16xf32>
        %parallel_loop3A_1654 = arith.mulf %parallel_loop3A_1653, %parallel_loop3A_1648 : vector<16xf32>
        %parallel_loop3A_1655 = arith.constant 13 : i32
        %parallel_loop3A_1656 = arith.index_cast %parallel_loop3A_1655 : i32 to index
        %parallel_loop3A_1657 = arith.constant 0 : index
        %parallel_loop3A_1658 = tpu.vector_load %arg18[%parallel_loop3A_1656, %parallel_loop3A_1657] {strides = array<i32>} : memref<14x32xf32, #tpu.memory_space<vmem>>, vector<1x16xf32>,
        %parallel_loop3A_1659 = vector.shape_cast %parallel_loop3A_1658 : vector<1x16xf32> to vector<16xf32>
        %parallel_loop3A_1660 = arith.addf %parallel_loop3A_1654, %parallel_loop3A_1659 : vector<16xf32>
        %parallel_loop3A_1661 = arith.constant 13 : i32
        %parallel_loop3A_1662 = arith.addi %parallel_loop3A_1120, %parallel_loop3A_1661 : i32
        %parallel_loop3A_1663 = arith.index_cast %parallel_loop3A_1662 : i32 to index
        %parallel_loop3A_1664 = arith.constant 0 : index
        %parallel_loop3A_1665 = tpu.vector_load %arg16[%parallel_loop3A_1663, %parallel_loop3A_1664] {strides = array<i32>} : memref<448x32xf32, #tpu.memory_space<vmem>>, vector<1x16xf32>,
        %parallel_loop3A_1666 = vector.shape_cast %parallel_loop3A_1665 : vector<1x16xf32> to vector<16xf32>
        %parallel_loop3A_1667 = vector.shape_cast %parallel_loop3A_1660 : vector<16xf32> to vector<1x16xf32>
        tpu.vector_store %arg16[%parallel_loop3A_1663, %parallel_loop3A_1664], %parallel_loop3A_1667 {strides = array<i32>} : memref<448x32xf32, #tpu.memory_space<vmem>>, vector<1x16xf32>,
        %parallel_loop3A_1668 = arith.constant 13 : i32
        %parallel_loop3A_1669 = arith.index_cast %parallel_loop3A_1668 : i32 to index
        %parallel_loop3A_1670 = arith.constant 16 : index
        %parallel_loop3A_1671 = tpu.vector_load %arg17[%parallel_loop3A_1669, %parallel_loop3A_1670] {strides = array<i32>} : memref<14x32xf32, #tpu.memory_space<vmem>>, vector<1x16xf32>,
        %parallel_loop3A_1672 = vector.shape_cast %parallel_loop3A_1671 : vector<1x16xf32> to vector<16xf32>
        %parallel_loop3A_1673 = arith.mulf %parallel_loop3A_1672, %parallel_loop3A_1648 : vector<16xf32>
        %parallel_loop3A_1674 = arith.constant 13 : i32
        %parallel_loop3A_1675 = arith.index_cast %parallel_loop3A_1674 : i32 to index
        %parallel_loop3A_1676 = arith.constant 16 : index
        %parallel_loop3A_1677 = tpu.vector_load %arg18[%parallel_loop3A_1675, %parallel_loop3A_1676] {strides = array<i32>} : memref<14x32xf32, #tpu.memory_space<vmem>>, vector<1x16xf32>,
        %parallel_loop3A_1678 = vector.shape_cast %parallel_loop3A_1677 : vector<1x16xf32> to vector<16xf32>
        %parallel_loop3A_1679 = arith.addf %parallel_loop3A_1673, %parallel_loop3A_1678 : vector<16xf32>
        %parallel_loop3A_1680 = arith.constant 13 : i32
        %parallel_loop3A_1681 = arith.addi %parallel_loop3A_1120, %parallel_loop3A_1680 : i32
        %parallel_loop3A_1682 = arith.index_cast %parallel_loop3A_1681 : i32 to index
        %parallel_loop3A_1683 = arith.constant 16 : index
        %parallel_loop3A_1684 = tpu.vector_load %arg16[%parallel_loop3A_1682, %parallel_loop3A_1683] {strides = array<i32>} : memref<448x32xf32, #tpu.memory_space<vmem>>, vector<1x16xf32>,
        %parallel_loop3A_1685 = vector.shape_cast %parallel_loop3A_1684 : vector<1x16xf32> to vector<16xf32>
        %parallel_loop3A_1686 = vector.shape_cast %parallel_loop3A_1679 : vector<16xf32> to vector<1x16xf32>
        tpu.vector_store %arg16[%parallel_loop3A_1682, %parallel_loop3A_1683], %parallel_loop3A_1686 {strides = array<i32>} : memref<448x32xf32, #tpu.memory_space<vmem>>, vector<1x16xf32>,
      } {sc.loop_unroll_factor = 2 : i64, sc.parallel_access}
      %dma_start3A_960 = arith.constant 0 : i32
      %dma_start3A_961 = arith.constant 0 : i32
      %dma_start3A_962 = arith.constant 0 : i32
      %dma_start3A_963 = tpu.memref_slice %arg16[%dma_start3A_961, %dma_start3A_962] : memref<448x32xf32, #tpu.memory_space<vmem>> -> memref<112x32xf32, #tpu.memory_space<vmem>>
      %dma_start3A_964 = arith.constant 0 : i32
      %dma_start3A_965 = tpu.memref_slice %arg22[%dma_start3A_960, %dma_start3A_964] : memref<4x112xi32, #tpu.memory_space<vmem>> -> memref<1x112xi32, #tpu.memory_space<vmem>>
      %dma_start3A_966 = tpu.memref_squeeze %dma_start3A_965 : memref<1x112xi32, #tpu.memory_space<vmem>> -> memref<112xi32, #tpu.memory_space<vmem>>
      %dma_start3A_967 = arith.constant 0 : i32
      %dma_start3A_968 = tpu.memref_slice %arg11[%mul3A_24, %dma_start3A_967] : memref<655360x32xf32, #tpu.memory_space<hbm>> -> memref<1280x32xf32, #tpu.memory_space<hbm>>
      %dma_start3A_969 = arith.constant 0 : i32
      %dma_start3A_970 = arith.constant 0 : i32
      %dma_start3A_971 = tpu.memref_slice %dma_start3A_968[%dma_start3A_969, %dma_start3A_970] : memref<1280x32xf32, #tpu.memory_space<hbm>> -> memref<1280x32xf32, #tpu.memory_space<hbm>>
      tpu.enqueue_indirect_dma source(%dma_start3A_963 : memref<112x32xf32, #tpu.memory_space<vmem>>) target(%dma_start3A_971 : memref<1280x32xf32, #tpu.memory_space<hbm>>) offsets(%dma_start3A_966 : memref<112xi32, #tpu.memory_space<vmem>>) semaphore(%arg25 : memref<!tpu.dma_semaphore, #tpu.memory_space<semaphore_mem>>)
      %dma_start3A_972 = arith.constant 1 : i32
      %dma_start3A_973 = arith.constant 112 : i32
      %dma_start3A_974 = arith.constant 0 : i32
      %dma_start3A_975 = tpu.memref_slice %arg16[%dma_start3A_973, %dma_start3A_974] : memref<448x32xf32, #tpu.memory_space<vmem>> -> memref<112x32xf32, #tpu.memory_space<vmem>>
      %dma_start3A_976 = arith.constant 0 : i32
      %dma_start3A_977 = tpu.memref_slice %arg22[%dma_start3A_972, %dma_start3A_976] : memref<4x112xi32, #tpu.memory_space<vmem>> -> memref<1x112xi32, #tpu.memory_space<vmem>>
      %dma_start3A_978 = tpu.memref_squeeze %dma_start3A_977 : memref<1x112xi32, #tpu.memory_space<vmem>> -> memref<112xi32, #tpu.memory_space<vmem>>
      %dma_start3A_979 = arith.constant 0 : i32
      %dma_start3A_980 = tpu.memref_slice %arg11[%mul3A_24, %dma_start3A_979] : memref<655360x32xf32, #tpu.memory_space<hbm>> -> memref<1280x32xf32, #tpu.memory_space<hbm>>
      %dma_start3A_981 = arith.constant 0 : i32
      %dma_start3A_982 = arith.constant 0 : i32
      %dma_start3A_983 = tpu.memref_slice %dma_start3A_980[%dma_start3A_981, %dma_start3A_982] : memref<1280x32xf32, #tpu.memory_space<hbm>> -> memref<1280x32xf32, #tpu.memory_space<hbm>>
      tpu.enqueue_indirect_dma source(%dma_start3A_975 : memref<112x32xf32, #tpu.memory_space<vmem>>) target(%dma_start3A_983 : memref<1280x32xf32, #tpu.memory_space<hbm>>) offsets(%dma_start3A_978 : memref<112xi32, #tpu.memory_space<vmem>>) semaphore(%arg25 : memref<!tpu.dma_semaphore, #tpu.memory_space<semaphore_mem>>)
      %dma_start3A_984 = arith.constant 2 : i32
      %dma_start3A_985 = arith.constant 224 : i32
      %dma_start3A_986 = arith.constant 0 : i32
      %dma_start3A_987 = tpu.memref_slice %arg16[%dma_start3A_985, %dma_start3A_986] : memref<448x32xf32, #tpu.memory_space<vmem>> -> memref<112x32xf32, #tpu.memory_space<vmem>>
      %dma_start3A_988 = arith.constant 0 : i32
      %dma_start3A_989 = tpu.memref_slice %arg22[%dma_start3A_984, %dma_start3A_988] : memref<4x112xi32, #tpu.memory_space<vmem>> -> memref<1x112xi32, #tpu.memory_space<vmem>>
      %dma_start3A_990 = tpu.memref_squeeze %dma_start3A_989 : memref<1x112xi32, #tpu.memory_space<vmem>> -> memref<112xi32, #tpu.memory_space<vmem>>
      %dma_start3A_991 = arith.constant 0 : i32
      %dma_start3A_992 = tpu.memref_slice %arg11[%mul3A_24, %dma_start3A_991] : memref<655360x32xf32, #tpu.memory_space<hbm>> -> memref<1280x32xf32, #tpu.memory_space<hbm>>
      %dma_start3A_993 = arith.constant 0 : i32
      %dma_start3A_994 = arith.constant 0 : i32
      %dma_start3A_995 = tpu.memref_slice %dma_start3A_992[%dma_start3A_993, %dma_start3A_994] : memref<1280x32xf32, #tpu.memory_space<hbm>> -> memref<1280x32xf32, #tpu.memory_space<hbm>>
      tpu.enqueue_indirect_dma source(%dma_start3A_987 : memref<112x32xf32, #tpu.memory_space<vmem>>) target(%dma_start3A_995 : memref<1280x32xf32, #tpu.memory_space<hbm>>) offsets(%dma_start3A_990 : memref<112xi32, #tpu.memory_space<vmem>>) semaphore(%arg25 : memref<!tpu.dma_semaphore, #tpu.memory_space<semaphore_mem>>)
      %dma_start3A_996 = arith.constant 3 : i32
      %dma_start3A_997 = arith.constant 336 : i32
      %dma_start3A_998 = arith.constant 0 : i32
      %dma_start3A_999 = tpu.memref_slice %arg16[%dma_start3A_997, %dma_start3A_998] : memref<448x32xf32, #tpu.memory_space<vmem>> -> memref<112x32xf32, #tpu.memory_space<vmem>>
      %dma_start3A_1000 = arith.constant 0 : i32
      %dma_start3A_1001 = tpu.memref_slice %arg22[%dma_start3A_996, %dma_start3A_1000] : memref<4x112xi32, #tpu.memory_space<vmem>> -> memref<1x112xi32, #tpu.memory_space<vmem>>
      %dma_start3A_1002 = tpu.memref_squeeze %dma_start3A_1001 : memref<1x112xi32, #tpu.memory_space<vmem>> -> memref<112xi32, #tpu.memory_space<vmem>>
      %dma_start3A_1003 = arith.constant 0 : i32
      %dma_start3A_1004 = tpu.memref_slice %arg11[%mul3A_24, %dma_start3A_1003] : memref<655360x32xf32, #tpu.memory_space<hbm>> -> memref<1280x32xf32, #tpu.memory_space<hbm>>
      %dma_start3A_1005 = arith.constant 0 : i32
      %dma_start3A_1006 = arith.constant 0 : i32
      %dma_start3A_1007 = tpu.memref_slice %dma_start3A_1004[%dma_start3A_1005, %dma_start3A_1006] : memref<1280x32xf32, #tpu.memory_space<hbm>> -> memref<1280x32xf32, #tpu.memory_space<hbm>>
      tpu.enqueue_indirect_dma source(%dma_start3A_999 : memref<112x32xf32, #tpu.memory_space<vmem>>) target(%dma_start3A_1007 : memref<1280x32xf32, #tpu.memory_space<hbm>>) offsets(%dma_start3A_1002 : memref<112xi32, #tpu.memory_space<vmem>>) semaphore(%arg25 : memref<!tpu.dma_semaphore, #tpu.memory_space<semaphore_mem>>)
      %dma_wait3A_1008 = arith.constant 0 : i32
      %dma_wait3A_1009 = arith.constant 0 : i32
      %dma_wait3A_1010 = tpu.memref_slice %arg4[%dma_wait3A_1008, %dma_wait3A_1009] : memref<1000064x32xf32, #tpu.memory_space<hbm>> -> memref<832x32xf32, #tpu.memory_space<hbm>>
      %dma_wait3A_1011 = arith.constant 0 : i32
      %dma_wait3A_1012 = arith.constant 0 : i32
      %dma_wait3A_1013 = tpu.memref_slice %arg4[%dma_wait3A_1011, %dma_wait3A_1012] : memref<1000064x32xf32, #tpu.memory_space<hbm>> -> memref<832x32xf32, #tpu.memory_space<hbm>>
      tpu.wait_dma2 semaphore(%arg24 : memref<!tpu.dma_semaphore, #tpu.memory_space<semaphore_mem>>) src(%dma_wait3A_1013 : memref<832x32xf32, #tpu.memory_space<hbm>>) dst(%arg15 : memref<832x32xf32, #tpu.memory_space<vmem>>)
      %parallel_loop3A_1014 = arith.constant 0 : i32
      %parallel_loop3A_1015 = arith.constant 832 : i32
      %parallel_loop3A_1016 = arith.constant 1 : i32
      scf.for %parallel_loop3A_1113 = %parallel_loop3A_1014 to %parallel_loop3A_1015 step %parallel_loop3A_1016  : i32 {
        %parallel_loop3A_1114 = arith.index_cast %parallel_loop3A_1113 : i32 to index
        %parallel_loop3A_1115 = arith.constant 0 : index
        %parallel_loop3A_1116 = tpu.vector_load %arg15[%parallel_loop3A_1114, %parallel_loop3A_1115] {strides = array<i32>} : memref<832x32xf32, #tpu.memory_space<vmem>>, vector<1x16xf32>,
        %parallel_loop3A_1117 = vector.shape_cast %parallel_loop3A_1116 : vector<1x16xf32> to vector<16xf32>
        %parallel_loop3A_1118 = arith.index_cast %parallel_loop3A_1113 : i32 to index
        %parallel_loop3A_1119 = arith.constant 0 : index
        %parallel_loop3A_1120 = tpu.vector_load %arg19[%parallel_loop3A_1118, %parallel_loop3A_1119] {strides = array<i32>} : memref<832x32xf32, #tpu.memory_space<vmem>>, vector<1x16xf32>,
        %parallel_loop3A_1121 = vector.shape_cast %parallel_loop3A_1120 : vector<1x16xf32> to vector<16xf32>
        %parallel_loop3A_1122 = arith.addf %parallel_loop3A_1117, %parallel_loop3A_1121 : vector<16xf32>
        %parallel_loop3A_1123 = arith.index_cast %parallel_loop3A_1113 : i32 to index
        %parallel_loop3A_1124 = arith.constant 0 : index
        %parallel_loop3A_1125 = tpu.vector_load %arg15[%parallel_loop3A_1123, %parallel_loop3A_1124] {strides = array<i32>} : memref<832x32xf32, #tpu.memory_space<vmem>>, vector<1x16xf32>,
        %parallel_loop3A_1126 = vector.shape_cast %parallel_loop3A_1125 : vector<1x16xf32> to vector<16xf32>
        %parallel_loop3A_1127 = vector.shape_cast %parallel_loop3A_1122 : vector<16xf32> to vector<1x16xf32>
        tpu.vector_store %arg15[%parallel_loop3A_1123, %parallel_loop3A_1124], %parallel_loop3A_1127 {strides = array<i32>} : memref<832x32xf32, #tpu.memory_space<vmem>>, vector<1x16xf32>,
        %parallel_loop3A_1128 = arith.index_cast %parallel_loop3A_1113 : i32 to index
        %parallel_loop3A_1129 = arith.constant 16 : index
        %parallel_loop3A_1130 = tpu.vector_load %arg15[%parallel_loop3A_1128, %parallel_loop3A_1129] {strides = array<i32>} : memref<832x32xf32, #tpu.memory_space<vmem>>, vector<1x16xf32>,
        %parallel_loop3A_1131 = vector.shape_cast %parallel_loop3A_1130 : vector<1x16xf32> to vector<16xf32>
        %parallel_loop3A_1132 = arith.index_cast %parallel_loop3A_1113 : i32 to index
        %parallel_loop3A_1133 = arith.constant 16 : index
        %parallel_loop3A_1134 = tpu.vector_load %arg19[%parallel_loop3A_1132, %parallel_loop3A_1133] {strides = array<i32>} : memref<832x32xf32, #tpu.memory_space<vmem>>, vector<1x16xf32>,
        %parallel_loop3A_1135 = vector.shape_cast %parallel_loop3A_1134 : vector<1x16xf32> to vector<16xf32>
        %parallel_loop3A_1136 = arith.addf %parallel_loop3A_1131, %parallel_loop3A_1135 : vector<16xf32>
        %parallel_loop3A_1137 = arith.index_cast %parallel_loop3A_1113 : i32 to index
        %parallel_loop3A_1138 = arith.constant 16 : index
        %parallel_loop3A_1139 = tpu.vector_load %arg15[%parallel_loop3A_1137, %parallel_loop3A_1138] {strides = array<i32>} : memref<832x32xf32, #tpu.memory_space<vmem>>, vector<1x16xf32>,
        %parallel_loop3A_1140 = vector.shape_cast %parallel_loop3A_1139 : vector<1x16xf32> to vector<16xf32>
        %parallel_loop3A_1141 = vector.shape_cast %parallel_loop3A_1136 : vector<16xf32> to vector<1x16xf32>
        tpu.vector_store %arg15[%parallel_loop3A_1137, %parallel_loop3A_1138], %parallel_loop3A_1141 {strides = array<i32>} : memref<832x32xf32, #tpu.memory_space<vmem>>, vector<1x16xf32>,
      } {sc.loop_unroll_factor = 8 : i64, sc.parallel_access}
      %dma_start3A_1017 = arith.constant 0 : i32
      %dma_start3A_1018 = arith.constant 0 : i32
      %dma_start3A_1019 = arith.constant 0 : i32
      %dma_start3A_1020 = tpu.memref_slice %arg15[%dma_start3A_1018, %dma_start3A_1019] : memref<832x32xf32, #tpu.memory_space<vmem>> -> memref<104x32xf32, #tpu.memory_space<vmem>>
      %dma_start3A_1021 = arith.constant 0 : i32
      %dma_start3A_1022 = tpu.memref_slice %arg21[%dma_start3A_1017, %dma_start3A_1021] : memref<8x104xi32, #tpu.memory_space<vmem>> -> memref<1x104xi32, #tpu.memory_space<vmem>>
      %dma_start3A_1023 = tpu.memref_squeeze %dma_start3A_1022 : memref<1x104xi32, #tpu.memory_space<vmem>> -> memref<104xi32, #tpu.memory_space<vmem>>
      %dma_start3A_1024 = arith.constant 0 : i32
      %dma_start3A_1025 = tpu.memref_slice %arg11[%mul3A_24, %dma_start3A_1024] : memref<655360x32xf32, #tpu.memory_space<hbm>> -> memref<1280x32xf32, #tpu.memory_space<hbm>>
      %dma_start3A_1026 = arith.constant 0 : i32
      %dma_start3A_1027 = arith.constant 0 : i32
      %dma_start3A_1028 = tpu.memref_slice %dma_start3A_1025[%dma_start3A_1026, %dma_start3A_1027] : memref<1280x32xf32, #tpu.memory_space<hbm>> -> memref<1280x32xf32, #tpu.memory_space<hbm>>
      tpu.enqueue_indirect_dma source(%dma_start3A_1020 : memref<104x32xf32, #tpu.memory_space<vmem>>) target(%dma_start3A_1028 : memref<1280x32xf32, #tpu.memory_space<hbm>>) offsets(%dma_start3A_1023 : memref<104xi32, #tpu.memory_space<vmem>>) semaphore(%arg25 : memref<!tpu.dma_semaphore, #tpu.memory_space<semaphore_mem>>)
      %dma_start3A_1029 = arith.constant 1 : i32
      %dma_start3A_1030 = arith.constant 104 : i32
      %dma_start3A_1031 = arith.constant 0 : i32
      %dma_start3A_1032 = tpu.memref_slice %arg15[%dma_start3A_1030, %dma_start3A_1031] : memref<832x32xf32, #tpu.memory_space<vmem>> -> memref<104x32xf32, #tpu.memory_space<vmem>>
      %dma_start3A_1033 = arith.constant 0 : i32
      %dma_start3A_1034 = tpu.memref_slice %arg21[%dma_start3A_1029, %dma_start3A_1033] : memref<8x104xi32, #tpu.memory_space<vmem>> -> memref<1x104xi32, #tpu.memory_space<vmem>>
      %dma_start3A_1035 = tpu.memref_squeeze %dma_start3A_1034 : memref<1x104xi32, #tpu.memory_space<vmem>> -> memref<104xi32, #tpu.memory_space<vmem>>
      %dma_start3A_1036 = arith.constant 0 : i32
      %dma_start3A_1037 = tpu.memref_slice %arg11[%mul3A_24, %dma_start3A_1036] : memref<655360x32xf32, #tpu.memory_space<hbm>> -> memref<1280x32xf32, #tpu.memory_space<hbm>>
      %dma_start3A_1038 = arith.constant 0 : i32
      %dma_start3A_1039 = arith.constant 0 : i32
      %dma_start3A_1040 = tpu.memref_slice %dma_start3A_1037[%dma_start3A_1038, %dma_start3A_1039] : memref<1280x32xf32, #tpu.memory_space<hbm>> -> memref<1280x32xf32, #tpu.memory_space<hbm>>
      tpu.enqueue_indirect_dma source(%dma_start3A_1032 : memref<104x32xf32, #tpu.memory_space<vmem>>) target(%dma_start3A_1040 : memref<1280x32xf32, #tpu.memory_space<hbm>>) offsets(%dma_start3A_1035 : memref<104xi32, #tpu.memory_space<vmem>>) semaphore(%arg25 : memref<!tpu.dma_semaphore, #tpu.memory_space<semaphore_mem>>)
      %dma_start3A_1041 = arith.constant 2 : i32
      %dma_start3A_1042 = arith.constant 208 : i32
      %dma_start3A_1043 = arith.constant 0 : i32
      %dma_start3A_1044 = tpu.memref_slice %arg15[%dma_start3A_1042, %dma_start3A_1043] : memref<832x32xf32, #tpu.memory_space<vmem>> -> memref<104x32xf32, #tpu.memory_space<vmem>>
      %dma_start3A_1045 = arith.constant 0 : i32
      %dma_start3A_1046 = tpu.memref_slice %arg21[%dma_start3A_1041, %dma_start3A_1045] : memref<8x104xi32, #tpu.memory_space<vmem>> -> memref<1x104xi32, #tpu.memory_space<vmem>>
      %dma_start3A_1047 = tpu.memref_squeeze %dma_start3A_1046 : memref<1x104xi32, #tpu.memory_space<vmem>> -> memref<104xi32, #tpu.memory_space<vmem>>
      %dma_start3A_1048 = arith.constant 0 : i32
      %dma_start3A_1049 = tpu.memref_slice %arg11[%mul3A_24, %dma_start3A_1048] : memref<655360x32xf32, #tpu.memory_space<hbm>> -> memref<1280x32xf32, #tpu.memory_space<hbm>>
      %dma_start3A_1050 = arith.constant 0 : i32
      %dma_start3A_1051 = arith.constant 0 : i32
      %dma_start3A_1052 = tpu.memref_slice %dma_start3A_1049[%dma_start3A_1050, %dma_start3A_1051] : memref<1280x32xf32, #tpu.memory_space<hbm>> -> memref<1280x32xf32, #tpu.memory_space<hbm>>
      tpu.enqueue_indirect_dma source(%dma_start3A_1044 : memref<104x32xf32, #tpu.memory_space<vmem>>) target(%dma_start3A_1052 : memref<1280x32xf32, #tpu.memory_space<hbm>>) offsets(%dma_start3A_1047 : memref<104xi32, #tpu.memory_space<vmem>>) semaphore(%arg25 : memref<!tpu.dma_semaphore, #tpu.memory_space<semaphore_mem>>)
      %dma_start3A_1053 = arith.constant 3 : i32
      %dma_start3A_1054 = arith.constant 312 : i32
      %dma_start3A_1055 = arith.constant 0 : i32
      %dma_start3A_1056 = tpu.memref_slice %arg15[%dma_start3A_1054, %dma_start3A_1055] : memref<832x32xf32, #tpu.memory_space<vmem>> -> memref<104x32xf32, #tpu.memory_space<vmem>>
      %dma_start3A_1057 = arith.constant 0 : i32
      %dma_start3A_1058 = tpu.memref_slice %arg21[%dma_start3A_1053, %dma_start3A_1057] : memref<8x104xi32, #tpu.memory_space<vmem>> -> memref<1x104xi32, #tpu.memory_space<vmem>>
      %dma_start3A_1059 = tpu.memref_squeeze %dma_start3A_1058 : memref<1x104xi32, #tpu.memory_space<vmem>> -> memref<104xi32, #tpu.memory_space<vmem>>
      %dma_start3A_1060 = arith.constant 0 : i32
      %dma_start3A_1061 = tpu.memref_slice %arg11[%mul3A_24, %dma_start3A_1060] : memref<655360x32xf32, #tpu.memory_space<hbm>> -> memref<1280x32xf32, #tpu.memory_space<hbm>>
      %dma_start3A_1062 = arith.constant 0 : i32
      %dma_start3A_1063 = arith.constant 0 : i32
      %dma_start3A_1064 = tpu.memref_slice %dma_start3A_1061[%dma_start3A_1062, %dma_start3A_1063] : memref<1280x32xf32, #tpu.memory_space<hbm>> -> memref<1280x32xf32, #tpu.memory_space<hbm>>
      tpu.enqueue_indirect_dma source(%dma_start3A_1056 : memref<104x32xf32, #tpu.memory_space<vmem>>) target(%dma_start3A_1064 : memref<1280x32xf32, #tpu.memory_space<hbm>>) offsets(%dma_start3A_1059 : memref<104xi32, #tpu.memory_space<vmem>>) semaphore(%arg25 : memref<!tpu.dma_semaphore, #tpu.memory_space<semaphore_mem>>)
      %dma_start3A_1065 = arith.constant 4 : i32
      %dma_start3A_1066 = arith.constant 416 : i32
      %dma_start3A_1067 = arith.constant 0 : i32
      %dma_start3A_1068 = tpu.memref_slice %arg15[%dma_start3A_1066, %dma_start3A_1067] : memref<832x32xf32, #tpu.memory_space<vmem>> -> memref<104x32xf32, #tpu.memory_space<vmem>>
      %dma_start3A_1069 = arith.constant 0 : i32
      %dma_start3A_1070 = tpu.memref_slice %arg21[%dma_start3A_1065, %dma_start3A_1069] : memref<8x104xi32, #tpu.memory_space<vmem>> -> memref<1x104xi32, #tpu.memory_space<vmem>>
      %dma_start3A_1071 = tpu.memref_squeeze %dma_start3A_1070 : memref<1x104xi32, #tpu.memory_space<vmem>> -> memref<104xi32, #tpu.memory_space<vmem>>
      %dma_start3A_1072 = arith.constant 0 : i32
      %dma_start3A_1073 = tpu.memref_slice %arg11[%mul3A_24, %dma_start3A_1072] : memref<655360x32xf32, #tpu.memory_space<hbm>> -> memref<1280x32xf32, #tpu.memory_space<hbm>>
      %dma_start3A_1074 = arith.constant 0 : i32
      %dma_start3A_1075 = arith.constant 0 : i32
      %dma_start3A_1076 = tpu.memref_slice %dma_start3A_1073[%dma_start3A_1074, %dma_start3A_1075] : memref<1280x32xf32, #tpu.memory_space<hbm>> -> memref<1280x32xf32, #tpu.memory_space<hbm>>
      tpu.enqueue_indirect_dma source(%dma_start3A_1068 : memref<104x32xf32, #tpu.memory_space<vmem>>) target(%dma_start3A_1076 : memref<1280x32xf32, #tpu.memory_space<hbm>>) offsets(%dma_start3A_1071 : memref<104xi32, #tpu.memory_space<vmem>>) semaphore(%arg25 : memref<!tpu.dma_semaphore, #tpu.memory_space<semaphore_mem>>)
      %dma_start3A_1077 = arith.constant 5 : i32
      %dma_start3A_1078 = arith.constant 520 : i32
      %dma_start3A_1079 = arith.constant 0 : i32
      %dma_start3A_1080 = tpu.memref_slice %arg15[%dma_start3A_1078, %dma_start3A_1079] : memref<832x32xf32, #tpu.memory_space<vmem>> -> memref<104x32xf32, #tpu.memory_space<vmem>>
      %dma_start3A_1081 = arith.constant 0 : i32
      %dma_start3A_1082 = tpu.memref_slice %arg21[%dma_start3A_1077, %dma_start3A_1081] : memref<8x104xi32, #tpu.memory_space<vmem>> -> memref<1x104xi32, #tpu.memory_space<vmem>>
      %dma_start3A_1083 = tpu.memref_squeeze %dma_start3A_1082 : memref<1x104xi32, #tpu.memory_space<vmem>> -> memref<104xi32, #tpu.memory_space<vmem>>
      %dma_start3A_1084 = arith.constant 0 : i32
      %dma_start3A_1085 = tpu.memref_slice %arg11[%mul3A_24, %dma_start3A_1084] : memref<655360x32xf32, #tpu.memory_space<hbm>> -> memref<1280x32xf32, #tpu.memory_space<hbm>>
      %dma_start3A_1086 = arith.constant 0 : i32
      %dma_start3A_1087 = arith.constant 0 : i32
      %dma_start3A_1088 = tpu.memref_slice %dma_start3A_1085[%dma_start3A_1086, %dma_start3A_1087] : memref<1280x32xf32, #tpu.memory_space<hbm>> -> memref<1280x32xf32, #tpu.memory_space<hbm>>
      tpu.enqueue_indirect_dma source(%dma_start3A_1080 : memref<104x32xf32, #tpu.memory_space<vmem>>) target(%dma_start3A_1088 : memref<1280x32xf32, #tpu.memory_space<hbm>>) offsets(%dma_start3A_1083 : memref<104xi32, #tpu.memory_space<vmem>>) semaphore(%arg25 : memref<!tpu.dma_semaphore, #tpu.memory_space<semaphore_mem>>)
      %dma_start3A_1089 = arith.constant 6 : i32
      %dma_start3A_1090 = arith.constant 624 : i32
      %dma_start3A_1091 = arith.constant 0 : i32
      %dma_start3A_1092 = tpu.memref_slice %arg15[%dma_start3A_1090, %dma_start3A_1091] : memref<832x32xf32, #tpu.memory_space<vmem>> -> memref<104x32xf32, #tpu.memory_space<vmem>>
      %dma_start3A_1093 = arith.constant 0 : i32
      %dma_start3A_1094 = tpu.memref_slice %arg21[%dma_start3A_1089, %dma_start3A_1093] : memref<8x104xi32, #tpu.memory_space<vmem>> -> memref<1x104xi32, #tpu.memory_space<vmem>>
      %dma_start3A_1095 = tpu.memref_squeeze %dma_start3A_1094 : memref<1x104xi32, #tpu.memory_space<vmem>> -> memref<104xi32, #tpu.memory_space<vmem>>
      %dma_start3A_1096 = arith.constant 0 : i32
      %dma_start3A_1097 = tpu.memref_slice %arg11[%mul3A_24, %dma_start3A_1096] : memref<655360x32xf32, #tpu.memory_space<hbm>> -> memref<1280x32xf32, #tpu.memory_space<hbm>>
      %dma_start3A_1098 = arith.constant 0 : i32
      %dma_start3A_1099 = arith.constant 0 : i32
      %dma_start3A_1100 = tpu.memref_slice %dma_start3A_1097[%dma_start3A_1098, %dma_start3A_1099] : memref<1280x32xf32, #tpu.memory_space<hbm>> -> memref<1280x32xf32, #tpu.memory_space<hbm>>
      tpu.enqueue_indirect_dma source(%dma_start3A_1092 : memref<104x32xf32, #tpu.memory_space<vmem>>) target(%dma_start3A_1100 : memref<1280x32xf32, #tpu.memory_space<hbm>>) offsets(%dma_start3A_1095 : memref<104xi32, #tpu.memory_space<vmem>>) semaphore(%arg25 : memref<!tpu.dma_semaphore, #tpu.memory_space<semaphore_mem>>)
      %dma_start3A_1101 = arith.constant 7 : i32
      %dma_start3A_1102 = arith.constant 728 : i32
      %dma_start3A_1103 = arith.constant 0 : i32
      %dma_start3A_1104 = tpu.memref_slice %arg15[%dma_start3A_1102, %dma_start3A_1103] : memref<832x32xf32, #tpu.memory_space<vmem>> -> memref<104x32xf32, #tpu.memory_space<vmem>>
      %dma_start3A_1105 = arith.constant 0 : i32
      %dma_start3A_1106 = tpu.memref_slice %arg21[%dma_start3A_1101, %dma_start3A_1105] : memref<8x104xi32, #tpu.memory_space<vmem>> -> memref<1x104xi32, #tpu.memory_space<vmem>>
      %dma_start3A_1107 = tpu.memref_squeeze %dma_start3A_1106 : memref<1x104xi32, #tpu.memory_space<vmem>> -> memref<104xi32, #tpu.memory_space<vmem>>
      %dma_start3A_1108 = arith.constant 0 : i32
      %dma_start3A_1109 = tpu.memref_slice %arg11[%mul3A_24, %dma_start3A_1108] : memref<655360x32xf32, #tpu.memory_space<hbm>> -> memref<1280x32xf32, #tpu.memory_space<hbm>>
      %dma_start3A_1110 = arith.constant 0 : i32
      %dma_start3A_1111 = arith.constant 0 : i32
      %dma_start3A_1112 = tpu.memref_slice %dma_start3A_1109[%dma_start3A_1110, %dma_start3A_1111] : memref<1280x32xf32, #tpu.memory_space<hbm>> -> memref<1280x32xf32, #tpu.memory_space<hbm>>
      tpu.enqueue_indirect_dma source(%dma_start3A_1104 : memref<104x32xf32, #tpu.memory_space<vmem>>) target(%dma_start3A_1112 : memref<1280x32xf32, #tpu.memory_space<hbm>>) offsets(%dma_start3A_1107 : memref<104xi32, #tpu.memory_space<vmem>>) semaphore(%arg25 : memref<!tpu.dma_semaphore, #tpu.memory_space<semaphore_mem>>)
    }
    %scan3A_7 = arith.constant 16 : i32
    %dma_wait3A = arith.constant 0 : i32
    %dma_wait3A_8 = arith.constant 0 : i32
    %dma_wait3A_9 = tpu.memref_slice %arg11[%dma_wait3A, %dma_wait3A_8] : memref<655360x32xf32, #tpu.memory_space<hbm>> -> memref<832x32xf32, #tpu.memory_space<hbm>>
    %dma_wait3A_10 = arith.constant 0 : i32
    %dma_wait3A_11 = arith.constant 0 : i32
    %dma_wait3A_12 = tpu.memref_slice %arg11[%dma_wait3A_10, %dma_wait3A_11] : memref<655360x32xf32, #tpu.memory_space<hbm>> -> memref<832x32xf32, #tpu.memory_space<hbm>>
    tpu.wait_dma2 semaphore(%arg25 : memref<!tpu.dma_semaphore, #tpu.memory_space<semaphore_mem>>) src(%arg15 : memref<832x32xf32, #tpu.memory_space<vmem>>) dst(%dma_wait3A_12 : memref<832x32xf32, #tpu.memory_space<hbm>>)
    %dma_wait3A_13 = arith.constant 0 : i32
    %dma_wait3A_14 = arith.constant 0 : i32
    %dma_wait3A_15 = tpu.memref_slice %arg11[%dma_wait3A_13, %dma_wait3A_14] : memref<655360x32xf32, #tpu.memory_space<hbm>> -> memref<448x32xf32, #tpu.memory_space<hbm>>
    %dma_wait3A_16 = arith.constant 0 : i32
    %dma_wait3A_17 = arith.constant 0 : i32
    %dma_wait3A_18 = tpu.memref_slice %arg11[%dma_wait3A_16, %dma_wait3A_17] : memref<655360x32xf32, #tpu.memory_space<hbm>> -> memref<448x32xf32, #tpu.memory_space<hbm>>
    tpu.wait_dma2 semaphore(%arg25 : memref<!tpu.dma_semaphore, #tpu.memory_space<semaphore_mem>>) src(%arg16 : memref<448x32xf32, #tpu.memory_space<vmem>>) dst(%dma_wait3A_18 : memref<448x32xf32, #tpu.memory_space<hbm>>)
    return
  }
}

</mosaic_0001>

<sc_bundles>
// kernel: kernel.4.cloned.1.call-start
scs
__scs_entry_jumppad:
0x0: {  	(pc) =	sbr.rel $0x88, $3  }
0x1: {  	(tag) =	ssettag $0x0;
	lr =	simm.s32 $0x1  }
0x2: {  	[smem:$0x3F9B] =	sst lr;
	_ =	strace $0xD0000000  }
0x3: {  	_ = 	snop  }
0x4: {  	_ = 	snop  }
0x5: {  	_ = 	snop  }
0x6: {  	_ = 	snop  }
0x7: {  	_ = 	snop  }
__scs_overlays_trampoline_lowered:
0x8: {  	[smem:$0x3FAA] =	sst s0  }
0x9: {  	[smem:$0x3FAB] =	sst s1  }
0xa: {  	[smem:$0x3FAC] =	sst s2  }
0xb: {  	[smem:$0x3FAD] =	sst s3  }
0xc: {  	[smem:$0x3FAE] =	sst s4  }
0xd: {  	[smem:$0x3FAF] =	sst s5  }
0xe: {  	[smem:$0x3FB0] =	sst s6  }
0xf: {  	[smem:$0x3FB1] =	sst s7  }
0x10: {  	[smem:$0x3FB2] =	sst s8  }
0x11: {  	[smem:$0x3FB3] =	sst s9;
	s0 =	simm.s32 @!p0 $0x0  }
0x12: {  	s1 =	sld [smem:$0x3F99];
	s0 =	simm.s32 @p0 $0x1  }
0x13: {  	[smem:$0x3FB4] =	sst s0;
	s0 =	simm.s32 @!p1 $0x0  }
0x14: {  	s2 =	sld [smem:$0x3F98];
	s0 =	simm.s32 @p1 $0x1  }
0x15: {  	[smem:$0x3FB5] =	sst s0;
	s0 =	simm.s32 @!p2 $0x0  }
0x16: {  	s3 =	sld [smem:$0x3FDB];
	s0 =	simm.s32 @p2 $0x1  }
0x17: {  	s4 =	simm.s32 $0x1BF5;
	[smem:$0x3FB7] =	sst s0  }
0x18: {  	s0 =	sld [smem:$0x3F9A];
	_ =	swait.ge [sflag:s4], $0x0  }
0x19: {  	s7 =	sld [smem:$0x3F9B]  }
0x1a: {  	s8 =	sadd.s32 $0xFFFFE003, lr  }
0x1b: {  	s9 =	sadd.s32 $0xFFFFFEF7, lr;
	s5 =	simm.s32 $0xFFFFFFFF;
	p2 =	slt.u32 s8, $0xFFFFF086  }
0x1c: {  	p1 =	slt.u32 s9, $0xF7A;
	s5 =	simm.s32 @!p2 $0x0  }
0x1d: {  	s5 =	simm.s32 @p1 $0x1;
	p0 =	seq.s32 s7, s2  }
0x1e: {  	s7 =	smul.u32 @!p0 $0xF7A, s2;
	p2 =	seq.s32 @!p0 s5, $0x0  }
0x1f: {  	s9 =	smul.u32 $0xF7A, s1;
	s8 =	simm.s32 @!p0 $0x1BF5;
	p2 =	por !p2, p0  }
0x20: {  	[sflag:s8] =	ssyncset.s32 @!p0 $0xFFFFF086;
	s6 =	sadd.s32 @!p0 s3, s7;
	s7 =	simm.s32 @!p0 $0x108  }
0x21: {  	s3 =	sadd.s32 s3, s9;
	s6 =	sadd.s32 @!p0 $0x88, s6;
	s7 =	simm.s32 @p2 $0x1082  }
0x22: {  	[simem:s7], [sflag:s8] =	dma.local @!p0 [hbm:s6], $0xF7A  }
0x23: {  	s9 =	sor.u32 $0xD0000000, s2;
	s6 =	simm.s32 $0x108;
	_ =	swait.ge @!p0 [sflag:s8], $0x0  }
0x24: {  	s3 =	sadd.s32 $0x88, s3;
	s6 =	simm.s32 @!p1 $0x1082;
	[sflag:s4] =	ssyncset.s32 $0xFFFFF086  }
0x25: {  	[simem:s6], [sflag:s4] =	dma.local [hbm:s3], $0xF7A  }
0x26: {  	[smem:$0x3F9B] =	sst s1;
	(tag) =	ssettag s2;
	_ =	strace s9  }
0x27: {  	s1 =	sld [smem:$0x3FAB]  }
0x28: {  	s2 =	sld [smem:$0x3FAC]  }
0x29: {  	s4 =	sld [smem:$0x3FAE]  }
0x2a: {  	p0 =	seq.s32 s5, $0x0;
	s5 =	sld [smem:$0x3FAF]  }
0x2b: {  	s6 =	sld [smem:$0x3FB0]  }
0x2c: {  	s7 =	sld [smem:$0x3FB1]  }
0x2d: {  	s3 =	simm.s32 $0x108;
	s8 =	sld [smem:$0x3FB2]  }
0x2e: {  	s3 =	simm.s32 @!p0 $0x1082;
	s9 =	sld [smem:$0x3FB3]  }
0x2f: {  	lr =	sadd.s32 s0, s3;
	s0 =	sld [smem:$0x3FAA]  }
0x30: {  	s3 =	sld [smem:$0x3FAD]  }
0x31: {  	[smem:$0x3FB6] =	sst s10  }
0x32: {  	s10 =	sld [smem:$0x3FB4];
	_ =	sdelay $0x3  }
0x33: {  	p0 =	seq.s32 s10, $0x1;
	s10 =	sld [smem:$0x3FB6];
	_ =	sdelay $0x3  }
0x34: {  	[smem:$0x3FB6] =	sst s10  }
0x35: {  	s10 =	sld [smem:$0x3FB5];
	_ =	sdelay $0x3  }
0x36: {  	p1 =	seq.s32 s10, $0x1;
	s10 =	sld [smem:$0x3FB6];
	_ =	sdelay $0x3  }
0x37: {  	[smem:$0x3FB6] =	sst s10  }
0x38: {  	s10 =	sld [smem:$0x3FB7]  }
0x39: {  	_ = 	snop;
	(pc) =	sbr.ind lr, $3  }
0x3a: {  	_ = 	snop  }
0x3b: {  	_ = 	snop  }
0x3c: {  	p2 =	seq.s32 s10, $0x1;
	s10 =	sld [smem:$0x3FB6]  }
0x3d: {  	_ =	shalt  }
0x3e: {  	_ =	shalt  }
0x3f: {  	_ =	shalt  }
0x40: {  	_ =	shalt  }
0x41: {  	_ =	shalt  }
0x42: {  	_ =	shalt  }
0x43: {  	_ =	shalt  }
0x44: {  	_ =	shalt  }
0x45: {  	_ =	shalt  }
0x46: {  	_ =	shalt  }
0x47: {  	_ =	shalt  }
0x48: {  	_ =	shalt  }
0x49: {  	_ =	shalt  }
0x4a: {  	_ =	shalt  }
0x4b: {  	_ =	shalt  }
0x4c: {  	_ =	shalt  }
0x4d: {  	_ =	shalt  }
0x4e: {  	_ =	shalt  }
0x4f: {  	_ =	shalt  }
0x50: {  	_ =	shalt  }
0x51: {  	_ =	shalt  }
0x52: {  	_ =	shalt  }
0x53: {  	_ =	shalt  }
0x54: {  	_ =	shalt  }
0x55: {  	_ =	shalt  }
0x56: {  	_ =	shalt  }
0x57: {  	_ =	shalt  }
0x58: {  	_ =	shalt  }
0x59: {  	_ =	shalt  }
0x5a: {  	_ =	shalt  }
0x5b: {  	_ =	shalt  }
0x5c: {  	_ =	shalt  }
0x5d: {  	_ =	shalt  }
0x5e: {  	_ =	shalt  }
0x5f: {  	_ =	shalt  }
0x60: {  	_ =	shalt  }
0x61: {  	_ =	shalt  }
0x62: {  	_ =	shalt  }
0x63: {  	_ =	shalt  }
0x64: {  	_ =	shalt  }
0x65: {  	_ =	shalt  }
0x66: {  	_ =	shalt  }
0x67: {  	_ =	shalt  }
0x68: {  	_ =	shalt  }
0x69: {  	_ =	shalt  }
0x6a: {  	_ =	shalt  }
0x6b: {  	_ =	shalt  }
0x6c: {  	_ =	shalt  }
0x6d: {  	_ =	shalt  }
0x6e: {  	_ =	shalt  }
0x6f: {  	_ =	shalt  }
0x70: {  	_ =	shalt  }
0x71: {  	_ =	shalt  }
0x72: {  	_ =	shalt  }
0x73: {  	_ =	shalt  }
0x74: {  	_ =	shalt  }
0x75: {  	_ =	shalt  }
0x76: {  	_ =	shalt  }
0x77: {  	_ =	shalt  }
0x78: {  	_ =	shalt  }
0x79: {  	_ =	shalt  }
0x7a: {  	_ =	shalt  }
0x7b: {  	_ =	shalt  }
0x7c: {  	_ =	shalt  }
0x7d: {  	_ =	shalt  }
0x7e: {  	_ =	shalt  }
0x7f: {  	_ =	shalt  }
0x80: {  	_ =	shalt  }
0x81: {  	_ =	shalt  }
0x82: {  	_ =	shalt  }
0x83: {  	_ =	shalt  }
0x84: {  	_ =	shalt  }
0x85: {  	_ =	shalt  }
0x86: {  	_ =	shalt  }
0x87: {  	_ =	shalt  }
.Lfunc_end0:
.L_simem_size_0:
called_computation.1_lowered:
.L_overlay_start_0:
0x88: {  	s2 =	sld [smem:$0x3FD9]  }
0x89: {  	s3 =	sld [smem:$0x3FFE];
	_ =	sdelay $0x1  }
0x8a: {  	s1 =	srdreg.scid  }
0x8b: {  	s0 =	sand.u32 $0x1, s1  }
0x8c: {  	s17 =	sshll.u32 s0, $0xA;
	s2 =	sadd.s32 s3, s2  }
0x8d: {  	s2 =	sadd.s32 s2, s17  }
0x8e: {  	[smem:$0x3FC2] =	sst s2  }
0x8f: {  	_ = 	snop  }
0x90: {  	s2 =	sld [smem:$0x3FC6];
	(tm) =	ssettm $0x1  }
0x91: {  	s18 =	sld [smem:$0x3FFB];
	_ =	sdelay $0x3  }
0x92: {  	_ =	strace s18  }
0x93: {  	s3 =	sld [smem:$0x3FFC];
	_ =	sdelay $0x3  }
0x94: {  	_ =	strace s3  }
0x95: {  	s3 =	sld [smem:$0x3FFD];
	_ =	sdelay $0x3  }
0x96: {  	_ =	strace s3  }
0x97: {  	_ =	strace $0x8FFFFFFF  }
0x98: {  	s19 =	sld [smem:$0x3FDB];
	_ =	sdelay $0x1  }
0x99: {  	s4 =	simm.s32 $_scs_section_size  }
0x9a: {  	s5 =	simm.s32 $_size__tile_overlayer_lowered;
	s6 =	simm.s32 $_tile_overlayer_lowered  }
0x9b: {  	s22 =	simm.s32 $0x1BFF;
	s21 =	sshll.u32 s6, $0x1;
	s3 =	sadd.s32 s4, s19  }
0x9c: {  	s7 =	simm.s32 $0x0;
	s20 =	sshll.u32 s5, $0x1;
	s5 =	sadd.s32 s21, s3  }
0x9d: {  	[timem:s7], [sflag:s22] =	dma.local [hbm:s5], s20  }
0x9e: {  	_ =	swait.ge [sflag:s22], s20  }
0x9f: {  	s4 =	ssub.s32 $0x0, s20;
	[sflag:s22] =	ssyncset.done $0x0  }
0xa0: {  	[sflag:s22] =	ssyncadd.s32 s4;
	_ =	sdelay $0x1  }
0xa1: {  	s23 =	simm.s32 $0x1B8B  }
0xa2: {  	_ =	swait.ge [sflag:s23], $0x1  }
0xa3: {  	[sflag:s23] =	ssyncset.done $0x0  }
0xa4: {  	s25 =	simm.s32 $0x1B8E;
	s24 =	sld [smem:$0x3FFE];
	[sflag:s23] =	ssyncadd.s32 $0xFFFFFFFF  }
0xa5: {  	s26 =	simm.s32 $execute0_lowered;
	[smem:$0x3FD2] =	sst s25  }
0xa6: {  	s5 =	sshll.u32 s26, $0x1;
	_ =	strace $0x80000046;
	[dreg:$0x1] =	wrdreg $0xFFFFFFFF  }
0xa7: {  	s28 =	simm.s32 $_size_execute0_lowered;
	s3 =	sadd.s32 s3, s5;
	[dreg:$0x0] =	wrdreg $0x0  }
0xa8: {  	s5 =	sshll.u32 s28, $0x1;
	[dreg:$0x2] =	wrdreg s3  }
0xa9: {  	[dreg:$0x3] =	wrdreg s5  }
0xaa: {  	[dreg:$0x4] =	wrdreg $0xC0  }
0xab: {  	_ =	task [dreg:s7], $0x5FFFF  }
0xac: {  	[dreg:$0x1] =	wrdreg $0xFFFFFFFF  }
0xad: {  	[dreg:$0x0] =	wrdreg $0x60  }
0xae: {  	[dreg:$0x2] =	wrdreg s2  }
0xaf: {  	[dreg:$0x3] =	wrdreg s24  }
0xb0: {  	[dreg:$0x4] =	wrdreg $0x9  }
0xb1: {  	_ =	task.clear_ibuf [dreg:s7], $0x5FFFF;
	_ =	strace $0x90000046  }
0xb2: {  	s29 =	simm.s32 $0x9;
	_ =	strace $0x80000048  }
0xb3: {  	_ =	swait.ge [sflag:s29], $0x1  }
0xb4: {  	[sflag:s29] =	ssyncadd.s32 $0xFFFFFFFF  }
0xb5: {  	_ =	strace $0x90000048  }
0xb6: {  	_ =	sfence  }
0xb7: {  	s30 =	sld [smem:$0x0];
	_ =	sdelay $0x2  }
0xb8: {  	s31 =	sshll.u32 s1, $0xD;
	s1 =	sshrl.u32 s1, $0x2  }
0xb9: {  	s3 =	sand.u32 $0x4000, s31;
	s1 =	sadd.s32 s1, s30  }
0xba: {  	s0 =	sor.u32 s3, s0;
	s1 =	sshll.u32 s1, $0x11  }
0xbb: {  	s0 =	sor.u32 s1, s0  }
0xbc: {  	s0 =	sadd.s32 $0x8F2B, s0  }
0xbd: {  	[sflag:s0] =	ssyncadd.remote.s32 $0x1  }
0xbe: {  	_ =	sfence.sel $0xFFFF  }
0xbf: {  	[dreg:$0x0] =	wrdreg $0xFFFFFFFF;
	(pc) =	sbr.abs _section_cstart, $3  }
0xc0: {  	[dreg:$0x1] =	wrdreg $0xFFFFFFFF  }
0xc1: {  	_ =	task.clear_ibuf [dreg:s7], $0x2FFFF;
	_ =	strace $0x9FFFFFFF  }
0xc2: {  	(tm) =	ssettm $0x7FFFFFFF  }
0xc3: {  	_ =	shalt  }
tec
execute0_lowered:
.L_overlay_start_1:
0x0: {  	(tag) =	ssettag $0x1  }
0x1: {  	v0 =	vimm.s32 $0xB80;
	vm0 =	vcmask $0x300;
	v1 =	vimm.s32 $0x1B80  }
0x2: {  	vm1 =	vcmask $0x704;
	v0 =	vsel vm0, $0x0, v0;
	v1 =	vsel vm0, $0x1000, v1  }
0x3: {  	vm15 =	vcmask $0xB08;
	v0 =	vsel vm1, $0x80, v0;
	v1 =	vsel vm1, $0x1080, v1  }
0x4: {  	vm4 =	vcmask $0xF0C;
	v0 =	vsel vm15, $0x100, v0;
	v1 =	vsel vm15, $0x1100, v1  }
0x5: {  	vm5 =	vcmask $0x1310;
	v0 =	vsel vm4, $0x180, v0;
	v1 =	vsel vm4, $0x1180, v1  }
0x6: {  	vm6 =	vcmask $0x1714;
	v0 =	vsel vm5, $0x200, v0;
	v1 =	vsel vm5, $0x1200, v1  }
0x7: {  	vm7 =	vcmask $0x1B18;
	v0 =	vsel vm6, $0x280, v0;
	v1 =	vsel vm6, $0x1280, v1  }
0x8: {  	s0 =	rddreg [dreg:$0x0];
	vm8 =	vcmask $0x1F1C;
	v0 =	vsel vm7, $0x300, v0;
	v1 =	vsel vm7, $0x1300, v1  }
0x9: {  	s4 =	rddreg [dreg:$0x1];
	vm9 =	vcmask $0x2320;
	v0 =	vsel vm8, $0x380, v0;
	v1 =	vsel vm8, $0x1380, v1  }
0xa: {  	s3 =	srdreg.scid;
	s2 =	simm.s32 $0x0;
	vm10 =	vcmask $0x2724;
	s1 =	stileid.u32;
	v0 =	vsel vm9, $0x800, v0;
	v1 =	vsel vm9, $0x1800, v1  }
0xb: {  	vm11 =	vcmask $0x2B28;
	s9 =	simm.s32 $0x2;
	s10 =	simm.s32 $0x2000;
	s5 =	sand.u32 $0x1, s3;
	v0 =	vsel vm10, $0x880, v0;
	v1 =	vsel vm10, $0x1880, v1  }
.Ltmp0:
0xc: {  	vm12 =	vcmask $0x2F2C;
	s11 =	simm.s32 $0x6000;
	s6 =	ssub.s32 $0x2, s5;
	v0 =	vsel vm11, $0x900, v0;
	v1 =	vsel vm11, $0x1900, v1;
	(pc) =	sbr.rel .LBB2_1-.Ltmp0, $4  }
0xd: {  	vm13 =	vcmask $0x3330;
	[smem:$0x7FF] =	sst s2;
	s30 =	sshll.u32 s1, $0x1;
	s7 =	sshrl.u32 s6, $0x1;
	v0 =	vsel vm12, $0x980, v0;
	v1 =	vsel vm12, $0x1980, v1  }
0xe: {  	vm14 =	vcmask $0x3734;
	s4 =	sadd.s32 $0x1A00, s4;
	s5 =	sor.u32 s5, s30;
	s6 =	ssub.s32 s6, s7;
	v0 =	vsel vm13, $0xA00, v0;
	v1 =	vsel vm13, $0x1A00, v1  }
0xf: {  	_ =	strace $0x80000047;
	vm15 =	vcmask $0x3B38;
	p0 =	sgt.u32 s5, $0x2;
	s31 =	smax.u32 s6, $0x1;
	v0 =	vsel vm14, $0xA80, v0;
	v1 =	vsel vm14, $0x1A80, v1  }
0x10: {  	s7 =	simm.s32 $0x1;
	s6 =	simm.s32 $0x0;
	[dreg:$0x3] =	wrdreg s31;
	v0 =	vsel vm15, $0xB00, v0;
	v1 =	vsel vm15, $0x1B00, v1  }
.LBB2_11:
0x11: {  	s1 =	simm.s32 @!p0 $0x3  }
0x12: {  	_ =	swait.ge @!p0 [sflag:s1], $0x2000  }
0x13: {  	s6 =	rddreg [dreg:$0x4]  }
0x14: {  	s3 =	rddreg [dreg:$0x3];
	s6 =	sadd.s32 $0x1, s6  }
0x15: {  	p1 =	sne.s32 s6, s3  }
.Ltmp1:
0x16: {  	_ = 	snop;
	(pc) =	sbr.rel @!p1 .LBB2_12-.Ltmp1, $3  }
0x17: {  	_ =	sdelay $0x1  }
0x18: {  	[sflag:s1] =	ssyncset.done @!p0 $0x0  }
0x19: {  	[sflag:s1] =	ssyncadd.s32 @!p0 $0xFFFFE000  }
.LBB2_1:
.Ltmp2:
0x1a: {  	(pc) =	sbr.rel .LBB2_2-.Ltmp2, $2  }
0x1b: {  	_ =	sdelay $0x2  }
0x1c: {  	[dreg:$0x4] =	wrdreg s6;
	s13 =	simm.s32 $0x0  }
.LBB2_10:
0x1d: {  	s13 =	sadd.s32 $0x1, s13  }
0x1e: {  	p1 =	sne.s32 s13, $0x3E  }
.Ltmp3:
0x1f: {  	_ = 	snop;
	(pc) =	sbr.rel @!p1 .LBB2_11-.Ltmp3, $1  }
0x20: {  	_ =	sdelay $0x3  }
.LBB2_2:
0x21: {  	s14 =	sshll.u32 s13, $0x6  }
0x22: {  	s14 =	sor.u32 s5, s14  }
0x23: {  	s15 =	sshll.u32 s14, $0x1  }
0x24: {  	p1 =	sgt.u32 s14, $0xF42;
	s14 =	sor.u32 $0x20, s14;
	s15 =	smin.u32 s15, $0x1E83  }
0x25: {  	s17 =	simm.s32 @!p1 $0x800;
	s18 =	simm.s32 @!p1 $0x7A1400;
	s19 =	simm.s32 @!p1 $0x0  }
0x26: {  	s31 =	sshll.u32 s14, $0x1;
	p2 =	sgt.u32 @!p1 s14, $0xF42;
	s16 =	sshll.u32 @!p1 s15, $0x7  }
0x27: {  	s14 =	smin.u32 s31, $0x1E83;
	p4 =	por p2, p1;
	s16 =	sadd.s32 @!p1 s0, s16  }
0x28: {  	[tilespmem:s19], [sflag:$0x1] =	stream.strided.gather @!p1 [hbm4b:s16+s17], $0x2000, s18, s17, $0x38;
	[tilespmem:$0x8000] =	vst v63  }
0x29: {  	s16 =	sshll.u32 @!p4 s14, $0x7;
	s17 =	simm.s32 @!p4 $0x800  }
0x2a: {  	s18 =	simm.s32 @!p4 $0x7A1400;
	s19 =	simm.s32 @!p4 $0x2000;
	s16 =	sadd.s32 @!p4 s0, s16  }
0x2b: {  	[tilespmem:s19], [sflag:$0x2] =	stream.strided.gather @!p4 [hbm4b:s16+s17], $0x2000, s18, s17, $0x38;
	[tilespmem:$0x8000] =	vst v63  }
.Ltmp4:
0x2c: {  	p3 =	seq.s32 s13, $0x0;
	(pc) =	sbr.rel @p1 .LBB2_6-.Ltmp4, $4  }
0x2d: {  	s16 =	simm.s32 @!p3 $0x3  }
0x2e: {  	_ =	swait.ge @!p3 [sflag:s16], $0x2000  }
0x2f: {  	[sflag:s16] =	ssyncset.done @!p3 $0x0  }
0x30: {  	[sflag:s16] =	ssyncadd.s32 @!p3 $0xFFFFE000  }
0x31: {  	s16 =	simm.s32 $0x0  }
0x32: {  	s24 =	simm.s32 $0x1;
	s17 =	simm.s32 $0x2;
	s25 =	simm.s32 $0x3;
	v2 =	vmov s16  }
0x33: {  	s18 =	simm.s32 $0x4;
	s26 =	simm.s32 $0x5;
	s29 =	simm.s32 $0x6;
	v4 =	vmov s24;
	v5 =	vmov s17;
	v6 =	vmov s25  }
0x34: {  	s30 =	simm.s32 $0x7;
	s31 =	simm.s32 $0x8;
	s1 =	simm.s32 $0x9;
	v7 =	vmov s18;
	v8 =	vmov s26;
	v9 =	vmov s29  }
0x35: {  	s3 =	simm.s32 $0xA;
	s6 =	simm.s32 $0xB;
	s8 =	simm.s32 $0xC;
	v10 =	vmov s30;
	v11 =	vmov s31;
	v12 =	vmov s1  }
0x36: {  	s12 =	simm.s32 $0xD;
	s19 =	simm.s32 $0x12;
	s20 =	simm.s32 $0x13;
	v13 =	vmov s3;
	v14 =	vmov s6;
	v15 =	vmov s8  }
0x37: {  	s21 =	simm.s32 $0x14;
	s22 =	simm.s32 $0x15;
	s23 =	simm.s32 $0x16;
	v16 =	vmov s12;
	v35 =	vmov s19;
	v36 =	vmov s20  }
0x38: {  	v37 =	vmov s21;
	v38 =	vmov s22;
	v40 =	vmov s23  }
0x39: {  	v3 =	vand.u32 $0x70, v2;
	v2 =	vshll.u32 v2, $0x3;
	v17 =	vand.u32 $0x71, v4  }
0x3a: {  	v18 =	vand.u32 $0x72, v5;
	v19 =	vand.u32 $0x73, v6;
	v20 =	vand.u32 $0x74, v7  }
0x3b: {  	v21 =	vand.u32 $0x75, v8;
	v22 =	vand.u32 $0x76, v9;
	v23 =	vand.u32 $0x77, v10  }
0x3c: {  	v24 =	vand.u32 $0x78, v11;
	v25 =	vand.u32 $0x79, v12;
	v26 =	vand.u32 $0x7A, v13  }
0x3d: {  	v27 =	vand.u32 $0x7B, v14;
	v28 =	vand.u32 $0x7C, v15;
	v29 =	vand.u32 $0x7D, v16  }
0x3e: {  	v4 =	vshll.u32 v4, $0x3;
	v5 =	vshll.u32 v5, $0x3;
	v6 =	vshll.u32 v6, $0x3  }
0x3f: {  	v7 =	vshll.u32 v7, $0x3;
	v8 =	vshll.u32 v8, $0x3;
	v9 =	vshll.u32 v9, $0x3  }
0x40: {  	v10 =	vshll.u32 v10, $0x3;
	v11 =	vshll.u32 v11, $0x3;
	v12 =	vshll.u32 v12, $0x3  }
0x41: {  	s18 =	simm.s32 $0x11;
	s19 =	simm.s32 $0xE;
	s24 =	simm.s32 $0x17;
	v13 =	vshll.u32 v13, $0x3;
	v14 =	vshll.u32 v14, $0x3;
	v15 =	vshll.u32 v15, $0x3  }
0x42: {  	s26 =	simm.s32 $0x19;
	s30 =	simm.s32 $0x1B;
	v34 =	vmov s18;
	v39 =	vmov s19;
	v62 =	vmov s24  }
0x43: {  	v63 =	vmov s26;
	v42 =	vmov s30;
	v2 =	vand.u32 $0x400, v2  }
0x44: {  	v5 =	vand.u32 $0x400, v5;
	v6 =	vand.u32 $0x400, v6;
	v7 =	vand.u32 $0x400, v7  }
0x45: {  	v8 =	vand.u32 $0x400, v8;
	v9 =	vand.u32 $0x400, v9;
	v10 =	vand.u32 $0x400, v10  }
0x46: {  	v2 =	vor.u32 v3, v2;
	v3 =	vand.u32 $0x400, v4;
	v4 =	vshll.u32 v16, $0x3  }
0x47: {  	v5 =	vor.u32 v18, v5;
	v6 =	vor.u32 v19, v6;
	v16 =	vor.u32 v0, v2  }
0x48: {  	s17 =	simm.s32 $0xF;
	v7 =	vor.u32 v20, v7;
	v8 =	vor.u32 v21, v8;
	v18 =	vor.u32 v0, v5  }
0x49: {  	_ =	swait.ge [sflag:s7], $0x2000;
	v21 =	vor.u32 v22, v9;
	v9 =	vmov s17;
	v19 =	vor.u32 v0, v6  }
0x4a: {  	[sflag:s7] =	ssyncset.done $0x0;
	v10 =	vor.u32 v23, v10;
	v20 =	vor.u32 v0, v7;
	v23 =	vshll.u32 v9, $0x3  }
0x4b: {  	[sflag:s7] =	ssyncadd.s32 $0xFFFFE000;
	v22 =	vor.u32 v0, v8;
	v9 =	vand.u32 $0x7F, v9;
	v23 =	vand.u32 $0x400, v23  }
0x4c: {  	v11 =	vand.u32 $0x400, v11;
	v30 =	vor.u32 v0, v21;
	v23 =	vor.u32 v9, v23;
	v9 =	vld.idx.msk [tilespmem:v16+s2+$0x0], $0xffff  }
0x4d: {  	s31 =	simm.s32 $0x1C;
	v12 =	vand.u32 $0x400, v12;
	v11 =	vor.u32 v24, v11;
	v31 =	vor.u32 v0, v10;
	v18 =	vld.idx.msk [tilespmem:v18+s2+$0x0], $0xffff  }
0x4e: {  	v43 =	vmov s31;
	v12 =	vor.u32 v25, v12;
	v24 =	vor.u32 v0, v11;
	v19 =	vld.idx.msk [tilespmem:v19+s2+$0x0], $0xffff  }
0x4f: {  	s20 =	simm.s32 $0x1D;
	v3 =	vor.u32 v17, v3;
	v25 =	vor.u32 v0, v12;
	v4 =	vand.u32 $0x400, v4;
	v20 =	vld.idx.msk [tilespmem:v20+s2+$0x0], $0xffff  }
0x50: {  	v44 =	vmov s20;
	v17 =	vor.u32 v0, v3;
	v4 =	vor.u32 v29, v4;
	v22 =	vld.idx.msk [tilespmem:v22+s2+$0x0], $0xffff  }
0x51: {  	v47 =	vand.u32 $0x72, v35;
	v15 =	vand.u32 $0x400, v15;
	v32 =	vor.u32 v0, v4;
	v30 =	vld.idx.msk [tilespmem:v30+s2+$0x0], $0xffff  }
0x52: {  	v48 =	vand.u32 $0x73, v36;
	v15 =	vor.u32 v28, v15;
	v16 =	vor.u32 v0, v23;
	v31 =	vld.idx.msk [tilespmem:v31+s2+$0x0], $0xffff  }
0x53: {  	v50 =	vand.u32 $0x74, v37;
	v51 =	vand.u32 $0x75, v38;
	s17 =	simm.s32 $0x4100;
	v28 =	vor.u32 v0, v15;
	v24 =	vld.idx.msk [tilespmem:v24+s2+$0x0], $0xffff  }
0x54: {  	v35 =	vshll.u32 v35, $0x3;
	v36 =	vshll.u32 v36, $0x3;
	v5 =	vor.u32 v1, v5;
	v25 =	vld.idx.msk [tilespmem:v25+s2+$0x0], $0xffff;
	[tilespmem:s17+$0xFFFFFF40] =	vst v18  }
0x55: {  	v37 =	vshll.u32 v37, $0x3;
	v13 =	vand.u32 $0x400, v13;
	v6 =	vor.u32 v1, v6;
	v17 =	vld.idx.msk [tilespmem:v17+s2+$0x0], $0xffff;
	[tilespmem:s17+$0xFFFFFF60] =	vst v19  }
0x56: {  	v14 =	vand.u32 $0x400, v14;
	v13 =	vor.u32 v26, v13;
	v7 =	vor.u32 v1, v7;
	v32 =	vld.idx.msk [tilespmem:v32+s2+$0x0], $0xffff;
	[tilespmem:s17+$0xFFFFFF80] =	vst v20  }
0x57: {  	v38 =	vshll.u32 v38, $0x3;
	v14 =	vor.u32 v27, v14;
	v3 =	vor.u32 v1, v3;
	v16 =	vld.idx.msk [tilespmem:v16+s2+$0x0], $0xffff;
	[tilespmem:s17+$0xFFFFFFA0] =	vst v22  }
0x58: {  	v41 =	vshll.u32 v39, $0x3;
	v26 =	vor.u32 v0, v13;
	v27 =	vor.u32 v0, v14;
	v19 =	vld.idx.msk [tilespmem:v28+s2+$0x0], $0xffff;
	[tilespmem:s17+$0xFFFFFFC0] =	vst v30  }
0x59: {  	v46 =	vand.u32 $0x71, v34;
	v12 =	vor.u32 v1, v12;
	v18 =	vor.u32 v1, v21;
	[tilespmem:s17+$0xFFFFFFE0] =	vst v31;
	v30 =	vld.idx.msk [tilespmem:v5+s2+$0x0], $0xffff  }
0x5a: {  	v34 =	vshll.u32 v34, $0x3;
	v13 =	vor.u32 v1, v13;
	v23 =	vor.u32 v1, v23;
	[tilespmem:s17+$0x0] =	vst v24;
	v49 =	vld.idx.msk [tilespmem:v6+s2+$0x0], $0xffff  }
0x5b: {  	v37 =	vand.u32 $0x400, v37;
	v14 =	vor.u32 v1, v14;
	v15 =	vor.u32 v1, v15;
	[tilespmem:s17+$0xFFFFFF20] =	vst v17;
	v31 =	vld.idx.msk [tilespmem:v7+s2+$0x0], $0xffff  }
0x5c: {  	v38 =	vand.u32 $0x400, v38;
	v55 =	vor.u32 v1, v2;
	[tilespmem:s17+$0x20] =	vst v25;
	v17 =	vor.u32 v1, v8;
	v45 =	vld.idx.msk [tilespmem:v3+s2+$0x0], $0xffff  }
0x5d: {  	s16 =	simm.s32 $0x10;
	v20 =	vor.u32 v1, v10;
	v8 =	vand.u32 $0x7E, v39;
	[tilespmem:s17+$0xE0] =	vst v16;
	v16 =	vld.idx.msk [tilespmem:v26+s2+$0x0], $0xffff;
	v26 =	vand.u32 $0x400, v41  }
0x5e: {  	v29 =	vmov s16;
	v22 =	vor.u32 v1, v11;
	[tilespmem:s17+$0xFFFFFF00] =	vst v9;
	v54 =	vld.idx.msk [tilespmem:v18+s2+$0x0], $0xffff;
	v21 =	vor.u32 v8, v26  }
0x5f: {  	s6 =	simm.s32 $0x40;
	v33 =	vand.u32 $0x70, v29;
	v29 =	vshll.u32 v29, $0x3;
	[tilespmem:s17+$0xA0] =	vst v32;
	v23 =	vld.idx.msk [tilespmem:v23+s2+$0x0], $0xffff;
	v8 =	vor.u32 v0, v21  }
0x60: {  	s29 =	simm.s32 $0x1A;
	s21 =	simm.s32 $0x60;
	s20 =	sor.u32 $0x50, s6;
	v52 =	vor.u32 v1, v4;
	v4 =	vand.u32 $0x7B, v42;
	v29 =	vand.u32 $0x400, v29;
	[tilespmem:s17+$0x80] =	vst v19;
	v26 =	vld.idx.msk [tilespmem:v27+s2+$0x0], $0xffff  }
0x61: {  	s21 =	sor.u32 $0x70, s21;
	v2 =	vor.u32 v33, v29;
	v28 =	vmov s29;
	v11 =	vand.u32 $0x76, v40;
	v53 =	vld.idx.msk [tilespmem:v17+s2+$0x0], $0xffff;
	[tilespmem:s20+$0x4000] =	vst v30  }
0x62: {  	s18 =	simm.s32 $0x1E0;
	v10 =	vand.u32 $0x77, v62;
	v40 =	vshll.u32 v40, $0x3;
	v25 =	vshll.u32 v63, $0x3;
	v17 =	vld.idx.msk [tilespmem:v20+s2+$0x0], $0xffff;
	[tilespmem:s21+$0x4000] =	vst v49  }
0x63: {  	s1 =	sor.u32 $0x70, s18;
	v9 =	vor.u32 v0, v2;
	v6 =	vand.u32 $0x79, v63;
	v7 =	vand.u32 $0x7A, v28;
	v20 =	vld.idx.msk [tilespmem:v22+s2+$0x0], $0xffff;
	[tilespmem:s17+$0xFFFFFF90] =	vst v31  }
0x64: {  	s25 =	simm.s32 $0x18;
	s3 =	simm.s32 $0x20;
	v5 =	vand.u32 $0x7C, v43;
	v3 =	vand.u32 $0x7D, v44;
	v18 =	vshll.u32 v43, $0x3;
	[tilespmem:s1+$0x4000] =	vst v23;
	v23 =	vld.idx.msk [tilespmem:v8+s2+$0x0], $0xffff  }
0x65: {  	s19 =	sor.u32 $0x30, s3;
	v19 =	vshll.u32 v44, $0x3;
	v27 =	vmov s25;
	v22 =	vld.idx.msk [tilespmem:v12+s2+$0x0], $0xffff;
	v12 =	vshll.u32 v62, $0x3;
	[tilespmem:s17+$0x40] =	vst v16  }
0x66: {  	s28 =	simm.s32 $0x160;
	s22 =	simm.s32 $0xA0;
	s23 =	simm.s32 $0xC0;
	[tilespmem:s19+$0x4000] =	vst v45;
	v16 =	vor.u32 v1, v21;
	v21 =	vshll.u32 v42, $0x3;
	v24 =	vld.idx.msk [tilespmem:v13+s2+$0x0], $0xffff;
	v13 =	vand.u32 $0x400, v34  }
0x67: {  	s8 =	simm.s32 $0x140;
	s12 =	simm.s32 $0x1A0;
	s31 =	sor.u32 $0x50, s23;
	v29 =	vld.idx.msk [tilespmem:v52+s2+$0x0], $0xffff;
	[tilespmem:s17+$0x60] =	vst v26;
	v8 =	vand.u32 $0x78, v27;
	v27 =	vshll.u32 v27, $0x3;
	v13 =	vor.u32 v46, v13  }
0x68: {  	s24 =	simm.s32 $0xE0;
	s26 =	simm.s32 $0x120;
	s30 =	sor.u32 $0x30, s22;
	[tilespmem:s31+$0x4000] =	vst v54;
	v26 =	vld.idx.msk [tilespmem:v14+s2+$0x0], $0xffff;
	v14 =	vand.u32 $0x400, v35;
	v35 =	vand.u32 $0x400, v40;
	v32 =	vor.u32 v0, v13  }
0x69: {  	s23 =	sor.u32 $0x50, s8;
	s22 =	sor.u32 $0x70, s28;
	s28 =	simm.s32 $0x1F;
	v14 =	vor.u32 v47, v14;
	[tilespmem:s17+$0xC0] =	vst v23;
	v23 =	vshll.u32 v28, $0x3;
	v28 =	vld.idx.msk [tilespmem:v15+s2+$0x0], $0xffff;
	v15 =	vand.u32 $0x400, v36  }
0x6a: {  	s29 =	simm.s32 $0x1C0;
	s25 =	sor.u32 $0x70, s24;
	s24 =	sor.u32 $0x30, s26;
	v31 =	vld.idx.msk [tilespmem:v55+s2+$0x0], $0xffff;
	[tilespmem:s30+$0x4000] =	vst v53;
	v34 =	vor.u32 v0, v14;
	v36 =	vand.u32 $0x400, v12;
	v15 =	vor.u32 v48, v15  }
0x6b: {  	s21 =	sor.u32 $0x30, s12;
	s20 =	sor.u32 $0x50, s29;
	s19 =	simm.s32 $0x20;
	v12 =	vor.u32 v51, v38;
	v30 =	vld.idx.msk [tilespmem:v16+s2+$0x0], $0xffff;
	v16 =	vor.u32 v50, v37;
	v33 =	vor.u32 v0, v15  }
.LBB2_4:
0x6c: {  	p5 =	slt.u32 s19, $0xF0;
	v37 =	vor.u32 v0, v16;
	v11 =	vor.u32 v11, v35;
	v35 =	vmov s28;
	[tilespmem:s25+$0x4000] =	vst v17  }
0x6d: {  	v17 =	vor.u32 v0, v12;
	v10 =	vor.u32 v10, v36;
	v9 =	vld.idx.msk [tilespmem:v9+s2+$0x0], $0xffff;
	v36 =	vshll.u32 v35, $0x3;
	[tilespmem:s17+$0x10] =	vst v20  }
0x6e: {  	v35 =	vand.u32 $0x7F, v35;
	v20 =	vld.idx.msk [tilespmem:v32+s2+$0x0], $0xffff;
	v32 =	vor.u32 v0, v11;
	v36 =	vand.u32 $0x400, v36;
	[tilespmem:s24+$0x4000] =	vst v22  }
0x6f: {  	v27 =	vand.u32 $0x400, v27;
	v22 =	vld.idx.msk [tilespmem:v34+s2+$0x0], $0xffff;
	v34 =	vor.u32 v0, v10;
	v35 =	vor.u32 v35, v36;
	[tilespmem:s23+$0x4000] =	vst v24  }
0x70: {  	v25 =	vand.u32 $0x400, v25;
	v8 =	vor.u32 v8, v27;
	v24 =	vld.idx.msk [tilespmem:v33+s2+$0x0], $0xffff;
	v27 =	vor.u32 v0, v35;
	[tilespmem:s22+$0x4000] =	vst v26  }
0x71: {  	v23 =	vand.u32 $0x400, v23;
	v6 =	vor.u32 v6, v25;
	v33 =	vor.u32 v0, v8;
	v26 =	vld.idx.msk [tilespmem:v37+s2+$0x0], $0xffff;
	[tilespmem:s17+$0x90] =	vst v28  }
0x72: {  	v21 =	vand.u32 $0x400, v21;
	v7 =	vor.u32 v7, v23;
	v25 =	vor.u32 v0, v6;
	v17 =	vld.idx.msk [tilespmem:v17+s2+$0x0], $0xffff;
	[tilespmem:s21+$0x4000] =	vst v29  }
0x73: {  	v18 =	vand.u32 $0x400, v18;
	v4 =	vor.u32 v4, v21;
	v28 =	vor.u32 v0, v7;
	v23 =	vld.idx.msk [tilespmem:v32+s2+$0x0], $0xffff;
	[tilespmem:s20+$0x4000] =	vst v30  }
0x74: {  	v5 =	vor.u32 v5, v18;
	v18 =	vand.u32 $0x400, v19;
	v30 =	vor.u32 v0, v4;
	v29 =	vld.idx.msk [tilespmem:v34+s2+$0x0], $0xffff;
	[tilespmem:s17+$0xFFFFFF10] =	vst v31  }
0x75: {  	v3 =	vor.u32 v3, v18;
	v31 =	vor.u32 v0, v5;
	v27 =	vld.idx.msk [tilespmem:v27+s2+$0x0], $0xffff  }
0x76: {  	v18 =	vmov s19;
	v32 =	vld.idx.msk [tilespmem:v33+s2+$0x0], $0xffff;
	v33 =	vor.u32 v0, v3  }
0x77: {  	v19 =	vand.u32 $0x70, v18;
	v35 =	vor.u32 v1, v35;
	s21 =	sadd.s32 $0x2, s19;
	s20 =	sadd.s32 $0x1, s19;
	v34 =	vshll.u32 v18, $0x3;
	v25 =	vld.idx.msk [tilespmem:v25+s2+$0x0], $0xffff  }
0x78: {  	v36 =	vor.u32 v1, v13;
	v21 =	vmov s21;
	s21 =	sadd.s32 $0x4, s19;
	v18 =	vmov s20;
	s20 =	sadd.s32 $0x3, s19;
	v28 =	vld.idx.msk [tilespmem:v28+s2+$0x0], $0xffff  }
0x79: {  	v14 =	vor.u32 v1, v14;
	v13 =	vmov s21;
	s21 =	sadd.s32 $0xE, s16;
	s16 =	smov.u32 s19;
	v37 =	vmov s20;
	s20 =	sadd.s32 $0x5, s19;
	v30 =	vld.idx.msk [tilespmem:v30+s2+$0x0], $0xffff  }
0x7a: {  	v15 =	vor.u32 v1, v15;
	s17 =	sadd.s32 $0x200, s17;
	v39 =	vmov s21;
	v38 =	vmov s20;
	s20 =	sadd.s32 $0x6, s19;
	v31 =	vld.idx.msk [tilespmem:v31+s2+$0x0], $0xffff  }
0x7b: {  	v16 =	vor.u32 v1, v16;
	v41 =	vshll.u32 v39, $0x3;
	v40 =	vmov s20;
	v33 =	vld.idx.msk [tilespmem:v33+s2+$0x0], $0xffff;
	[tilespmem:s17+$0xE0] =	vst v27  }
0x7c: {  	v12 =	vor.u32 v1, v12;
	s20 =	sadd.s32 $0x7, s19;
	v27 =	vand.u32 $0x400, v41;
	[tilespmem:s17+$0xFFFFFF20] =	vst v20;
	v20 =	vand.u32 $0x7E, v39;
	v35 =	vld.idx.msk [tilespmem:v35+s2+$0x0], $0xffff  }
0x7d: {  	v11 =	vor.u32 v1, v11;
	s21 =	sadd.s32 $0x9, s19;
	v39 =	vmov s20;
	s20 =	sadd.s32 $0x8, s19;
	v36 =	vld.idx.msk [tilespmem:v36+s2+$0x0], $0xffff;
	[tilespmem:s17+$0xFFFFFF40] =	vst v22;
	v27 =	vor.u32 v20, v27  }
0x7e: {  	v42 =	vmov s21;
	s21 =	sadd.s32 $0xB, s19;
	v41 =	vmov s20;
	s20 =	sadd.s32 $0xA, s19;
	v14 =	vld.idx.msk [tilespmem:v14+s2+$0x0], $0xffff;
	[tilespmem:s17+$0xFFFFFF60] =	vst v24;
	v20 =	vor.u32 v0, v27  }
0x7f: {  	v44 =	vmov s21;
	s21 =	sadd.s32 $0xD, s19;
	v22 =	vor.u32 v1, v10;
	v43 =	vmov s20;
	s20 =	sadd.s32 $0xC, s19;
	v15 =	vld.idx.msk [tilespmem:v15+s2+$0x0], $0xffff;
	[tilespmem:s17+$0xFFFFFF80] =	vst v26  }
0x80: {  	s18 =	sadd.s32 $0x200, s18;
	v46 =	vmov s21;
	v24 =	vor.u32 v1, v8;
	v45 =	vmov s20;
	v16 =	vld.idx.msk [tilespmem:v16+s2+$0x0], $0xffff;
	[tilespmem:s17+$0xFFFFFFA0] =	vst v17  }
0x81: {  	s22 =	sor.u32 $0x70, s18;
	v34 =	vand.u32 $0x400, v34;
	v47 =	vand.u32 $0x71, v18;
	s21 =	sadd.s32 $0xFFFFFE60, s18;
	s20 =	sadd.s32 $0xFFFFFE40, s18;
	v12 =	vld.idx.msk [tilespmem:v12+s2+$0x0], $0xffff;
	[tilespmem:s17+$0xFFFFFFC0] =	vst v23;
	v23 =	vor.u32 v1, v6  }
0x82: {  	s25 =	sadd.s32 $0xFFFFFEE0, s18;
	s24 =	sadd.s32 $0xFFFFFEC0, s18;
	s23 =	sadd.s32 $0xFFFFFE80, s18;
	v48 =	vand.u32 $0x72, v21;
	v49 =	vand.u32 $0x73, v37;
	v26 =	vor.u32 v1, v7;
	v50 =	vld.idx.msk [tilespmem:v11+s2+$0x0], $0xffff;
	[tilespmem:s22+$0x4000] =	vst v35  }
0x83: {  	s30 =	sadd.s32 $0xFFFFFF40, s18;
	s31 =	sadd.s32 $0xFFFFFF60, s18;
	v51 =	vand.u32 $0x74, v13;
	v52 =	vand.u32 $0x75, v38;
	s22 =	sadd.s32 $0xFFFFFF00, s18;
	[tilespmem:s17+$0xFFFFFFE0] =	vst v29;
	v29 =	vor.u32 v1, v4;
	v35 =	vld.idx.msk [tilespmem:v20+s2+$0x0], $0xffff  }
0x84: {  	s1 =	sadd.s32 $0xFFFFFF80, s18;
	s3 =	sadd.s32 $0xFFFFFFC0, s18;
	s6 =	sadd.s32 $0xFFFFFFE0, s18;
	v10 =	vand.u32 $0x77, v39;
	v11 =	vand.u32 $0x76, v40;
	v17 =	vld.idx.msk [tilespmem:v22+s2+$0x0], $0xffff;
	[tilespmem:s17+$0x0] =	vst v32;
	v32 =	vor.u32 v1, v5  }
0x85: {  	v53 =	vor.u32 v1, v3;
	s29 =	sor.u32 $0x70, s23;
	s8 =	sor.u32 $0x50, s21;
	v8 =	vand.u32 $0x78, v41;
	s12 =	sor.u32 $0x30, s20;
	v6 =	vand.u32 $0x79, v42;
	v20 =	vld.idx.msk [tilespmem:v24+s2+$0x0], $0xffff;
	[tilespmem:s17+$0x20] =	vst v25  }
0x86: {  	s26 =	sor.u32 $0x50, s25;
	s28 =	sor.u32 $0x30, s24;
	v54 =	vor.u32 v1, v27;
	v7 =	vand.u32 $0x7A, v43;
	v4 =	vand.u32 $0x7B, v44;
	s25 =	sor.u32 $0x70, s22;
	v22 =	vld.idx.msk [tilespmem:v23+s2+$0x0], $0xffff;
	[tilespmem:s17+$0x40] =	vst v28  }
0x87: {  	v55 =	vor.u32 v1, v2;
	s24 =	sor.u32 $0x30, s30;
	s23 =	sor.u32 $0x50, s31;
	v3 =	vand.u32 $0x7D, v46;
	s22 =	sor.u32 $0x70, s1;
	v5 =	vand.u32 $0x7C, v45;
	v24 =	vld.idx.msk [tilespmem:v26+s2+$0x0], $0xffff;
	[tilespmem:s17+$0x60] =	vst v30  }
0x88: {  	v57 =	vshll.u32 v21, $0x3;
	v56 =	vshll.u32 v18, $0x3;
	v37 =	vshll.u32 v37, $0x3;
	s21 =	sor.u32 $0x30, s3;
	s20 =	sor.u32 $0x50, s6;
	v26 =	vld.idx.msk [tilespmem:v29+s2+$0x0], $0xffff;
	[tilespmem:s17+$0x80] =	vst v31  }
0x89: {  	v13 =	vshll.u32 v13, $0x3;
	v38 =	vshll.u32 v38, $0x3;
	v40 =	vshll.u32 v40, $0x3;
	v28 =	vld.idx.msk [tilespmem:v32+s2+$0x0], $0xffff;
	[tilespmem:s17+$0xA0] =	vst v33  }
0x8a: {  	v27 =	vshll.u32 v41, $0x3;
	v25 =	vshll.u32 v42, $0x3;
	v33 =	vshll.u32 v39, $0x3;
	v29 =	vld.idx.msk [tilespmem:v53+s2+$0x0], $0xffff;
	[tilespmem:s17+$0xC0] =	vst v35  }
0x8b: {  	v21 =	vshll.u32 v44, $0x3;
	v18 =	vshll.u32 v45, $0x3;
	v23 =	vshll.u32 v43, $0x3;
	[tilespmem:s17+$0xFFFFFF00] =	vst v9;
	v30 =	vld.idx.msk [tilespmem:v54+s2+$0x0], $0xffff  }
0x8c: {  	v2 =	vor.u32 v19, v34;
	v19 =	vshll.u32 v46, $0x3;
	v32 =	vand.u32 $0x400, v56;
	v31 =	vld.idx.msk [tilespmem:v55+s2+$0x0], $0xffff;
	[tilespmem:s12+$0x4000] =	vst v36  }
.Ltmp5:
0x8d: {  	v34 =	vand.u32 $0x400, v57;
	v36 =	vand.u32 $0x400, v37;
	v37 =	vand.u32 $0x400, v13;
	[tilespmem:s8+$0x4000] =	vst v14;
	(pc) =	sbr.rel @p5 .LBB2_4-.Ltmp5, $4  }
0x8e: {  	v38 =	vand.u32 $0x400, v38;
	v9 =	vor.u32 v0, v2;
	v13 =	vor.u32 v47, v32;
	[tilespmem:s29+$0x4000] =	vst v15  }
0x8f: {  	v35 =	vand.u32 $0x400, v40;
	v32 =	vor.u32 v0, v13;
	v14 =	vor.u32 v48, v34;
	[tilespmem:s17+$0xFFFFFF90] =	vst v16  }
0x90: {  	v34 =	vor.u32 v0, v14;
	v15 =	vor.u32 v49, v36;
	v36 =	vand.u32 $0x400, v33;
	[tilespmem:s28+$0x4000] =	vst v12  }
0x91: {  	s19 =	sadd.s32 $0x10, s19;
	v33 =	vor.u32 v0, v15;
	v16 =	vor.u32 v51, v37;
	v12 =	vor.u32 v52, v38;
	s28 =	sadd.s32 $0xF, s16;
	[tilespmem:s26+$0x4000] =	vst v50  }
0x92: {  	[tilespmem:s25+$0x4000] =	vst v17  }
0x93: {  	[tilespmem:s17+$0x10] =	vst v20  }
0x94: {  	[tilespmem:s24+$0x4000] =	vst v22;
	v62 =	vor.u32 v0, v16  }
0x95: {  	v11 =	vor.u32 v11, v35;
	[tilespmem:s23+$0x4000] =	vst v24;
	v63 =	vor.u32 v0, v12  }
0x96: {  	v10 =	vor.u32 v10, v36;
	[tilespmem:s22+$0x4000] =	vst v26;
	v41 =	vld.idx.msk [tilespmem:v34+s2+$0x0], $0xffff;
	v39 =	vor.u32 v0, v11  }
0x97: {  	v37 =	vmov s28;
	[tilespmem:s17+$0x90] =	vst v28;
	v43 =	vld.idx.msk [tilespmem:v33+s2+$0x0], $0xffff;
	v40 =	vor.u32 v0, v10  }
0x98: {  	v27 =	vand.u32 $0x400, v27;
	v25 =	vand.u32 $0x400, v25;
	[tilespmem:s21+$0x4000] =	vst v29;
	v14 =	vor.u32 v1, v14;
	v9 =	vld.idx.msk [tilespmem:v9+s2+$0x0], $0xffff  }
0x99: {  	v23 =	vand.u32 $0x400, v23;
	[tilespmem:s20+$0x4000] =	vst v30;
	v21 =	vand.u32 $0x400, v21;
	v15 =	vor.u32 v1, v15;
	v17 =	vld.idx.msk [tilespmem:v62+s2+$0x0], $0xffff  }
0x9a: {  	[tilespmem:s17+$0xFFFFFF10] =	vst v31;
	s17 =	sadd.s32 $0x200, s17;
	v18 =	vand.u32 $0x400, v18;
	v2 =	vor.u32 v1, v2;
	v8 =	vor.u32 v8, v27;
	v20 =	vld.idx.msk [tilespmem:v63+s2+$0x0], $0xffff  }
0x9b: {  	v19 =	vand.u32 $0x400, v19;
	v6 =	vor.u32 v6, v25;
	v44 =	vor.u32 v0, v8;
	[tilespmem:s17+$0xFFFFFF40] =	vst v41;
	v45 =	vld.idx.msk [tilespmem:v39+s2+$0x0], $0xffff  }
0x9c: {  	v38 =	vshll.u32 v37, $0x3;
	v7 =	vor.u32 v7, v23;
	v25 =	vor.u32 v0, v6;
	[tilespmem:s17+$0xFFFFFF60] =	vst v43;
	v50 =	vld.idx.msk [tilespmem:v40+s2+$0x0], $0xffff  }
0x9d: {  	s1 =	sadd.s32 $0xE, s16;
	v37 =	vand.u32 $0x7F, v37;
	v4 =	vor.u32 v4, v21;
	v23 =	vor.u32 v0, v7;
	[tilespmem:s17+$0xFFFFFF00] =	vst v9;
	v14 =	vld.idx.msk [tilespmem:v14+s2+$0x0], $0xffff  }
0x9e: {  	v5 =	vor.u32 v5, v18;
	v47 =	vmov s1;
	v46 =	vor.u32 v0, v4;
	v15 =	vld.idx.msk [tilespmem:v15+s2+$0x0], $0xffff;
	[tilespmem:s17+$0xFFFFFF80] =	vst v17  }
0x9f: {  	s31 =	sadd.s32 $0x200, s18;
	v3 =	vor.u32 v3, v19;
	v38 =	vand.u32 $0x400, v38;
	v48 =	vor.u32 v0, v5;
	v2 =	vld.idx.msk [tilespmem:v2+s2+$0x0], $0xffff;
	[tilespmem:s17+$0xFFFFFFA0] =	vst v20  }
0xa0: {  	s3 =	sadd.s32 $0xFFFFFE60, s31;
	v49 =	vshll.u32 v47, $0x3;
	v53 =	vor.u32 v0, v3;
	v37 =	vor.u32 v37, v38;
	v52 =	vld.idx.msk [tilespmem:v44+s2+$0x0], $0xffff;
	[tilespmem:s17+$0xFFFFFFC0] =	vst v45  }
0xa1: {  	s6 =	sadd.s32 $0xFFFFFE80, s31;
	v18 =	vand.u32 $0x7E, v47;
	s3 =	sor.u32 $0x50, s3;
	v51 =	vand.u32 $0x400, v49;
	v38 =	vor.u32 v0, v37;
	v54 =	vld.idx.msk [tilespmem:v25+s2+$0x0], $0xffff;
	[tilespmem:s17+$0xFFFFFFE0] =	vst v50  }
0xa2: {  	s18 =	sor.u32 $0x70, s6;
	v18 =	vor.u32 v18, v51;
	v55 =	vld.idx.msk [tilespmem:v23+s2+$0x0], $0xffff;
	[tilespmem:s3+$0x4000] =	vst v14  }
0xa3: {  	v19 =	vor.u32 v0, v18;
	v56 =	vld.idx.msk [tilespmem:v46+s2+$0x0], $0xffff;
	[tilespmem:s18+$0x4000] =	vst v15  }
0xa4: {  	v59 =	vor.u32 v1, v16;
	v57 =	vld.idx.msk [tilespmem:v48+s2+$0x0], $0xffff;
	[tilespmem:s17+$0xFFFFFF10] =	vst v2  }
0xa5: {  	v60 =	vor.u32 v1, v12;
	v58 =	vld.idx.msk [tilespmem:v53+s2+$0x0], $0xffff;
	[tilespmem:s17+$0x0] =	vst v52  }
0xa6: {  	v10 =	vor.u32 v1, v10;
	v36 =	vld.idx.msk [tilespmem:v38+s2+$0x0], $0xffff;
	[tilespmem:s17+$0x20] =	vst v54  }
0xa7: {  	v8 =	vor.u32 v1, v8;
	v38 =	vld.idx.msk [tilespmem:v32+s2+$0x0], $0xffff;
	[tilespmem:s17+$0x40] =	vst v55  }
0xa8: {  	v7 =	vor.u32 v1, v7;
	v19 =	vld.idx.msk [tilespmem:v19+s2+$0x0], $0xffff;
	[tilespmem:s17+$0x60] =	vst v56  }
0xa9: {  	v4 =	vor.u32 v1, v4;
	v16 =	vld.idx.msk [tilespmem:v59+s2+$0x0], $0xffff;
	[tilespmem:s17+$0x80] =	vst v57  }
0xaa: {  	v5 =	vor.u32 v1, v5;
	v12 =	vld.idx.msk [tilespmem:v60+s2+$0x0], $0xffff;
	[tilespmem:s17+$0xA0] =	vst v58  }
0xab: {  	v3 =	vor.u32 v1, v3;
	v10 =	vld.idx.msk [tilespmem:v10+s2+$0x0], $0xffff;
	[tilespmem:s17+$0xE0] =	vst v36  }
0xac: {  	v42 =	vor.u32 v1, v37;
	v8 =	vld.idx.msk [tilespmem:v8+s2+$0x0], $0xffff;
	[tilespmem:s17+$0xFFFFFF20] =	vst v38  }
0xad: {  	v13 =	vor.u32 v1, v13;
	s19 =	sadd.s32 $0xFFFFFEC0, s31;
	v7 =	vld.idx.msk [tilespmem:v7+s2+$0x0], $0xffff;
	[tilespmem:s17+$0xC0] =	vst v19  }
0xae: {  	v11 =	vor.u32 v1, v11;
	s21 =	sadd.s32 $0xFFFFFF00, s31;
	s3 =	sor.u32 $0x30, s19;
	v4 =	vld.idx.msk [tilespmem:v4+s2+$0x0], $0xffff;
	[tilespmem:s17+$0xFFFFFF90] =	vst v16  }
0xaf: {  	v6 =	vor.u32 v1, v6;
	s22 =	sor.u32 $0x70, s21;
	v5 =	vld.idx.msk [tilespmem:v5+s2+$0x0], $0xffff;
	[tilespmem:s3+$0x4000] =	vst v12  }
0xb0: {  	s24 =	sadd.s32 $0xFFFFFF60, s31;
	v62 =	vor.u32 v1, v18;
	v3 =	vld.idx.msk [tilespmem:v3+s2+$0x0], $0xffff;
	[tilespmem:s22+$0x4000] =	vst v10  }
0xb1: {  	s25 =	sadd.s32 $0xFFFFFF80, s31;
	v27 =	vld.idx.msk [tilespmem:v42+s2+$0x0], $0xffff;
	s3 =	sor.u32 $0x50, s24;
	[tilespmem:s17+$0x10] =	vst v8  }
0xb2: {  	s26 =	sor.u32 $0x70, s25;
	v13 =	vld.idx.msk [tilespmem:v13+s2+$0x0], $0xffff;
	[tilespmem:s3+$0x4000] =	vst v7  }
0xb3: {  	s28 =	sadd.s32 $0xFFFFFFC0, s31;
	v61 =	vld.idx.msk [tilespmem:v11+s2+$0x0], $0xffff;
	[tilespmem:s26+$0x4000] =	vst v4  }
0xb4: {  	v6 =	vld.idx.msk [tilespmem:v6+s2+$0x0], $0xffff;
	s3 =	sor.u32 $0x30, s28;
	[tilespmem:s17+$0x90] =	vst v5  }
0xb5: {  	s8 =	sor.u32 $0x70, s31;
	s12 =	sadd.s32 $0xFFFFFE40, s31;
	v63 =	vld.idx.msk [tilespmem:v62+s2+$0x0], $0xffff;
	[tilespmem:s3+$0x4000] =	vst v3  }
0xb6: {  	s20 =	sadd.s32 $0xFFFFFEE0, s31;
	s1 =	sor.u32 $0x30, s12;
	[tilespmem:s8+$0x4000] =	vst v27  }
0xb7: {  	s23 =	sadd.s32 $0xFFFFFF40, s31;
	[tilespmem:s1+$0x4000] =	vst v13;
	s1 =	sor.u32 $0x50, s20  }
0xb8: {  	s29 =	sadd.s32 $0xFFFFFFE0, s31;
	[tilespmem:s1+$0x4000] =	vst v61;
	s1 =	sor.u32 $0x30, s23  }
0xb9: {  	s30 =	sshll.u32 s15, $0x9;
	[tilespmem:s1+$0x4000] =	vst v6;
	s1 =	sor.u32 $0x50, s29  }
0xba: {  	s31 =	simm.s32 $0x4000;
	[tilespmem:s1+$0x4000] =	vst v63;
	s1 =	sadd.s32 s4, s30  }
0xbb: {  	[hbm4b:s1+s2] =	stream.linear.scatter [tilespmem:s31], [sflag:$0x3], $0x2000, $0x38;
	[tilespmem:$0x8000] =	vst v63  }
.LBB2_6:
0xbc: {  	p5 =	por @!p1 $0x0, $0x0;
	p4 =	por @!p4 $0x1, $0x1;
	p2 =	por !p2, p1  }
0xbd: {  	p4 =	por @!p2 p5, p5;
	p2 =	por $0x0, $0x0  }
0xbe: {  	p2 =	por @!p1 p4, p4  }
.Ltmp6:
0xbf: {  	_ = 	snop;
	(pc) =	sbr.rel @!p2 .LBB2_10-.Ltmp6, $4  }
0xc0: {  	s1 =	simm.s32 @!p3 $0x4  }
0xc1: {  	_ =	swait.ge @!p3 [sflag:s1], $0x2000  }
0xc2: {  	[sflag:s1] =	ssyncset.done @!p3 $0x0  }
0xc3: {  	[sflag:s1] =	ssyncadd.s32 @!p3 $0xFFFFE000  }
0xc4: {  	s1 =	simm.s32 $0x0  }
0xc5: {  	s15 =	simm.s32 $0x1;
	s3 =	simm.s32 $0x2;
	s16 =	simm.s32 $0x3;
	v2 =	vmov s1  }
0xc6: {  	s6 =	simm.s32 $0x4;
	s17 =	simm.s32 $0x5;
	s18 =	simm.s32 $0x6;
	v4 =	vmov s15;
	v5 =	vmov s3;
	v6 =	vmov s16  }
0xc7: {  	s19 =	simm.s32 $0x7;
	s20 =	simm.s32 $0x8;
	s21 =	simm.s32 $0x9;
	v7 =	vmov s6;
	v8 =	vmov s17;
	v9 =	vmov s18  }
0xc8: {  	s22 =	simm.s32 $0xA;
	s23 =	simm.s32 $0xB;
	s24 =	simm.s32 $0xC;
	v10 =	vmov s19;
	v11 =	vmov s20;
	v12 =	vmov s21  }
0xc9: {  	s25 =	simm.s32 $0xD;
	s28 =	simm.s32 $0x11;
	s29 =	simm.s32 $0x12;
	v13 =	vmov s22;
	v14 =	vmov s23;
	v15 =	vmov s24  }
0xca: {  	s30 =	simm.s32 $0x13;
	s31 =	simm.s32 $0x14;
	s8 =	simm.s32 $0xE;
	v16 =	vmov s25;
	v34 =	vmov s28;
	v35 =	vmov s29  }
0xcb: {  	s12 =	simm.s32 $0x16;
	v36 =	vmov s30;
	v37 =	vmov s31;
	v39 =	vmov s8  }
0xcc: {  	v40 =	vmov s12;
	v3 =	vand.u32 $0x70, v2;
	v2 =	vshll.u32 v2, $0x3  }
0xcd: {  	v17 =	vand.u32 $0x71, v4;
	v18 =	vand.u32 $0x72, v5;
	v19 =	vand.u32 $0x73, v6  }
0xce: {  	v20 =	vand.u32 $0x74, v7;
	v21 =	vand.u32 $0x75, v8;
	v22 =	vand.u32 $0x76, v9  }
0xcf: {  	v23 =	vand.u32 $0x77, v10;
	v24 =	vand.u32 $0x78, v11;
	v25 =	vand.u32 $0x79, v12  }
0xd0: {  	v26 =	vand.u32 $0x7A, v13;
	v27 =	vand.u32 $0x7B, v14;
	v28 =	vand.u32 $0x7C, v15  }
0xd1: {  	v29 =	vand.u32 $0x7D, v16;
	v4 =	vshll.u32 v4, $0x3;
	v5 =	vshll.u32 v5, $0x3  }
0xd2: {  	v6 =	vshll.u32 v6, $0x3;
	v7 =	vshll.u32 v7, $0x3;
	v8 =	vshll.u32 v8, $0x3  }
0xd3: {  	v9 =	vshll.u32 v9, $0x3;
	v10 =	vshll.u32 v10, $0x3;
	v11 =	vshll.u32 v11, $0x3  }
0xd4: {  	s6 =	simm.s32 $0x15;
	v12 =	vshll.u32 v12, $0x3;
	v13 =	vshll.u32 v13, $0x3;
	v14 =	vshll.u32 v14, $0x3  }
0xd5: {  	s17 =	simm.s32 $0x17;
	s19 =	simm.s32 $0x19;
	v15 =	vshll.u32 v15, $0x3;
	v38 =	vmov s6;
	v41 =	vshll.u32 v39, $0x3  }
0xd6: {  	v62 =	vmov s17;
	v63 =	vmov s19;
	v2 =	vand.u32 $0x400, v2  }
0xd7: {  	v5 =	vand.u32 $0x400, v5;
	v6 =	vand.u32 $0x400, v6;
	v7 =	vand.u32 $0x400, v7  }
0xd8: {  	v8 =	vand.u32 $0x400, v8;
	v9 =	vand.u32 $0x400, v9;
	v10 =	vand.u32 $0x400, v10  }
0xd9: {  	v2 =	vor.u32 v3, v2;
	v3 =	vand.u32 $0x400, v4;
	v4 =	vshll.u32 v16, $0x3  }
0xda: {  	v5 =	vor.u32 v18, v5;
	v6 =	vor.u32 v19, v6;
	v16 =	vor.u32 v0, v2  }
0xdb: {  	s26 =	simm.s32 $0xF;
	v7 =	vor.u32 v20, v7;
	v8 =	vor.u32 v21, v8;
	v18 =	vor.u32 v0, v5  }
0xdc: {  	_ =	swait.ge [sflag:s9], $0x2000;
	v21 =	vor.u32 v22, v9;
	v9 =	vmov s26;
	v19 =	vor.u32 v0, v6  }
0xdd: {  	[sflag:s9] =	ssyncset.done $0x0;
	v10 =	vor.u32 v23, v10;
	v20 =	vor.u32 v0, v7;
	v23 =	vshll.u32 v9, $0x3  }
0xde: {  	[sflag:s9] =	ssyncadd.s32 $0xFFFFE000;
	v22 =	vor.u32 v0, v8;
	v9 =	vand.u32 $0x7F, v9;
	v23 =	vand.u32 $0x400, v23  }
0xdf: {  	v11 =	vand.u32 $0x400, v11;
	v30 =	vor.u32 v0, v21;
	v23 =	vor.u32 v9, v23;
	v9 =	vld.idx.msk [tilespmem:v16+s10+$0x0], $0xffff  }
0xe0: {  	s21 =	simm.s32 $0x1B;
	v12 =	vand.u32 $0x400, v12;
	v11 =	vor.u32 v24, v11;
	v31 =	vor.u32 v0, v10;
	v18 =	vld.idx.msk [tilespmem:v18+s10+$0x0], $0xffff  }
0xe1: {  	v42 =	vmov s21;
	v12 =	vor.u32 v25, v12;
	v24 =	vor.u32 v0, v11;
	v19 =	vld.idx.msk [tilespmem:v19+s10+$0x0], $0xffff  }
0xe2: {  	s22 =	simm.s32 $0x1C;
	v3 =	vor.u32 v17, v3;
	v25 =	vor.u32 v0, v12;
	v4 =	vand.u32 $0x400, v4;
	v20 =	vld.idx.msk [tilespmem:v20+s10+$0x0], $0xffff  }
0xe3: {  	s23 =	simm.s32 $0x1D;
	v43 =	vmov s22;
	v17 =	vor.u32 v0, v3;
	v4 =	vor.u32 v29, v4;
	v22 =	vld.idx.msk [tilespmem:v22+s10+$0x0], $0xffff  }
0xe4: {  	v44 =	vmov s23;
	v15 =	vand.u32 $0x400, v15;
	v32 =	vor.u32 v0, v4;
	v30 =	vld.idx.msk [tilespmem:v30+s10+$0x0], $0xffff  }
0xe5: {  	v46 =	vand.u32 $0x71, v34;
	v15 =	vor.u32 v28, v15;
	v16 =	vor.u32 v0, v23;
	v31 =	vld.idx.msk [tilespmem:v31+s10+$0x0], $0xffff  }
0xe6: {  	s16 =	simm.s32 $0x6100;
	v47 =	vand.u32 $0x72, v35;
	v48 =	vand.u32 $0x73, v36;
	v28 =	vor.u32 v0, v15;
	v24 =	vld.idx.msk [tilespmem:v24+s10+$0x0], $0xffff  }
0xe7: {  	v50 =	vand.u32 $0x74, v37;
	v34 =	vshll.u32 v34, $0x3;
	v5 =	vor.u32 v1, v5;
	v25 =	vld.idx.msk [tilespmem:v25+s10+$0x0], $0xffff;
	[tilespmem:s16+$0xFFFFFF40] =	vst v18  }
0xe8: {  	v35 =	vshll.u32 v35, $0x3;
	v13 =	vand.u32 $0x400, v13;
	v6 =	vor.u32 v1, v6;
	v17 =	vld.idx.msk [tilespmem:v17+s10+$0x0], $0xffff;
	[tilespmem:s16+$0xFFFFFF60] =	vst v19  }
0xe9: {  	v14 =	vand.u32 $0x400, v14;
	v13 =	vor.u32 v26, v13;
	v7 =	vor.u32 v1, v7;
	v32 =	vld.idx.msk [tilespmem:v32+s10+$0x0], $0xffff;
	[tilespmem:s16+$0xFFFFFF80] =	vst v20  }
0xea: {  	v36 =	vshll.u32 v36, $0x3;
	v14 =	vor.u32 v27, v14;
	v3 =	vor.u32 v1, v3;
	v16 =	vld.idx.msk [tilespmem:v16+s10+$0x0], $0xffff;
	[tilespmem:s16+$0xFFFFFFA0] =	vst v22  }
0xeb: {  	v37 =	vshll.u32 v37, $0x3;
	v26 =	vor.u32 v0, v13;
	v27 =	vor.u32 v0, v14;
	v19 =	vld.idx.msk [tilespmem:v28+s10+$0x0], $0xffff;
	[tilespmem:s16+$0xFFFFFFC0] =	vst v30  }
0xec: {  	v51 =	vand.u32 $0x75, v38;
	v12 =	vor.u32 v1, v12;
	v18 =	vor.u32 v1, v21;
	[tilespmem:s16+$0xFFFFFFE0] =	vst v31;
	v30 =	vld.idx.msk [tilespmem:v5+s10+$0x0], $0xffff  }
0xed: {  	v38 =	vshll.u32 v38, $0x3;
	v13 =	vor.u32 v1, v13;
	v23 =	vor.u32 v1, v23;
	[tilespmem:s16+$0x0] =	vst v24;
	v49 =	vld.idx.msk [tilespmem:v6+s10+$0x0], $0xffff  }
0xee: {  	v37 =	vand.u32 $0x400, v37;
	v14 =	vor.u32 v1, v14;
	v15 =	vor.u32 v1, v15;
	[tilespmem:s16+$0xFFFFFF20] =	vst v17;
	v31 =	vld.idx.msk [tilespmem:v7+s10+$0x0], $0xffff  }
0xef: {  	v38 =	vand.u32 $0x400, v38;
	v55 =	vor.u32 v1, v2;
	[tilespmem:s16+$0x20] =	vst v25;
	v17 =	vor.u32 v1, v8;
	v45 =	vld.idx.msk [tilespmem:v3+s10+$0x0], $0xffff  }
0xf0: {  	s15 =	simm.s32 $0x10;
	v20 =	vor.u32 v1, v10;
	v8 =	vand.u32 $0x7E, v39;
	[tilespmem:s16+$0xE0] =	vst v16;
	v16 =	vld.idx.msk [tilespmem:v26+s10+$0x0], $0xffff;
	v26 =	vand.u32 $0x400, v41  }
0xf1: {  	v29 =	vmov s15;
	v22 =	vor.u32 v1, v11;
	[tilespmem:s16+$0xFFFFFF00] =	vst v9;
	v54 =	vld.idx.msk [tilespmem:v18+s10+$0x0], $0xffff;
	v21 =	vor.u32 v8, v26  }
0xf2: {  	s26 =	simm.s32 $0x40;
	v33 =	vand.u32 $0x70, v29;
	v29 =	vshll.u32 v29, $0x3;
	[tilespmem:s16+$0xA0] =	vst v32;
	v23 =	vld.idx.msk [tilespmem:v23+s10+$0x0], $0xffff;
	v8 =	vor.u32 v0, v21  }
0xf3: {  	s20 =	simm.s32 $0x1A;
	s28 =	simm.s32 $0x60;
	s3 =	sor.u32 $0x50, s26;
	v52 =	vor.u32 v1, v4;
	v4 =	vand.u32 $0x7B, v42;
	v29 =	vand.u32 $0x400, v29;
	[tilespmem:s16+$0x80] =	vst v19;
	v26 =	vld.idx.msk [tilespmem:v27+s10+$0x0], $0xffff  }
0xf4: {  	s6 =	sor.u32 $0x70, s28;
	v2 =	vor.u32 v33, v29;
	v28 =	vmov s20;
	v11 =	vand.u32 $0x76, v40;
	v53 =	vld.idx.msk [tilespmem:v17+s10+$0x0], $0xffff;
	[tilespmem:s3+$0x6000] =	vst v30  }
0xf5: {  	s17 =	simm.s32 $0x1E0;
	v10 =	vand.u32 $0x77, v62;
	v40 =	vshll.u32 v40, $0x3;
	v25 =	vshll.u32 v63, $0x3;
	v17 =	vld.idx.msk [tilespmem:v20+s10+$0x0], $0xffff;
	[tilespmem:s6+$0x6000] =	vst v49  }
0xf6: {  	s24 =	sor.u32 $0x70, s17;
	v9 =	vor.u32 v0, v2;
	v6 =	vand.u32 $0x79, v63;
	v7 =	vand.u32 $0x7A, v28;
	v20 =	vld.idx.msk [tilespmem:v22+s10+$0x0], $0xffff;
	[tilespmem:s16+$0xFFFFFF90] =	vst v31  }
0xf7: {  	s18 =	simm.s32 $0x18;
	s25 =	simm.s32 $0x20;
	v5 =	vand.u32 $0x7C, v43;
	v3 =	vand.u32 $0x7D, v44;
	v18 =	vshll.u32 v43, $0x3;
	[tilespmem:s24+$0x6000] =	vst v23;
	v23 =	vld.idx.msk [tilespmem:v8+s10+$0x0], $0xffff  }
0xf8: {  	s1 =	sor.u32 $0x30, s25;
	v19 =	vshll.u32 v44, $0x3;
	v27 =	vmov s18;
	v22 =	vld.idx.msk [tilespmem:v12+s10+$0x0], $0xffff;
	v12 =	vshll.u32 v62, $0x3;
	[tilespmem:s16+$0x40] =	vst v16  }
0xf9: {  	s8 =	simm.s32 $0xA0;
	s12 =	simm.s32 $0xC0;
	s29 =	simm.s32 $0x140;
	[tilespmem:s1+$0x6000] =	vst v45;
	v16 =	vor.u32 v1, v21;
	v21 =	vshll.u32 v42, $0x3;
	v24 =	vld.idx.msk [tilespmem:v13+s10+$0x0], $0xffff;
	v13 =	vand.u32 $0x400, v34  }
0xfa: {  	s30 =	simm.s32 $0x1A0;
	s19 =	simm.s32 $0x120;
	s31 =	sor.u32 $0x50, s12;
	v29 =	vld.idx.msk [tilespmem:v52+s10+$0x0], $0xffff;
	[tilespmem:s16+$0x60] =	vst v26;
	v8 =	vand.u32 $0x78, v27;
	v27 =	vshll.u32 v27, $0x3;
	v13 =	vor.u32 v46, v13  }
0xfb: {  	s25 =	simm.s32 $0x1C0;
	s8 =	sor.u32 $0x30, s8;
	s22 =	sor.u32 $0x50, s29;
	[tilespmem:s31+$0x6000] =	vst v54;
	v26 =	vld.idx.msk [tilespmem:v14+s10+$0x0], $0xffff;
	v14 =	vand.u32 $0x400, v35;
	v35 =	vand.u32 $0x400, v40;
	v32 =	vor.u32 v0, v13  }
0xfc: {  	s23 =	sor.u32 $0x30, s19;
	s19 =	sor.u32 $0x50, s25;
	s20 =	simm.s32 $0x160;
	v14 =	vor.u32 v47, v14;
	[tilespmem:s16+$0xC0] =	vst v23;
	v23 =	vshll.u32 v28, $0x3;
	v28 =	vld.idx.msk [tilespmem:v15+s10+$0x0], $0xffff;
	v15 =	vand.u32 $0x400, v36  }
0xfd: {  	s26 =	simm.s32 $0x1F;
	s21 =	sor.u32 $0x70, s20;
	s18 =	simm.s32 $0xE0;
	v31 =	vld.idx.msk [tilespmem:v55+s10+$0x0], $0xffff;
	[tilespmem:s8+$0x6000] =	vst v53;
	v34 =	vor.u32 v0, v14;
	v36 =	vand.u32 $0x400, v12;
	v15 =	vor.u32 v48, v15  }
0xfe: {  	s20 =	sor.u32 $0x30, s30;
	s24 =	sor.u32 $0x70, s18;
	s18 =	simm.s32 $0x20;
	v12 =	vor.u32 v51, v38;
	v30 =	vld.idx.msk [tilespmem:v16+s10+$0x0], $0xffff;
	v16 =	vor.u32 v50, v37;
	v33 =	vor.u32 v0, v15  }
.LBB2_8:
0xff: {  	p1 =	slt.u32 s18, $0xF0;
	v37 =	vor.u32 v0, v16;
	v11 =	vor.u32 v11, v35;
	v35 =	vmov s26;
	[tilespmem:s24+$0x6000] =	vst v17  }
0x100: {  	v17 =	vor.u32 v0, v12;
	v10 =	vor.u32 v10, v36;
	v9 =	vld.idx.msk [tilespmem:v9+s10+$0x0], $0xffff;
	v36 =	vshll.u32 v35, $0x3;
	[tilespmem:s16+$0x10] =	vst v20  }
0x101: {  	v35 =	vand.u32 $0x7F, v35;
	v20 =	vld.idx.msk [tilespmem:v32+s10+$0x0], $0xffff;
	v32 =	vor.u32 v0, v11;
	v36 =	vand.u32 $0x400, v36;
	[tilespmem:s23+$0x6000] =	vst v22  }
0x102: {  	v27 =	vand.u32 $0x400, v27;
	v22 =	vld.idx.msk [tilespmem:v34+s10+$0x0], $0xffff;
	v34 =	vor.u32 v0, v10;
	v35 =	vor.u32 v35, v36;
	[tilespmem:s22+$0x6000] =	vst v24  }
0x103: {  	v25 =	vand.u32 $0x400, v25;
	v8 =	vor.u32 v8, v27;
	v24 =	vld.idx.msk [tilespmem:v33+s10+$0x0], $0xffff;
	v27 =	vor.u32 v0, v35;
	[tilespmem:s21+$0x6000] =	vst v26  }
0x104: {  	v23 =	vand.u32 $0x400, v23;
	v6 =	vor.u32 v6, v25;
	v33 =	vor.u32 v0, v8;
	v26 =	vld.idx.msk [tilespmem:v37+s10+$0x0], $0xffff;
	[tilespmem:s16+$0x90] =	vst v28  }
0x105: {  	v21 =	vand.u32 $0x400, v21;
	v7 =	vor.u32 v7, v23;
	v25 =	vor.u32 v0, v6;
	v17 =	vld.idx.msk [tilespmem:v17+s10+$0x0], $0xffff;
	[tilespmem:s20+$0x6000] =	vst v29  }
0x106: {  	v18 =	vand.u32 $0x400, v18;
	v4 =	vor.u32 v4, v21;
	v28 =	vor.u32 v0, v7;
	v23 =	vld.idx.msk [tilespmem:v32+s10+$0x0], $0xffff;
	[tilespmem:s19+$0x6000] =	vst v30  }
0x107: {  	v5 =	vor.u32 v5, v18;
	v18 =	vand.u32 $0x400, v19;
	v30 =	vor.u32 v0, v4;
	v29 =	vld.idx.msk [tilespmem:v34+s10+$0x0], $0xffff;
	[tilespmem:s16+$0xFFFFFF10] =	vst v31  }
0x108: {  	v3 =	vor.u32 v3, v18;
	v31 =	vor.u32 v0, v5;
	v27 =	vld.idx.msk [tilespmem:v27+s10+$0x0], $0xffff  }
0x109: {  	v18 =	vmov s18;
	v32 =	vld.idx.msk [tilespmem:v33+s10+$0x0], $0xffff;
	v33 =	vor.u32 v0, v3  }
0x10a: {  	s1 =	sadd.s32 $0x1, s18;
	s3 =	sadd.s32 $0x2, s18;
	v19 =	vand.u32 $0x70, v18;
	v35 =	vor.u32 v1, v35;
	v34 =	vshll.u32 v18, $0x3;
	v25 =	vld.idx.msk [tilespmem:v25+s10+$0x0], $0xffff  }
0x10b: {  	v21 =	vmov s3;
	s3 =	sadd.s32 $0x4, s18;
	v36 =	vor.u32 v1, v13;
	v18 =	vmov s1;
	s1 =	sadd.s32 $0x3, s18;
	v28 =	vld.idx.msk [tilespmem:v28+s10+$0x0], $0xffff  }
0x10c: {  	v14 =	vor.u32 v1, v14;
	v13 =	vmov s3;
	s3 =	sadd.s32 $0xE, s15;
	s15 =	smov.u32 s18;
	v37 =	vmov s1;
	s1 =	sadd.s32 $0x5, s18;
	v30 =	vld.idx.msk [tilespmem:v30+s10+$0x0], $0xffff  }
0x10d: {  	v15 =	vor.u32 v1, v15;
	v39 =	vmov s3;
	s16 =	sadd.s32 $0x200, s16;
	v38 =	vmov s1;
	s1 =	sadd.s32 $0x6, s18;
	v31 =	vld.idx.msk [tilespmem:v31+s10+$0x0], $0xffff  }
0x10e: {  	v16 =	vor.u32 v1, v16;
	v41 =	vshll.u32 v39, $0x3;
	v40 =	vmov s1;
	v33 =	vld.idx.msk [tilespmem:v33+s10+$0x0], $0xffff;
	[tilespmem:s16+$0xE0] =	vst v27  }
0x10f: {  	v12 =	vor.u32 v1, v12;
	s1 =	sadd.s32 $0x7, s18;
	v27 =	vand.u32 $0x400, v41;
	[tilespmem:s16+$0xFFFFFF20] =	vst v20;
	v20 =	vand.u32 $0x7E, v39;
	v35 =	vld.idx.msk [tilespmem:v35+s10+$0x0], $0xffff  }
0x110: {  	v11 =	vor.u32 v1, v11;
	s3 =	sadd.s32 $0x9, s18;
	v39 =	vmov s1;
	s1 =	sadd.s32 $0x8, s18;
	v36 =	vld.idx.msk [tilespmem:v36+s10+$0x0], $0xffff;
	[tilespmem:s16+$0xFFFFFF40] =	vst v22;
	v27 =	vor.u32 v20, v27  }
0x111: {  	v42 =	vmov s3;
	s3 =	sadd.s32 $0xB, s18;
	v41 =	vmov s1;
	s1 =	sadd.s32 $0xA, s18;
	v14 =	vld.idx.msk [tilespmem:v14+s10+$0x0], $0xffff;
	[tilespmem:s16+$0xFFFFFF60] =	vst v24;
	v20 =	vor.u32 v0, v27  }
0x112: {  	v44 =	vmov s3;
	s3 =	sadd.s32 $0xD, s18;
	v22 =	vor.u32 v1, v10;
	v43 =	vmov s1;
	s1 =	sadd.s32 $0xC, s18;
	v15 =	vld.idx.msk [tilespmem:v15+s10+$0x0], $0xffff;
	[tilespmem:s16+$0xFFFFFF80] =	vst v26  }
0x113: {  	s17 =	sadd.s32 $0x200, s17;
	v46 =	vmov s3;
	v24 =	vor.u32 v1, v8;
	v45 =	vmov s1;
	v16 =	vld.idx.msk [tilespmem:v16+s10+$0x0], $0xffff;
	[tilespmem:s16+$0xFFFFFFA0] =	vst v17  }
0x114: {  	s6 =	sor.u32 $0x70, s17;
	s3 =	sadd.s32 $0xFFFFFE60, s17;
	v34 =	vand.u32 $0x400, v34;
	v47 =	vand.u32 $0x71, v18;
	s1 =	sadd.s32 $0xFFFFFE40, s17;
	v12 =	vld.idx.msk [tilespmem:v12+s10+$0x0], $0xffff;
	[tilespmem:s16+$0xFFFFFFC0] =	vst v23;
	v23 =	vor.u32 v1, v6  }
0x115: {  	s8 =	sadd.s32 $0xFFFFFE80, s17;
	s12 =	sadd.s32 $0xFFFFFEC0, s17;
	v48 =	vand.u32 $0x72, v21;
	s19 =	sadd.s32 $0xFFFFFEE0, s17;
	v49 =	vand.u32 $0x73, v37;
	v26 =	vor.u32 v1, v7;
	v50 =	vld.idx.msk [tilespmem:v11+s10+$0x0], $0xffff;
	[tilespmem:s6+$0x6000] =	vst v35  }
0x116: {  	v51 =	vand.u32 $0x74, v13;
	s21 =	sadd.s32 $0xFFFFFF60, s17;
	s20 =	sadd.s32 $0xFFFFFF40, s17;
	v52 =	vand.u32 $0x75, v38;
	s6 =	sadd.s32 $0xFFFFFF00, s17;
	[tilespmem:s16+$0xFFFFFFE0] =	vst v29;
	v29 =	vor.u32 v1, v4;
	v35 =	vld.idx.msk [tilespmem:v20+s10+$0x0], $0xffff  }
0x117: {  	s29 =	sadd.s32 $0xFFFFFF80, s17;
	s30 =	sadd.s32 $0xFFFFFFC0, s17;
	s31 =	sadd.s32 $0xFFFFFFE0, s17;
	v10 =	vand.u32 $0x77, v39;
	v11 =	vand.u32 $0x76, v40;
	v17 =	vld.idx.msk [tilespmem:v22+s10+$0x0], $0xffff;
	[tilespmem:s16+$0x0] =	vst v32;
	v32 =	vor.u32 v1, v5  }
0x118: {  	s28 =	sor.u32 $0x70, s8;
	v53 =	vor.u32 v1, v3;
	s3 =	sor.u32 $0x50, s3;
	v8 =	vand.u32 $0x78, v41;
	s1 =	sor.u32 $0x30, s1;
	v6 =	vand.u32 $0x79, v42;
	v20 =	vld.idx.msk [tilespmem:v24+s10+$0x0], $0xffff;
	[tilespmem:s16+$0x20] =	vst v25  }
0x119: {  	s26 =	sor.u32 $0x30, s12;
	s25 =	sor.u32 $0x50, s19;
	v54 =	vor.u32 v1, v27;
	v7 =	vand.u32 $0x7A, v43;
	v4 =	vand.u32 $0x7B, v44;
	s24 =	sor.u32 $0x70, s6;
	v22 =	vld.idx.msk [tilespmem:v23+s10+$0x0], $0xffff;
	[tilespmem:s16+$0x40] =	vst v28  }
0x11a: {  	v55 =	vor.u32 v1, v2;
	s22 =	sor.u32 $0x50, s21;
	s21 =	sor.u32 $0x70, s29;
	s23 =	sor.u32 $0x30, s20;
	v3 =	vand.u32 $0x7D, v46;
	v5 =	vand.u32 $0x7C, v45;
	v24 =	vld.idx.msk [tilespmem:v26+s10+$0x0], $0xffff;
	[tilespmem:s16+$0x60] =	vst v30  }
0x11b: {  	v57 =	vshll.u32 v21, $0x3;
	s20 =	sor.u32 $0x30, s30;
	s19 =	sor.u32 $0x50, s31;
	v56 =	vshll.u32 v18, $0x3;
	v37 =	vshll.u32 v37, $0x3;
	v26 =	vld.idx.msk [tilespmem:v29+s10+$0x0], $0xffff;
	[tilespmem:s16+$0x80] =	vst v31  }
0x11c: {  	v13 =	vshll.u32 v13, $0x3;
	v38 =	vshll.u32 v38, $0x3;
	v40 =	vshll.u32 v40, $0x3;
	v28 =	vld.idx.msk [tilespmem:v32+s10+$0x0], $0xffff;
	[tilespmem:s16+$0xA0] =	vst v33  }
0x11d: {  	v27 =	vshll.u32 v41, $0x3;
	v25 =	vshll.u32 v42, $0x3;
	v33 =	vshll.u32 v39, $0x3;
	v29 =	vld.idx.msk [tilespmem:v53+s10+$0x0], $0xffff;
	[tilespmem:s16+$0xC0] =	vst v35  }
0x11e: {  	v21 =	vshll.u32 v44, $0x3;
	v18 =	vshll.u32 v45, $0x3;
	v23 =	vshll.u32 v43, $0x3;
	[tilespmem:s16+$0xFFFFFF00] =	vst v9;
	v30 =	vld.idx.msk [tilespmem:v54+s10+$0x0], $0xffff  }
0x11f: {  	v2 =	vor.u32 v19, v34;
	v19 =	vshll.u32 v46, $0x3;
	v32 =	vand.u32 $0x400, v56;
	v31 =	vld.idx.msk [tilespmem:v55+s10+$0x0], $0xffff;
	[tilespmem:s1+$0x6000] =	vst v36  }
.Ltmp7:
0x120: {  	v34 =	vand.u32 $0x400, v57;
	v36 =	vand.u32 $0x400, v37;
	v37 =	vand.u32 $0x400, v13;
	[tilespmem:s3+$0x6000] =	vst v14;
	(pc) =	sbr.rel @p1 .LBB2_8-.Ltmp7, $4  }
0x121: {  	v38 =	vand.u32 $0x400, v38;
	v9 =	vor.u32 v0, v2;
	v13 =	vor.u32 v47, v32;
	[tilespmem:s28+$0x6000] =	vst v15  }
0x122: {  	v35 =	vand.u32 $0x400, v40;
	v32 =	vor.u32 v0, v13;
	v14 =	vor.u32 v48, v34;
	[tilespmem:s16+$0xFFFFFF90] =	vst v16  }
0x123: {  	v34 =	vor.u32 v0, v14;
	v15 =	vor.u32 v49, v36;
	v36 =	vand.u32 $0x400, v33;
	[tilespmem:s26+$0x6000] =	vst v12  }
0x124: {  	s18 =	sadd.s32 $0x10, s18;
	v33 =	vor.u32 v0, v15;
	v16 =	vor.u32 v51, v37;
	v12 =	vor.u32 v52, v38;
	s26 =	sadd.s32 $0xF, s15;
	[tilespmem:s25+$0x6000] =	vst v50  }
0x125: {  	[tilespmem:s24+$0x6000] =	vst v17  }
0x126: {  	[tilespmem:s16+$0x10] =	vst v20  }
0x127: {  	[tilespmem:s23+$0x6000] =	vst v22;
	v62 =	vor.u32 v0, v16  }
0x128: {  	v11 =	vor.u32 v11, v35;
	[tilespmem:s22+$0x6000] =	vst v24;
	v63 =	vor.u32 v0, v12  }
0x129: {  	v10 =	vor.u32 v10, v36;
	[tilespmem:s21+$0x6000] =	vst v26;
	v41 =	vld.idx.msk [tilespmem:v34+s10+$0x0], $0xffff;
	v39 =	vor.u32 v0, v11  }
0x12a: {  	v37 =	vmov s26;
	[tilespmem:s16+$0x90] =	vst v28;
	v43 =	vld.idx.msk [tilespmem:v33+s10+$0x0], $0xffff;
	v40 =	vor.u32 v0, v10  }
0x12b: {  	v27 =	vand.u32 $0x400, v27;
	v25 =	vand.u32 $0x400, v25;
	[tilespmem:s20+$0x6000] =	vst v29;
	v14 =	vor.u32 v1, v14;
	v9 =	vld.idx.msk [tilespmem:v9+s10+$0x0], $0xffff  }
0x12c: {  	v23 =	vand.u32 $0x400, v23;
	[tilespmem:s19+$0x6000] =	vst v30;
	v21 =	vand.u32 $0x400, v21;
	v15 =	vor.u32 v1, v15;
	v17 =	vld.idx.msk [tilespmem:v62+s10+$0x0], $0xffff  }
0x12d: {  	[tilespmem:s16+$0xFFFFFF10] =	vst v31;
	s8 =	sadd.s32 $0x200, s16;
	v18 =	vand.u32 $0x400, v18;
	v2 =	vor.u32 v1, v2;
	v8 =	vor.u32 v8, v27;
	v20 =	vld.idx.msk [tilespmem:v63+s10+$0x0], $0xffff  }
0x12e: {  	v19 =	vand.u32 $0x400, v19;
	v6 =	vor.u32 v6, v25;
	v44 =	vor.u32 v0, v8;
	[tilespmem:s8+$0xFFFFFF40] =	vst v41;
	v45 =	vld.idx.msk [tilespmem:v39+s10+$0x0], $0xffff  }
0x12f: {  	v38 =	vshll.u32 v37, $0x3;
	v7 =	vor.u32 v7, v23;
	v25 =	vor.u32 v0, v6;
	[tilespmem:s8+$0xFFFFFF60] =	vst v43;
	v50 =	vld.idx.msk [tilespmem:v40+s10+$0x0], $0xffff  }
0x130: {  	s1 =	sadd.s32 $0xE, s15;
	v37 =	vand.u32 $0x7F, v37;
	v4 =	vor.u32 v4, v21;
	v23 =	vor.u32 v0, v7;
	[tilespmem:s8+$0xFFFFFF00] =	vst v9;
	v14 =	vld.idx.msk [tilespmem:v14+s10+$0x0], $0xffff  }
0x131: {  	v5 =	vor.u32 v5, v18;
	v47 =	vmov s1;
	v46 =	vor.u32 v0, v4;
	v15 =	vld.idx.msk [tilespmem:v15+s10+$0x0], $0xffff;
	[tilespmem:s8+$0xFFFFFF80] =	vst v17  }
0x132: {  	s12 =	sadd.s32 $0x200, s17;
	v3 =	vor.u32 v3, v19;
	v38 =	vand.u32 $0x400, v38;
	v48 =	vor.u32 v0, v5;
	v2 =	vld.idx.msk [tilespmem:v2+s10+$0x0], $0xffff;
	[tilespmem:s8+$0xFFFFFFA0] =	vst v20  }
0x133: {  	s3 =	sadd.s32 $0xFFFFFE60, s12;
	v49 =	vshll.u32 v47, $0x3;
	v53 =	vor.u32 v0, v3;
	v37 =	vor.u32 v37, v38;
	v52 =	vld.idx.msk [tilespmem:v44+s10+$0x0], $0xffff;
	[tilespmem:s8+$0xFFFFFFC0] =	vst v45  }
0x134: {  	s6 =	sadd.s32 $0xFFFFFE80, s12;
	v18 =	vand.u32 $0x7E, v47;
	s3 =	sor.u32 $0x50, s3;
	v51 =	vand.u32 $0x400, v49;
	v38 =	vor.u32 v0, v37;
	v54 =	vld.idx.msk [tilespmem:v25+s10+$0x0], $0xffff;
	[tilespmem:s8+$0xFFFFFFE0] =	vst v50  }
0x135: {  	s19 =	sor.u32 $0x70, s6;
	v18 =	vor.u32 v18, v51;
	v55 =	vld.idx.msk [tilespmem:v23+s10+$0x0], $0xffff;
	[tilespmem:s3+$0x6000] =	vst v14  }
0x136: {  	v19 =	vor.u32 v0, v18;
	v56 =	vld.idx.msk [tilespmem:v46+s10+$0x0], $0xffff;
	[tilespmem:s19+$0x6000] =	vst v15  }
0x137: {  	v59 =	vor.u32 v1, v16;
	v57 =	vld.idx.msk [tilespmem:v48+s10+$0x0], $0xffff;
	[tilespmem:s8+$0xFFFFFF10] =	vst v2  }
0x138: {  	v60 =	vor.u32 v1, v12;
	v58 =	vld.idx.msk [tilespmem:v53+s10+$0x0], $0xffff;
	[tilespmem:s8+$0x0] =	vst v52  }
0x139: {  	v10 =	vor.u32 v1, v10;
	v36 =	vld.idx.msk [tilespmem:v38+s10+$0x0], $0xffff;
	[tilespmem:s8+$0x20] =	vst v54  }
0x13a: {  	v8 =	vor.u32 v1, v8;
	v38 =	vld.idx.msk [tilespmem:v32+s10+$0x0], $0xffff;
	[tilespmem:s8+$0x40] =	vst v55  }
0x13b: {  	v7 =	vor.u32 v1, v7;
	v19 =	vld.idx.msk [tilespmem:v19+s10+$0x0], $0xffff;
	[tilespmem:s8+$0x60] =	vst v56  }
0x13c: {  	v4 =	vor.u32 v1, v4;
	v16 =	vld.idx.msk [tilespmem:v59+s10+$0x0], $0xffff;
	[tilespmem:s8+$0x80] =	vst v57  }
0x13d: {  	v5 =	vor.u32 v1, v5;
	v12 =	vld.idx.msk [tilespmem:v60+s10+$0x0], $0xffff;
	[tilespmem:s8+$0xA0] =	vst v58  }
0x13e: {  	v3 =	vor.u32 v1, v3;
	v10 =	vld.idx.msk [tilespmem:v10+s10+$0x0], $0xffff;
	[tilespmem:s8+$0xE0] =	vst v36  }
0x13f: {  	v42 =	vor.u32 v1, v37;
	v8 =	vld.idx.msk [tilespmem:v8+s10+$0x0], $0xffff;
	[tilespmem:s8+$0xFFFFFF20] =	vst v38  }
0x140: {  	v13 =	vor.u32 v1, v13;
	s20 =	sadd.s32 $0xFFFFFEC0, s12;
	v7 =	vld.idx.msk [tilespmem:v7+s10+$0x0], $0xffff;
	[tilespmem:s8+$0xC0] =	vst v19  }
0x141: {  	v11 =	vor.u32 v1, v11;
	s22 =	sadd.s32 $0xFFFFFF00, s12;
	s3 =	sor.u32 $0x30, s20;
	v4 =	vld.idx.msk [tilespmem:v4+s10+$0x0], $0xffff;
	[tilespmem:s8+$0xFFFFFF90] =	vst v16  }
0x142: {  	v6 =	vor.u32 v1, v6;
	s23 =	sor.u32 $0x70, s22;
	v5 =	vld.idx.msk [tilespmem:v5+s10+$0x0], $0xffff;
	[tilespmem:s3+$0x6000] =	vst v12  }
0x143: {  	s25 =	sadd.s32 $0xFFFFFF60, s12;
	v62 =	vor.u32 v1, v18;
	v3 =	vld.idx.msk [tilespmem:v3+s10+$0x0], $0xffff;
	[tilespmem:s23+$0x6000] =	vst v10  }
0x144: {  	s26 =	sadd.s32 $0xFFFFFF80, s12;
	v27 =	vld.idx.msk [tilespmem:v42+s10+$0x0], $0xffff;
	s3 =	sor.u32 $0x50, s25;
	[tilespmem:s8+$0x10] =	vst v8  }
0x145: {  	s28 =	sor.u32 $0x70, s26;
	v13 =	vld.idx.msk [tilespmem:v13+s10+$0x0], $0xffff;
	[tilespmem:s3+$0x6000] =	vst v7  }
0x146: {  	s29 =	sadd.s32 $0xFFFFFFC0, s12;
	v61 =	vld.idx.msk [tilespmem:v11+s10+$0x0], $0xffff;
	[tilespmem:s28+$0x6000] =	vst v4  }
0x147: {  	v6 =	vld.idx.msk [tilespmem:v6+s10+$0x0], $0xffff;
	s3 =	sor.u32 $0x30, s29;
	[tilespmem:s8+$0x90] =	vst v5  }
0x148: {  	s17 =	sor.u32 $0x70, s12;
	s18 =	sadd.s32 $0xFFFFFE40, s12;
	v63 =	vld.idx.msk [tilespmem:v62+s10+$0x0], $0xffff;
	[tilespmem:s3+$0x6000] =	vst v3  }
0x149: {  	s21 =	sadd.s32 $0xFFFFFEE0, s12;
	s1 =	sor.u32 $0x30, s18;
	[tilespmem:s17+$0x6000] =	vst v27  }
.Ltmp8:
0x14a: {  	s24 =	sadd.s32 $0xFFFFFF40, s12;
	[tilespmem:s1+$0x6000] =	vst v13;
	s1 =	sor.u32 $0x50, s21;
	(pc) =	sbr.rel .LBB2_10-.Ltmp8, $4  }
0x14b: {  	s30 =	sadd.s32 $0xFFFFFFE0, s12;
	[tilespmem:s1+$0x6000] =	vst v61;
	s1 =	sor.u32 $0x30, s24  }
0x14c: {  	s31 =	sshll.u32 s14, $0x9;
	[tilespmem:s1+$0x6000] =	vst v6;
	s1 =	sor.u32 $0x50, s30  }
0x14d: {  	[tilespmem:s1+$0x6000] =	vst v63;
	s1 =	sadd.s32 s4, s31  }
0x14e: {  	[hbm4b:s1+s2] =	stream.linear.scatter [tilespmem:s11], [sflag:$0x4], $0x2000, $0x38;
	[tilespmem:$0x8000] =	vst v63  }
.LBB2_12:
0x14f: {  	_ =	sfence.sel $0x180000  }
0x150: {  	[bflag:$0x0] =	sbarrier.arrive $0xFFFF  }
0x151: {  	_ =	strace $0x90000047  }
0x152: {  	s0 =	stileid.u32;
	[bflag:$0x2] =	sbarrier.arrive $0xFFFF  }
0x153: {  	p0 =	sne.s32 s0, $0x0;
	s0 =	rddreg [dreg:$0x2]  }
0x154: {  	s0 =	sadd.s32 @!p0 $0x100000, s0  }
0x155: {  	[sflag:s0] =	ssyncadd.tile.s32 @!p0 $0x1;
	_ =	shalt  }
.Lfunc_end2:
_tile_overlayer_lowered:
.L_overlay_start_2:
0x156: {  	(tag) =	ssettag $0x2  }
0x157: {  	s0 =	rddreg [dreg:$0x0];
	s2 =	stileid.u32  }
0x158: {  	s1 =	rddreg [dreg:$0x1];
	p0 =	sne.s32 s2, $0x0  }
0x159: {  	s3 =	rddreg [dreg:$0x2];
	[bflag:$0x3] =	sbarrier.arrive $0xFFFF;
	s2 =	simm.s32 @!p0 $0x1C05  }
0x15a: {  	[timem:s3], [sflag:s2] =	dma.local @!p0 [hbm:s0], s1  }
0x15b: {  	s0 =	simm.s32 @!p0 $0x5  }
0x15c: {  	_ =	swait.ge @!p0 [sflag:s0], s1  }
0x15d: {  	s1 =	ssub.s32 @!p0 $0x0, s1;
	[sflag:s0] =	ssyncset.done @!p0 $0x0  }
0x15e: {  	[sflag:s0] =	ssyncadd.s32 @!p0 s1  }
0x15f: {  	[bflag:$0x3] =	sbarrier.arrive $0xFFFF  }
0x160: {  	_ =	shalt  }

// kernel: kernel.7.cloned.1.call-start
scs
__scs_entry_jumppad:
0x0: {  	(pc) =	sbr.rel $0x88, $3  }
0x1: {  	(tag) =	ssettag $0x0;
	lr =	simm.s32 $0x1  }
0x2: {  	[smem:$0x3F9B] =	sst lr;
	_ =	strace $0xD0000000  }
0x3: {  	_ = 	snop  }
0x4: {  	_ = 	snop  }
0x5: {  	_ = 	snop  }
0x6: {  	_ = 	snop  }
0x7: {  	_ = 	snop  }
__scs_overlays_trampoline_lowered:
0x8: {  	[smem:$0x3FAA] =	sst s0  }
0x9: {  	[smem:$0x3FAB] =	sst s1  }
0xa: {  	[smem:$0x3FAC] =	sst s2  }
0xb: {  	[smem:$0x3FAD] =	sst s3  }
0xc: {  	[smem:$0x3FAE] =	sst s4  }
0xd: {  	[smem:$0x3FAF] =	sst s5  }
0xe: {  	[smem:$0x3FB0] =	sst s6  }
0xf: {  	[smem:$0x3FB1] =	sst s7  }
0x10: {  	[smem:$0x3FB2] =	sst s8  }
0x11: {  	[smem:$0x3FB3] =	sst s9;
	s0 =	simm.s32 @!p0 $0x0  }
0x12: {  	s1 =	sld [smem:$0x3F99];
	s0 =	simm.s32 @p0 $0x1  }
0x13: {  	[smem:$0x3FB4] =	sst s0;
	s0 =	simm.s32 @!p1 $0x0  }
0x14: {  	s2 =	sld [smem:$0x3F98];
	s0 =	simm.s32 @p1 $0x1  }
0x15: {  	[smem:$0x3FB5] =	sst s0;
	s0 =	simm.s32 @!p2 $0x0  }
0x16: {  	s3 =	sld [smem:$0x3FDB];
	s0 =	simm.s32 @p2 $0x1  }
0x17: {  	s4 =	simm.s32 $0x1BF5;
	[smem:$0x3FB7] =	sst s0  }
0x18: {  	s0 =	sld [smem:$0x3F9A];
	_ =	swait.ge [sflag:s4], $0x0  }
0x19: {  	s7 =	sld [smem:$0x3F9B]  }
0x1a: {  	s8 =	sadd.s32 $0xFFFFE003, lr  }
0x1b: {  	s9 =	sadd.s32 $0xFFFFFEF7, lr;
	s5 =	simm.s32 $0xFFFFFFFF;
	p2 =	slt.u32 s8, $0xFFFFF086  }
0x1c: {  	p1 =	slt.u32 s9, $0xF7A;
	s5 =	simm.s32 @!p2 $0x0  }
0x1d: {  	s5 =	simm.s32 @p1 $0x1;
	p0 =	seq.s32 s7, s2  }
0x1e: {  	s7 =	smul.u32 @!p0 $0xF7A, s2;
	p2 =	seq.s32 @!p0 s5, $0x0  }
0x1f: {  	s9 =	smul.u32 $0xF7A, s1;
	s8 =	simm.s32 @!p0 $0x1BF5;
	p2 =	por !p2, p0  }
0x20: {  	[sflag:s8] =	ssyncset.s32 @!p0 $0xFFFFF086;
	s6 =	sadd.s32 @!p0 s3, s7;
	s7 =	simm.s32 @!p0 $0x108  }
0x21: {  	s3 =	sadd.s32 s3, s9;
	s6 =	sadd.s32 @!p0 $0x88, s6;
	s7 =	simm.s32 @p2 $0x1082  }
0x22: {  	[simem:s7], [sflag:s8] =	dma.local @!p0 [hbm:s6], $0xF7A  }
0x23: {  	s9 =	sor.u32 $0xD0000000, s2;
	s6 =	simm.s32 $0x108;
	_ =	swait.ge @!p0 [sflag:s8], $0x0  }
0x24: {  	s3 =	sadd.s32 $0x88, s3;
	s6 =	simm.s32 @!p1 $0x1082;
	[sflag:s4] =	ssyncset.s32 $0xFFFFF086  }
0x25: {  	[simem:s6], [sflag:s4] =	dma.local [hbm:s3], $0xF7A  }
0x26: {  	[smem:$0x3F9B] =	sst s1;
	(tag) =	ssettag s2;
	_ =	strace s9  }
0x27: {  	s1 =	sld [smem:$0x3FAB]  }
0x28: {  	s2 =	sld [smem:$0x3FAC]  }
0x29: {  	s4 =	sld [smem:$0x3FAE]  }
0x2a: {  	p0 =	seq.s32 s5, $0x0;
	s5 =	sld [smem:$0x3FAF]  }
0x2b: {  	s6 =	sld [smem:$0x3FB0]  }
0x2c: {  	s7 =	sld [smem:$0x3FB1]  }
0x2d: {  	s3 =	simm.s32 $0x108;
	s8 =	sld [smem:$0x3FB2]  }
0x2e: {  	s3 =	simm.s32 @!p0 $0x1082;
	s9 =	sld [smem:$0x3FB3]  }
0x2f: {  	lr =	sadd.s32 s0, s3;
	s0 =	sld [smem:$0x3FAA]  }
0x30: {  	s3 =	sld [smem:$0x3FAD]  }
0x31: {  	[smem:$0x3FB6] =	sst s10  }
0x32: {  	s10 =	sld [smem:$0x3FB4];
	_ =	sdelay $0x3  }
0x33: {  	p0 =	seq.s32 s10, $0x1;
	s10 =	sld [smem:$0x3FB6];
	_ =	sdelay $0x3  }
0x34: {  	[smem:$0x3FB6] =	sst s10  }
0x35: {  	s10 =	sld [smem:$0x3FB5];
	_ =	sdelay $0x3  }
0x36: {  	p1 =	seq.s32 s10, $0x1;
	s10 =	sld [smem:$0x3FB6];
	_ =	sdelay $0x3  }
0x37: {  	[smem:$0x3FB6] =	sst s10  }
0x38: {  	s10 =	sld [smem:$0x3FB7]  }
0x39: {  	_ = 	snop;
	(pc) =	sbr.ind lr, $3  }
0x3a: {  	_ = 	snop  }
0x3b: {  	_ = 	snop  }
0x3c: {  	p2 =	seq.s32 s10, $0x1;
	s10 =	sld [smem:$0x3FB6]  }
0x3d: {  	_ =	shalt  }
0x3e: {  	_ =	shalt  }
0x3f: {  	_ =	shalt  }
0x40: {  	_ =	shalt  }
0x41: {  	_ =	shalt  }
0x42: {  	_ =	shalt  }
0x43: {  	_ =	shalt  }
0x44: {  	_ =	shalt  }
0x45: {  	_ =	shalt  }
0x46: {  	_ =	shalt  }
0x47: {  	_ =	shalt  }
0x48: {  	_ =	shalt  }
0x49: {  	_ =	shalt  }
0x4a: {  	_ =	shalt  }
0x4b: {  	_ =	shalt  }
0x4c: {  	_ =	shalt  }
0x4d: {  	_ =	shalt  }
0x4e: {  	_ =	shalt  }
0x4f: {  	_ =	shalt  }
0x50: {  	_ =	shalt  }
0x51: {  	_ =	shalt  }
0x52: {  	_ =	shalt  }
0x53: {  	_ =	shalt  }
0x54: {  	_ =	shalt  }
0x55: {  	_ =	shalt  }
0x56: {  	_ =	shalt  }
0x57: {  	_ =	shalt  }
0x58: {  	_ =	shalt  }
0x59: {  	_ =	shalt  }
0x5a: {  	_ =	shalt  }
0x5b: {  	_ =	shalt  }
0x5c: {  	_ =	shalt  }
0x5d: {  	_ =	shalt  }
0x5e: {  	_ =	shalt  }
0x5f: {  	_ =	shalt  }
0x60: {  	_ =	shalt  }
0x61: {  	_ =	shalt  }
0x62: {  	_ =	shalt  }
0x63: {  	_ =	shalt  }
0x64: {  	_ =	shalt  }
0x65: {  	_ =	shalt  }
0x66: {  	_ =	shalt  }
0x67: {  	_ =	shalt  }
0x68: {  	_ =	shalt  }
0x69: {  	_ =	shalt  }
0x6a: {  	_ =	shalt  }
0x6b: {  	_ =	shalt  }
0x6c: {  	_ =	shalt  }
0x6d: {  	_ =	shalt  }
0x6e: {  	_ =	shalt  }
0x6f: {  	_ =	shalt  }
0x70: {  	_ =	shalt  }
0x71: {  	_ =	shalt  }
0x72: {  	_ =	shalt  }
0x73: {  	_ =	shalt  }
0x74: {  	_ =	shalt  }
0x75: {  	_ =	shalt  }
0x76: {  	_ =	shalt  }
0x77: {  	_ =	shalt  }
0x78: {  	_ =	shalt  }
0x79: {  	_ =	shalt  }
0x7a: {  	_ =	shalt  }
0x7b: {  	_ =	shalt  }
0x7c: {  	_ =	shalt  }
0x7d: {  	_ =	shalt  }
0x7e: {  	_ =	shalt  }
0x7f: {  	_ =	shalt  }
0x80: {  	_ =	shalt  }
0x81: {  	_ =	shalt  }
0x82: {  	_ =	shalt  }
0x83: {  	_ =	shalt  }
0x84: {  	_ =	shalt  }
0x85: {  	_ =	shalt  }
0x86: {  	_ =	shalt  }
0x87: {  	_ =	shalt  }
.Lfunc_end0:
.L_simem_size_0:
called_computation.2_lowered:
.L_overlay_start_0:
0x88: {  	s2 =	sld [smem:$0x3FD9]  }
0x89: {  	s3 =	sld [smem:$0x3FFE];
	_ =	sdelay $0x1  }
0x8a: {  	s1 =	srdreg.scid  }
0x8b: {  	s0 =	sand.u32 $0x1, s1  }
0x8c: {  	s17 =	sshll.u32 s0, $0xA;
	s2 =	sadd.s32 s3, s2  }
0x8d: {  	s2 =	sadd.s32 s2, s17  }
0x8e: {  	[smem:$0x3FC2] =	sst s2  }
0x8f: {  	_ = 	snop  }
0x90: {  	s2 =	sld [smem:$0x3FD0];
	(tm) =	ssettm $0x1  }
0x91: {  	s18 =	sld [smem:$0x3FFB];
	_ =	sdelay $0x3  }
0x92: {  	_ =	strace s18  }
0x93: {  	s3 =	sld [smem:$0x3FFC];
	_ =	sdelay $0x3  }
0x94: {  	_ =	strace s3  }
0x95: {  	s3 =	sld [smem:$0x3FFD];
	_ =	sdelay $0x3  }
0x96: {  	_ =	strace s3  }
0x97: {  	_ =	strace $0x8FFFFFFF  }
0x98: {  	s19 =	sld [smem:$0x3FDB];
	_ =	sdelay $0x1  }
0x99: {  	s4 =	simm.s32 $_scs_section_size  }
0x9a: {  	s5 =	simm.s32 $_size__tile_overlayer_lowered;
	s6 =	simm.s32 $_tile_overlayer_lowered  }
0x9b: {  	s22 =	simm.s32 $0x1BFF;
	s21 =	sshll.u32 s6, $0x1;
	s3 =	sadd.s32 s4, s19  }
0x9c: {  	s7 =	simm.s32 $0x0;
	s20 =	sshll.u32 s5, $0x1;
	s5 =	sadd.s32 s21, s3  }
0x9d: {  	[timem:s7], [sflag:s22] =	dma.local [hbm:s5], s20  }
0x9e: {  	_ =	swait.ge [sflag:s22], s20  }
0x9f: {  	s4 =	ssub.s32 $0x0, s20;
	[sflag:s22] =	ssyncset.done $0x0  }
0xa0: {  	[sflag:s22] =	ssyncadd.s32 s4;
	_ =	sdelay $0x1  }
0xa1: {  	s23 =	simm.s32 $0x1B8B  }
0xa2: {  	_ =	swait.ge [sflag:s23], $0x1  }
0xa3: {  	[sflag:s23] =	ssyncset.done $0x0  }
0xa4: {  	s25 =	simm.s32 $0x1B8E;
	s24 =	sld [smem:$0x3FFE];
	[sflag:s23] =	ssyncadd.s32 $0xFFFFFFFF  }
0xa5: {  	s26 =	simm.s32 $execute0_lowered;
	[smem:$0x3FD2] =	sst s25  }
0xa6: {  	s5 =	sshll.u32 s26, $0x1;
	_ =	strace $0x80000049;
	[dreg:$0x1] =	wrdreg $0xFFFFFFFF  }
0xa7: {  	s28 =	simm.s32 $_size_execute0_lowered;
	s3 =	sadd.s32 s3, s5;
	[dreg:$0x0] =	wrdreg $0x0  }
0xa8: {  	s5 =	sshll.u32 s28, $0x1;
	[dreg:$0x2] =	wrdreg s3  }
0xa9: {  	[dreg:$0x3] =	wrdreg s5  }
0xaa: {  	[dreg:$0x4] =	wrdreg $0xC0  }
0xab: {  	_ =	task [dreg:s7], $0x5FFFF  }
0xac: {  	[dreg:$0x1] =	wrdreg $0xFFFFFFFF  }
0xad: {  	[dreg:$0x0] =	wrdreg $0x60  }
0xae: {  	[dreg:$0x2] =	wrdreg s24  }
0xaf: {  	[dreg:$0x3] =	wrdreg s2  }
0xb0: {  	[dreg:$0x4] =	wrdreg $0x9  }
0xb1: {  	_ =	task.clear_ibuf [dreg:s7], $0x5FFFF;
	_ =	strace $0x90000049  }
0xb2: {  	s29 =	simm.s32 $0x9;
	_ =	strace $0x8000004B  }
0xb3: {  	_ =	swait.ge [sflag:s29], $0x1  }
0xb4: {  	[sflag:s29] =	ssyncadd.s32 $0xFFFFFFFF  }
0xb5: {  	_ =	strace $0x9000004B  }
0xb6: {  	_ =	sfence  }
0xb7: {  	s30 =	sld [smem:$0x0];
	_ =	sdelay $0x2  }
0xb8: {  	s31 =	sshll.u32 s1, $0xD;
	s1 =	sshrl.u32 s1, $0x2  }
0xb9: {  	s3 =	sand.u32 $0x4000, s31;
	s1 =	sadd.s32 s1, s30  }
0xba: {  	s0 =	sor.u32 s3, s0;
	s1 =	sshll.u32 s1, $0x11  }
0xbb: {  	s0 =	sor.u32 s1, s0  }
0xbc: {  	s0 =	sadd.s32 $0x8F2B, s0  }
0xbd: {  	[sflag:s0] =	ssyncadd.remote.s32 $0x1  }
0xbe: {  	_ =	sfence.sel $0xFFFF  }
0xbf: {  	[dreg:$0x0] =	wrdreg $0xFFFFFFFF;
	(pc) =	sbr.abs _section_cstart, $3  }
0xc0: {  	[dreg:$0x1] =	wrdreg $0xFFFFFFFF  }
0xc1: {  	_ =	task.clear_ibuf [dreg:s7], $0x2FFFF;
	_ =	strace $0x9FFFFFFF  }
0xc2: {  	(tm) =	ssettm $0x7FFFFFFF  }
0xc3: {  	_ =	shalt  }
tec
execute0_lowered:
.L_overlay_start_1:
0x0: {  	(tag) =	ssettag $0x1  }
0x1: {  	s0 =	rddreg [dreg:$0x0]  }
0x2: {  	s2 =	simm.s32 $0x0;
	s22 =	srdreg.scid;
	s8 =	stileid.u32  }
0x3: {  	s20 =	simm.s32 $0x11700;
	s31 =	simm.s32 $0x70;
	s9 =	simm.s32 $0x68  }
0x4: {  	s16 =	simm.s32 $0x11838;
	s28 =	simm.s32 $0x11908;
	s29 =	simm.s32 $0x4940  }
0x5: {  	s30 =	simm.s32 $0x11970;
	s15 =	simm.s32 $0x6340;
	[smem:$0x7FF] =	sst s2  }
0x6: {  	s11 =	simm.s32 $0x0;
	s3 =	sadd.s32 $0x3D3C00, s0;
	s1 =	sadd.s32 $0x3D2400, s0  }
0x7: {  	s21 =	sadd.s32 $0x3D2A00, s0;
	_ =	strace $0x8000004A;
	[dreg:$0x3] =	wrdreg s1  }
0x8: {  	s4 =	sadd.s32 $0x3DA400, s0;
	s6 =	sadd.s32 $0x3D2E00, s0;
	[dreg:$0x4] =	wrdreg s21  }
0x9: {  	s5 =	sadd.s32 $0x1A00, s0;
	s23 =	sadd.s32 $0x3D2C00, s0;
	[dreg:$0x5] =	wrdreg s6  }
0xa: {  	s24 =	sadd.s32 $0x3D2800, s0;
	s8 =	sshll.u32 s8, $0xA;
	[dreg:$0x6] =	wrdreg s23  }
0xb: {  	s0 =	sadd.s32 $0x3D2600, s0;
	s1 =	sand.u32 $0x1, s22;
	[dreg:$0x7] =	wrdreg s24  }
0xc: {  	[dreg:$0x8] =	wrdreg s0;
	s21 =	simm.s32 $0x11A40;
	s23 =	simm.s32 $0x1  }
0xd: {  	v0 =	vimm.s32 $0x0;
	s24 =	simm.s32 $0x40;
	s25 =	ssub.s32 $0x2, s1;
	s1 =	sshll.u32 s1, $0x9  }
0xe: {  	v1 =	vimm.s32 $0x1;
	v2 =	vimm.s32 $0x2;
	v3 =	vimm.s32 $0x3;
	s22 =	simm.s32 $0x118A0;
	s7 =	sshrl.u32 s25, $0x1;
	s13 =	sor.u32 s1, s8  }
0xf: {  	v4 =	vimm.s32 $0x4;
	v5 =	vimm.s32 $0x5;
	v6 =	vimm.s32 $0x6;
	s1 =	simm.s32 $0x2F40;
	s8 =	simm.s32 $0x119D8;
	s26 =	ssub.s32 s25, s7  }
0x10: {  	v7 =	vimm.s32 $0x7;
	v8 =	vimm.s32 $0x8;
	v9 =	vimm.s32 $0x9;
	s7 =	simm.s32 $0x2;
	s25 =	simm.s32 $0x3C40;
	s0 =	smax.u32 s26, $0x1  }
0x11: {  	v10 =	vimm.s32 $0xA;
	v11 =	vimm.s32 $0xB;
	v12 =	vimm.s32 $0xC;
	s26 =	simm.s32 $0x840;
	[dreg:$0x9] =	wrdreg s0;
	s0 =	simm.s32 $0x5640  }
.LBB2_1:
0x12: {  	s6 =	rddreg [dreg:$0x3];
	s10 =	simm.s32 $0xA840  }
0x13: {  	[tilespmem:s10], [sflag:$0x4] =	stream.linear.gather [hbm4b:s6+s2], $0x1C0, $0x38;
	[tilespmem:$0x11C00] =	vst v63  }
0x14: {  	[dreg:$0xa] =	wrdreg s11;
	s10 =	simm.s32 $0x4  }
0x15: {  	_ =	swait.ge [sflag:s10], $0x1C0  }
0x16: {  	[sflag:s10] =	ssyncset.done $0x0  }
0x17: {  	s19 =	simm.s32 $0xAA00;
	s18 =	rddreg [dreg:$0x4];
	[sflag:s10] =	ssyncadd.s32 $0xFFFFFE40  }
0x18: {  	[tilespmem:s19], [sflag:$0x4] =	stream.linear.gather [hbm4b:s18+s2], $0x1C0, $0x38;
	[tilespmem:$0x11C00] =	vst v63  }
0x19: {  	_ =	swait.ge [sflag:s10], $0x1C0  }
0x1a: {  	[sflag:s10] =	ssyncset.done $0x0  }
0x1b: {  	s12 =	simm.s32 $0xABC0;
	s11 =	rddreg [dreg:$0x5];
	[sflag:s10] =	ssyncadd.s32 $0xFFFFFE40  }
0x1c: {  	[tilespmem:s12], [sflag:$0x4] =	stream.linear.gather [hbm4b:s11+s2], $0x6800, $0x38;
	[tilespmem:$0x11C00] =	vst v63  }
0x1d: {  	_ =	swait.ge [sflag:s10], $0x6800  }
0x1e: {  	[sflag:s10] =	ssyncset.done $0x0  }
0x1f: {  	s17 =	simm.s32 $0x113C0;
	s14 =	rddreg [dreg:$0x6];
	[sflag:s10] =	ssyncadd.s32 $0xFFFF9800  }
0x20: {  	[tilespmem:s17], [sflag:$0x4] =	stream.linear.gather [hbm4b:s14+s2], $0x340, $0x38;
	[tilespmem:$0x11C00] =	vst v63  }
0x21: {  	_ =	swait.ge [sflag:s10], $0x340  }
0x22: {  	[sflag:s10] =	ssyncset.done $0x0  }
0x23: {  	s18 =	rddreg [dreg:$0x7];
	[sflag:s10] =	ssyncadd.s32 $0xFFFFFCC0  }
0x24: {  	[tilespmem:s20], [sflag:$0x4] =	stream.linear.gather [hbm4b:s18+s2], $0x340, $0x38;
	[tilespmem:$0x11C00] =	vst v63  }
0x25: {  	_ =	swait.ge [sflag:s10], $0x340  }
0x26: {  	[sflag:s10] =	ssyncset.done $0x0  }
0x27: {  	s19 =	rddreg [dreg:$0x8];
	[sflag:s10] =	ssyncadd.s32 $0xFFFFFCC0  }
0x28: {  	[tilespmem:s21], [sflag:$0x4] =	stream.linear.gather [hbm4b:s19+s2], $0x1C0, $0x38;
	[tilespmem:$0x11C00] =	vst v63  }
0x29: {  	_ =	swait.ge [sflag:s10], $0x1C0  }
0x2a: {  	[sflag:s10] =	ssyncset.done $0x0  }
0x2b: {  	s17 =	simm.s32 $0x0;
	[sflag:s10] =	ssyncadd.s32 $0xFFFFFE40  }
.LBB2_2:
0x2c: {  	s6 =	sshll.u32 s17, $0x5  }
0x2d: {  	s18 =	sadd.s32 s13, s6  }
0x2e: {  	s6 =	smul.u32 $0x1A, s18  }
0x2f: {  	s10 =	smul.u32 $0xD, s18  }
0x30: {  	s6 =	sshrl.u32 s6, $0x3  }
0x31: {  	s10 =	sshrl.u32 s10, $0x3;
	s6 =	sadd.s32 s4, s6  }
0x32: {  	[tilespmem:s2], [sflag:$0x1] =	stream.linear.gather [hbm4b:s6+s2], $0x340, $0x38;
	[tilespmem:$0x11C00] =	vst v63  }
0x33: {  	s11 =	simm.s32 $0x340;
	p0 =	seq.s32 s17, $0x0;
	s6 =	sadd.s32 s3, s10  }
0x34: {  	[tilespmem:s11], [sflag:$0x1] =	stream.linear.gather [hbm4b:s6+s2], $0x1A0, $0x38;
	[tilespmem:$0x11C00] =	vst v63  }
0x35: {  	s6 =	simm.s32 @!p0 $0x3  }
0x36: {  	_ =	swait.ge @!p0 [sflag:s6], $0x6800  }
0x37: {  	[sflag:s6] =	ssyncset.done @!p0 $0x0  }
0x38: {  	[sflag:s6] =	ssyncadd.s32 @!p0 $0xFFFF9800  }
0x39: {  	_ =	swait.ge @!p0 [sflag:s6], $0x3800  }
0x3a: {  	[sflag:s6] =	ssyncset.done @!p0 $0x0  }
0x3b: {  	[sflag:s6] =	ssyncadd.s32 @!p0 $0xFFFFC800  }
0x3c: {  	_ =	swait.ge [sflag:s23], $0x340  }
0x3d: {  	[sflag:s23] =	ssyncset.done $0x0  }
0x3e: {  	[sflag:s23] =	ssyncadd.s32 $0xFFFFFCC0  }
0x3f: {  	_ =	swait.ge [sflag:s23], $0x1A0  }
0x40: {  	[sflag:s23] =	ssyncset.done $0x0  }
0x41: {  	[sflag:s23] =	ssyncadd.s32 $0xFFFFFE60  }
0x42: {  	v13 =	vld [tilespmem:$0x0]  }
0x43: {  	v14 =	vld [tilespmem:$0x113C0]  }
0x44: {  	v15 =	vld [tilespmem:$0x10]  }
0x45: {  	v16 =	vld [tilespmem:$0x113D0]  }
0x46: {  	v17 =	vld [tilespmem:$0x20]  }
0x47: {  	v18 =	vld [tilespmem:$0x113E0]  }
0x48: {  	v19 =	vld [tilespmem:$0x30]  }
0x49: {  	v20 =	vld [tilespmem:$0x113F0]  }
0x4a: {  	v13 =	vadd.s32 v13, v14;
	v14 =	vld [tilespmem:$0x11400]  }
0x4b: {  	[tilespmem:$0x500] =	vst v13;
	v13 =	vadd.s32 v15, v16;
	v15 =	vld [tilespmem:$0x50]  }
0x4c: {  	v16 =	vld [tilespmem:$0x11410]  }
0x4d: {  	[tilespmem:$0x510] =	vst v13;
	v13 =	vadd.s32 v17, v18;
	v17 =	vld [tilespmem:$0x60]  }
0x4e: {  	v18 =	vld [tilespmem:$0x11420];
	[tilespmem:$0x520] =	vst v13;
	v13 =	vadd.s32 v19, v20  }
0x4f: {  	[tilespmem:$0x530] =	vst v13;
	v13 =	vld [tilespmem:$0x40]  }
0x50: {  	v19 =	vld [tilespmem:$0x70]  }
0x51: {  	v20 =	vld [tilespmem:$0x11430]  }
0x52: {  	v21 =	vld [tilespmem:$0x80]  }
0x53: {  	v22 =	vld [tilespmem:$0x11440]  }
0x54: {  	v23 =	vld [tilespmem:$0x90]  }
0x55: {  	v24 =	vld [tilespmem:$0x11450]  }
0x56: {  	v25 =	vld [tilespmem:$0xA0]  }
0x57: {  	v26 =	vld [tilespmem:$0x11460]  }
0x58: {  	v27 =	vld [tilespmem:$0xB0]  }
0x59: {  	v28 =	vld [tilespmem:$0x11470]  }
0x5a: {  	v29 =	vld [tilespmem:$0xC0]  }
0x5b: {  	v30 =	vld [tilespmem:$0x11480]  }
0x5c: {  	v31 =	vld [tilespmem:$0xD0]  }
0x5d: {  	v32 =	vld [tilespmem:$0x11490]  }
0x5e: {  	v33 =	vld [tilespmem:$0xE0]  }
0x5f: {  	v34 =	vld [tilespmem:$0x114A0]  }
0x60: {  	v35 =	vld [tilespmem:$0xF0]  }
0x61: {  	v36 =	vld [tilespmem:$0x114B0]  }
0x62: {  	v37 =	vld [tilespmem:$0x100]  }
0x63: {  	v38 =	vld [tilespmem:$0x114C0]  }
0x64: {  	v39 =	vld [tilespmem:$0x110]  }
0x65: {  	v40 =	vld [tilespmem:$0x114D0]  }
0x66: {  	v41 =	vld [tilespmem:$0x120]  }
0x67: {  	v42 =	vld [tilespmem:$0x114E0]  }
0x68: {  	v43 =	vld [tilespmem:$0x130]  }
0x69: {  	v44 =	vld [tilespmem:$0x114F0]  }
0x6a: {  	v45 =	vld [tilespmem:$0x140]  }
0x6b: {  	v46 =	vld [tilespmem:$0x11500]  }
0x6c: {  	v47 =	vld [tilespmem:$0x150]  }
0x6d: {  	v61 =	vld [tilespmem:$0x1C0]  }
0x6e: {  	v48 =	vld [tilespmem:$0x11510]  }
0x6f: {  	v49 =	vld [tilespmem:$0x160]  }
0x70: {  	v50 =	vld [tilespmem:$0x11520]  }
0x71: {  	v51 =	vld [tilespmem:$0x170]  }
0x72: {  	v52 =	vld [tilespmem:$0x11530];
	v13 =	vadd.s32 v13, v14;
	[tilespmem:$0x1FFD0] =	vst v61  }
0x73: {  	v61 =	vld [tilespmem:$0x1D0];
	[tilespmem:$0x540] =	vst v13;
	v13 =	vadd.s32 v15, v16  }
0x74: {  	v53 =	vld [tilespmem:$0x180];
	[tilespmem:$0x550] =	vst v13;
	v13 =	vadd.s32 v17, v18  }
0x75: {  	v54 =	vld [tilespmem:$0x11540];
	[tilespmem:$0x560] =	vst v13;
	v13 =	vadd.s32 v19, v20  }
0x76: {  	v55 =	vld [tilespmem:$0x190];
	[tilespmem:$0x570] =	vst v13;
	v13 =	vadd.s32 v21, v22  }
0x77: {  	v56 =	vld [tilespmem:$0x11550];
	[tilespmem:$0x580] =	vst v13  }
0x78: {  	v57 =	vld [tilespmem:$0x1A0];
	v13 =	vadd.s32 v23, v24;
	[tilespmem:$0x1FFE0] =	vst v61  }
0x79: {  	v58 =	vld [tilespmem:$0x11560];
	[tilespmem:$0x590] =	vst v13;
	v13 =	vadd.s32 v25, v26  }
0x7a: {  	v59 =	vld [tilespmem:$0x1B0];
	[tilespmem:$0x5A0] =	vst v13;
	v13 =	vadd.s32 v27, v28  }
0x7b: {  	v60 =	vld [tilespmem:$0x11570];
	[tilespmem:$0x5B0] =	vst v13;
	v13 =	vadd.s32 v29, v30  }
0x7c: {  	v62 =	vld [tilespmem:$0x11580];
	[tilespmem:$0x5C0] =	vst v13;
	v13 =	vadd.s32 v31, v32  }
0x7d: {  	v63 =	vld [tilespmem:$0x11590];
	[tilespmem:$0x5D0] =	vst v13;
	v13 =	vadd.s32 v33, v34  }
0x7e: {  	v14 =	vld [tilespmem:$0x115A0];
	[tilespmem:$0x5E0] =	vst v13;
	v13 =	vadd.s32 v35, v36  }
0x7f: {  	v15 =	vld [tilespmem:$0x1F0];
	[tilespmem:$0x5F0] =	vst v13;
	v13 =	vadd.s32 v37, v38  }
0x80: {  	v16 =	vld [tilespmem:$0x115B0];
	[tilespmem:$0x600] =	vst v13;
	v13 =	vadd.s32 v39, v40  }
0x81: {  	v17 =	vld [tilespmem:$0x200];
	[tilespmem:$0x610] =	vst v13;
	v13 =	vadd.s32 v41, v42  }
0x82: {  	v18 =	vld [tilespmem:$0x115C0];
	[tilespmem:$0x620] =	vst v13;
	v13 =	vadd.s32 v43, v44  }
0x83: {  	v19 =	vld [tilespmem:$0x210];
	[tilespmem:$0x630] =	vst v13;
	v13 =	vadd.s32 v45, v46  }
0x84: {  	v20 =	vld [tilespmem:$0x115D0];
	[tilespmem:$0x640] =	vst v13;
	v13 =	vadd.s32 v47, v48  }
0x85: {  	v21 =	vld [tilespmem:$0x220];
	[tilespmem:$0x650] =	vst v13;
	v13 =	vadd.s32 v49, v50  }
0x86: {  	v22 =	vld [tilespmem:$0x115E0];
	[tilespmem:$0x660] =	vst v13;
	v13 =	vadd.s32 v51, v52  }
0x87: {  	v23 =	vld [tilespmem:$0x230];
	[tilespmem:$0x670] =	vst v13;
	v13 =	vadd.s32 v53, v54  }
0x88: {  	v24 =	vld [tilespmem:$0x115F0];
	[tilespmem:$0x680] =	vst v13;
	v13 =	vadd.s32 v55, v56  }
0x89: {  	v61 =	vld [tilespmem:$0x1E0];
	[tilespmem:$0x690] =	vst v13;
	v13 =	vadd.s32 v57, v58  }
0x8a: {  	v25 =	vld [tilespmem:$0x240];
	[tilespmem:$0x6A0] =	vst v13;
	v13 =	vadd.s32 v59, v60  }
0x8b: {  	[tilespmem:$0x6B0] =	vst v13;
	v13 =	vld [tilespmem:$0x1FFD0]  }
0x8c: {  	v26 =	vld [tilespmem:$0x11600]  }
0x8d: {  	v27 =	vld [tilespmem:$0x250]  }
0x8e: {  	v28 =	vld [tilespmem:$0x11610]  }
0x8f: {  	v29 =	vld [tilespmem:$0x260]  }
0x90: {  	v30 =	vld [tilespmem:$0x11620];
	v13 =	vadd.s32 v13, v62  }
0x91: {  	[tilespmem:$0x6C0] =	vst v13;
	v13 =	vld [tilespmem:$0x1FFE0]  }
0x92: {  	v31 =	vld [tilespmem:$0x270]  }
0x93: {  	[tilespmem:$0x1FFF0] =	vst v61;
	v61 =	vld [tilespmem:$0x11630]  }
0x94: {  	v42 =	vld [tilespmem:$0x280]  }
0x95: {  	v43 =	vld [tilespmem:$0x11640]  }
0x96: {  	v44 =	vld [tilespmem:$0x290];
	v13 =	vadd.s32 v13, v63  }
0x97: {  	[tilespmem:$0x6D0] =	vst v13;
	v13 =	vld [tilespmem:$0x1FFF0]  }
0x98: {  	v45 =	vld [tilespmem:$0x11650]  }
0x99: {  	v46 =	vld [tilespmem:$0x2A0]  }
0x9a: {  	v47 =	vld [tilespmem:$0x11660]  }
0x9b: {  	v48 =	vld [tilespmem:$0x2B0]  }
0x9c: {  	v13 =	vadd.s32 v13, v14;
	v14 =	vld [tilespmem:$0x11670]  }
0x9d: {  	[tilespmem:$0x6E0] =	vst v13;
	v13 =	vadd.s32 v15, v16;
	v15 =	vld [tilespmem:$0x2C0]  }
0x9e: {  	v16 =	vld [tilespmem:$0x11680];
	[tilespmem:$0x6F0] =	vst v13;
	v13 =	vadd.s32 v17, v18  }
0x9f: {  	v17 =	vld [tilespmem:$0x2D0];
	[tilespmem:$0x700] =	vst v13;
	v13 =	vadd.s32 v19, v20  }
0xa0: {  	v18 =	vld [tilespmem:$0x11690];
	[tilespmem:$0x710] =	vst v13;
	v13 =	vadd.s32 v21, v22  }
0xa1: {  	v19 =	vld [tilespmem:$0x2E0];
	[tilespmem:$0x720] =	vst v13;
	v13 =	vadd.s32 v23, v24  }
0xa2: {  	v20 =	vld [tilespmem:$0x116A0];
	[tilespmem:$0x730] =	vst v13;
	v13 =	vadd.s32 v25, v26  }
0xa3: {  	v21 =	vld [tilespmem:$0x2F0];
	[tilespmem:$0x740] =	vst v13;
	v13 =	vadd.s32 v27, v28  }
0xa4: {  	v22 =	vld [tilespmem:$0x116B0];
	[tilespmem:$0x750] =	vst v13;
	v13 =	vadd.s32 v29, v30  }
0xa5: {  	v23 =	vld [tilespmem:$0x300];
	[tilespmem:$0x760] =	vst v13;
	v13 =	vadd.s32 v31, v61  }
0xa6: {  	v24 =	vld [tilespmem:$0x116C0];
	[tilespmem:$0x770] =	vst v13;
	v13 =	vadd.s32 v42, v43  }
0xa7: {  	v25 =	vld [tilespmem:$0x310];
	[tilespmem:$0x780] =	vst v13;
	v13 =	vadd.s32 v44, v45  }
0xa8: {  	v26 =	vld [tilespmem:$0x116D0];
	[tilespmem:$0x790] =	vst v13;
	v13 =	vadd.s32 v46, v47  }
0xa9: {  	[tilespmem:$0x7A0] =	vst v13;
	v13 =	vadd.s32 v48, v14;
	v14 =	vld [tilespmem:$0x320]  }
0xaa: {  	[tilespmem:$0x7B0] =	vst v13;
	v13 =	vadd.s32 v15, v16;
	v15 =	vld [tilespmem:$0x116E0]  }
0xab: {  	v16 =	vld [tilespmem:$0x330];
	[tilespmem:$0x7C0] =	vst v13;
	v13 =	vadd.s32 v17, v18  }
0xac: {  	v17 =	vld [tilespmem:$0x116F0];
	[tilespmem:$0x7D0] =	vst v13;
	v13 =	vadd.s32 v19, v20  }
0xad: {  	[tilespmem:$0x7E0] =	vst v13;
	v13 =	vadd.s32 v21, v22  }
0xae: {  	[tilespmem:$0x7F0] =	vst v13;
	v13 =	vadd.s32 v23, v24  }
0xaf: {  	[tilespmem:$0x800] =	vst v13;
	v13 =	vadd.s32 v25, v26  }
0xb0: {  	[tilespmem:$0x810] =	vst v13;
	v13 =	vadd.s32 v14, v15  }
0xb1: {  	[tilespmem:$0x820] =	vst v13;
	v13 =	vadd.s32 v16, v17  }
0xb2: {  	s12 =	simm.s32 $0x500;
	[tilespmem:$0x830] =	vst v13  }
0xb3: {  	[tilespmem:s26], [sflag:$0x2] =	stream.indirect.gather [hbm4b:s5+s24], $0x20, s12, s24, $0xb8;
	[tilespmem:$0x11C00] =	vst v63  }
0xb4: {  	s14 =	simm.s32 $0x540;
	s19 =	simm.s32 $0x1040  }
0xb5: {  	[tilespmem:s19], [sflag:$0x2] =	stream.indirect.gather [hbm4b:s5+s24], $0x20, s14, s24, $0xb8;
	[tilespmem:$0x11C00] =	vst v63  }
0xb6: {  	s11 =	simm.s32 $0x580;
	s12 =	simm.s32 $0x1840  }
0xb7: {  	[tilespmem:s12], [sflag:$0x2] =	stream.indirect.gather [hbm4b:s5+s24], $0x20, s11, s24, $0xb8;
	[tilespmem:$0x11C00] =	vst v63  }
0xb8: {  	s14 =	simm.s32 $0x5C0;
	s19 =	simm.s32 $0x2040  }
0xb9: {  	[tilespmem:s19], [sflag:$0x2] =	stream.indirect.gather [hbm4b:s5+s24], $0x20, s14, s24, $0xb8;
	[tilespmem:$0x11C00] =	vst v63  }
0xba: {  	s11 =	simm.s32 $0x600;
	s12 =	simm.s32 $0x2840  }
0xbb: {  	[tilespmem:s12], [sflag:$0x2] =	stream.indirect.gather [hbm4b:s5+s24], $0x20, s11, s24, $0xb8;
	[tilespmem:$0x11C00] =	vst v63  }
0xbc: {  	s14 =	simm.s32 $0x640;
	s19 =	simm.s32 $0x3040  }
0xbd: {  	[tilespmem:s19], [sflag:$0x2] =	stream.indirect.gather [hbm4b:s5+s24], $0x20, s14, s24, $0xb8;
	[tilespmem:$0x11C00] =	vst v63  }
0xbe: {  	s11 =	simm.s32 $0x680;
	s12 =	simm.s32 $0x3840  }
0xbf: {  	[tilespmem:s12], [sflag:$0x2] =	stream.indirect.gather [hbm4b:s5+s24], $0x20, s11, s24, $0xb8;
	[tilespmem:$0x11C00] =	vst v63  }
0xc0: {  	s14 =	simm.s32 $0x6C0;
	s19 =	simm.s32 $0x4040  }
0xc1: {  	[tilespmem:s19], [sflag:$0x2] =	stream.indirect.gather [hbm4b:s5+s24], $0x20, s14, s24, $0xb8;
	[tilespmem:$0x11C00] =	vst v63  }
0xc2: {  	s11 =	simm.s32 $0x700;
	s12 =	simm.s32 $0x4840  }
0xc3: {  	[tilespmem:s12], [sflag:$0x2] =	stream.indirect.gather [hbm4b:s5+s24], $0x20, s11, s24, $0xb8;
	[tilespmem:$0x11C00] =	vst v63  }
0xc4: {  	s14 =	simm.s32 $0x740;
	s19 =	simm.s32 $0x5040  }
0xc5: {  	[tilespmem:s19], [sflag:$0x2] =	stream.indirect.gather [hbm4b:s5+s24], $0x20, s14, s24, $0xb8;
	[tilespmem:$0x11C00] =	vst v63  }
0xc6: {  	s11 =	simm.s32 $0x780;
	s12 =	simm.s32 $0x5840  }
0xc7: {  	[tilespmem:s12], [sflag:$0x2] =	stream.indirect.gather [hbm4b:s5+s24], $0x20, s11, s24, $0xb8;
	[tilespmem:$0x11C00] =	vst v63  }
0xc8: {  	s14 =	simm.s32 $0x7C0;
	s19 =	simm.s32 $0x6040  }
0xc9: {  	[tilespmem:s19], [sflag:$0x2] =	stream.indirect.gather [hbm4b:s5+s24], $0x20, s14, s24, $0xb8;
	[tilespmem:$0x11C00] =	vst v63  }
0xca: {  	s10 =	simm.s32 $0x800;
	s11 =	simm.s32 $0x6840  }
0xcb: {  	[tilespmem:s11], [sflag:$0x2] =	stream.indirect.gather [hbm4b:s5+s24], $0x20, s10, s24, $0xb8;
	[tilespmem:$0x11C00] =	vst v63  }
0xcc: {  	v13 =	vld [tilespmem:$0xA840];
	_ =	sdelay $0x3  }
0xcd: {  	s12 =	simm.s32 $0x34D;
	s19 =	simm.s32 $0x7200  }
0xce: {  	v16 =	vld [tilespmem:s12+$0x0];
	[tilespmem:s19+$0x0] =	vst v13  }
0xcf: {  	v14 =	vld [tilespmem:$0xA850];
	_ =	sdelay $0x4  }
0xd0: {  	[tilespmem:s19+$0x10] =	vst v14  }
0xd1: {  	v14 =	vld [tilespmem:$0xA860];
	_ =	sdelay $0x1  }
0xd2: {  	v17 =	vld [tilespmem:$0xAA20]  }
0xd3: {  	v18 =	vperm.xlane v16, v0;
	_ =	sdelay $0x1  }
0xd4: {  	v14 =	vmul.f32 v14, v18;
	_ =	sdelay $0x1  }
0xd5: {  	v14 =	vadd.f32 v17, v14  }
0xd6: {  	v15 =	vld [tilespmem:s12+$0xFFFFFFF3];
	[tilespmem:s19+$0xFFFFFE40] =	vst v13  }
0xd7: {  	v13 =	vld [tilespmem:$0xA850];
	[tilespmem:s19+$0x20] =	vst v14  }
0xd8: {  	v14 =	vld [tilespmem:$0xA870];
	_ =	sdelay $0x1  }
0xd9: {  	v17 =	vld [tilespmem:$0xAA30];
	_ =	sdelay $0x2  }
0xda: {  	[tilespmem:s19+$0xFFFFFE50] =	vst v13;
	v13 =	vmul.f32 v14, v18  }
0xdb: {  	v14 =	vld [tilespmem:$0xA860]  }
0xdc: {  	v13 =	vadd.f32 v17, v13  }
0xdd: {  	v17 =	vld [tilespmem:$0xAA20]  }
0xde: {  	v18 =	vperm.xlane v15, v0;
	[tilespmem:s19+$0x30] =	vst v13  }
0xdf: {  	v13 =	vld [tilespmem:$0xA880]  }
0xe0: {  	v14 =	vmul.f32 v14, v18  }
0xe1: {  	v19 =	vld [tilespmem:$0xAA40]  }
0xe2: {  	v14 =	vadd.f32 v17, v14;
	v17 =	vperm.xlane v16, v1;
	_ =	sdelay $0x1  }
0xe3: {  	[tilespmem:s19+$0xFFFFFE60] =	vst v14;
	v13 =	vmul.f32 v13, v17  }
0xe4: {  	v14 =	vld [tilespmem:$0xA870]  }
0xe5: {  	v13 =	vadd.f32 v19, v13  }
0xe6: {  	v19 =	vld [tilespmem:$0xAA30]  }
0xe7: {  	[tilespmem:s19+$0x40] =	vst v13  }
0xe8: {  	v13 =	vld [tilespmem:$0xA890]  }
0xe9: {  	v14 =	vmul.f32 v14, v18  }
0xea: {  	v18 =	vld [tilespmem:$0xAA50]  }
0xeb: {  	v14 =	vadd.f32 v19, v14;
	_ =	sdelay $0x1  }
0xec: {  	[tilespmem:s19+$0xFFFFFE70] =	vst v14;
	v13 =	vmul.f32 v13, v17  }
0xed: {  	v14 =	vld [tilespmem:$0xA880]  }
0xee: {  	v13 =	vadd.f32 v18, v13  }
0xef: {  	v17 =	vld [tilespmem:$0xAA40]  }
0xf0: {  	v18 =	vperm.xlane v15, v1;
	[tilespmem:s19+$0x50] =	vst v13  }
0xf1: {  	v13 =	vld [tilespmem:$0xA8A0]  }
0xf2: {  	v14 =	vmul.f32 v14, v18  }
0xf3: {  	v19 =	vld [tilespmem:$0xAA60]  }
0xf4: {  	v14 =	vadd.f32 v17, v14;
	v17 =	vperm.xlane v16, v2;
	_ =	sdelay $0x1  }
0xf5: {  	[tilespmem:s19+$0xFFFFFE80] =	vst v14;
	v13 =	vmul.f32 v13, v17  }
0xf6: {  	v14 =	vld [tilespmem:$0xA890]  }
0xf7: {  	v13 =	vadd.f32 v19, v13  }
0xf8: {  	v19 =	vld [tilespmem:$0xAA50]  }
0xf9: {  	[tilespmem:s19+$0x60] =	vst v13  }
0xfa: {  	v13 =	vld [tilespmem:$0xA8B0]  }
0xfb: {  	v14 =	vmul.f32 v14, v18  }
0xfc: {  	v18 =	vld [tilespmem:$0xAA70]  }
0xfd: {  	v14 =	vadd.f32 v19, v14;
	_ =	sdelay $0x1  }
0xfe: {  	[tilespmem:s19+$0xFFFFFE90] =	vst v14;
	v13 =	vmul.f32 v13, v17  }
0xff: {  	v14 =	vld [tilespmem:$0xA8A0]  }
0x100: {  	v13 =	vadd.f32 v18, v13  }
0x101: {  	v17 =	vld [tilespmem:$0xAA60]  }
0x102: {  	v18 =	vperm.xlane v15, v2;
	[tilespmem:s19+$0x70] =	vst v13  }
0x103: {  	v13 =	vld [tilespmem:$0xA8C0]  }
0x104: {  	v14 =	vmul.f32 v14, v18  }
0x105: {  	v19 =	vld [tilespmem:$0xAA80]  }
0x106: {  	v14 =	vadd.f32 v17, v14;
	v17 =	vperm.xlane v16, v3;
	_ =	sdelay $0x1  }
0x107: {  	[tilespmem:s19+$0xFFFFFEA0] =	vst v14;
	v13 =	vmul.f32 v13, v17  }
0x108: {  	v14 =	vld [tilespmem:$0xA8B0]  }
0x109: {  	v13 =	vadd.f32 v19, v13  }
0x10a: {  	v19 =	vld [tilespmem:$0xAA70]  }
0x10b: {  	[tilespmem:s19+$0x80] =	vst v13  }
0x10c: {  	v13 =	vld [tilespmem:$0xA8D0]  }
0x10d: {  	v14 =	vmul.f32 v14, v18  }
0x10e: {  	v18 =	vld [tilespmem:$0xAA90]  }
0x10f: {  	v14 =	vadd.f32 v19, v14;
	_ =	sdelay $0x1  }
0x110: {  	[tilespmem:s19+$0xFFFFFEB0] =	vst v14;
	v13 =	vmul.f32 v13, v17  }
0x111: {  	v14 =	vld [tilespmem:$0xA8C0]  }
0x112: {  	v13 =	vadd.f32 v18, v13  }
0x113: {  	v17 =	vld [tilespmem:$0xAA80]  }
0x114: {  	v18 =	vperm.xlane v15, v3;
	[tilespmem:s19+$0x90] =	vst v13  }
0x115: {  	v13 =	vld [tilespmem:$0xA8E0]  }
0x116: {  	v14 =	vmul.f32 v14, v18  }
0x117: {  	v19 =	vld [tilespmem:$0xAAA0]  }
0x118: {  	v14 =	vadd.f32 v17, v14;
	v17 =	vperm.xlane v16, v4;
	_ =	sdelay $0x1  }
0x119: {  	[tilespmem:s19+$0xFFFFFEC0] =	vst v14;
	v13 =	vmul.f32 v13, v17  }
0x11a: {  	v14 =	vld [tilespmem:$0xA8D0]  }
0x11b: {  	v13 =	vadd.f32 v19, v13  }
0x11c: {  	v19 =	vld [tilespmem:$0xAA90]  }
0x11d: {  	[tilespmem:s19+$0xA0] =	vst v13  }
0x11e: {  	v13 =	vld [tilespmem:$0xA8F0]  }
0x11f: {  	v14 =	vmul.f32 v14, v18  }
0x120: {  	v18 =	vld [tilespmem:$0xAAB0]  }
0x121: {  	v14 =	vadd.f32 v19, v14;
	v19 =	vld [tilespmem:$0xA840];
	_ =	sdelay $0x1  }
0x122: {  	[tilespmem:s19+$0xFFFFFED0] =	vst v14;
	v13 =	vmul.f32 v13, v17  }
0x123: {  	s14 =	simm.s32 $0x367;
	v14 =	vld [tilespmem:$0xA8E0]  }
0x124: {  	s6 =	simm.s32 $0x7580;
	v17 =	vadd.f32 v18, v13;
	v13 =	vld [tilespmem:s14+$0x0]  }
0x125: {  	v18 =	vld [tilespmem:$0xAAA0];
	[tilespmem:s6+$0x0] =	vst v19  }
0x126: {  	v20 =	vld [tilespmem:$0xA850];
	[tilespmem:s19+$0xB0] =	vst v17  }
0x127: {  	v21 =	vld [tilespmem:$0xA900]  }
0x128: {  	v22 =	vperm.xlane v15, v4  }
0x129: {  	v23 =	vld [tilespmem:$0xAAC0]  }
0x12a: {  	v24 =	vperm.xlane v16, v5;
	v14 =	vmul.f32 v14, v22  }
0x12b: {  	v17 =	vld [tilespmem:s14+$0xFFFFFFF3];
	[tilespmem:s6+$0x10] =	vst v20  }
0x12c: {  	[tilespmem:s6+$0xFFFFFE40] =	vst v19;
	v14 =	vadd.f32 v18, v14;
	v19 =	vld [tilespmem:$0xA860];
	v18 =	vmul.f32 v21, v24  }
0x12d: {  	v20 =	vld [tilespmem:$0xA850]  }
0x12e: {  	[tilespmem:s19+$0xFFFFFEE0] =	vst v14;
	v14 =	vadd.f32 v23, v18;
	v18 =	vld [tilespmem:$0xAA20]  }
0x12f: {  	v21 =	vld [tilespmem:$0xA8F0];
	v23 =	vperm.xlane v13, v0;
	_ =	sdelay $0x1  }
0x130: {  	v25 =	vld [tilespmem:$0xAAB0];
	[tilespmem:s19+$0xC0] =	vst v14;
	v19 =	vmul.f32 v19, v23  }
0x131: {  	v14 =	vld [tilespmem:$0xA910]  }
0x132: {  	[tilespmem:s6+$0xFFFFFE50] =	vst v20;
	v20 =	vld [tilespmem:$0xAAD0];
	v18 =	vadd.f32 v18, v19  }
0x133: {  	v19 =	vmul.f32 v21, v22;
	v21 =	vld [tilespmem:$0xA860]  }
0x134: {  	v22 =	vld [tilespmem:$0xAA20];
	[tilespmem:s6+$0x20] =	vst v18  }
0x135: {  	v18 =	vadd.f32 v25, v19;
	v19 =	vld [tilespmem:$0xA870]  }
0x136: {  	v14 =	vmul.f32 v14, v24;
	v24 =	vperm.xlane v17, v0  }
0x137: {  	[tilespmem:s19+$0xFFFFFEF0] =	vst v18;
	v18 =	vld [tilespmem:$0xAA30]  }
0x138: {  	v14 =	vadd.f32 v20, v14;
	v20 =	vld [tilespmem:$0xA900];
	v21 =	vmul.f32 v21, v24;
	_ =	sdelay $0x1  }
0x139: {  	v25 =	vld [tilespmem:$0xAAC0];
	[tilespmem:s19+$0xD0] =	vst v14;
	v21 =	vadd.f32 v22, v21;
	v19 =	vmul.f32 v19, v23  }
0x13a: {  	v22 =	vperm.xlane v15, v5;
	v14 =	vld [tilespmem:$0xA920]  }
0x13b: {  	v23 =	vld [tilespmem:$0xAAE0];
	[tilespmem:s6+$0xFFFFFE60] =	vst v21;
	v18 =	vadd.f32 v18, v19  }
0x13c: {  	v19 =	vmul.f32 v20, v22;
	v21 =	vld [tilespmem:$0xA870]  }
0x13d: {  	v20 =	vperm.xlane v16, v6;
	v26 =	vld [tilespmem:$0xAA30];
	[tilespmem:s6+$0x30] =	vst v18  }
0x13e: {  	v18 =	vadd.f32 v25, v19;
	v19 =	vld [tilespmem:$0xA880]  }
0x13f: {  	v14 =	vmul.f32 v14, v20  }
0x140: {  	[tilespmem:s19+$0xFFFFFF00] =	vst v18;
	v18 =	vld [tilespmem:$0xAA40]  }
0x141: {  	v14 =	vadd.f32 v23, v14;
	v23 =	vld [tilespmem:$0xA910];
	v21 =	vmul.f32 v21, v24;
	v24 =	vperm.xlane v13, v1;
	_ =	sdelay $0x1  }
0x142: {  	v25 =	vld [tilespmem:$0xAAD0];
	[tilespmem:s19+$0xE0] =	vst v14;
	v21 =	vadd.f32 v26, v21;
	v19 =	vmul.f32 v19, v24  }
0x143: {  	v14 =	vld [tilespmem:$0xA930]  }
0x144: {  	v26 =	vld [tilespmem:$0xAAF0];
	[tilespmem:s6+$0xFFFFFE70] =	vst v21;
	v18 =	vadd.f32 v18, v19  }
0x145: {  	v19 =	vmul.f32 v23, v22;
	v21 =	vld [tilespmem:$0xA880]  }
0x146: {  	v22 =	vld [tilespmem:$0xAA40];
	[tilespmem:s6+$0x40] =	vst v18  }
0x147: {  	v18 =	vadd.f32 v25, v19;
	v19 =	vld [tilespmem:$0xA890]  }
0x148: {  	v14 =	vmul.f32 v14, v20;
	v20 =	vperm.xlane v17, v1  }
0x149: {  	[tilespmem:s19+$0xFFFFFF10] =	vst v18;
	v18 =	vld [tilespmem:$0xAA50]  }
0x14a: {  	v14 =	vadd.f32 v26, v14;
	v23 =	vld [tilespmem:$0xA920];
	v21 =	vmul.f32 v21, v20;
	_ =	sdelay $0x1  }
0x14b: {  	v25 =	vld [tilespmem:$0xAAE0];
	[tilespmem:s19+$0xF0] =	vst v14;
	v21 =	vadd.f32 v22, v21;
	v19 =	vmul.f32 v19, v24  }
0x14c: {  	v22 =	vperm.xlane v15, v6;
	v14 =	vld [tilespmem:$0xA940]  }
0x14d: {  	v24 =	vld [tilespmem:$0xAB00];
	[tilespmem:s6+$0xFFFFFE80] =	vst v21;
	v18 =	vadd.f32 v18, v19  }
0x14e: {  	v19 =	vmul.f32 v23, v22;
	v23 =	vld [tilespmem:$0xA890]  }
0x14f: {  	v21 =	vperm.xlane v16, v7;
	v26 =	vld [tilespmem:$0xAA50];
	[tilespmem:s6+$0x50] =	vst v18  }
0x150: {  	v18 =	vadd.f32 v25, v19;
	v19 =	vld [tilespmem:$0xA8A0]  }
0x151: {  	v14 =	vmul.f32 v14, v21  }
0x152: {  	[tilespmem:s19+$0xFFFFFF20] =	vst v18;
	v18 =	vld [tilespmem:$0xAA60]  }
0x153: {  	v14 =	vadd.f32 v24, v14;
	v24 =	vld [tilespmem:$0xA930];
	v20 =	vmul.f32 v23, v20;
	v23 =	vperm.xlane v13, v2;
	_ =	sdelay $0x1  }
0x154: {  	v25 =	vld [tilespmem:$0xAAF0];
	[tilespmem:s19+$0x100] =	vst v14;
	v20 =	vadd.f32 v26, v20;
	v19 =	vmul.f32 v19, v23  }
0x155: {  	v14 =	vld [tilespmem:$0xA950]  }
0x156: {  	v26 =	vld [tilespmem:$0xAB10];
	[tilespmem:s6+$0xFFFFFE90] =	vst v20;
	v18 =	vadd.f32 v18, v19  }
0x157: {  	v19 =	vmul.f32 v24, v22;
	v20 =	vld [tilespmem:$0xA8A0]  }
0x158: {  	v22 =	vld [tilespmem:$0xAA60];
	[tilespmem:s6+$0x60] =	vst v18  }
0x159: {  	v18 =	vadd.f32 v25, v19;
	v19 =	vld [tilespmem:$0xA8B0]  }
0x15a: {  	v14 =	vmul.f32 v14, v21;
	v21 =	vperm.xlane v17, v2  }
0x15b: {  	[tilespmem:s19+$0xFFFFFF30] =	vst v18;
	v18 =	vld [tilespmem:$0xAA70]  }
0x15c: {  	v14 =	vadd.f32 v26, v14;
	v24 =	vld [tilespmem:$0xA940];
	v20 =	vmul.f32 v20, v21;
	_ =	sdelay $0x1  }
0x15d: {  	v25 =	vld [tilespmem:$0xAB00];
	[tilespmem:s19+$0x110] =	vst v14;
	v20 =	vadd.f32 v22, v20;
	v19 =	vmul.f32 v19, v23  }
0x15e: {  	v22 =	vperm.xlane v15, v7;
	v14 =	vld [tilespmem:$0xA960]  }
0x15f: {  	v23 =	vld [tilespmem:$0xAB20];
	[tilespmem:s6+$0xFFFFFEA0] =	vst v20;
	v18 =	vadd.f32 v18, v19  }
0x160: {  	v19 =	vmul.f32 v24, v22;
	v24 =	vld [tilespmem:$0xA8B0]  }
0x161: {  	v20 =	vperm.xlane v16, v8;
	v26 =	vld [tilespmem:$0xAA70];
	[tilespmem:s6+$0x70] =	vst v18  }
0x162: {  	v18 =	vadd.f32 v25, v19;
	v19 =	vld [tilespmem:$0xA8C0]  }
0x163: {  	v14 =	vmul.f32 v14, v20  }
0x164: {  	[tilespmem:s19+$0xFFFFFF40] =	vst v18;
	v18 =	vld [tilespmem:$0xAA80]  }
0x165: {  	v14 =	vadd.f32 v23, v14;
	v23 =	vld [tilespmem:$0xA950];
	v21 =	vmul.f32 v24, v21;
	v24 =	vperm.xlane v13, v3;
	_ =	sdelay $0x1  }
0x166: {  	v25 =	vld [tilespmem:$0xAB10];
	[tilespmem:s19+$0x120] =	vst v14;
	v21 =	vadd.f32 v26, v21;
	v19 =	vmul.f32 v19, v24  }
0x167: {  	v14 =	vld [tilespmem:$0xA970]  }
0x168: {  	v26 =	vld [tilespmem:$0xAB30];
	[tilespmem:s6+$0xFFFFFEB0] =	vst v21;
	v18 =	vadd.f32 v18, v19  }
0x169: {  	v19 =	vmul.f32 v23, v22;
	v21 =	vld [tilespmem:$0xA8C0]  }
0x16a: {  	v22 =	vld [tilespmem:$0xAA80];
	[tilespmem:s6+$0x80] =	vst v18  }
0x16b: {  	v18 =	vadd.f32 v25, v19;
	v19 =	vld [tilespmem:$0xA8D0]  }
0x16c: {  	v14 =	vmul.f32 v14, v20;
	v20 =	vperm.xlane v17, v3  }
0x16d: {  	[tilespmem:s19+$0xFFFFFF50] =	vst v18;
	v18 =	vld [tilespmem:$0xAA90]  }
0x16e: {  	v14 =	vadd.f32 v26, v14;
	v23 =	vld [tilespmem:$0xA960];
	v21 =	vmul.f32 v21, v20;
	_ =	sdelay $0x1  }
0x16f: {  	v25 =	vld [tilespmem:$0xAB20];
	[tilespmem:s19+$0x130] =	vst v14;
	v21 =	vadd.f32 v22, v21;
	v19 =	vmul.f32 v19, v24  }
0x170: {  	v22 =	vperm.xlane v15, v8;
	v14 =	vld [tilespmem:$0xA980]  }
0x171: {  	v24 =	vld [tilespmem:$0xAB40];
	[tilespmem:s6+$0xFFFFFEC0] =	vst v21;
	v18 =	vadd.f32 v18, v19  }
0x172: {  	v19 =	vmul.f32 v23, v22;
	v23 =	vld [tilespmem:$0xA8D0]  }
0x173: {  	v21 =	vperm.xlane v16, v9;
	[tilespmem:s6+$0x90] =	vst v18  }
0x174: {  	v18 =	vadd.f32 v25, v19;
	v19 =	vld [tilespmem:$0xA8E0]  }
0x175: {  	v26 =	vld [tilespmem:$0xAA90];
	v14 =	vmul.f32 v14, v21  }
0x176: {  	[tilespmem:s19+$0xFFFFFF60] =	vst v18;
	v18 =	vld [tilespmem:$0xAAA0]  }
0x177: {  	v14 =	vadd.f32 v24, v14;
	v24 =	vld [tilespmem:$0xA970];
	v20 =	vmul.f32 v23, v20;
	v23 =	vperm.xlane v13, v4;
	_ =	sdelay $0x1  }
0x178: {  	v25 =	vld [tilespmem:$0xAB30];
	[tilespmem:s19+$0x140] =	vst v14;
	v19 =	vmul.f32 v19, v23  }
0x179: {  	v20 =	vadd.f32 v26, v20;
	v14 =	vld [tilespmem:$0xA990]  }
0x17a: {  	v18 =	vadd.f32 v18, v19  }
0x17b: {  	v26 =	vld [tilespmem:$0xAB50];
	[tilespmem:s6+$0xFFFFFED0] =	vst v20;
	v19 =	vmul.f32 v24, v22  }
0x17c: {  	v20 =	vld [tilespmem:$0xA8E0];
	[tilespmem:s6+$0xA0] =	vst v18  }
0x17d: {  	v18 =	vadd.f32 v25, v19;
	v19 =	vld [tilespmem:$0xA8F0]  }
0x17e: {  	v22 =	vld [tilespmem:$0xAAA0];
	v14 =	vmul.f32 v14, v21  }
0x17f: {  	s11 =	simm.s32 $0x381;
	v21 =	vperm.xlane v17, v4;
	[tilespmem:s19+$0xFFFFFF70] =	vst v18;
	v18 =	vld [tilespmem:$0xAAB0]  }
0x180: {  	v29 =	vld [tilespmem:s11+$0xFFFFFFF3];
	v14 =	vadd.f32 v26, v14  }
0x181: {  	v24 =	vld [tilespmem:$0xA980];
	v20 =	vmul.f32 v20, v21  }
0x182: {  	v25 =	vld [tilespmem:$0xAB40];
	[tilespmem:s19+$0x150] =	vst v14;
	v19 =	vmul.f32 v19, v23  }
0x183: {  	v20 =	vadd.f32 v22, v20;
	v14 =	vld [tilespmem:$0xA9A0]  }
0x184: {  	v22 =	vld [tilespmem:$0xA840];
	v23 =	vperm.xlane v15, v9;
	v18 =	vadd.f32 v18, v19  }
0x185: {  	v26 =	vld [tilespmem:$0xAB60];
	[tilespmem:s6+$0xFFFFFEE0] =	vst v20  }
0x186: {  	v19 =	vperm.xlane v16, v10;
	v20 =	vld [tilespmem:$0xA8F0];
	v24 =	vmul.f32 v24, v23;
	[tilespmem:s6+$0xB0] =	vst v18  }
0x187: {  	v28 =	vld [tilespmem:$0xA900]  }
0x188: {  	s10 =	simm.s32 $0x7900;
	v24 =	vadd.f32 v25, v24;
	v18 =	vmul.f32 v14, v19;
	v14 =	vld [tilespmem:s11+$0x0]  }
0x189: {  	[tilespmem:s10+$0x0] =	vst v22;
	v25 =	vld [tilespmem:$0xAAC0]  }
0x18a: {  	[tilespmem:s19+$0xFFFFFF80] =	vst v24;
	v24 =	vld [tilespmem:$0xA850];
	v18 =	vadd.f32 v26, v18;
	v26 =	vperm.xlane v13, v5  }
0x18b: {  	v27 =	vld [tilespmem:$0xAAB0]  }
0x18c: {  	[tilespmem:s10+$0xFFFFFE40] =	vst v22;
	v30 =	vld [tilespmem:$0xA990];
	v28 =	vmul.f32 v28, v26  }
0x18d: {  	v20 =	vmul.f32 v20, v21;
	v21 =	vld [tilespmem:$0xA850];
	[tilespmem:s19+$0x160] =	vst v18  }
0x18e: {  	v18 =	vld [tilespmem:$0xA9B0];
	v22 =	vadd.f32 v25, v28  }
0x18f: {  	v31 =	vld [tilespmem:$0xAB70];
	[tilespmem:s10+$0x10] =	vst v24  }
0x190: {  	v24 =	vld [tilespmem:$0xA860];
	[tilespmem:s6+$0xC0] =	vst v22  }
0x191: {  	v20 =	vadd.f32 v27, v20;
	v22 =	vld [tilespmem:$0xA910]  }
0x192: {  	v25 =	vld [tilespmem:$0xAA20]  }
0x193: {  	[tilespmem:s6+$0xFFFFFEF0] =	vst v20;
	v18 =	vmul.f32 v18, v19;
	v19 =	vperm.xlane v14, v0;
	v20 =	vld [tilespmem:$0xAAD0]  }
0x194: {  	v27 =	vld [tilespmem:$0xA900];
	[tilespmem:s10+$0xFFFFFE50] =	vst v21  }
0x195: {  	v18 =	vadd.f32 v31, v18;
	v21 =	vmul.f32 v24, v19;
	v24 =	vld [tilespmem:$0xA860]  }
0x196: {  	v28 =	vld [tilespmem:$0xAAC0];
	v22 =	vmul.f32 v22, v26  }
0x197: {  	[tilespmem:s19+$0x170] =	vst v18;
	v18 =	vld [tilespmem:$0xAA20];
	v21 =	vadd.f32 v25, v21  }
0x198: {  	v25 =	vperm.xlane v29, v0;
	v26 =	vld [tilespmem:$0xA9C0];
	v20 =	vadd.f32 v20, v22  }
0x199: {  	v31 =	vld [tilespmem:$0xAB80];
	[tilespmem:s10+$0x20] =	vst v21;
	v22 =	vperm.xlane v17, v5  }
0x19a: {  	v21 =	vld [tilespmem:$0xA870];
	v24 =	vmul.f32 v24, v25;
	[tilespmem:s6+$0xD0] =	vst v20  }
0x19b: {  	v20 =	vmul.f32 v27, v22;
	v27 =	vperm.xlane v16, v11;
	v49 =	vld [tilespmem:$0xA920]  }
0x19c: {  	v50 =	vld [tilespmem:$0xAA30];
	v18 =	vadd.f32 v18, v24  }
0x19d: {  	v20 =	vadd.f32 v28, v20;
	v24 =	vmul.f32 v26, v27;
	v26 =	vld [tilespmem:$0xAAE0]  }
0x19e: {  	v28 =	vld [tilespmem:$0xAB50];
	[tilespmem:s10+$0xFFFFFE60] =	vst v18;
	v18 =	vperm.xlane v13, v6  }
0x19f: {  	v19 =	vmul.f32 v21, v19;
	v21 =	vld [tilespmem:$0xA870];
	[tilespmem:s6+$0xFFFFFF00] =	vst v20;
	v20 =	vadd.f32 v31, v24  }
0x1a0: {  	v24 =	vld [tilespmem:$0xA910];
	v31 =	vmul.f32 v49, v18  }
0x1a1: {  	v19 =	vadd.f32 v50, v19;
	[tilespmem:s19+$0x180] =	vst v20;
	v20 =	vld [tilespmem:$0xAA30]  }
0x1a2: {  	v51 =	vld [tilespmem:$0xA9D0];
	v26 =	vadd.f32 v26, v31  }
0x1a3: {  	[tilespmem:s10+$0x30] =	vst v19;
	v31 =	vld [tilespmem:$0xAAD0]  }
0x1a4: {  	v19 =	vld [tilespmem:$0xA880];
	v21 =	vmul.f32 v21, v25;
	[tilespmem:s6+$0xE0] =	vst v26  }
0x1a5: {  	v25 =	vld [tilespmem:$0xA930]  }
0x1a6: {  	v22 =	vmul.f32 v24, v22;
	v24 =	vld [tilespmem:$0xAA40];
	v20 =	vadd.f32 v20, v21  }
0x1a7: {  	v21 =	vmul.f32 v30, v23;
	v23 =	vperm.xlane v14, v1;
	v26 =	vld [tilespmem:$0xAAF0]  }
0x1a8: {  	v30 =	vld [tilespmem:$0xAB90];
	v22 =	vadd.f32 v31, v22;
	[tilespmem:s10+$0xFFFFFE70] =	vst v20  }
0x1a9: {  	v20 =	vadd.f32 v28, v21;
	v19 =	vmul.f32 v19, v23;
	v21 =	vld [tilespmem:$0xA880]  }
0x1aa: {  	[tilespmem:s6+$0xFFFFFF10] =	vst v22;
	v22 =	vld [tilespmem:$0xAA40];
	v18 =	vmul.f32 v25, v18  }
0x1ab: {  	[tilespmem:s19+$0xFFFFFF90] =	vst v20;
	v19 =	vadd.f32 v24, v19;
	v20 =	vld [tilespmem:$0xA920]  }
0x1ac: {  	v24 =	vperm.xlane v29, v1;
	v25 =	vld [tilespmem:$0xA9A0];
	v18 =	vadd.f32 v26, v18  }
0x1ad: {  	[tilespmem:s10+$0x40] =	vst v19;
	v19 =	vld [tilespmem:$0xAAE0];
	v26 =	vmul.f32 v51, v27  }
0x1ae: {  	v27 =	vperm.xlane v17, v6;
	v28 =	vld [tilespmem:$0xA890];
	v21 =	vmul.f32 v21, v24;
	[tilespmem:s6+$0xF0] =	vst v18  }
0x1af: {  	v18 =	vadd.f32 v30, v26;
	v26 =	vld [tilespmem:$0xA940]  }
0x1b0: {  	v30 =	vld [tilespmem:$0xAA50];
	v21 =	vadd.f32 v22, v21;
	v20 =	vmul.f32 v20, v27  }
0x1b1: {  	[tilespmem:s19+$0x190] =	vst v18;
	v18 =	vld [tilespmem:$0xAB00]  }
0x1b2: {  	v22 =	vld [tilespmem:$0xA9E0];
	[tilespmem:s10+$0xFFFFFE80] =	vst v21;
	v19 =	vadd.f32 v19, v20;
	v20 =	vperm.xlane v13, v7  }
0x1b3: {  	v23 =	vmul.f32 v28, v23;
	v21 =	vld [tilespmem:$0xA890]  }
0x1b4: {  	v28 =	vld [tilespmem:$0xAA50];
	[tilespmem:s6+$0xFFFFFF20] =	vst v19;
	v19 =	vmul.f32 v26, v20  }
0x1b5: {  	v23 =	vadd.f32 v30, v23;
	v26 =	vld [tilespmem:$0xA930]  }
0x1b6: {  	v30 =	vld [tilespmem:$0xAAF0];
	v18 =	vadd.f32 v18, v19  }
0x1b7: {  	[tilespmem:s10+$0x50] =	vst v23;
	v19 =	vld [tilespmem:$0xAB60]  }
0x1b8: {  	v23 =	vld [tilespmem:$0xA8A0];
	v21 =	vmul.f32 v21, v24;
	[tilespmem:s6+$0x100] =	vst v18  }
0x1b9: {  	v18 =	vld [tilespmem:$0xA950]  }
0x1ba: {  	v24 =	vperm.xlane v15, v10;
	v21 =	vadd.f32 v28, v21;
	v28 =	vld [tilespmem:$0xAA60];
	v26 =	vmul.f32 v26, v27  }
0x1bb: {  	v27 =	vperm.xlane v14, v2;
	v31 =	vld [tilespmem:$0xAB10]  }
0x1bc: {  	v52 =	vld [tilespmem:$0xABA0];
	v25 =	vmul.f32 v25, v24;
	[tilespmem:s10+$0xFFFFFE90] =	vst v21;
	v21 =	vadd.f32 v30, v26  }
0x1bd: {  	v23 =	vmul.f32 v23, v27;
	v26 =	vld [tilespmem:$0xA8A0]  }
0x1be: {  	v19 =	vadd.f32 v19, v25;
	v25 =	vld [tilespmem:$0xAA60];
	[tilespmem:s6+$0xFFFFFF30] =	vst v21;
	v18 =	vmul.f32 v18, v20  }
0x1bf: {  	v20 =	vadd.f32 v28, v23;
	v21 =	vld [tilespmem:$0xA940]  }
0x1c0: {  	[tilespmem:s19+$0xFFFFFFA0] =	vst v19;
	v23 =	vperm.xlane v29, v2;
	v19 =	vld [tilespmem:$0xAB00];
	v18 =	vadd.f32 v31, v18  }
0x1c1: {  	[tilespmem:s10+$0x60] =	vst v20;
	v20 =	vld [tilespmem:$0xA9B0]  }
0x1c2: {  	v28 =	vperm.xlane v17, v7;
	v26 =	vmul.f32 v26, v23;
	v30 =	vld [tilespmem:$0xA8B0];
	[tilespmem:s6+$0x110] =	vst v18  }
0x1c3: {  	v31 =	vperm.xlane v16, v12;
	v16 =	vld [tilespmem:$0xA960]  }
0x1c4: {  	v18 =	vadd.f32 v25, v26;
	v25 =	vld [tilespmem:$0xAA70];
	v21 =	vmul.f32 v21, v28  }
0x1c5: {  	v22 =	vmul.f32 v22, v31;
	v26 =	vld [tilespmem:$0xAB20]  }
0x1c6: {  	[tilespmem:s10+$0xFFFFFEA0] =	vst v18;
	v18 =	vadd.f32 v19, v21;
	v19 =	vperm.xlane v13, v8;
	v21 =	vld [tilespmem:$0xAB70]  }
0x1c7: {  	v22 =	vadd.f32 v52, v22;
	v53 =	vld [tilespmem:$0xA8B0];
	v27 =	vmul.f32 v30, v27  }
0x1c8: {  	v30 =	vld [tilespmem:$0xAA70];
	[tilespmem:s6+$0xFFFFFF40] =	vst v18;
	v16 =	vmul.f32 v16, v19  }
0x1c9: {  	[tilespmem:s19+$0x1A0] =	vst v22;
	v18 =	vadd.f32 v25, v27;
	v22 =	vld [tilespmem:$0xA950]  }
0x1ca: {  	v55 =	vld [tilespmem:$0xABB0];
	v16 =	vadd.f32 v26, v16  }
0x1cb: {  	v20 =	vmul.f32 v20, v24;
	v24 =	vld [tilespmem:$0xAB10];
	[tilespmem:s10+$0x70] =	vst v18  }
0x1cc: {  	v18 =	vmul.f32 v53, v23;
	v23 =	vld [tilespmem:$0xA8C0];
	[tilespmem:s6+$0x120] =	vst v16  }
0x1cd: {  	v16 =	vadd.f32 v21, v20;
	v20 =	vld [tilespmem:$0xA970]  }
0x1ce: {  	v21 =	vld [tilespmem:$0xAA80];
	v18 =	vadd.f32 v30, v18;
	v22 =	vmul.f32 v22, v28  }
0x1cf: {  	v26 =	vld [tilespmem:$0xAB30];
	[tilespmem:s19+$0xFFFFFFB0] =	vst v16;
	v16 =	vperm.xlane v14, v3  }
0x1d0: {  	[tilespmem:s10+$0xFFFFFEB0] =	vst v18;
	v18 =	vadd.f32 v24, v22;
	v22 =	vld [tilespmem:$0xA9C0]  }
0x1d1: {  	v24 =	vld [tilespmem:$0xA8C0];
	v23 =	vmul.f32 v23, v16  }
0x1d2: {  	v27 =	vld [tilespmem:$0xAA80];
	[tilespmem:s6+$0xFFFFFF50] =	vst v18;
	v18 =	vmul.f32 v20, v19  }
0x1d3: {  	v19 =	vadd.f32 v21, v23;
	v20 =	vld [tilespmem:$0xA960]  }
0x1d4: {  	v21 =	vperm.xlane v29, v3;
	v23 =	vld [tilespmem:$0xAB20];
	v18 =	vadd.f32 v26, v18  }
0x1d5: {  	[tilespmem:s10+$0x80] =	vst v19;
	v19 =	vld [tilespmem:$0xAB80]  }
0x1d6: {  	v30 =	vperm.xlane v17, v8;
	v24 =	vmul.f32 v24, v21;
	v26 =	vld [tilespmem:$0xA8D0];
	[tilespmem:s6+$0x130] =	vst v18  }
0x1d7: {  	v18 =	vld [tilespmem:$0xA980]  }
0x1d8: {  	v54 =	vperm.xlane v15, v11;
	v24 =	vadd.f32 v27, v24;
	v27 =	vld [tilespmem:$0xAA90];
	v20 =	vmul.f32 v20, v30  }
0x1d9: {  	v28 =	vld [tilespmem:$0xAB40]  }
0x1da: {  	v56 =	vperm.xlane v13, v9;
	v25 =	vld [tilespmem:$0xA9F0];
	v22 =	vmul.f32 v22, v54;
	[tilespmem:s10+$0xFFFFFEC0] =	vst v24;
	v20 =	vadd.f32 v23, v20  }
0x1db: {  	v23 =	vld [tilespmem:$0xA8D0];
	v16 =	vmul.f32 v26, v16  }
0x1dc: {  	v19 =	vadd.f32 v19, v22;
	v24 =	vld [tilespmem:$0xAA90];
	[tilespmem:s6+$0xFFFFFF60] =	vst v20;
	v18 =	vmul.f32 v18, v56  }
0x1dd: {  	v16 =	vadd.f32 v27, v16;
	v57 =	vld [tilespmem:$0xA970]  }
0x1de: {  	v34 =	vperm.xlane v14, v4;
	v22 =	vperm.xlane v17, v9;
	[tilespmem:s19+$0xFFFFFFC0] =	vst v19;
	v19 =	vld [tilespmem:$0xAB30];
	v26 =	vadd.f32 v28, v18  }
0x1df: {  	v20 =	vperm.xlane v17, v10;
	v58 =	vld [tilespmem:$0xA9D0];
	v18 =	vperm.xlane v17, v11;
	[tilespmem:s10+$0x90] =	vst v16  }
0x1e0: {  	v16 =	vperm.xlane v17, v12;
	v17 =	vmul.f32 v23, v21;
	v59 =	vld [tilespmem:$0xA8E0];
	[tilespmem:s6+$0x140] =	vst v26  }
0x1e1: {  	v31 =	vmul.f32 v25, v31;
	v25 =	vperm.xlane v29, v9;
	v60 =	vld [tilespmem:$0xA990]  }
0x1e2: {  	v27 =	vperm.xlane v29, v5;
	v61 =	vld [tilespmem:$0xAAA0];
	v17 =	vadd.f32 v24, v17;
	v21 =	vmul.f32 v57, v30  }
0x1e3: {  	v28 =	vperm.xlane v29, v4;
	v23 =	vperm.xlane v29, v8;
	v62 =	vld [tilespmem:$0xAB50]  }
0x1e4: {  	v26 =	vperm.xlane v29, v6;
	v24 =	vperm.xlane v29, v7;
	v30 =	vld [tilespmem:$0xAB90];
	[tilespmem:s10+$0xFFFFFED0] =	vst v17;
	v17 =	vadd.f32 v19, v21  }
0x1e5: {  	v21 =	vperm.xlane v29, v10;
	v36 =	vld [tilespmem:$0xA8E0];
	v63 =	vmul.f32 v59, v34  }
0x1e6: {  	v31 =	vadd.f32 v55, v31;
	v19 =	vperm.xlane v29, v11;
	v35 =	vld [tilespmem:$0xAAA0];
	[tilespmem:s6+$0xFFFFFF70] =	vst v17;
	v39 =	vmul.f32 v60, v56  }
0x1e7: {  	v17 =	vperm.xlane v29, v12;
	v29 =	vmul.f32 v58, v54;
	v33 =	vld [tilespmem:$0xA980];
	v37 =	vadd.f32 v61, v63  }
0x1e8: {  	s12 =	simm.s32 $0x7900;
	s14 =	simm.s32 $0x4;
	v15 =	vperm.xlane v15, v12;
	[tilespmem:s19+$0x1B0] =	vst v31;
	v31 =	vld [tilespmem:$0xAB40];
	v32 =	vadd.f32 v62, v39  }
.LBB2_3:
0x1e9: {  	v38 =	vld [tilespmem:$0xA840];
	[tilespmem:s10+$0xA0] =	vst v37;
	v29 =	vadd.f32 v30, v29  }
0x1ea: {  	v30 =	vmul.f32 v36, v28;
	v36 =	vld [tilespmem:$0xA8F0];
	[tilespmem:s6+$0x150] =	vst v32  }
0x1eb: {  	v32 =	vld [tilespmem:$0xA9A0];
	[tilespmem:s19+$0xFFFFFFD0] =	vst v29  }
0x1ec: {  	v29 =	vadd.f32 v35, v30;
	v30 =	vld [tilespmem:$0xAAB0];
	v33 =	vmul.f32 v33, v22  }
0x1ed: {  	v35 =	vld [tilespmem:$0xAB60]  }
0x1ee: {  	[tilespmem:s10+$0xFFFFFEE0] =	vst v29;
	v29 =	vadd.f32 v31, v33;
	v31 =	vperm.xlane v13, v10;
	v33 =	vld [tilespmem:$0xA9E0]  }
0x1ef: {  	v37 =	vld [tilespmem:$0xA8F0];
	v34 =	vmul.f32 v36, v34  }
0x1f0: {  	v36 =	vld [tilespmem:$0xAAB0];
	[tilespmem:s6+$0xFFFFFF80] =	vst v29;
	v29 =	vmul.f32 v32, v31  }
0x1f1: {  	s14 =	sadd.s32 $0x2, s14;
	s11 =	sadd.s32 $0x1A, s11;
	s10 =	sadd.s32 $0x380, s10;
	v30 =	vadd.f32 v30, v34;
	v32 =	vld [tilespmem:$0xA990]  }
0x1f2: {  	p0 =	slt.u32 s14, $0x1E;
	v39 =	vld [tilespmem:s11+$0x0];
	[tilespmem:s10+$0x0] =	vst v38;
	v29 =	vadd.f32 v35, v29  }
0x1f3: {  	v34 =	vld [tilespmem:$0xA850];
	[tilespmem:s12+$0xB0] =	vst v30;
	v33 =	vmul.f32 v33, v15  }
0x1f4: {  	v28 =	vmul.f32 v37, v28;
	v30 =	vld [tilespmem:$0xA900];
	[tilespmem:s6+$0x160] =	vst v29  }
0x1f5: {  	v29 =	vld [tilespmem:$0xA9B0]  }
0x1f6: {  	v28 =	vadd.f32 v36, v28;
	v35 =	vld [tilespmem:$0xAAC0];
	v40 =	vmul.f32 v32, v22;
	v22 =	vmov v25  }
0x1f7: {  	v25 =	vperm.xlane v14, v5;
	v32 =	vld [tilespmem:$0xAB70]  }
0x1f8: {  	v41 =	vld [tilespmem:s11+$0xFFFFFFF3];
	[tilespmem:s10+$0xFFFFFE40] =	vst v38  }
0x1f9: {  	v36 =	vld [tilespmem:$0xA850];
	[tilespmem:s12+$0xFFFFFEF0] =	vst v28;
	v28 =	vmul.f32 v30, v25  }
0x1fa: {  	v30 =	vld [tilespmem:$0xA900];
	v29 =	vmul.f32 v29, v31  }
0x1fb: {  	[tilespmem:s10+$0x10] =	vst v34;
	v31 =	vld [tilespmem:$0xAAC0];
	v28 =	vadd.f32 v35, v28  }
0x1fc: {  	v34 =	vld [tilespmem:$0xA860];
	v35 =	vadd.f32 v32, v29  }
0x1fd: {  	v42 =	vperm.xlane v41, v0;
	v37 =	vperm.xlane v41, v1;
	v43 =	vld [tilespmem:$0xAA20];
	[tilespmem:s12+$0xC0] =	vst v28  }
0x1fe: {  	v32 =	vperm.xlane v41, v2;
	v29 =	vperm.xlane v41, v3;
	v44 =	vld [tilespmem:$0xA910];
	[tilespmem:s6+$0x170] =	vst v35  }
0x1ff: {  	v45 =	vperm.xlane v39, v0;
	v28 =	vperm.xlane v41, v4;
	[tilespmem:s10+$0xFFFFFE50] =	vst v36;
	v35 =	vld [tilespmem:$0xA9C0]  }
0x200: {  	v46 =	vperm.xlane v41, v5;
	v30 =	vmul.f32 v30, v27;
	v47 =	vld [tilespmem:$0xAAD0]  }
0x201: {  	v38 =	vperm.xlane v41, v6;
	v36 =	vmul.f32 v34, v45;
	v48 =	vld [tilespmem:$0xAB80]  }
0x202: {  	v50 =	vperm.xlane v13, v11;
	v34 =	vperm.xlane v41, v7;
	v31 =	vadd.f32 v31, v30;
	v49 =	vld [tilespmem:$0xA860]  }
0x203: {  	v30 =	vperm.xlane v41, v8;
	v51 =	vld [tilespmem:$0xAA20];
	v43 =	vadd.f32 v43, v36;
	v44 =	vmul.f32 v44, v25  }
0x204: {  	v25 =	vperm.xlane v41, v9;
	[tilespmem:s12+$0xFFFFFF00] =	vst v31;
	v52 =	vld [tilespmem:$0xAB50];
	v53 =	vmul.f32 v35, v50  }
0x205: {  	v36 =	vperm.xlane v41, v10;
	v31 =	vperm.xlane v41, v11;
	[tilespmem:s10+$0x20] =	vst v43;
	v43 =	vld [tilespmem:$0xA910];
	v44 =	vadd.f32 v47, v44  }
0x206: {  	v35 =	vperm.xlane v41, v12;
	v41 =	vld [tilespmem:$0xA870];
	v47 =	vadd.f32 v48, v53  }
0x207: {  	v48 =	vmul.f32 v49, v42;
	v49 =	vld [tilespmem:$0xAA30];
	[tilespmem:s12+$0xD0] =	vst v44  }
0x208: {  	v44 =	vld [tilespmem:$0xA920];
	[tilespmem:s6+$0x180] =	vst v47  }
0x209: {  	v47 =	vadd.f32 v51, v48;
	v40 =	vadd.f32 v52, v40;
	v48 =	vld [tilespmem:$0xA9D0]  }
0x20a: {  	v43 =	vmul.f32 v43, v27;
	v51 =	vld [tilespmem:$0xAAE0];
	v27 =	vmov v46  }
0x20b: {  	[tilespmem:s10+$0xFFFFFE60] =	vst v47;
	v41 =	vmul.f32 v41, v45;
	v45 =	vperm.xlane v14, v6;
	v46 =	vld [tilespmem:$0xAB90]  }
0x20c: {  	v47 =	vld [tilespmem:$0xA870];
	[tilespmem:s6+$0xFFFFFF90] =	vst v40  }
0x20d: {  	v40 =	vld [tilespmem:$0xAA30];
	v41 =	vadd.f32 v49, v41;
	v44 =	vmul.f32 v44, v45  }
0x20e: {  	v49 =	vld [tilespmem:$0xAAD0];
	v48 =	vmul.f32 v48, v50  }
0x20f: {  	[tilespmem:s10+$0x30] =	vst v41;
	v41 =	vadd.f32 v51, v44;
	v44 =	vld [tilespmem:$0xA9A0]  }
0x210: {  	v50 =	vld [tilespmem:$0xA880];
	v46 =	vadd.f32 v46, v48  }
0x211: {  	v42 =	vmul.f32 v47, v42;
	v47 =	vld [tilespmem:$0xAA40];
	[tilespmem:s12+$0xE0] =	vst v41  }
0x212: {  	v41 =	vld [tilespmem:$0xA930];
	[tilespmem:s6+$0x190] =	vst v46  }
0x213: {  	v40 =	vadd.f32 v40, v42;
	v42 =	vperm.xlane v39, v1;
	v43 =	vadd.f32 v49, v43;
	v46 =	vld [tilespmem:$0xA9E0]  }
0x214: {  	v48 =	vld [tilespmem:$0xAAF0];
	v44 =	vmul.f32 v44, v20  }
0x215: {  	[tilespmem:s10+$0xFFFFFE70] =	vst v40;
	v40 =	vmul.f32 v50, v42;
	v49 =	vld [tilespmem:$0xABA0]  }
0x216: {  	v50 =	vld [tilespmem:$0xA880];
	[tilespmem:s12+$0xFFFFFF10] =	vst v43;
	v43 =	vperm.xlane v13, v12;
	v13 =	vmov v14;
	v14 =	vmov v39  }
0x217: {  	v39 =	vld [tilespmem:$0xAA40];
	v40 =	vadd.f32 v47, v40;
	v41 =	vmul.f32 v41, v45  }
0x218: {  	v45 =	vld [tilespmem:$0xA920];
	v46 =	vmul.f32 v46, v43  }
0x219: {  	[tilespmem:s10+$0x40] =	vst v40;
	v40 =	vld [tilespmem:$0xAAE0];
	v41 =	vadd.f32 v48, v41  }
0x21a: {  	v47 =	vld [tilespmem:$0xAA50];
	v46 =	vadd.f32 v49, v46  }
0x21b: {  	v48 =	vmul.f32 v50, v37;
	v49 =	vld [tilespmem:$0xA890];
	[tilespmem:s12+$0xF0] =	vst v41  }
0x21c: {  	v41 =	vld [tilespmem:$0xA940];
	[tilespmem:s6+$0x1A0] =	vst v46  }
0x21d: {  	v39 =	vadd.f32 v39, v48;
	v45 =	vmul.f32 v45, v26;
	v46 =	vld [tilespmem:$0xA9F0]  }
0x21e: {  	v48 =	vld [tilespmem:$0xAB00]  }
0x21f: {  	[tilespmem:s10+$0xFFFFFE80] =	vst v39;
	v39 =	vadd.f32 v40, v45;
	v40 =	vperm.xlane v13, v7;
	v45 =	vld [tilespmem:$0xABB0]  }
0x220: {  	v50 =	vld [tilespmem:$0xA890];
	v42 =	vmul.f32 v49, v42  }
0x221: {  	v49 =	vld [tilespmem:$0xAA50];
	[tilespmem:s12+$0xFFFFFF20] =	vst v39;
	v39 =	vmul.f32 v41, v40  }
0x222: {  	v41 =	vadd.f32 v47, v42;
	v42 =	vld [tilespmem:$0xA930];
	v43 =	vmul.f32 v46, v43  }
0x223: {  	v46 =	vld [tilespmem:$0xAAF0];
	v39 =	vadd.f32 v48, v39  }
0x224: {  	[tilespmem:s10+$0x50] =	vst v41;
	v41 =	vld [tilespmem:$0xAB60];
	v43 =	vadd.f32 v45, v43  }
0x225: {  	v37 =	vmul.f32 v50, v37;
	v45 =	vld [tilespmem:$0xA8A0];
	[tilespmem:s12+$0x100] =	vst v39  }
0x226: {  	v39 =	vld [tilespmem:$0xA950];
	[tilespmem:s6+$0x1B0] =	vst v43  }
0x227: {  	v37 =	vadd.f32 v49, v37;
	v43 =	vld [tilespmem:$0xAA60];
	v42 =	vmul.f32 v42, v26;
	v26 =	vmov v38  }
0x228: {  	v38 =	vperm.xlane v14, v2;
	v47 =	vld [tilespmem:$0xAB10]  }
0x229: {  	[tilespmem:s10+$0xFFFFFE90] =	vst v37;
	v37 =	vadd.f32 v46, v42;
	v41 =	vadd.f32 v41, v44;
	v42 =	vld [tilespmem:$0xABA0]  }
0x22a: {  	v44 =	vld [tilespmem:$0xA8A0];
	v45 =	vmul.f32 v45, v38  }
0x22b: {  	v46 =	vld [tilespmem:$0xAA60];
	[tilespmem:s12+$0xFFFFFF30] =	vst v37;
	v37 =	vmul.f32 v39, v40  }
0x22c: {  	v39 =	vadd.f32 v43, v45;
	v40 =	vld [tilespmem:$0xA940];
	[tilespmem:s6+$0xFFFFFFA0] =	vst v41  }
0x22d: {  	v41 =	vld [tilespmem:$0xAB00];
	v37 =	vadd.f32 v47, v37  }
0x22e: {  	[tilespmem:s10+$0x60] =	vst v39;
	v39 =	vld [tilespmem:$0xA9B0];
	v33 =	vadd.f32 v42, v33  }
0x22f: {  	v42 =	vmul.f32 v44, v32;
	v43 =	vld [tilespmem:$0xA8B0];
	[tilespmem:s12+$0x110] =	vst v37  }
0x230: {  	v37 =	vld [tilespmem:$0xA960];
	[tilespmem:s19+$0xFFFFFFE0] =	vst v33  }
0x231: {  	v33 =	vadd.f32 v46, v42;
	v42 =	vld [tilespmem:$0xAA70];
	v40 =	vmul.f32 v40, v24  }
0x232: {  	v44 =	vld [tilespmem:$0xAB20]  }
0x233: {  	[tilespmem:s10+$0xFFFFFEA0] =	vst v33;
	v33 =	vadd.f32 v41, v40;
	v40 =	vperm.xlane v13, v8;
	v39 =	vmul.f32 v39, v20;
	v41 =	vld [tilespmem:$0xAB70]  }
0x234: {  	v20 =	vmov v21;
	v21 =	vmov v36;
	v45 =	vld [tilespmem:$0xA8B0];
	v38 =	vmul.f32 v43, v38  }
0x235: {  	v36 =	vld [tilespmem:$0xAA70];
	[tilespmem:s12+$0xFFFFFF40] =	vst v33;
	v33 =	vmul.f32 v37, v40  }
0x236: {  	v37 =	vadd.f32 v42, v38;
	v38 =	vld [tilespmem:$0xA950]  }
0x237: {  	v42 =	vld [tilespmem:$0xAB10];
	v33 =	vadd.f32 v44, v33  }
0x238: {  	[tilespmem:s10+$0x70] =	vst v37;
	v37 =	vadd.f32 v41, v39;
	v39 =	vld [tilespmem:$0xA9F0]  }
0x239: {  	v32 =	vmul.f32 v45, v32;
	v41 =	vld [tilespmem:$0xA8C0];
	[tilespmem:s12+$0x120] =	vst v33  }
0x23a: {  	v33 =	vld [tilespmem:$0xA970];
	[tilespmem:s6+$0xFFFFFFB0] =	vst v37  }
0x23b: {  	v32 =	vadd.f32 v36, v32;
	v36 =	vld [tilespmem:$0xAA80];
	v37 =	vmul.f32 v38, v24;
	v24 =	vmov v34  }
0x23c: {  	v34 =	vperm.xlane v14, v3;
	v38 =	vld [tilespmem:$0xAB30]  }
0x23d: {  	[tilespmem:s10+$0xFFFFFEB0] =	vst v32;
	v32 =	vadd.f32 v42, v37;
	v37 =	vld [tilespmem:$0xA9C0];
	v39 =	vmul.f32 v39, v15;
	v15 =	vmovc v16;
	v16 =	vmov v17  }
0x23e: {  	v17 =	vmov v35;
	v42 =	vld [tilespmem:$0xA8C0];
	v41 =	vmul.f32 v41, v34  }
0x23f: {  	v35 =	vld [tilespmem:$0xAA80];
	[tilespmem:s12+$0xFFFFFF50] =	vst v32;
	v32 =	vmul.f32 v33, v40  }
0x240: {  	v33 =	vadd.f32 v36, v41;
	v36 =	vld [tilespmem:$0xA960]  }
0x241: {  	v40 =	vld [tilespmem:$0xAB20];
	v32 =	vadd.f32 v38, v32  }
0x242: {  	[tilespmem:s10+$0x80] =	vst v33;
	v33 =	vmul.f32 v37, v18;
	v37 =	vld [tilespmem:$0xAB80]  }
0x243: {  	v38 =	vmul.f32 v42, v29;
	v41 =	vld [tilespmem:$0xA8D0];
	[tilespmem:s12+$0x130] =	vst v32  }
0x244: {  	v32 =	vld [tilespmem:$0xA980]  }
0x245: {  	v35 =	vadd.f32 v35, v38;
	v38 =	vld [tilespmem:$0xAA90];
	v36 =	vmul.f32 v36, v23  }
0x246: {  	v42 =	vld [tilespmem:$0xAB40]  }
0x247: {  	[tilespmem:s10+$0xFFFFFEC0] =	vst v35;
	v35 =	vadd.f32 v40, v36;
	v40 =	vperm.xlane v13, v9;
	v33 =	vadd.f32 v37, v33;
	v36 =	vld [tilespmem:$0xABB0]  }
0x248: {  	v37 =	vld [tilespmem:$0xA8D0];
	v34 =	vmul.f32 v41, v34  }
0x249: {  	v41 =	vld [tilespmem:$0xAA90];
	[tilespmem:s12+$0xFFFFFF60] =	vst v35;
	v32 =	vmul.f32 v32, v40  }
0x24a: {  	v34 =	vadd.f32 v38, v34;
	v35 =	vld [tilespmem:$0xA970];
	[tilespmem:s6+$0xFFFFFFC0] =	vst v33  }
0x24b: {  	v33 =	vld [tilespmem:$0xAB30];
	v32 =	vadd.f32 v42, v32  }
0x24c: {  	[tilespmem:s10+$0x90] =	vst v34;
	v38 =	vld [tilespmem:$0xA9D0];
	v34 =	vadd.f32 v36, v39  }
0x24d: {  	v29 =	vmul.f32 v37, v29;
	v37 =	vld [tilespmem:$0xA8E0];
	[tilespmem:s12+$0x140] =	vst v32  }
0x24e: {  	v32 =	vld [tilespmem:$0xA990];
	[tilespmem:s19+$0xFFFFFFF0] =	vst v34;
	s19 =	smov.u32 s6;
	s6 =	smov.u32 s12;
	s12 =	smov.u32 s10  }
0x24f: {  	v29 =	vadd.f32 v41, v29;
	v39 =	vld [tilespmem:$0xAAA0];
	v35 =	vmul.f32 v35, v23;
	v23 =	vmov v30  }
0x250: {  	v34 =	vperm.xlane v14, v4;
	v41 =	vld [tilespmem:$0xAB50]  }
.Ltmp0:
0x251: {  	[tilespmem:s10+$0xFFFFFED0] =	vst v29;
	v33 =	vadd.f32 v33, v35;
	v29 =	vmul.f32 v38, v18;
	v30 =	vld [tilespmem:$0xAB90];
	v18 =	vmovc v19;
	v19 =	vmov v31;
	(pc) =	sbr.rel @p0 .LBB2_3-.Ltmp0, $4  }
0x252: {  	v36 =	vld [tilespmem:$0xA8E0];
	v31 =	vmul.f32 v37, v34  }
0x253: {  	v35 =	vld [tilespmem:$0xAAA0];
	[tilespmem:s6+$0xFFFFFF70] =	vst v33;
	v32 =	vmul.f32 v32, v40  }
0x254: {  	v37 =	vadd.f32 v39, v31;
	v33 =	vld [tilespmem:$0xA980]  }
0x255: {  	v31 =	vld [tilespmem:$0xAB40];
	v32 =	vadd.f32 v41, v32  }
0x256: {  	_ = 	snop  }
0x257: {  	v36 =	vmul.f32 v36, v28  }
0x258: {  	[tilespmem:s10+$0xA0] =	vst v37  }
0x259: {  	v37 =	vld [tilespmem:$0xA8F0];
	v35 =	vadd.f32 v35, v36;
	_ =	sdelay $0x1  }
0x25a: {  	v55 =	vld [tilespmem:$0xAAB0];
	[tilespmem:s10+$0xFFFFFEE0] =	vst v35  }
0x25b: {  	v35 =	vld [tilespmem:$0xA8F0];
	_ =	sdelay $0x1  }
0x25c: {  	v34 =	vmul.f32 v37, v34;
	v56 =	vld [tilespmem:$0xAAB0];
	_ =	sdelay $0x1  }
0x25d: {  	v34 =	vadd.f32 v55, v34  }
0x25e: {  	v57 =	vmul.f32 v35, v28  }
0x25f: {  	[tilespmem:s12+$0xB0] =	vst v34  }
0x260: {  	v34 =	vld [tilespmem:$0xA900];
	v28 =	vadd.f32 v56, v57;
	_ =	sdelay $0x1  }
0x261: {  	v58 =	vld [tilespmem:$0xAAC0];
	[tilespmem:s12+$0xFFFFFEF0] =	vst v28  }
0x262: {  	v59 =	vperm.xlane v14, v5;
	v60 =	vld [tilespmem:$0xA900];
	_ =	sdelay $0x1  }
0x263: {  	v34 =	vmul.f32 v34, v59;
	v61 =	vld [tilespmem:$0xAAC0];
	_ =	sdelay $0x1  }
0x264: {  	v34 =	vadd.f32 v58, v34  }
0x265: {  	v62 =	vmul.f32 v60, v27  }
0x266: {  	[tilespmem:s12+$0xC0] =	vst v34  }
0x267: {  	v34 =	vld [tilespmem:$0xA910];
	v35 =	vadd.f32 v61, v62;
	_ =	sdelay $0x1  }
0x268: {  	v63 =	vld [tilespmem:$0xAAD0];
	[tilespmem:s12+$0xFFFFFF00] =	vst v35  }
0x269: {  	v35 =	vld [tilespmem:$0xA910];
	_ =	sdelay $0x1  }
0x26a: {  	v28 =	vmul.f32 v34, v59;
	v40 =	vld [tilespmem:$0xAAD0];
	_ =	sdelay $0x1  }
0x26b: {  	v28 =	vadd.f32 v63, v28  }
0x26c: {  	v27 =	vmul.f32 v35, v27  }
0x26d: {  	[tilespmem:s12+$0xD0] =	vst v28  }
0x26e: {  	v28 =	vld [tilespmem:$0xA920];
	v27 =	vadd.f32 v40, v27;
	_ =	sdelay $0x1  }
0x26f: {  	v41 =	vld [tilespmem:$0xAAE0];
	[tilespmem:s12+$0xFFFFFF10] =	vst v27  }
0x270: {  	v27 =	vperm.xlane v14, v6;
	v42 =	vld [tilespmem:$0xA920];
	_ =	sdelay $0x1  }
0x271: {  	v43 =	vld [tilespmem:$0xAAE0];
	v28 =	vmul.f32 v28, v27;
	_ =	sdelay $0x1  }
0x272: {  	v28 =	vadd.f32 v41, v28  }
0x273: {  	v44 =	vmul.f32 v42, v26  }
0x274: {  	[tilespmem:s12+$0xE0] =	vst v28  }
0x275: {  	v28 =	vld [tilespmem:$0xA930];
	v34 =	vadd.f32 v43, v44;
	_ =	sdelay $0x1  }
0x276: {  	v45 =	vld [tilespmem:$0xAAF0];
	[tilespmem:s12+$0xFFFFFF20] =	vst v34  }
0x277: {  	v34 =	vld [tilespmem:$0xA930];
	_ =	sdelay $0x1  }
0x278: {  	v46 =	vld [tilespmem:$0xAAF0];
	v27 =	vmul.f32 v28, v27;
	_ =	sdelay $0x1  }
0x279: {  	v27 =	vadd.f32 v45, v27  }
0x27a: {  	v26 =	vmul.f32 v34, v26  }
0x27b: {  	[tilespmem:s12+$0xF0] =	vst v27  }
0x27c: {  	v27 =	vld [tilespmem:$0xA940];
	v26 =	vadd.f32 v46, v26;
	_ =	sdelay $0x1  }
0x27d: {  	v47 =	vld [tilespmem:$0xAB00];
	[tilespmem:s12+$0xFFFFFF30] =	vst v26  }
0x27e: {  	v26 =	vperm.xlane v14, v7;
	v48 =	vld [tilespmem:$0xA940];
	_ =	sdelay $0x1  }
0x27f: {  	v49 =	vld [tilespmem:$0xAB00];
	v27 =	vmul.f32 v27, v26;
	_ =	sdelay $0x1  }
0x280: {  	v27 =	vadd.f32 v47, v27  }
0x281: {  	v50 =	vmul.f32 v48, v24  }
0x282: {  	[tilespmem:s12+$0x100] =	vst v27  }
0x283: {  	v27 =	vld [tilespmem:$0xA950];
	v28 =	vadd.f32 v49, v50;
	_ =	sdelay $0x1  }
0x284: {  	v51 =	vld [tilespmem:$0xAB10];
	[tilespmem:s12+$0xFFFFFF40] =	vst v28  }
0x285: {  	v28 =	vld [tilespmem:$0xA950];
	_ =	sdelay $0x1  }
0x286: {  	v26 =	vmul.f32 v27, v26;
	v27 =	vld [tilespmem:$0xAB10];
	_ =	sdelay $0x1  }
0x287: {  	v26 =	vadd.f32 v51, v26  }
0x288: {  	v24 =	vmul.f32 v28, v24  }
0x289: {  	[tilespmem:s12+$0x110] =	vst v26  }
0x28a: {  	v26 =	vld [tilespmem:$0xA960];
	v24 =	vadd.f32 v27, v24;
	_ =	sdelay $0x1  }
0x28b: {  	v27 =	vld [tilespmem:$0xAB20];
	[tilespmem:s12+$0xFFFFFF50] =	vst v24  }
0x28c: {  	v24 =	vperm.xlane v14, v8;
	v52 =	vld [tilespmem:$0xA960];
	_ =	sdelay $0x1  }
0x28d: {  	v53 =	vld [tilespmem:$0xAB20];
	v26 =	vmul.f32 v26, v24;
	_ =	sdelay $0x1  }
0x28e: {  	v26 =	vadd.f32 v27, v26  }
0x28f: {  	v27 =	vmul.f32 v52, v23  }
0x290: {  	[tilespmem:s12+$0x120] =	vst v26  }
0x291: {  	v26 =	vld [tilespmem:$0xA970];
	v27 =	vadd.f32 v53, v27;
	_ =	sdelay $0x1  }
0x292: {  	v54 =	vld [tilespmem:$0xAB30];
	[tilespmem:s12+$0xFFFFFF60] =	vst v27  }
0x293: {  	v27 =	vld [tilespmem:$0xA970];
	_ =	sdelay $0x1  }
0x294: {  	v24 =	vmul.f32 v26, v24;
	v26 =	vld [tilespmem:$0xAB30];
	_ =	sdelay $0x1  }
0x295: {  	v24 =	vadd.f32 v54, v24  }
0x296: {  	v23 =	vmul.f32 v27, v23  }
0x297: {  	[tilespmem:s12+$0x130] =	vst v24  }
0x298: {  	v24 =	vld [tilespmem:$0xA980];
	v23 =	vadd.f32 v26, v23;
	_ =	sdelay $0x1  }
0x299: {  	v26 =	vld [tilespmem:$0xAB40];
	[tilespmem:s12+$0xFFFFFF70] =	vst v23  }
0x29a: {  	v23 =	vperm.xlane v14, v9;
	v27 =	vld [tilespmem:$0xA980]  }
0x29b: {  	v55 =	vmul.f32 v33, v22  }
0x29c: {  	v56 =	vld [tilespmem:$0xAB40];
	v24 =	vmul.f32 v24, v23  }
0x29d: {  	v28 =	vadd.f32 v31, v55  }
0x29e: {  	v24 =	vadd.f32 v26, v24  }
0x29f: {  	[tilespmem:s6+$0xFFFFFF80] =	vst v28;
	v26 =	vmul.f32 v27, v25  }
0x2a0: {  	v27 =	vld [tilespmem:$0xA990];
	[tilespmem:s12+$0x140] =	vst v24  }
0x2a1: {  	v24 =	vld [tilespmem:$0xA990];
	v26 =	vadd.f32 v56, v26  }
0x2a2: {  	v28 =	vld [tilespmem:$0xAB50]  }
0x2a3: {  	v57 =	vld [tilespmem:$0xAB50];
	[tilespmem:s12+$0xFFFFFF80] =	vst v26  }
0x2a4: {  	v26 =	vld [tilespmem:$0xA990]  }
0x2a5: {  	v22 =	vmul.f32 v27, v22  }
0x2a6: {  	[tilespmem:s6+$0x150] =	vst v32;
	v23 =	vmul.f32 v24, v23;
	v24 =	vld [tilespmem:$0xAB50]  }
0x2a7: {  	v27 =	vld [tilespmem:$0xA9A0];
	v22 =	vadd.f32 v28, v22  }
0x2a8: {  	v23 =	vadd.f32 v57, v23  }
0x2a9: {  	v58 =	vld [tilespmem:$0xAB60];
	[tilespmem:s6+$0xFFFFFF90] =	vst v22;
	v22 =	vmul.f32 v26, v25  }
0x2aa: {  	v25 =	vperm.xlane v13, v10;
	v26 =	vld [tilespmem:$0xA9A0];
	[tilespmem:s12+$0x150] =	vst v23  }
0x2ab: {  	v23 =	vld [tilespmem:$0xA9A0];
	v22 =	vadd.f32 v24, v22  }
0x2ac: {  	v24 =	vmul.f32 v27, v25;
	v27 =	vld [tilespmem:$0xAB60]  }
0x2ad: {  	v59 =	vld [tilespmem:$0xAB60];
	[tilespmem:s12+$0xFFFFFF90] =	vst v22  }
0x2ae: {  	v22 =	vadd.f32 v58, v24;
	v24 =	vperm.xlane v14, v10;
	v60 =	vld [tilespmem:$0xA9A0]  }
0x2af: {  	v26 =	vmul.f32 v26, v20  }
0x2b0: {  	[tilespmem:s6+$0x160] =	vst v22;
	v22 =	vmul.f32 v23, v24;
	v23 =	vld [tilespmem:$0xAB60]  }
0x2b1: {  	v32 =	vld [tilespmem:$0xA9B0];
	v26 =	vadd.f32 v27, v26  }
0x2b2: {  	v22 =	vadd.f32 v59, v22  }
0x2b3: {  	v27 =	vld [tilespmem:$0xAB70];
	[tilespmem:s6+$0xFFFFFFA0] =	vst v26;
	v26 =	vmul.f32 v60, v21  }
0x2b4: {  	v61 =	vld [tilespmem:$0xA9B0];
	[tilespmem:s12+$0x160] =	vst v22  }
0x2b5: {  	v22 =	vld [tilespmem:$0xA9B0];
	v23 =	vadd.f32 v23, v26  }
0x2b6: {  	v25 =	vmul.f32 v32, v25;
	v26 =	vld [tilespmem:$0xAB70]  }
0x2b7: {  	v62 =	vld [tilespmem:$0xAB70];
	[tilespmem:s12+$0xFFFFFFA0] =	vst v23  }
0x2b8: {  	v23 =	vadd.f32 v27, v25;
	v25 =	vld [tilespmem:$0xA9B0]  }
0x2b9: {  	v20 =	vmul.f32 v61, v20  }
0x2ba: {  	[tilespmem:s6+$0x170] =	vst v23;
	v22 =	vmul.f32 v22, v24;
	v23 =	vld [tilespmem:$0xAB70]  }
0x2bb: {  	v24 =	vld [tilespmem:$0xA9C0];
	v20 =	vadd.f32 v26, v20  }
0x2bc: {  	v22 =	vadd.f32 v62, v22  }
0x2bd: {  	v26 =	vld [tilespmem:$0xAB80];
	[tilespmem:s6+$0xFFFFFFB0] =	vst v20;
	v20 =	vmul.f32 v25, v21  }
0x2be: {  	v21 =	vperm.xlane v13, v11;
	v25 =	vld [tilespmem:$0xA9C0];
	[tilespmem:s12+$0x170] =	vst v22  }
0x2bf: {  	v22 =	vld [tilespmem:$0xA9C0];
	v20 =	vadd.f32 v23, v20  }
0x2c0: {  	v23 =	vmul.f32 v24, v21;
	v24 =	vld [tilespmem:$0xAB80]  }
0x2c1: {  	v27 =	vld [tilespmem:$0xAB80];
	[tilespmem:s12+$0xFFFFFFB0] =	vst v20  }
0x2c2: {  	v20 =	vadd.f32 v26, v23;
	v23 =	vperm.xlane v14, v11;
	v26 =	vld [tilespmem:$0xA9C0]  }
0x2c3: {  	v25 =	vmul.f32 v25, v18  }
0x2c4: {  	[tilespmem:s6+$0x180] =	vst v20;
	v20 =	vmul.f32 v22, v23;
	v22 =	vld [tilespmem:$0xAB80]  }
0x2c5: {  	v63 =	vld [tilespmem:$0xA9D0];
	v24 =	vadd.f32 v24, v25  }
0x2c6: {  	v20 =	vadd.f32 v27, v20  }
0x2c7: {  	v25 =	vld [tilespmem:$0xAB90];
	[tilespmem:s6+$0xFFFFFFC0] =	vst v24;
	v24 =	vmul.f32 v26, v19  }
0x2c8: {  	v26 =	vld [tilespmem:$0xA9D0];
	[tilespmem:s12+$0x180] =	vst v20  }
0x2c9: {  	v20 =	vld [tilespmem:$0xA9D0];
	v22 =	vadd.f32 v22, v24  }
0x2ca: {  	v27 =	vld [tilespmem:$0xAB90];
	v21 =	vmul.f32 v63, v21  }
0x2cb: {  	v24 =	vld [tilespmem:$0xAB90];
	[tilespmem:s12+$0xFFFFFFC0] =	vst v22  }
0x2cc: {  	v21 =	vadd.f32 v25, v21;
	v22 =	vld [tilespmem:$0xA9D0]  }
0x2cd: {  	v25 =	vadd.f32 v30, v29  }
0x2ce: {  	[tilespmem:s6+$0x190] =	vst v21;
	v20 =	vmul.f32 v20, v23;
	v21 =	vld [tilespmem:$0xAB90]  }
0x2cf: {  	v18 =	vmul.f32 v26, v18;
	[tilespmem:s19+$0xFFFFFFD0] =	vst v25;
	v23 =	vld [tilespmem:$0xA9E0]  }
0x2d0: {  	v25 =	vld [tilespmem:$0xA9E0];
	v20 =	vadd.f32 v27, v20  }
0x2d1: {  	v26 =	vld [tilespmem:$0xABA0];
	v18 =	vadd.f32 v24, v18;
	v19 =	vmul.f32 v22, v19  }
0x2d2: {  	v13 =	vperm.xlane v13, v12;
	v22 =	vld [tilespmem:$0xABA0];
	[tilespmem:s12+$0x190] =	vst v20  }
0x2d3: {  	[tilespmem:s6+$0xFFFFFFD0] =	vst v18;
	v18 =	vld [tilespmem:$0xA9E0];
	v19 =	vadd.f32 v21, v19  }
0x2d4: {  	v20 =	vmul.f32 v23, v13;
	v21 =	vld [tilespmem:$0xA9E0]  }
0x2d5: {  	v23 =	vld [tilespmem:$0xABA0];
	[tilespmem:s12+$0xFFFFFFD0] =	vst v19  }
0x2d6: {  	v14 =	vperm.xlane v14, v12;
	v19 =	vmul.f32 v25, v15;
	v20 =	vadd.f32 v26, v20;
	v24 =	vld [tilespmem:$0xA9E0]  }
0x2d7: {  	v25 =	vld [tilespmem:$0xABA0]  }
0x2d8: {  	[tilespmem:s6+$0x1A0] =	vst v20;
	v19 =	vadd.f32 v22, v19;
	v18 =	vmul.f32 v18, v14;
	v20 =	vld [tilespmem:$0xABA0]  }
0x2d9: {  	v22 =	vld [tilespmem:$0xA9F0]  }
0x2da: {  	v26 =	vld [tilespmem:$0xABB0];
	[tilespmem:s19+$0xFFFFFFE0] =	vst v19;
	v19 =	vmul.f32 v21, v16;
	v18 =	vadd.f32 v23, v18  }
0x2db: {  	v21 =	vld [tilespmem:$0xA9F0];
	v23 =	vmul.f32 v24, v17  }
0x2dc: {  	v24 =	vld [tilespmem:$0xABB0];
	[tilespmem:s12+$0x1A0] =	vst v18;
	v18 =	vadd.f32 v25, v19  }
0x2dd: {  	v19 =	vld [tilespmem:$0xA9F0];
	v20 =	vadd.f32 v20, v23  }
0x2de: {  	v23 =	vld [tilespmem:$0xABB0];
	[tilespmem:s6+$0xFFFFFFE0] =	vst v18  }
0x2df: {  	v18 =	vld [tilespmem:$0xA9F0];
	[tilespmem:s12+$0xFFFFFFE0] =	vst v20  }
0x2e0: {  	v20 =	vld [tilespmem:$0xA9F0]  }
0x2e1: {  	v13 =	vmul.f32 v22, v13;
	v22 =	vld [tilespmem:$0xABB0]  }
0x2e2: {  	v15 =	vmul.f32 v21, v15;
	v21 =	vld [tilespmem:$0xABB0]  }
0x2e3: {  	v13 =	vadd.f32 v26, v13;
	v14 =	vmul.f32 v19, v14  }
0x2e4: {  	v15 =	vadd.f32 v24, v15;
	v16 =	vmul.f32 v18, v16  }
0x2e5: {  	[tilespmem:s6+$0x1B0] =	vst v13;
	v13 =	vadd.f32 v23, v14;
	v14 =	vmul.f32 v20, v17  }
0x2e6: {  	[tilespmem:s19+$0xFFFFFFF0] =	vst v15;
	v15 =	vadd.f32 v22, v16  }
0x2e7: {  	s11 =	smul.u32 $0xA0, s18;
	[tilespmem:s12+$0x1B0] =	vst v13;
	v13 =	vadd.f32 v21, v14  }
0x2e8: {  	s14 =	rddreg [dreg:$0x1];
	[tilespmem:s6+$0xFFFFFFF0] =	vst v15  }
0x2e9: {  	s18 =	simm.s32 $0x7040;
	s6 =	sadd.s32 s14, s11;
	[tilespmem:s12+$0xFFFFFFF0] =	vst v13  }
0x2ea: {  	[hbm4b:s6+s31] =	stream.indirect.scatter [tilespmem:s18], [sflag:$0x3], $0x20, s21, s31, $0xb8;
	[tilespmem:$0x11C00] =	vst v63  }
0x2eb: {  	s19 =	simm.s32 $0x11AB0;
	s11 =	simm.s32 $0x7E40  }
0x2ec: {  	[hbm4b:s6+s31] =	stream.indirect.scatter [tilespmem:s11], [sflag:$0x3], $0x20, s19, s31, $0xb8;
	[tilespmem:$0x11C00] =	vst v63  }
0x2ed: {  	s14 =	simm.s32 $0x8C40;
	s12 =	simm.s32 $0x11B20  }
0x2ee: {  	[hbm4b:s6+s31] =	stream.indirect.scatter [tilespmem:s14], [sflag:$0x3], $0x20, s12, s31, $0xb8;
	[tilespmem:$0x11C00] =	vst v63  }
0x2ef: {  	s18 =	simm.s32 $0x11B90;
	s19 =	simm.s32 $0x9A40  }
0x2f0: {  	[hbm4b:s6+s31] =	stream.indirect.scatter [tilespmem:s19], [sflag:$0x3], $0x20, s18, s31, $0xb8;
	[tilespmem:$0x11C00] =	vst v63  }
0x2f1: {  	_ =	swait.ge [sflag:s7], $0x6800  }
0x2f2: {  	[sflag:s7] =	ssyncset.done $0x0  }
0x2f3: {  	s10 =	simm.s32 $0x8C0;
	[sflag:s7] =	ssyncadd.s32 $0xFFFF9800  }
0x2f4: {  	s11 =	simm.s32 $0xAC40;
	v13 =	vld [tilespmem:s10+$0x60]  }
0x2f5: {  	v14 =	vld [tilespmem:s11+$0x60]  }
0x2f6: {  	v17 =	vld [tilespmem:s11+$0xFFFFFF80]  }
0x2f7: {  	v15 =	vld [tilespmem:s10+$0xFFFFFFA0]  }
0x2f8: {  	v16 =	vld [tilespmem:s11+$0xFFFFFFA0]  }
0x2f9: {  	v18 =	vld [tilespmem:s10+$0xFFFFFFC0]  }
0x2fa: {  	v19 =	vld [tilespmem:s10+$0xFFFFFFE0]  }
0x2fb: {  	v20 =	vld [tilespmem:s10+$0x70]  }
0x2fc: {  	v21 =	vld [tilespmem:s10+$0x0]  }
0x2fd: {  	v22 =	vld [tilespmem:s11+$0x0]  }
0x2fe: {  	v24 =	vld [tilespmem:s10+$0x20];
	v13 =	vadd.f32 v14, v13  }
0x2ff: {  	v14 =	vld [tilespmem:s11+$0xFFFFFFC0]  }
0x300: {  	[tilespmem:s10+$0x60] =	vst v13;
	v13 =	vld [tilespmem:s11+$0xFFFFFFE0]  }
0x301: {  	v25 =	vld [tilespmem:s11+$0x20];
	v15 =	vadd.f32 v16, v15  }
0x302: {  	v26 =	vld [tilespmem:s10+$0x40]  }
0x303: {  	[tilespmem:s10+$0xFFFFFFA0] =	vst v15;
	v23 =	vld [tilespmem:s11+$0x70]  }
0x304: {  	v27 =	vld [tilespmem:s11+$0xFFFFFFB0]  }
0x305: {  	v14 =	vadd.f32 v14, v18;
	v13 =	vadd.f32 v13, v19;
	v19 =	vld [tilespmem:s10+$0xFFFFFF80]  }
0x306: {  	v18 =	vld [tilespmem:s11+$0x40]  }
0x307: {  	[tilespmem:s10+$0xFFFFFFC0] =	vst v14;
	v14 =	vadd.f32 v22, v21;
	v21 =	vadd.f32 v25, v24;
	v24 =	vld [tilespmem:s10+$0xFFFFFF90]  }
0x308: {  	v22 =	vld [tilespmem:s10+$0xFFFFFFD0]  }
0x309: {  	v16 =	vld [tilespmem:s11+$0xFFFFFFD0];
	[tilespmem:s10+$0xFFFFFFE0] =	vst v13  }
0x30a: {  	[tilespmem:s10+$0x20] =	vst v21;
	v21 =	vld [tilespmem:s10+$0xFFFFFFF0];
	v17 =	vadd.f32 v17, v19  }
0x30b: {  	[tilespmem:s10+$0x0] =	vst v14;
	v15 =	vld [tilespmem:s11+$0xFFFFFFF0]  }
0x30c: {  	v13 =	vld [tilespmem:s11+$0x10];
	[tilespmem:s10+$0xFFFFFF80] =	vst v17  }
0x30d: {  	v25 =	vld [tilespmem:s11+$0xFFFFFF90]  }
0x30e: {  	v20 =	vadd.f32 v23, v20;
	v18 =	vadd.f32 v18, v26;
	v26 =	vld [tilespmem:s10+$0xFFFFFFB0]  }
0x30f: {  	v14 =	vld [tilespmem:s11+$0x30]  }
0x310: {  	[tilespmem:s10+$0x70] =	vst v20;
	v20 =	vld [tilespmem:s10+$0x50]  }
0x311: {  	v19 =	vld [tilespmem:s10+$0x10]  }
0x312: {  	[tilespmem:s10+$0x40] =	vst v18;
	v18 =	vld [tilespmem:s10+$0x30];
	v24 =	vadd.f32 v25, v24  }
0x313: {  	s12 =	simm.s32 $0x0;
	s14 =	simm.s32 $0x9C0;
	v17 =	vld [tilespmem:s11+$0x50];
	v23 =	vadd.f32 v27, v26  }
.LBB2_5:
0x314: {  	v25 =	vld [tilespmem:s14+$0x60];
	[tilespmem:s10+$0xFFFFFF90] =	vst v24;
	v16 =	vadd.f32 v16, v22;
	s11 =	sadd.s32 $0x100, s11  }
0x315: {  	s12 =	sadd.s32 $0x8, s12;
	v22 =	vld [tilespmem:s11+$0x60];
	[tilespmem:s10+$0xFFFFFFB0] =	vst v23;
	v15 =	vadd.f32 v15, v21  }
0x316: {  	p0 =	slt.u32 s12, $0x338;
	v21 =	vld [tilespmem:s11+$0xFFFFFF80];
	[tilespmem:s10+$0xFFFFFFD0] =	vst v16;
	v13 =	vadd.f32 v13, v19  }
0x317: {  	v16 =	vld [tilespmem:s14+$0xFFFFFFA0];
	[tilespmem:s10+$0xFFFFFFF0] =	vst v15;
	v14 =	vadd.f32 v14, v18  }
0x318: {  	v15 =	vld [tilespmem:s11+$0xFFFFFFA0];
	[tilespmem:s10+$0x10] =	vst v13;
	v13 =	vadd.f32 v17, v20  }
0x319: {  	v17 =	vld [tilespmem:s14+$0xFFFFFFC0];
	[tilespmem:s10+$0x30] =	vst v14  }
0x31a: {  	v14 =	vld [tilespmem:s11+$0xFFFFFFC0];
	v18 =	vadd.f32 v22, v25;
	[tilespmem:s10+$0x50] =	vst v13;
	s10 =	smov.u32 s14  }
0x31b: {  	v13 =	vld [tilespmem:s14+$0xFFFFFFE0]  }
0x31c: {  	[tilespmem:s14+$0x60] =	vst v18;
	v18 =	vld [tilespmem:s14+$0x70]  }
0x31d: {  	v15 =	vadd.f32 v15, v16;
	v16 =	vld [tilespmem:s11+$0x70]  }
0x31e: {  	v19 =	vld [tilespmem:s11+$0xFFFFFFE0]  }
0x31f: {  	[tilespmem:s14+$0xFFFFFFA0] =	vst v15;
	v14 =	vadd.f32 v14, v17;
	v15 =	vld [tilespmem:s14+$0x0]  }
0x320: {  	v17 =	vld [tilespmem:s11+$0x0]  }
0x321: {  	[tilespmem:s14+$0xFFFFFFC0] =	vst v14;
	v14 =	vld [tilespmem:s14+$0x20]  }
0x322: {  	v20 =	vld [tilespmem:s11+$0x20];
	v16 =	vadd.f32 v16, v18  }
0x323: {  	v13 =	vadd.f32 v19, v13;
	v18 =	vld [tilespmem:s14+$0x40]  }
0x324: {  	v19 =	vld [tilespmem:s11+$0x40];
	[tilespmem:s14+$0x70] =	vst v16  }
0x325: {  	v22 =	vld [tilespmem:s14+$0xFFFFFF80];
	[tilespmem:s14+$0xFFFFFFE0] =	vst v13;
	v13 =	vadd.f32 v17, v15  }
0x326: {  	v23 =	vld [tilespmem:s11+$0xFFFFFFB0]  }
0x327: {  	v16 =	vld [tilespmem:s11+$0xFFFFFFD0];
	[tilespmem:s14+$0x0] =	vst v13;
	v14 =	vadd.f32 v20, v14  }
0x328: {  	v15 =	vld [tilespmem:s11+$0xFFFFFFF0]  }
0x329: {  	v13 =	vld [tilespmem:s11+$0x10];
	[tilespmem:s14+$0x20] =	vst v14;
	v17 =	vadd.f32 v19, v18  }
0x32a: {  	v18 =	vadd.f32 v21, v22;
	v14 =	vld [tilespmem:s11+$0x30]  }
0x32b: {  	v20 =	vld [tilespmem:s14+$0xFFFFFF90];
	[tilespmem:s14+$0x40] =	vst v17  }
0x32c: {  	[tilespmem:s14+$0xFFFFFF80] =	vst v18;
	v17 =	vld [tilespmem:s11+$0x50]  }
0x32d: {  	v18 =	vld [tilespmem:s11+$0xFFFFFF90]  }
0x32e: {  	v25 =	vld [tilespmem:s14+$0xFFFFFFB0]  }
.Ltmp1:
0x32f: {  	v22 =	vld [tilespmem:s14+$0xFFFFFFD0];
	(pc) =	sbr.rel @p0 .LBB2_5-.Ltmp1, $4  }
0x330: {  	v21 =	vld [tilespmem:s14+$0xFFFFFFF0]  }
0x331: {  	v19 =	vld [tilespmem:s14+$0x10]  }
0x332: {  	v24 =	vadd.f32 v18, v20;
	v18 =	vld [tilespmem:s14+$0x30]  }
0x333: {  	s14 =	sadd.s32 $0x100, s14;
	v23 =	vadd.f32 v23, v25;
	v20 =	vld [tilespmem:s10+$0x50]  }
0x334: {  	[tilespmem:s10+$0xFFFFFF90] =	vst v24;
	v16 =	vadd.f32 v16, v22  }
0x335: {  	[tilespmem:s10+$0xFFFFFFB0] =	vst v23;
	v15 =	vadd.f32 v15, v21  }
0x336: {  	[tilespmem:s10+$0xFFFFFFD0] =	vst v16;
	v13 =	vadd.f32 v13, v19  }
0x337: {  	[tilespmem:s10+$0xFFFFFFF0] =	vst v15;
	v14 =	vadd.f32 v14, v18  }
0x338: {  	[tilespmem:s10+$0x10] =	vst v13;
	v13 =	vadd.f32 v17, v20  }
0x339: {  	[tilespmem:s10+$0x30] =	vst v14  }
0x33a: {  	[tilespmem:s10+$0x50] =	vst v13  }
0x33b: {  	[hbm4b:s6+s9] =	stream.indirect.scatter [tilespmem:s26], [sflag:$0x3], $0x20, s20, s9, $0xb8;
	[tilespmem:$0x11C00] =	vst v63  }
0x33c: {  	s14 =	simm.s32 $0x11768;
	s11 =	simm.s32 $0x1540  }
0x33d: {  	[hbm4b:s6+s9] =	stream.indirect.scatter [tilespmem:s11], [sflag:$0x3], $0x20, s14, s9, $0xb8;
	[tilespmem:$0x11C00] =	vst v63  }
0x33e: {  	s18 =	simm.s32 $0x117D0;
	s19 =	simm.s32 $0x2240  }
0x33f: {  	[hbm4b:s6+s9] =	stream.indirect.scatter [tilespmem:s19], [sflag:$0x3], $0x20, s18, s9, $0xb8;
	[tilespmem:$0x11C00] =	vst v63  }
0x340: {  	_ = 	snop  }
0x341: {  	[hbm4b:s6+s9] =	stream.indirect.scatter [tilespmem:s1], [sflag:$0x3], $0x20, s16, s9, $0xb8;
	[tilespmem:$0x11C00] =	vst v63  }
0x342: {  	s17 =	sadd.s32 $0x1, s17  }
0x343: {  	[hbm4b:s6+s9] =	stream.indirect.scatter [tilespmem:s25], [sflag:$0x3], $0x20, s22, s9, $0xb8;
	[tilespmem:$0x11C00] =	vst v63  }
0x344: {  	p0 =	sne.s32 s17, $0x10  }
0x345: {  	[hbm4b:s6+s9] =	stream.indirect.scatter [tilespmem:s29], [sflag:$0x3], $0x20, s28, s9, $0xb8;
	[tilespmem:$0x11C00] =	vst v63  }
.Ltmp2:
0x346: {  	_ = 	snop;
	(pc) =	sbr.rel @p0 .LBB2_2-.Ltmp2, $4  }
0x347: {  	_ = 	snop  }
0x348: {  	[hbm4b:s6+s9] =	stream.indirect.scatter [tilespmem:s0], [sflag:$0x3], $0x20, s30, s9, $0xb8;
	[tilespmem:$0x11C00] =	vst v63  }
0x349: {  	_ = 	snop  }
0x34a: {  	[hbm4b:s6+s9] =	stream.indirect.scatter [tilespmem:s15], [sflag:$0x3], $0x20, s8, s9, $0xb8;
	[tilespmem:$0x11C00] =	vst v63  }
0x34b: {  	s10 =	simm.s32 $0x3  }
0x34c: {  	_ =	swait.ge [sflag:s10], $0x6800  }
0x34d: {  	[sflag:s10] =	ssyncset.done $0x0  }
0x34e: {  	[sflag:s10] =	ssyncadd.s32 $0xFFFF9800  }
0x34f: {  	_ =	swait.ge [sflag:s10], $0x3800  }
0x350: {  	s11 =	rddreg [dreg:$0xa]  }
0x351: {  	s6 =	rddreg [dreg:$0x9];
	s11 =	sadd.s32 $0x1, s11  }
0x352: {  	p0 =	sne.s32 s11, s6  }
.Ltmp3:
0x353: {  	_ = 	snop;
	(pc) =	sbr.rel @p0 .LBB2_1-.Ltmp3, $3  }
0x354: {  	_ =	sdelay $0x1  }
0x355: {  	[sflag:s10] =	ssyncset.done $0x0  }
0x356: {  	[sflag:s10] =	ssyncadd.s32 $0xFFFFC800  }
0x357: {  	_ =	sfence.sel $0x180000  }
0x358: {  	[bflag:$0x0] =	sbarrier.arrive $0xFFFF  }
0x359: {  	_ =	strace $0x9000004A  }
0x35a: {  	s0 =	stileid.u32;
	[bflag:$0x2] =	sbarrier.arrive $0xFFFF  }
0x35b: {  	p0 =	sne.s32 s0, $0x0;
	s0 =	rddreg [dreg:$0x2]  }
0x35c: {  	s0 =	sadd.s32 @!p0 $0x100000, s0  }
0x35d: {  	[sflag:s0] =	ssyncadd.tile.s32 @!p0 $0x1;
	_ =	shalt  }
.Lfunc_end2:
_tile_overlayer_lowered:
.L_overlay_start_2:
0x35e: {  	(tag) =	ssettag $0x2  }
0x35f: {  	s0 =	rddreg [dreg:$0x0];
	s2 =	stileid.u32  }
0x360: {  	s1 =	rddreg [dreg:$0x1];
	p0 =	sne.s32 s2, $0x0  }
0x361: {  	s3 =	rddreg [dreg:$0x2];
	[bflag:$0x3] =	sbarrier.arrive $0xFFFF;
	s2 =	simm.s32 @!p0 $0x1C04  }
0x362: {  	[timem:s3], [sflag:s2] =	dma.local @!p0 [hbm:s0], s1  }
0x363: {  	s0 =	simm.s32 @!p0 $0x4  }
0x364: {  	_ =	swait.ge @!p0 [sflag:s0], s1  }
0x365: {  	s1 =	ssub.s32 @!p0 $0x0, s1;
	[sflag:s0] =	ssyncset.done @!p0 $0x0  }
0x366: {  	[sflag:s0] =	ssyncadd.s32 @!p0 s1  }
0x367: {  	[bflag:$0x3] =	sbarrier.arrive $0xFFFF  }
0x368: {  	_ =	shalt  }

// kernel: sparse-core-data-format-call.cloned.1.call-start
scs
called_computation_lowered:
.L_overlay_start_0:
0x0: {  	s2 =	sld [smem:$0x3FD9]  }
0x1: {  	s3 =	sld [smem:$0x3FFE];
	_ =	sdelay $0x1  }
0x2: {  	s1 =	srdreg.scid  }
0x3: {  	s0 =	sand.u32 $0x1, s1  }
0x4: {  	s18 =	sshll.u32 s0, $0xA;
	s2 =	sadd.s32 s3, s2  }
0x5: {  	s2 =	sadd.s32 s2, s18  }
0x6: {  	[smem:$0x3FC2] =	sst s2  }
0x7: {  	_ = 	snop  }
0x8: {  	s2 =	sld [smem:$0x3FD0];
	(tm) =	ssettm $0x1  }
0x9: {  	s19 =	sld [smem:$0x3FFB];
	_ =	sdelay $0x3  }
0xa: {  	_ =	strace s19  }
0xb: {  	s3 =	sld [smem:$0x3FFC];
	_ =	sdelay $0x3  }
0xc: {  	_ =	strace s3  }
0xd: {  	s3 =	sld [smem:$0x3FFD];
	_ =	sdelay $0x3  }
0xe: {  	_ =	strace s3  }
0xf: {  	_ =	strace $0x8FFFFFFF  }
0x10: {  	s20 =	sld [smem:$0x3FDB];
	_ =	sdelay $0x1  }
0x11: {  	s4 =	simm.s32 $_scs_section_size  }
0x12: {  	s5 =	simm.s32 $_size__tile_overlayer_lowered;
	s6 =	simm.s32 $_tile_overlayer_lowered  }
0x13: {  	s23 =	simm.s32 $0x1BFF;
	s22 =	sshll.u32 s6, $0x1;
	s3 =	sadd.s32 s4, s20  }
0x14: {  	s7 =	simm.s32 $0x0;
	s21 =	sshll.u32 s5, $0x1;
	s5 =	sadd.s32 s22, s3  }
0x15: {  	[timem:s7], [sflag:s23] =	dma.local [hbm:s5], s21  }
0x16: {  	_ =	swait.ge [sflag:s23], s21  }
0x17: {  	s4 =	ssub.s32 $0x0, s21;
	[sflag:s23] =	ssyncset.done $0x0  }
0x18: {  	[sflag:s23] =	ssyncadd.s32 s4;
	_ =	sdelay $0x1  }
0x19: {  	s24 =	simm.s32 $0x1B8B  }
0x1a: {  	_ =	swait.ge [sflag:s24], $0x1  }
0x1b: {  	[sflag:s24] =	ssyncset.done $0x0  }
0x1c: {  	s26 =	simm.s32 $0x1B8E;
	s25 =	sld [smem:$0x3FFE];
	[sflag:s24] =	ssyncadd.s32 $0xFFFFFFFF  }
0x1d: {  	s27 =	simm.s32 $execute0_lowered;
	[smem:$0x3FD2] =	sst s26  }
0x1e: {  	s5 =	sshll.u32 s27, $0x1;
	_ =	strace $0x8000004C;
	[dreg:$0x1] =	wrdreg $0xFFFFFFFF  }
0x1f: {  	s28 =	simm.s32 $_size_execute0_lowered;
	s3 =	sadd.s32 s3, s5;
	[dreg:$0x0] =	wrdreg $0x0  }
0x20: {  	s5 =	sshll.u32 s28, $0x1;
	[dreg:$0x2] =	wrdreg s3  }
0x21: {  	[dreg:$0x3] =	wrdreg s5  }
0x22: {  	[dreg:$0x4] =	wrdreg $0xC0  }
0x23: {  	_ =	task [dreg:s7], $0x5FFFF  }
0x24: {  	[dreg:$0x1] =	wrdreg $0xFFFFFFFF  }
0x25: {  	[dreg:$0x0] =	wrdreg $0x60  }
0x26: {  	[dreg:$0x2] =	wrdreg s25  }
0x27: {  	[dreg:$0x3] =	wrdreg s2  }
0x28: {  	[dreg:$0x4] =	wrdreg $0x9  }
0x29: {  	_ =	task.clear_ibuf [dreg:s7], $0x5FFFF;
	_ =	strace $0x9000004C  }
0x2a: {  	s29 =	simm.s32 $0x9;
	_ =	strace $0x8000004E  }
0x2b: {  	_ =	swait.ge [sflag:s29], $0x1  }
0x2c: {  	[sflag:s29] =	ssyncadd.s32 $0xFFFFFFFF  }
0x2d: {  	_ =	strace $0x9000004E  }
0x2e: {  	_ =	sfence  }
0x2f: {  	s30 =	sld [smem:$0x0];
	_ =	sdelay $0x2  }
0x30: {  	s31 =	sshll.u32 s1, $0xD;
	s1 =	sshrl.u32 s1, $0x2  }
0x31: {  	s3 =	sand.u32 $0x4000, s31;
	s1 =	sadd.s32 s1, s30  }
0x32: {  	s0 =	sor.u32 s3, s0;
	s1 =	sshll.u32 s1, $0x11  }
0x33: {  	s0 =	sor.u32 s1, s0  }
0x34: {  	s0 =	sadd.s32 $0x8F2B, s0  }
0x35: {  	[sflag:s0] =	ssyncadd.remote.s32 $0x1  }
0x36: {  	_ =	sfence.sel $0xFFFF  }
0x37: {  	[dreg:$0x0] =	wrdreg $0xFFFFFFFF;
	(pc) =	sbr.abs _section_cstart, $3  }
0x38: {  	[dreg:$0x1] =	wrdreg $0xFFFFFFFF  }
0x39: {  	_ =	task.clear_ibuf [dreg:s7], $0x2FFFF;
	_ =	strace $0x9FFFFFFF  }
0x3a: {  	(tm) =	ssettm $0x7FFFFFFF  }
0x3b: {  	_ =	shalt  }
tec
execute0_lowered:
.L_overlay_start_1:
0x0: {  	(tag) =	ssettag $0x1  }
0x1: {  	s0 =	srdreg.scid  }
0x2: {  	s1 =	sshll.u32 s0, $0x4  }
0x3: {  	s0 =	stileid.u32;
	s1 =	sand.u32 $0x10, s1  }
0x4: {  	s1 =	sor.u32 s0, s1  }
0x5: {  	s6 =	rddreg [dreg:$0x0];
	s4 =	simm.s32 $0x1;
	s2 =	sshll.u32 s1, $0x7  }
0x6: {  	s7 =	simm.s32 $0x2;
	s12 =	simm.s32 $0x0;
	s1 =	ssub.s32 $0x4000, s2  }
0x7: {  	s8 =	simm.s32 $0x20000;
	s13 =	simm.s32 $0x0;
	s3 =	sand.u32 $0xF80, s1  }
0x8: {  	s9 =	simm.s32 $0x0;
	s5 =	sshrl.u32 s1, $0xC;
	p0 =	sne.s32 s3, $0x0  }
.Ltmp0:
0x9: {  	s1 =	rddreg [dreg:$0x2];
	s4 =	simm.s32 @!p0 $0x0;
	(pc) =	sbr.rel .LBB1_1-.Ltmp0, $4  }
0xa: {  	s11 =	simm.s32 $0x0;
	s3 =	rddreg [dreg:$0x1];
	s5 =	sadd.s32 s4, s5  }
0xb: {  	_ =	strace $0x8000004D;
	s4 =	simm.s32 $0x1;
	s5 =	smul.u32 $0x28, s5  }
0xc: {  	s6 =	sadd.s32 $0x1A00, s6;
	s10 =	smov.u32 s2;
	[sflag:s4] =	ssyncpa.u1 $0x0  }
0xd: {  	p0 =	por $0x0, $0x0;
	[sflag:s7] =	ssyncpa.u1 $0x0;
	s7 =	sor.u32 $0x1, s5  }
.LBB1_4:
0xe: {  	s16 =	sshll.u32 s13, $0x3;
	s17 =	sand.u32 $0x78, s13  }
0xf: {  	s30 =	sand.u32 $0xF800, s13;
	s12 =	sshll.u32 s12, $0x10;
	s16 =	sand.u32 $0x3C00, s16  }
0x10: {  	s31 =	sand.u32 $0x7, s13;
	s16 =	sor.u32 s17, s16;
	s17 =	sadd.s32 s3, s30  }
0x11: {  	s13 =	sshll.u32 s31, $0x12;
	s16 =	sshrl.u32 s16, $0x3;
	s12 =	sadd.s32 s12, s17  }
0x12: {  	[tilespmem:s15+$0x0 ss:$0x81] =	vst.msk $0xffff, v0;
	s13 =	sor.u32 $0x400, s13;
	s12 =	sadd.s32 s16, s12  }
0x13: {  	[hbm4b:s12+s13] =	stream.strided.scatter [tilespmem:s14], [sflag:$0x2], $0x1000, s8, s13, $0x20;
	[tilespmem:$0x4040] =	vst v63  }
.LBB1_5:
0x14: {  	s14 =	sadd.s32 $0x1, s9  }
0x15: {  	s12 =	sadd.s32 $0x1000, s10;
	s16 =	smov.u32 s10;
	p2 =	sgt.s32 s14, $0x27  }
0x16: {  	s16 =	smov.u32 @p2 s12  }
0x17: {  	s14 =	simm.s32 @p2 $0x0;
	p2 =	sgt.s32 s16, $0x3FFF  }
0x18: {  	s16 =	smov.u32 @p2 s2;
	p2 =	sne.s32 s11, s7  }
.Ltmp1:
0x19: {  	p1 =	slt.u32 s11, $0x2;
	(pc) =	sbr.rel @!p2 .LBB1_6-.Ltmp1, $4  }
0x1a: {  	s15 =	simm.s32 @!p1 $0x2  }
0x1b: {  	s13 =	smov.u32 s10;
	p0 =	por !p0, !p0;
	_ =	swait.ge @!p1 [sflag:s15], $0x1000  }
0x1c: {  	s12 =	smov.u32 s9;
	[sflag:s15] =	ssyncset.done @!p1 $0x0;
	s9 =	smov.u32 s14  }
0x1d: {  	s11 =	sadd.s32 $0x1, s11;
	[sflag:s15] =	ssyncadd.s32 @!p1 $0xFFFFF000;
	s10 =	smov.u32 s16  }
.LBB1_1:
0x1e: {  	p1 =	sge.u32 s11, s5  }
0x1f: {  	s14 =	sand.u32 @!p1 $0x1FFFFFF, s9  }
0x20: {  	s15 =	smulhi.u32 @!p1 $0x6666667, s14;
	_ =	sdelay $0x1  }
0x21: {  	s15 =	smul.u32 @!p1 $0x28, s15  }
0x22: {  	s16 =	sxor.u32 @!p1 $0xFFFFFFFF, s11;
	s17 =	smul.u32 @!p1 $0x280, s10  }
0x23: {  	s31 =	sadd.s32 $0xFFFFFFFF, s11;
	s16 =	sshll.u32 @!p1 s16, $0xC;
	s14 =	ssub.s32 @!p1 s14, s15  }
0x24: {  	s15 =	sand.u32 @!p1 $0x1000, s16;
	s16 =	sadd.s32 @!p1 s6, s17;
	s14 =	sshll.u32 @!p1 s14, $0x4  }
0x25: {  	s17 =	simm.s32 @!p1 $0x1400;
	s14 =	sadd.s32 @!p1 s14, s16;
	s16 =	simm.s32 @!p1 $0x20  }
0x26: {  	[tilespmem:s15], [sflag:$0x1] =	stream.strided.gather @!p1 [hbm4b:s14+s16], $0x1000, s17, s16, $0x38;
	[tilespmem:$0x4040] =	vst v63  }
0x27: {  	p1 =	sge.u32 s31, s5  }
.Ltmp2:
0x28: {  	_ = 	snop;
	(pc) =	sbr.rel @p1 .LBB1_5-.Ltmp2, $1  }
0x29: {  	_ =	sdelay $0x3  }
0x2a: {  	s14 =	simm.s32 $0x1  }
0x2b: {  	_ =	swait.ge [sflag:s4], $0x1000;
	s14 =	simm.s32 @!p0 $0x0  }
0x2c: {  	[sflag:s4] =	ssyncset.done $0x0;
	s15 =	sshll.u32 s14, $0xC  }
0x2d: {  	[sflag:s4] =	ssyncadd.s32 $0xFFFFF000;
	s18 =	sor.u32 $0x10, s15  }
0x2e: {  	s14 =	smul.u32 $0x4080, s14;
	v1 =	vld [tilespmem:s18+$0x0]  }
0x2f: {  	s30 =	sand.u32 $0x1, s11;
	v0 =	vld [tilespmem:s18+$0xFFFFFFF0]  }
0x30: {  	s15 =	smul.u32 $0x4080, s30;
	s14 =	sshrl.u32 s14, $0x2  }
0x31: {  	s16 =	sor.u32 $0x2000, s14  }
0x32: {  	s31 =	sshrl.u32 s15, $0x2;
	s15 =	sadd.s32 $0x0, s16  }
0x33: {  	s17 =	simm.s32 $0x4;
	s18 =	sadd.s32 $0x20, s18;
	s14 =	sor.u32 $0x2000, s31;
	[tilespmem:s15+$0x810 ss:$0x81] =	vst.msk $0xffff, v1  }
.LBB1_3:
0x34: {  	v1 =	vld [tilespmem:s18+$0x0];
	p1 =	sne.s32 s17, $0x1FC;
	[tilespmem:s15+$0x0 ss:$0x81] =	vst.msk $0xffff, v0;
	s15 =	smov.u32 s17;
	s17 =	sadd.s32 $0x4, s17  }
.Ltmp3:
0x35: {  	v0 =	vld [tilespmem:s18+$0xFFFFFFF0];
	(pc) =	sbr.rel @p1 .LBB1_3-.Ltmp3, $4  }
0x36: {  	_ = 	snop  }
0x37: {  	s15 =	sshra.s32 s15, $0x2  }
0x38: {  	s15 =	sadd.s32 s15, s16  }
0x39: {  	s18 =	sadd.s32 $0x20, s18;
	[tilespmem:s15+$0x810 ss:$0x81] =	vst.msk $0xffff, v1  }
.Ltmp4:
0x3a: {  	_ = 	snop;
	(pc) =	sbr.rel .LBB1_4-.Ltmp4, $1  }
0x3b: {  	_ =	sdelay $0x3  }
.LBB1_6:
0x3c: {  	_ =	sfence.sel $0x180000  }
0x3d: {  	s2 =	simm.s32 $0x1;
	[bflag:$0x0] =	sbarrier.arrive $0xFFFF  }
0x3e: {  	s31 =	simm.s32 $0x2;
	[sflag:s2] =	ssyncpa.u1 $0x1  }
0x3f: {  	[sflag:s31] =	ssyncpa.u1 $0x1  }
0x40: {  	p0 =	sne.s32 s0, $0x0;
	_ =	strace $0x9000004D  }
0x41: {  	s0 =	sadd.s32 @!p0 $0x100000, s1;
	[bflag:$0x2] =	sbarrier.arrive $0xFFFF  }
0x42: {  	[sflag:s0] =	ssyncadd.tile.s32 @!p0 $0x1;
	_ =	shalt  }
.Lfunc_end1:
_tile_overlayer_lowered:
.L_overlay_start_2:
0x43: {  	(tag) =	ssettag $0x2  }
0x44: {  	s0 =	rddreg [dreg:$0x0];
	s2 =	stileid.u32  }
0x45: {  	s1 =	rddreg [dreg:$0x1];
	p0 =	sne.s32 s2, $0x0  }
0x46: {  	s3 =	rddreg [dreg:$0x2];
	[bflag:$0x3] =	sbarrier.arrive $0xFFFF;
	s2 =	simm.s32 @!p0 $0x1C01  }
0x47: {  	[timem:s3], [sflag:s2] =	dma.local @!p0 [hbm:s0], s1  }
0x48: {  	s0 =	simm.s32 @!p0 $0x1  }
0x49: {  	_ =	swait.ge @!p0 [sflag:s0], s1  }
0x4a: {  	s1 =	ssub.s32 @!p0 $0x0, s1;
	[sflag:s0] =	ssyncset.done @!p0 $0x0  }
0x4b: {  	[sflag:s0] =	ssyncadd.s32 @!p0 s1  }
0x4c: {  	[bflag:$0x3] =	sbarrier.arrive $0xFFFF  }
0x4d: {  	_ =	shalt  }

</sc_bundles>
